<compile_context>
chip_gen: v7x
topology: tpu7x:2x2x1
jax: 0.10.2.dev20260603
libtpu: 0.0.44.dev20260713+nightly
codegen_flags: <defaults>
</compile_context>

<pallas_src>
import functools

import jax
import jax.numpy as jnp
from jax import lax
from jax.experimental import pallas as pl
from jax.experimental.pallas import tpu as pltpu
from jax.experimental.pallas import tpu_sc as plsc


def _ln(r, scale, bias, eps=1e-5):
    mu = jnp.mean(r, axis=-1, keepdims=True)
    var = jnp.mean((r - mu) ** 2, axis=-1, keepdims=True)
    return (r - mu) * lax.rsqrt(var + eps) * scale + bias


def _pack_bf16_halves(m, dh):
    bits = lax.bitcast_convert_type(m, jnp.uint32)

    def rtne_hi(b):
        return (b + (0x7FFF + ((b >> 16) & 1))) & jnp.uint32(0xFFFF0000)

    lo = rtne_hi(bits[:, :dh]) >> 16
    hi = rtne_hi(bits[:, dh:])
    return lax.bitcast_convert_type(hi | lo, jnp.float32)


def _unpack_bf16_halves(p):
    w = lax.bitcast_convert_type(p, jnp.uint32)
    lo = lax.bitcast_convert_type(w << 16, jnp.float32)
    hi = lax.bitcast_convert_type(w & jnp.uint32(0xFFFF0000), jnp.float32)
    return jnp.concatenate([lo, hi], axis=-1)


def _precompute_tables(x, w_sd):
    n, d = x.shape
    bn = 2000
    assert n % bn == 0

    def body(x_ref, w_ref, ps_ref, pd_ref):
        xb = x_ref[...]
        w = w_ref[...]
        xb16 = xb.astype(jnp.bfloat16)
        w16 = w.astype(jnp.bfloat16)
        ps = jnp.dot(xb16, w16[:d], preferred_element_type=jnp.float32)
        pd = jnp.dot(xb16, w16[d:], preferred_element_type=jnp.float32)
        ps_ref[...] = _pack_bf16_halves(ps, d // 2)
        pd_ref[...] = _pack_bf16_halves(pd, d // 2)

    return pl.pallas_call(
        body,
        grid=(n // bn,),
        in_specs=[
            pl.BlockSpec((bn, d), lambda i: (i, 0)),
            pl.BlockSpec((2 * d, d), lambda i: (0, 0)),
        ],
        out_specs=[
            pl.BlockSpec((bn, d // 2), lambda i: (i, 0)),
            pl.BlockSpec((bn, d // 2), lambda i: (i, 0)),
        ],
        out_shape=[
            jax.ShapeDtypeStruct((n, d // 2), jnp.float32),
            jax.ShapeDtypeStruct((n, d // 2), jnp.float32),
        ],
    )(x, w_sd)


def _sc_gather_pair(src, dst, ps, pd, window):
    e_off, e_len = window
    _, d = ps.shape
    info = plsc.get_sparse_core_info()
    nc, ns = info.num_cores, info.num_subcores
    nw = nc * ns
    ew = e_len // nw
    ch = 200
    nfull = (ew // ch) & ~1
    tail = ew - nfull * ch
    assert e_len % nw == 0 and ew % 8 == 0 and tail % 8 == 0 and tail <= ch

    mesh = plsc.VectorSubcoreMesh(core_axis_name="c", subcore_axis_name="s")

    @functools.partial(
        pl.kernel,
        out_type=(
            jax.ShapeDtypeStruct((e_len, d), jnp.float32),
            jax.ShapeDtypeStruct((e_len, d), jnp.float32),
        ),
        mesh=mesh,
        scratch_types=[
            pltpu.VMEM((ew,), jnp.int32),
            pltpu.VMEM((ew,), jnp.int32),
            [pltpu.VMEM((ch, d), jnp.float32) for _ in range(2)],
            [pltpu.VMEM((ch, d), jnp.float32) for _ in range(2)],
            [pltpu.SemaphoreType.DMA for _ in range(2)],
            [pltpu.SemaphoreType.DMA for _ in range(2)],
        ],
    )
    def k(src_hbm, dst_hbm, ps_hbm, pd_hbm, g1_hbm, g2_hbm,
          idx_s, idx_d, bufs_a, bufs_b, sems_g, sems_w):
        wid = lax.axis_index("s") * nc + lax.axis_index("c")
        base = wid * ew
        pltpu.sync_copy(src_hbm.at[pl.ds(e_off + base, ew)], idx_s)
        pltpu.sync_copy(dst_hbm.at[pl.ds(e_off + base, ew)], idx_d)

        def fire_gather(i, b, n):
            pltpu.async_copy(ps_hbm.at[idx_s.at[pl.ds(i * ch, n)]],
                             bufs_a[b].at[pl.ds(0, n)], sems_g[b])
            pltpu.async_copy(pd_hbm.at[idx_d.at[pl.ds(i * ch, n)]],
                             bufs_b[b].at[pl.ds(0, n)], sems_g[b])

        def wait_gather(i, b, n):
            pltpu.make_async_copy(ps_hbm.at[idx_s.at[pl.ds(i * ch, n)]],
                                  bufs_a[b].at[pl.ds(0, n)], sems_g[b]).wait()
            pltpu.make_async_copy(pd_hbm.at[idx_d.at[pl.ds(i * ch, n)]],
                                  bufs_b[b].at[pl.ds(0, n)], sems_g[b]).wait()

        def fire_wb(i, b, n):
            row0 = base + i * ch
            pltpu.async_copy(bufs_a[b].at[pl.ds(0, n)],
                             g1_hbm.at[pl.ds(row0, n)], sems_w[b])
            pltpu.async_copy(bufs_b[b].at[pl.ds(0, n)],
                             g2_hbm.at[pl.ds(row0, n)], sems_w[b])

        def wait_wb(i, b, n):
            row0 = base + i * ch
            pltpu.make_async_copy(bufs_a[b].at[pl.ds(0, n)],
                                  g1_hbm.at[pl.ds(row0, n)], sems_w[b]).wait()
            pltpu.make_async_copy(bufs_b[b].at[pl.ds(0, n)],
                                  g2_hbm.at[pl.ds(row0, n)], sems_w[b]).wait()

        @pl.loop(0, nfull // 2)
        def _(g):
            for b in (0, 1):
                i = g * 2 + b

                @pl.when(i >= 2)
                def _():
                    wait_wb(i - 2, b, ch)

                fire_gather(i, b, ch)
            for b in (0, 1):
                i = g * 2 + b
                wait_gather(i, b, ch)
                fire_wb(i, b, ch)

        if nfull >= 2:
            wait_wb(nfull - 2, 0, ch)
            wait_wb(nfull - 1, 1, ch)
        if tail:
            fire_gather(nfull, 0, tail)
            wait_gather(nfull, 0, tail)
            fire_wb(nfull, 0, tail)
            wait_wb(nfull, 0, tail)

    return k(src, dst, ps, pd)


def _edge_mlp(g1, g2, edge_attr, w_e, b_e1, w_e2, b_e2, ln_s, ln_b,
              window, eo_seed=None):
    e, d = edge_attr.shape
    e_off, e_len = window
    be = 2000
    assert e_len % be == 0 and e_off % be == 0
    boff = e_off // be

    def body(g1_ref, g2_ref, ea_ref, we_ref, b1_ref, w2_ref, b2_ref,
             s_ref, b_ref, *rest):
        u_ref, eo_ref = rest[-2], rest[-1]
        ea = ea_ref[...]
        z = (_unpack_bf16_halves(g1_ref[...]) + _unpack_bf16_halves(g2_ref[...])
             + b1_ref[...]
             + jnp.dot(ea.astype(jnp.bfloat16),
                       we_ref[...].astype(jnp.bfloat16),
                       preferred_element_type=jnp.float32))
        t = jnp.maximum(z, 0.0)
        u = jnp.dot(t.astype(jnp.bfloat16),
                    w2_ref[...].astype(jnp.bfloat16),
                    preferred_element_type=jnp.float32) + b2_ref[...]
        u_ref[...] = u
        eo_ref[...] = _ln(u + ea, s_ref[...], b_ref[...])

    vec = lambda: pl.BlockSpec((1, d), lambda i: (0, 0))
    mat = lambda: pl.BlockSpec((d, d), lambda i: (0, 0))
    blk = lambda: pl.BlockSpec((be, d), lambda i: (i, 0))
    out_blk = lambda: pl.BlockSpec((be, d), lambda i: (i + boff, 0))
    hlf = lambda: pl.BlockSpec((be, d // 2), lambda i: (i, 0))
    we_spec = pl.BlockSpec((d, d), lambda i: (2, 0))
    in_specs = [hlf(), hlf(), out_blk(), we_spec, vec(), mat(), vec(), vec(),
                vec()]
    args = [g1, g2, edge_attr, w_e, b_e1.reshape(1, d), w_e2,
            b_e2.reshape(1, d), ln_s.reshape(1, d), ln_b.reshape(1, d)]
    io_aliases = {}
    if eo_seed is not None:
        io_aliases[len(args)] = 1
        in_specs.append(pl.BlockSpec(memory_space=pl.ANY))
        args.append(eo_seed)
    return pl.pallas_call(
        body,
        grid=(e_len // be,),
        in_specs=in_specs,
        out_specs=[blk(), out_blk()],
        out_shape=[
            jax.ShapeDtypeStruct((e_len, d), jnp.float32),
            jax.ShapeDtypeStruct((e, d), jnp.float32),
        ],
        input_output_aliases=io_aliases,
    )(*args)


def _sc_segment_sum(dst3, u, zeros_half):
    e, d = u.shape
    n, dh = zeros_half.shape
    assert dh == d // 2
    info = plsc.get_sparse_core_info()
    nc, ns = info.num_cores, info.num_subcores
    et = e // ns
    ch = 80
    nit = et // ch
    assert dst3.shape == (ns, nit, ch)
    rc = 400
    nrc = n // rc
    nround = (nrc + ns - 1) // ns
    assert et % ch == 0 and n % rc == 0

    mesh = plsc.VectorSubcoreMesh(core_axis_name="c", subcore_axis_name="s")

    @functools.partial(
        pl.kernel,
        out_type=jax.ShapeDtypeStruct((n, d), jnp.float32),
        mesh=mesh,
        scratch_types=[
            pltpu.VMEM((nit, ch), jnp.int32),
            [pltpu.VMEM((ch, dh), jnp.float32) for _ in range(2)],
            [pltpu.SemaphoreType.DMA for _ in range(2)],
            pltpu.MemorySpace.VMEM_SHARED((n, dh), jnp.float32),
        ],
    )
    def k(dst2_hbm, u_hbm, z_hbm, agg_hbm, idx2, rows, sems, acc):
        cid = lax.axis_index("c")
        sid = lax.axis_index("s")
        col0 = cid * dh

        def fire_rows(i, b):
            pltpu.async_copy(
                u_hbm.at[pl.ds(sid * et + i * ch, ch), pl.ds(col0, dh)],
                rows[b], sems[b])

        def wait_rows(i, b):
            pltpu.make_async_copy(
                u_hbm.at[pl.ds(sid * et + i * ch, ch), pl.ds(col0, dh)],
                rows[b], sems[b]).wait()

        pltpu.sync_copy(dst2_hbm.at[sid], idx2)

        for r in range(nround):
            j = r * ns + sid

            @pl.when(j < nrc)
            def _():
                pltpu.sync_copy(z_hbm.at[pl.ds(j * rc, rc)],
                                acc.at[pl.ds(j * rc, rc)])

        fire_rows(0, 0)
        plsc.subcore_barrier()

        @pl.loop(0, nit // 2)
        def _(g):
            for b in (0, 1):
                i = g * 2 + b

                @pl.when(i + 1 < nit)
                def _():
                    fire_rows(i + 1, 1 - b)

                wait_rows(i, b)
                pltpu.sync_copy(rows[b], acc.at[idx2.at[i]], add=True)

        if nit % 2:
            i = nit - 1
            wait_rows(i, i % 2)
            pltpu.sync_copy(rows[i % 2], acc.at[idx2.at[i]], add=True)

        plsc.subcore_barrier()

        for r in range(nround):
            j = r * ns + sid

            @pl.when(j < nrc)
            def _():
                pltpu.sync_copy(acc.at[pl.ds(j * rc, rc)],
                                agg_hbm.at[pl.ds(j * rc, rc), pl.ds(col0, dh)])

    return k(dst3, u, zeros_half)


def _node_mlp(x, aggs, w_n1, b_n1, w_n2, b_n2, ln_s, ln_b):
    n, d = x.shape
    bn = 1000
    assert n % bn == 0

    def body(x_ref, *refs):
        a_refs, (w1_ref, b1_ref, w2_ref, b2_ref, s_ref, b_ref, o_ref) = (
            refs[:-7], refs[-7:])
        xb = x_ref[...]
        agg = a_refs[0][...]
        for a in a_refs[1:]:
            agg = agg + a[...]
        w1 = w1_ref[...].astype(jnp.bfloat16)
        z = (jnp.dot(xb.astype(jnp.bfloat16), w1[:d],
                     preferred_element_type=jnp.float32)
             + jnp.dot(agg.astype(jnp.bfloat16), w1[d:],
                       preferred_element_type=jnp.float32)
             + b1_ref[...])
        t = jnp.maximum(z, 0.0)
        u = jnp.dot(t.astype(jnp.bfloat16), w2_ref[...].astype(jnp.bfloat16),
                    preferred_element_type=jnp.float32) + b2_ref[...]
        o_ref[...] = _ln(u + xb, s_ref[...], b_ref[...])

    vec = lambda: pl.BlockSpec((1, d), lambda i: (0, 0))
    blk = lambda: pl.BlockSpec((bn, d), lambda i: (i, 0))
    return pl.pallas_call(
        body,
        grid=(n // bn,),
        in_specs=[blk()] + [blk() for _ in aggs]
                 + [pl.BlockSpec((2 * d, d), lambda i: (0, 0)), vec(),
                    pl.BlockSpec((d, d), lambda i: (0, 0)), vec(), vec(),
                    vec()],
        out_specs=blk(),
        out_shape=jax.ShapeDtypeStruct((n, d), jnp.float32),
    )(x, *aggs, w_n1, b_n1.reshape(1, d), w_n2, b_n2.reshape(1, d),
      ln_s.reshape(1, d), ln_b.reshape(1, d))


def kernel(x, edge_attr, W_e1, b_e1, W_e2, b_e2, W_n1, b_n1, W_n2, b_n2,
           ln_n_scale, ln_n_bias, ln_e_scale, ln_e_bias, edge_index):
    n, d = x.shape
    src = edge_index[0]
    dst = edge_index[1]

    e = src.shape[0]
    w32 = e // 5
    windows = [(0, w32), (w32, 2 * w32), (3 * w32, 2 * w32)]

    sch = 80
    zeros_half = jnp.zeros((n, d // 2), jnp.float32)
    we, be1 = W_e1, b_e1

    ps, pd = _precompute_tables(x, W_e1)
    gs = [_sc_gather_pair(src, dst, ps, pd, w) for w in windows[:2]]
    eo = None
    aggs = []
    for k, w in enumerate(windows):
        u, eo = _edge_mlp(gs[k][0], gs[k][1], edge_attr, we, be1, W_e2, b_e2,
                          ln_e_scale, ln_e_bias, w, eo_seed=eo)
        if len(gs) < len(windows):
            gs.append(_sc_gather_pair(src, dst, ps, pd, windows[len(gs)]))
        dst3 = dst[w[0] : w[0] + w[1]].reshape(16, -1, sch)
        aggs.append(_sc_segment_sum(dst3, u, zeros_half))
    x_out = _node_mlp(x, aggs, W_n1, b_n1, W_n2, b_n2, ln_n_scale, ln_n_bias)
    return x_out, eo

# --- scband reference (transcript-rebuilt; emitter-appended) ---
"""Pipeline reference for scband-message-passing-block-20504173871669 (READ-ONLY COPY).

The authoritative reference and input builder live on the scoring server;
editing this copy changes nothing except your own understanding.
"""

import jax, jax.numpy as jnp
import numpy as np

N = 10000
E = 160000
D = 256


def _layer_norm(x, scale, bias, eps=1e-5):
    mu = jnp.mean(x, axis=-1, keepdims=True)
    var = jnp.var(x, axis=-1, keepdims=True)
    return (x - mu) / jnp.sqrt(var + eps) * scale + bias


def setup_inputs(seed: int = 0) -> dict:
    key = jax.random.key(seed)
    ks = jax.random.split(key, 12)
    x = jax.random.normal(ks[0], (N, D), dtype=jnp.float32)
    edge_index = jax.random.randint(ks[1], (2, E), 0, N, dtype=jnp.int32)
    edge_attr = jax.random.normal(ks[2], (E, D), dtype=jnp.float32)
    # Edge MLP: in = 3*D (src node, dst node, edge feat) -> D -> D
    s_e1 = 1.0 / np.sqrt(3 * D)
    s_d = 1.0 / np.sqrt(D)
    s_n1 = 1.0 / np.sqrt(2 * D)
    W_e1 = jax.random.normal(ks[3], (3 * D, D), dtype=jnp.float32) * s_e1
    b_e1 = jnp.zeros((D,), dtype=jnp.float32)
    W_e2 = jax.random.normal(ks[4], (D, D), dtype=jnp.float32) * s_d
    b_e2 = jnp.zeros((D,), dtype=jnp.float32)
    # Node MLP: in = 2*D (node feat, aggregated edges) -> D -> D
    W_n1 = jax.random.normal(ks[5], (2 * D, D), dtype=jnp.float32) * s_n1
    b_n1 = jnp.zeros((D,), dtype=jnp.float32)
    W_n2 = jax.random.normal(ks[6], (D, D), dtype=jnp.float32) * s_d
    b_n2 = jnp.zeros((D,), dtype=jnp.float32)
    # Outer layer norm params
    ln_n_scale = jnp.ones((D,), dtype=jnp.float32)
    ln_n_bias = jnp.zeros((D,), dtype=jnp.float32)
    ln_e_scale = jnp.ones((D,), dtype=jnp.float32)
    ln_e_bias = jnp.zeros((D,), dtype=jnp.float32)
    return {
        "x": x, "edge_attr": edge_attr,
        "W_e1": W_e1, "b_e1": b_e1, "W_e2": W_e2, "b_e2": b_e2,
        "W_n1": W_n1, "b_n1": b_n1, "W_n2": W_n2, "b_n2": b_n2,
        "ln_n_scale": ln_n_scale, "ln_n_bias": ln_n_bias,
        "ln_e_scale": ln_e_scale, "ln_e_bias": ln_e_bias,
        "edge_index": edge_index,
    }


def reference(x, edge_attr, W_e1, b_e1, W_e2, b_e2, W_n1, b_n1, W_n2, b_n2,
              ln_n_scale, ln_n_bias, ln_e_scale, ln_e_bias, edge_index):
    src = edge_index[0]
    dst = edge_index[1]
    x_old = x
    e_old = edge_attr
    # Edge module: MLP over [x_src, x_dst, edge_attr]
    e_in = jnp.concatenate([jnp.take(x, src, axis=0), jnp.take(x, dst, axis=0), edge_attr], axis=-1)
    e_h = jax.nn.relu(e_in @ W_e1 + b_e1)
    e_new = e_h @ W_e2 + b_e2
    # Node module: aggregate incoming edge messages via scatter-add, then MLP over [x, agg]
    agg = jax.ops.segment_sum(e_new, dst, num_segments=N)
    n_in = jnp.concatenate([x, agg], axis=-1)
    n_h = jax.nn.relu(n_in @ W_n1 + b_n1)
    x_new = n_h @ W_n2 + b_n2
    # Outer residual connections
    x_new = x_new + x_old
    e_new = e_new + e_old
    # Outer layer norm
    x_new = _layer_norm(x_new, ln_n_scale, ln_n_bias)
    e_new = _layer_norm(e_new, ln_e_scale, ln_e_bias)
    return x_new, e_new

if __name__ == "__main__":
    import jax
    _d = setup_inputs()
    print(jax.jit(kernel)(*tuple(_d.values())))

</pallas_src>

<mosaic_0001>
#map = affine_map<(d0, d1) -> (0, 0, 0)>
#map1 = affine_map<(d0, d1) -> (0, 0)>
module attributes {stable_mosaic.version = 14 : i64} {
  func.func @k(%arg0: i32, %arg1: i32, %arg2: memref<16x25x80xi32, #tpu.memory_space<hbm>>, %arg3: memref<32000x256xf32, #tpu.memory_space<hbm>>, %arg4: memref<10000x128xf32, #tpu.memory_space<hbm>>, %arg5: memref<10000x256xf32, #tpu.memory_space<hbm>>, %arg6: memref<25x80xi32, #tpu.memory_space<vmem>>, %arg7: memref<80x128xf32, #tpu.memory_space<vmem>>, %arg8: memref<80x128xf32, #tpu.memory_space<vmem>>, %arg9: memref<!tpu.dma_semaphore, #tpu.memory_space<semaphore_mem>>, %arg10: memref<!tpu.dma_semaphore, #tpu.memory_space<semaphore_mem>>, %arg11: memref<10000x128xf32, #tpu.memory_space<vmem_shared>>) attributes {dimension_semantics = [#tpu.dimension_semantics<core_parallel>, #tpu.dimension_semantics<subcore_parallel>], iteration_bounds = array<i64: 2, 16>, scalar_prefetch = 0 : i64, scratch_operands = 6 : i64, tpu.core_type = #tpu.core_type<sc_vector_subcore>, window_params = [{transform_indices = #map}, {transform_indices = #map1}, {transform_indices = #map1}, {transform_indices = #map1}]} {
    %mul3A = arith.constant 128 : i32
    %mul3A_0 = arith.muli %arg0, %mul3A : i32
    "tpu.region"() ({
      %run_scoped3A_40 = tpu.sem_alloc : memref<!tpu.dma_semaphore, #tpu.memory_space<semaphore_mem>>
      %dma_start3A_41 = arith.constant 0 : i32
      %dma_start3A_42 = arith.constant 0 : i32
      %dma_start3A_43 = tpu.memref_slice %arg2[%arg1, %dma_start3A_41, %dma_start3A_42] : memref<16x25x80xi32, #tpu.memory_space<hbm>> -> memref<1x25x80xi32, #tpu.memory_space<hbm>>
      %dma_start3A_44 = tpu.memref_squeeze %dma_start3A_43 : memref<1x25x80xi32, #tpu.memory_space<hbm>> -> memref<25x80xi32, #tpu.memory_space<hbm>>
      %dma_start3A_45 = arith.constant 0 : i32
      %dma_start3A_46 = arith.constant 0 : i32
      %dma_start3A_47 = tpu.memref_slice %arg2[%arg1, %dma_start3A_45, %dma_start3A_46] : memref<16x25x80xi32, #tpu.memory_space<hbm>> -> memref<1x25x80xi32, #tpu.memory_space<hbm>>
      %dma_start3A_48 = tpu.memref_squeeze %dma_start3A_47 : memref<1x25x80xi32, #tpu.memory_space<hbm>> -> memref<25x80xi32, #tpu.memory_space<hbm>>
      tpu.enqueue_dma source(%dma_start3A_48 : memref<25x80xi32, #tpu.memory_space<hbm>>) target(%arg6 : memref<25x80xi32, #tpu.memory_space<vmem>>) target_semaphore(%run_scoped3A_40 : memref<!tpu.dma_semaphore, #tpu.memory_space<semaphore_mem>>)
      %dma_wait3A_49 = arith.constant 0 : i32
      %dma_wait3A_50 = arith.constant 0 : i32
      %dma_wait3A_51 = tpu.memref_slice %arg2[%arg1, %dma_wait3A_49, %dma_wait3A_50] : memref<16x25x80xi32, #tpu.memory_space<hbm>> -> memref<1x25x80xi32, #tpu.memory_space<hbm>>
      %dma_wait3A_52 = tpu.memref_squeeze %dma_wait3A_51 : memref<1x25x80xi32, #tpu.memory_space<hbm>> -> memref<25x80xi32, #tpu.memory_space<hbm>>
      %dma_wait3A_53 = arith.constant 0 : i32
      %dma_wait3A_54 = arith.constant 0 : i32
      %dma_wait3A_55 = tpu.memref_slice %arg2[%arg1, %dma_wait3A_53, %dma_wait3A_54] : memref<16x25x80xi32, #tpu.memory_space<hbm>> -> memref<1x25x80xi32, #tpu.memory_space<hbm>>
      %dma_wait3A_56 = tpu.memref_squeeze %dma_wait3A_55 : memref<1x25x80xi32, #tpu.memory_space<hbm>> -> memref<25x80xi32, #tpu.memory_space<hbm>>
      tpu.wait_dma2 semaphore(%run_scoped3A_40 : memref<!tpu.dma_semaphore, #tpu.memory_space<semaphore_mem>>) src(%dma_wait3A_56 : memref<25x80xi32, #tpu.memory_space<hbm>>) dst(%arg6 : memref<25x80xi32, #tpu.memory_space<vmem>>)
      tpu.yield
    }) : () -> ()
    %add3A = arith.constant 0 : i32
    %add3A_1 = arith.addi %add3A, %arg1 : i32
    %lt3A = arith.constant 25 : i32
    %lt3A_2 = arith.cmpi slt, %add3A_1, %lt3A : i32
    %convert_element_type3A = arith.extui %lt3A_2 : i1 to i32
    %cond3A = arith.constant 0 : i32
    %cond3A_3 = arith.cmpi ne, %convert_element_type3A, %cond3A : i32
    scf.if %cond3A_3 {
      %mul3A_40 = arith.constant 400 : i32
      %mul3A_41 = arith.muli %add3A_1, %mul3A_40 : i32
      %mul3A_42 = arith.constant 400 : i32
      %mul3A_43 = arith.muli %add3A_1, %mul3A_42 : i32
      "tpu.region"() ({
        %run_scoped3A_44 = tpu.sem_alloc : memref<!tpu.dma_semaphore, #tpu.memory_space<semaphore_mem>>
        %dma_start3A_45 = arith.constant 0 : i32
        %dma_start3A_46 = tpu.memref_slice %arg11[%mul3A_43, %dma_start3A_45] : memref<10000x128xf32, #tpu.memory_space<vmem_shared>> -> memref<400x128xf32, #tpu.memory_space<vmem_shared>>
        %dma_start3A_47 = arith.constant 0 : i32
        %dma_start3A_48 = tpu.memref_slice %arg4[%mul3A_41, %dma_start3A_47] : memref<10000x128xf32, #tpu.memory_space<hbm>> -> memref<400x128xf32, #tpu.memory_space<hbm>>
        tpu.enqueue_dma source(%dma_start3A_48 : memref<400x128xf32, #tpu.memory_space<hbm>>) target(%dma_start3A_46 : memref<400x128xf32, #tpu.memory_space<vmem_shared>>) target_semaphore(%run_scoped3A_44 : memref<!tpu.dma_semaphore, #tpu.memory_space<semaphore_mem>>)
        %dma_wait3A_49 = arith.constant 0 : i32
        %dma_wait3A_50 = tpu.memref_slice %arg11[%mul3A_43, %dma_wait3A_49] : memref<10000x128xf32, #tpu.memory_space<vmem_shared>> -> memref<400x128xf32, #tpu.memory_space<vmem_shared>>
        %dma_wait3A_51 = arith.constant 0 : i32
        %dma_wait3A_52 = tpu.memref_slice %arg4[%mul3A_41, %dma_wait3A_51] : memref<10000x128xf32, #tpu.memory_space<hbm>> -> memref<400x128xf32, #tpu.memory_space<hbm>>
        tpu.wait_dma2 semaphore(%run_scoped3A_44 : memref<!tpu.dma_semaphore, #tpu.memory_space<semaphore_mem>>) src(%dma_wait3A_52 : memref<400x128xf32, #tpu.memory_space<hbm>>) dst(%dma_wait3A_50 : memref<400x128xf32, #tpu.memory_space<vmem_shared>>)
        tpu.yield
      }) : () -> ()
    } else {
    }
    %add3A_4 = arith.constant 16 : i32
    %add3A_5 = arith.addi %add3A_4, %arg1 : i32
    %lt3A_6 = arith.constant 25 : i32
    %lt3A_7 = arith.cmpi slt, %add3A_5, %lt3A_6 : i32
    %convert_element_type3A_8 = arith.extui %lt3A_7 : i1 to i32
    %cond3A_9 = arith.constant 0 : i32
    %cond3A_10 = arith.cmpi ne, %convert_element_type3A_8, %cond3A_9 : i32
    scf.if %cond3A_10 {
      %mul3A_40 = arith.constant 400 : i32
      %mul3A_41 = arith.muli %add3A_5, %mul3A_40 : i32
      %mul3A_42 = arith.constant 400 : i32
      %mul3A_43 = arith.muli %add3A_5, %mul3A_42 : i32
      "tpu.region"() ({
        %run_scoped3A_44 = tpu.sem_alloc : memref<!tpu.dma_semaphore, #tpu.memory_space<semaphore_mem>>
        %dma_start3A_45 = arith.constant 0 : i32
        %dma_start3A_46 = tpu.memref_slice %arg11[%mul3A_43, %dma_start3A_45] : memref<10000x128xf32, #tpu.memory_space<vmem_shared>> -> memref<400x128xf32, #tpu.memory_space<vmem_shared>>
        %dma_start3A_47 = arith.constant 0 : i32
        %dma_start3A_48 = tpu.memref_slice %arg4[%mul3A_41, %dma_start3A_47] : memref<10000x128xf32, #tpu.memory_space<hbm>> -> memref<400x128xf32, #tpu.memory_space<hbm>>
        tpu.enqueue_dma source(%dma_start3A_48 : memref<400x128xf32, #tpu.memory_space<hbm>>) target(%dma_start3A_46 : memref<400x128xf32, #tpu.memory_space<vmem_shared>>) target_semaphore(%run_scoped3A_44 : memref<!tpu.dma_semaphore, #tpu.memory_space<semaphore_mem>>)
        %dma_wait3A_49 = arith.constant 0 : i32
        %dma_wait3A_50 = tpu.memref_slice %arg11[%mul3A_43, %dma_wait3A_49] : memref<10000x128xf32, #tpu.memory_space<vmem_shared>> -> memref<400x128xf32, #tpu.memory_space<vmem_shared>>
        %dma_wait3A_51 = arith.constant 0 : i32
        %dma_wait3A_52 = tpu.memref_slice %arg4[%mul3A_41, %dma_wait3A_51] : memref<10000x128xf32, #tpu.memory_space<hbm>> -> memref<400x128xf32, #tpu.memory_space<hbm>>
        tpu.wait_dma2 semaphore(%run_scoped3A_44 : memref<!tpu.dma_semaphore, #tpu.memory_space<semaphore_mem>>) src(%dma_wait3A_52 : memref<400x128xf32, #tpu.memory_space<hbm>>) dst(%dma_wait3A_50 : memref<400x128xf32, #tpu.memory_space<vmem_shared>>)
        tpu.yield
      }) : () -> ()
    } else {
    }
    %mul3A_11 = arith.constant 2000 : i32
    %mul3A_12 = arith.muli %arg1, %mul3A_11 : i32
    %add3A_13 = arith.constant 0 : i32
    %add3A_14 = arith.addi %mul3A_12, %add3A_13 : i32
    %dma_start3A = tpu.memref_slice %arg3[%add3A_14, %mul3A_0] : memref<32000x256xf32, #tpu.memory_space<hbm>> -> memref<80x128xf32, #tpu.memory_space<hbm>>
    %dma_start3A_15 = tpu.memref_slice %arg3[%add3A_14, %mul3A_0] : memref<32000x256xf32, #tpu.memory_space<hbm>> -> memref<80x128xf32, #tpu.memory_space<hbm>>
    tpu.enqueue_dma source(%dma_start3A_15 : memref<80x128xf32, #tpu.memory_space<hbm>>) target(%arg7 : memref<80x128xf32, #tpu.memory_space<vmem>>) target_semaphore(%arg9 : memref<!tpu.dma_semaphore, #tpu.memory_space<semaphore_mem>>)
    %barrier3A = arith.constant 0 : index
    tpu.barrier barrier_id(%barrier3A)
    %scan3A = arith.constant 0 : i32
    %scan3A_16 = arith.constant 12 : i32
    %scan3A_17 = arith.addi %scan3A, %scan3A_16 : i32
    %scan3A_18 = arith.constant 1 : i32
    scf.for %scan3A_40 = %scan3A to %scan3A_17 step %scan3A_18  : i32 {
      %mul3A_41 = arith.constant 1 : i32
      %mul3A_42 = arith.muli %scan3A_40, %mul3A_41 : i32
      %add3A_43 = arith.constant 0 : i32
      %add3A_44 = arith.addi %add3A_43, %mul3A_42 : i32
      %mul3A_45 = arith.constant 2 : i32
      %mul3A_46 = arith.muli %add3A_44, %mul3A_45 : i32
      %add3A_47 = arith.constant 0 : i32
      %add3A_48 = arith.addi %mul3A_46, %add3A_47 : i32
      %add3A_49 = arith.constant 1 : i32
      %add3A_50 = arith.addi %add3A_48, %add3A_49 : i32
      %lt3A_51 = arith.constant 25 : i32
      %lt3A_52 = arith.cmpi slt, %add3A_50, %lt3A_51 : i32
      %convert_element_type3A_53 = arith.extui %lt3A_52 : i1 to i32
      %cond3A_54 = arith.constant 0 : i32
      %cond3A_55 = arith.cmpi ne, %convert_element_type3A_53, %cond3A_54 : i32
      scf.if %cond3A_55 {
        %add3A_81 = arith.constant 1 : i32
        %add3A_82 = arith.addi %add3A_48, %add3A_81 : i32
        %mul3A_83 = arith.constant 2000 : i32
        %mul3A_84 = arith.muli %arg1, %mul3A_83 : i32
        %mul3A_85 = arith.constant 80 : i32
        %mul3A_86 = arith.muli %add3A_82, %mul3A_85 : i32
        %add3A_87 = arith.addi %mul3A_84, %mul3A_86 : i32
        %dma_start3A_88 = tpu.memref_slice %arg3[%add3A_87, %mul3A_0] : memref<32000x256xf32, #tpu.memory_space<hbm>> -> memref<80x128xf32, #tpu.memory_space<hbm>>
        %dma_start3A_89 = tpu.memref_slice %arg3[%add3A_87, %mul3A_0] : memref<32000x256xf32, #tpu.memory_space<hbm>> -> memref<80x128xf32, #tpu.memory_space<hbm>>
        tpu.enqueue_dma source(%dma_start3A_89 : memref<80x128xf32, #tpu.memory_space<hbm>>) target(%arg8 : memref<80x128xf32, #tpu.memory_space<vmem>>) target_semaphore(%arg10 : memref<!tpu.dma_semaphore, #tpu.memory_space<semaphore_mem>>)
      } else {
      }
      %mul3A_56 = arith.constant 2000 : i32
      %mul3A_57 = arith.muli %arg1, %mul3A_56 : i32
      %mul3A_58 = arith.constant 80 : i32
      %mul3A_59 = arith.muli %add3A_48, %mul3A_58 : i32
      %add3A_60 = arith.addi %mul3A_57, %mul3A_59 : i32
      %dma_wait3A_61 = tpu.memref_slice %arg3[%add3A_60, %mul3A_0] : memref<32000x256xf32, #tpu.memory_space<hbm>> -> memref<80x128xf32, #tpu.memory_space<hbm>>
      %dma_wait3A_62 = tpu.memref_slice %arg3[%add3A_60, %mul3A_0] : memref<32000x256xf32, #tpu.memory_space<hbm>> -> memref<80x128xf32, #tpu.memory_space<hbm>>
      tpu.wait_dma2 semaphore(%arg9 : memref<!tpu.dma_semaphore, #tpu.memory_space<semaphore_mem>>) src(%dma_wait3A_62 : memref<80x128xf32, #tpu.memory_space<hbm>>) dst(%arg7 : memref<80x128xf32, #tpu.memory_space<vmem>>)
      "tpu.region"() ({
        %run_scoped3A_81 = tpu.sem_alloc : memref<!tpu.dma_semaphore, #tpu.memory_space<semaphore_mem>>
        %dma_start3A_82 = arith.constant 0 : i32
        %dma_start3A_83 = tpu.memref_slice %arg6[%add3A_48, %dma_start3A_82] : memref<25x80xi32, #tpu.memory_space<vmem>> -> memref<1x80xi32, #tpu.memory_space<vmem>>
        %dma_start3A_84 = tpu.memref_squeeze %dma_start3A_83 : memref<1x80xi32, #tpu.memory_space<vmem>> -> memref<80xi32, #tpu.memory_space<vmem>>
        %dma_start3A_85 = arith.constant 0 : i32
        %dma_start3A_86 = arith.constant 0 : i32
        %dma_start3A_87 = tpu.memref_slice %arg11[%dma_start3A_85, %dma_start3A_86] : memref<10000x128xf32, #tpu.memory_space<vmem_shared>> -> memref<10000x128xf32, #tpu.memory_space<vmem_shared>>
        tpu.enqueue_indirect_dma source(%arg7 : memref<80x128xf32, #tpu.memory_space<vmem>>) target(%dma_start3A_87 : memref<10000x128xf32, #tpu.memory_space<vmem_shared>>) offsets(%dma_start3A_84 : memref<80xi32, #tpu.memory_space<vmem>>) semaphore(%run_scoped3A_81 : memref<!tpu.dma_semaphore, #tpu.memory_space<semaphore_mem>>) {add = true}
        %dma_wait3A_88 = arith.constant 0 : i32
        %dma_wait3A_89 = tpu.memref_slice %arg6[%add3A_48, %dma_wait3A_88] : memref<25x80xi32, #tpu.memory_space<vmem>> -> memref<1x80xi32, #tpu.memory_space<vmem>>
        %dma_wait3A_90 = tpu.memref_squeeze %dma_wait3A_89 : memref<1x80xi32, #tpu.memory_space<vmem>> -> memref<80xi32, #tpu.memory_space<vmem>>
        %dma_wait3A_91 = arith.constant 0 : i32
        %dma_wait3A_92 = arith.constant 0 : i32
        %dma_wait3A_93 = tpu.memref_slice %arg11[%dma_wait3A_91, %dma_wait3A_92] : memref<10000x128xf32, #tpu.memory_space<vmem_shared>> -> memref<10000x128xf32, #tpu.memory_space<vmem_shared>>
        tpu.wait_indirect_dma semaphore(%run_scoped3A_81 : memref<!tpu.dma_semaphore, #tpu.memory_space<semaphore_mem>>) src(%arg7 : memref<80x128xf32, #tpu.memory_space<vmem>>) dst(%dma_wait3A_93 : memref<10000x128xf32, #tpu.memory_space<vmem_shared>>)
        tpu.yield
      }) : () -> ()
      %mul3A_63 = arith.constant 2 : i32
      %mul3A_64 = arith.muli %add3A_44, %mul3A_63 : i32
      %add3A_65 = arith.constant 1 : i32
      %add3A_66 = arith.addi %mul3A_64, %add3A_65 : i32
      %add3A_67 = arith.constant 1 : i32
      %add3A_68 = arith.addi %add3A_66, %add3A_67 : i32
      %lt3A_69 = arith.constant 25 : i32
      %lt3A_70 = arith.cmpi slt, %add3A_68, %lt3A_69 : i32
      %convert_element_type3A_71 = arith.extui %lt3A_70 : i1 to i32
      %cond3A_72 = arith.constant 0 : i32
      %cond3A_73 = arith.cmpi ne, %convert_element_type3A_71, %cond3A_72 : i32
      scf.if %cond3A_73 {
        %add3A_81 = arith.constant 1 : i32
        %add3A_82 = arith.addi %add3A_66, %add3A_81 : i32
        %mul3A_83 = arith.constant 2000 : i32
        %mul3A_84 = arith.muli %arg1, %mul3A_83 : i32
        %mul3A_85 = arith.constant 80 : i32
        %mul3A_86 = arith.muli %add3A_82, %mul3A_85 : i32
        %add3A_87 = arith.addi %mul3A_84, %mul3A_86 : i32
        %dma_start3A_88 = tpu.memref_slice %arg3[%add3A_87, %mul3A_0] : memref<32000x256xf32, #tpu.memory_space<hbm>> -> memref<80x128xf32, #tpu.memory_space<hbm>>
        %dma_start3A_89 = tpu.memref_slice %arg3[%add3A_87, %mul3A_0] : memref<32000x256xf32, #tpu.memory_space<hbm>> -> memref<80x128xf32, #tpu.memory_space<hbm>>
        tpu.enqueue_dma source(%dma_start3A_89 : memref<80x128xf32, #tpu.memory_space<hbm>>) target(%arg7 : memref<80x128xf32, #tpu.memory_space<vmem>>) target_semaphore(%arg9 : memref<!tpu.dma_semaphore, #tpu.memory_space<semaphore_mem>>)
      } else {
      }
      %mul3A_74 = arith.constant 2000 : i32
      %mul3A_75 = arith.muli %arg1, %mul3A_74 : i32
      %mul3A_76 = arith.constant 80 : i32
      %mul3A_77 = arith.muli %add3A_66, %mul3A_76 : i32
      %add3A_78 = arith.addi %mul3A_75, %mul3A_77 : i32
      %dma_wait3A_79 = tpu.memref_slice %arg3[%add3A_78, %mul3A_0] : memref<32000x256xf32, #tpu.memory_space<hbm>> -> memref<80x128xf32, #tpu.memory_space<hbm>>
      %dma_wait3A_80 = tpu.memref_slice %arg3[%add3A_78, %mul3A_0] : memref<32000x256xf32, #tpu.memory_space<hbm>> -> memref<80x128xf32, #tpu.memory_space<hbm>>
      tpu.wait_dma2 semaphore(%arg10 : memref<!tpu.dma_semaphore, #tpu.memory_space<semaphore_mem>>) src(%dma_wait3A_80 : memref<80x128xf32, #tpu.memory_space<hbm>>) dst(%arg8 : memref<80x128xf32, #tpu.memory_space<vmem>>)
      "tpu.region"() ({
        %run_scoped3A_81 = tpu.sem_alloc : memref<!tpu.dma_semaphore, #tpu.memory_space<semaphore_mem>>
        %dma_start3A_82 = arith.constant 0 : i32
        %dma_start3A_83 = tpu.memref_slice %arg6[%add3A_66, %dma_start3A_82] : memref<25x80xi32, #tpu.memory_space<vmem>> -> memref<1x80xi32, #tpu.memory_space<vmem>>
        %dma_start3A_84 = tpu.memref_squeeze %dma_start3A_83 : memref<1x80xi32, #tpu.memory_space<vmem>> -> memref<80xi32, #tpu.memory_space<vmem>>
        %dma_start3A_85 = arith.constant 0 : i32
        %dma_start3A_86 = arith.constant 0 : i32
        %dma_start3A_87 = tpu.memref_slice %arg11[%dma_start3A_85, %dma_start3A_86] : memref<10000x128xf32, #tpu.memory_space<vmem_shared>> -> memref<10000x128xf32, #tpu.memory_space<vmem_shared>>
        tpu.enqueue_indirect_dma source(%arg8 : memref<80x128xf32, #tpu.memory_space<vmem>>) target(%dma_start3A_87 : memref<10000x128xf32, #tpu.memory_space<vmem_shared>>) offsets(%dma_start3A_84 : memref<80xi32, #tpu.memory_space<vmem>>) semaphore(%run_scoped3A_81 : memref<!tpu.dma_semaphore, #tpu.memory_space<semaphore_mem>>) {add = true}
        %dma_wait3A_88 = arith.constant 0 : i32
        %dma_wait3A_89 = tpu.memref_slice %arg6[%add3A_66, %dma_wait3A_88] : memref<25x80xi32, #tpu.memory_space<vmem>> -> memref<1x80xi32, #tpu.memory_space<vmem>>
        %dma_wait3A_90 = tpu.memref_squeeze %dma_wait3A_89 : memref<1x80xi32, #tpu.memory_space<vmem>> -> memref<80xi32, #tpu.memory_space<vmem>>
        %dma_wait3A_91 = arith.constant 0 : i32
        %dma_wait3A_92 = arith.constant 0 : i32
        %dma_wait3A_93 = tpu.memref_slice %arg11[%dma_wait3A_91, %dma_wait3A_92] : memref<10000x128xf32, #tpu.memory_space<vmem_shared>> -> memref<10000x128xf32, #tpu.memory_space<vmem_shared>>
        tpu.wait_indirect_dma semaphore(%run_scoped3A_81 : memref<!tpu.dma_semaphore, #tpu.memory_space<semaphore_mem>>) src(%arg8 : memref<80x128xf32, #tpu.memory_space<vmem>>) dst(%dma_wait3A_93 : memref<10000x128xf32, #tpu.memory_space<vmem_shared>>)
        tpu.yield
      }) : () -> ()
    }
    %scan3A_19 = arith.constant 12 : i32
    %mul3A_20 = arith.constant 2000 : i32
    %mul3A_21 = arith.muli %arg1, %mul3A_20 : i32
    %add3A_22 = arith.constant 1920 : i32
    %add3A_23 = arith.addi %mul3A_21, %add3A_22 : i32
    %dma_wait3A = tpu.memref_slice %arg3[%add3A_23, %mul3A_0] : memref<32000x256xf32, #tpu.memory_space<hbm>> -> memref<80x128xf32, #tpu.memory_space<hbm>>
    %dma_wait3A_24 = tpu.memref_slice %arg3[%add3A_23, %mul3A_0] : memref<32000x256xf32, #tpu.memory_space<hbm>> -> memref<80x128xf32, #tpu.memory_space<hbm>>
    tpu.wait_dma2 semaphore(%arg9 : memref<!tpu.dma_semaphore, #tpu.memory_space<semaphore_mem>>) src(%dma_wait3A_24 : memref<80x128xf32, #tpu.memory_space<hbm>>) dst(%arg7 : memref<80x128xf32, #tpu.memory_space<vmem>>)
    %run_scoped3A = arith.constant 24 : i32
    "tpu.region"() ({
      %run_scoped3A_40 = tpu.sem_alloc : memref<!tpu.dma_semaphore, #tpu.memory_space<semaphore_mem>>
      %dma_start3A_41 = arith.constant 0 : i32
      %dma_start3A_42 = tpu.memref_slice %arg6[%run_scoped3A, %dma_start3A_41] : memref<25x80xi32, #tpu.memory_space<vmem>> -> memref<1x80xi32, #tpu.memory_space<vmem>>
      %dma_start3A_43 = tpu.memref_squeeze %dma_start3A_42 : memref<1x80xi32, #tpu.memory_space<vmem>> -> memref<80xi32, #tpu.memory_space<vmem>>
      %dma_start3A_44 = arith.constant 0 : i32
      %dma_start3A_45 = arith.constant 0 : i32
      %dma_start3A_46 = tpu.memref_slice %arg11[%dma_start3A_44, %dma_start3A_45] : memref<10000x128xf32, #tpu.memory_space<vmem_shared>> -> memref<10000x128xf32, #tpu.memory_space<vmem_shared>>
      tpu.enqueue_indirect_dma source(%arg7 : memref<80x128xf32, #tpu.memory_space<vmem>>) target(%dma_start3A_46 : memref<10000x128xf32, #tpu.memory_space<vmem_shared>>) offsets(%dma_start3A_43 : memref<80xi32, #tpu.memory_space<vmem>>) semaphore(%run_scoped3A_40 : memref<!tpu.dma_semaphore, #tpu.memory_space<semaphore_mem>>) {add = true}
      %dma_wait3A_47 = arith.constant 0 : i32
      %dma_wait3A_48 = tpu.memref_slice %arg6[%run_scoped3A, %dma_wait3A_47] : memref<25x80xi32, #tpu.memory_space<vmem>> -> memref<1x80xi32, #tpu.memory_space<vmem>>
      %dma_wait3A_49 = tpu.memref_squeeze %dma_wait3A_48 : memref<1x80xi32, #tpu.memory_space<vmem>> -> memref<80xi32, #tpu.memory_space<vmem>>
      %dma_wait3A_50 = arith.constant 0 : i32
      %dma_wait3A_51 = arith.constant 0 : i32
      %dma_wait3A_52 = tpu.memref_slice %arg11[%dma_wait3A_50, %dma_wait3A_51] : memref<10000x128xf32, #tpu.memory_space<vmem_shared>> -> memref<10000x128xf32, #tpu.memory_space<vmem_shared>>
      tpu.wait_indirect_dma semaphore(%run_scoped3A_40 : memref<!tpu.dma_semaphore, #tpu.memory_space<semaphore_mem>>) src(%arg7 : memref<80x128xf32, #tpu.memory_space<vmem>>) dst(%dma_wait3A_52 : memref<10000x128xf32, #tpu.memory_space<vmem_shared>>)
      tpu.yield
    }) : () -> ()
    %barrier3A_25 = arith.constant 0 : index
    tpu.barrier barrier_id(%barrier3A_25)
    %add3A_26 = arith.constant 0 : i32
    %add3A_27 = arith.addi %add3A_26, %arg1 : i32
    %lt3A_28 = arith.constant 25 : i32
    %lt3A_29 = arith.cmpi slt, %add3A_27, %lt3A_28 : i32
    %convert_element_type3A_30 = arith.extui %lt3A_29 : i1 to i32
    %cond3A_31 = arith.constant 0 : i32
    %cond3A_32 = arith.cmpi ne, %convert_element_type3A_30, %cond3A_31 : i32
    scf.if %cond3A_32 {
      %mul3A_40 = arith.constant 400 : i32
      %mul3A_41 = arith.muli %add3A_27, %mul3A_40 : i32
      %mul3A_42 = arith.constant 400 : i32
      %mul3A_43 = arith.muli %add3A_27, %mul3A_42 : i32
      "tpu.region"() ({
        %run_scoped3A_44 = tpu.sem_alloc : memref<!tpu.dma_semaphore, #tpu.memory_space<semaphore_mem>>
        %dma_start3A_45 = tpu.memref_slice %arg5[%mul3A_43, %mul3A_0] : memref<10000x256xf32, #tpu.memory_space<hbm>> -> memref<400x128xf32, #tpu.memory_space<hbm>>
        %dma_start3A_46 = arith.constant 0 : i32
        %dma_start3A_47 = tpu.memref_slice %arg11[%mul3A_41, %dma_start3A_46] : memref<10000x128xf32, #tpu.memory_space<vmem_shared>> -> memref<400x128xf32, #tpu.memory_space<vmem_shared>>
        tpu.enqueue_dma source(%dma_start3A_47 : memref<400x128xf32, #tpu.memory_space<vmem_shared>>) target(%dma_start3A_45 : memref<400x128xf32, #tpu.memory_space<hbm>>) target_semaphore(%run_scoped3A_44 : memref<!tpu.dma_semaphore, #tpu.memory_space<semaphore_mem>>)
        %dma_wait3A_48 = tpu.memref_slice %arg5[%mul3A_43, %mul3A_0] : memref<10000x256xf32, #tpu.memory_space<hbm>> -> memref<400x128xf32, #tpu.memory_space<hbm>>
        %dma_wait3A_49 = arith.constant 0 : i32
        %dma_wait3A_50 = tpu.memref_slice %arg11[%mul3A_41, %dma_wait3A_49] : memref<10000x128xf32, #tpu.memory_space<vmem_shared>> -> memref<400x128xf32, #tpu.memory_space<vmem_shared>>
        tpu.wait_dma2 semaphore(%run_scoped3A_44 : memref<!tpu.dma_semaphore, #tpu.memory_space<semaphore_mem>>) src(%dma_wait3A_50 : memref<400x128xf32, #tpu.memory_space<vmem_shared>>) dst(%dma_wait3A_48 : memref<400x128xf32, #tpu.memory_space<hbm>>)
        tpu.yield
      }) : () -> ()
    } else {
    }
    %add3A_33 = arith.constant 16 : i32
    %add3A_34 = arith.addi %add3A_33, %arg1 : i32
    %lt3A_35 = arith.constant 25 : i32
    %lt3A_36 = arith.cmpi slt, %add3A_34, %lt3A_35 : i32
    %convert_element_type3A_37 = arith.extui %lt3A_36 : i1 to i32
    %cond3A_38 = arith.constant 0 : i32
    %cond3A_39 = arith.cmpi ne, %convert_element_type3A_37, %cond3A_38 : i32
    scf.if %cond3A_39 {
      %mul3A_40 = arith.constant 400 : i32
      %mul3A_41 = arith.muli %add3A_34, %mul3A_40 : i32
      %mul3A_42 = arith.constant 400 : i32
      %mul3A_43 = arith.muli %add3A_34, %mul3A_42 : i32
      "tpu.region"() ({
        %run_scoped3A_44 = tpu.sem_alloc : memref<!tpu.dma_semaphore, #tpu.memory_space<semaphore_mem>>
        %dma_start3A_45 = tpu.memref_slice %arg5[%mul3A_43, %mul3A_0] : memref<10000x256xf32, #tpu.memory_space<hbm>> -> memref<400x128xf32, #tpu.memory_space<hbm>>
        %dma_start3A_46 = arith.constant 0 : i32
        %dma_start3A_47 = tpu.memref_slice %arg11[%mul3A_41, %dma_start3A_46] : memref<10000x128xf32, #tpu.memory_space<vmem_shared>> -> memref<400x128xf32, #tpu.memory_space<vmem_shared>>
        tpu.enqueue_dma source(%dma_start3A_47 : memref<400x128xf32, #tpu.memory_space<vmem_shared>>) target(%dma_start3A_45 : memref<400x128xf32, #tpu.memory_space<hbm>>) target_semaphore(%run_scoped3A_44 : memref<!tpu.dma_semaphore, #tpu.memory_space<semaphore_mem>>)
        %dma_wait3A_48 = tpu.memref_slice %arg5[%mul3A_43, %mul3A_0] : memref<10000x256xf32, #tpu.memory_space<hbm>> -> memref<400x128xf32, #tpu.memory_space<hbm>>
        %dma_wait3A_49 = arith.constant 0 : i32
        %dma_wait3A_50 = tpu.memref_slice %arg11[%mul3A_41, %dma_wait3A_49] : memref<10000x128xf32, #tpu.memory_space<vmem_shared>> -> memref<400x128xf32, #tpu.memory_space<vmem_shared>>
        tpu.wait_dma2 semaphore(%run_scoped3A_44 : memref<!tpu.dma_semaphore, #tpu.memory_space<semaphore_mem>>) src(%dma_wait3A_50 : memref<400x128xf32, #tpu.memory_space<vmem_shared>>) dst(%dma_wait3A_48 : memref<400x128xf32, #tpu.memory_space<hbm>>)
        tpu.yield
      }) : () -> ()
    } else {
    }
    return
  }
}

#map = affine_map<(d0, d1) -> (0)>
#map1 = affine_map<(d0, d1) -> (0, 0)>
module attributes {stable_mosaic.version = 14 : i64} {
  func.func @k(%arg0: i32, %arg1: i32, %arg2: memref<160000xi32, #tpu.memory_space<hbm>>, %arg3: memref<160000xi32, #tpu.memory_space<hbm>>, %arg4: memref<10000x128xf32, #tpu.memory_space<hbm>>, %arg5: memref<10000x128xf32, #tpu.memory_space<hbm>>, %arg6: memref<64000x128xf32, #tpu.memory_space<hbm>>, %arg7: memref<64000x128xf32, #tpu.memory_space<hbm>>, %arg8: memref<2000xi32, #tpu.memory_space<vmem>>, %arg9: memref<2000xi32, #tpu.memory_space<vmem>>, %arg10: memref<200x128xf32, #tpu.memory_space<vmem>>, %arg11: memref<200x128xf32, #tpu.memory_space<vmem>>, %arg12: memref<200x128xf32, #tpu.memory_space<vmem>>, %arg13: memref<200x128xf32, #tpu.memory_space<vmem>>, %arg14: memref<!tpu.dma_semaphore, #tpu.memory_space<semaphore_mem>>, %arg15: memref<!tpu.dma_semaphore, #tpu.memory_space<semaphore_mem>>, %arg16: memref<!tpu.dma_semaphore, #tpu.memory_space<semaphore_mem>>, %arg17: memref<!tpu.dma_semaphore, #tpu.memory_space<semaphore_mem>>) attributes {dimension_semantics = [#tpu.dimension_semantics<core_parallel>, #tpu.dimension_semantics<subcore_parallel>], iteration_bounds = array<i64: 2, 16>, scalar_prefetch = 0 : i64, scratch_operands = 10 : i64, tpu.core_type = #tpu.core_type<sc_vector_subcore>, window_params = [{transform_indices = #map}, {transform_indices = #map}, {transform_indices = #map1}, {transform_indices = #map1}, {transform_indices = #map1}, {transform_indices = #map1}]} {
    %mul3A = arith.constant 2 : i32
    %mul3A_0 = arith.muli %arg1, %mul3A : i32
    %add3A = arith.addi %mul3A_0, %arg0 : i32
    %mul3A_1 = arith.constant 2000 : i32
    %mul3A_2 = arith.muli %add3A, %mul3A_1 : i32
    %add3A_3 = arith.constant 96000 : i32
    %add3A_4 = arith.addi %add3A_3, %mul3A_2 : i32
    "tpu.region"() ({
      %run_scoped3A = tpu.sem_alloc : memref<!tpu.dma_semaphore, #tpu.memory_space<semaphore_mem>>
      %dma_start3A = tpu.memref_slice %arg2[%add3A_4] : memref<160000xi32, #tpu.memory_space<hbm>> -> memref<2000xi32, #tpu.memory_space<hbm>>
      %dma_start3A_54 = tpu.memref_slice %arg2[%add3A_4] : memref<160000xi32, #tpu.memory_space<hbm>> -> memref<2000xi32, #tpu.memory_space<hbm>>
      tpu.enqueue_dma source(%dma_start3A_54 : memref<2000xi32, #tpu.memory_space<hbm>>) target(%arg8 : memref<2000xi32, #tpu.memory_space<vmem>>) target_semaphore(%run_scoped3A : memref<!tpu.dma_semaphore, #tpu.memory_space<semaphore_mem>>)
      %dma_wait3A_55 = tpu.memref_slice %arg2[%add3A_4] : memref<160000xi32, #tpu.memory_space<hbm>> -> memref<2000xi32, #tpu.memory_space<hbm>>
      %dma_wait3A_56 = tpu.memref_slice %arg2[%add3A_4] : memref<160000xi32, #tpu.memory_space<hbm>> -> memref<2000xi32, #tpu.memory_space<hbm>>
      tpu.wait_dma2 semaphore(%run_scoped3A : memref<!tpu.dma_semaphore, #tpu.memory_space<semaphore_mem>>) src(%dma_wait3A_56 : memref<2000xi32, #tpu.memory_space<hbm>>) dst(%arg8 : memref<2000xi32, #tpu.memory_space<vmem>>)
      tpu.yield
    }) : () -> ()
    %add3A_5 = arith.constant 96000 : i32
    %add3A_6 = arith.addi %add3A_5, %mul3A_2 : i32
    "tpu.region"() ({
      %run_scoped3A = tpu.sem_alloc : memref<!tpu.dma_semaphore, #tpu.memory_space<semaphore_mem>>
      %dma_start3A = tpu.memref_slice %arg3[%add3A_6] : memref<160000xi32, #tpu.memory_space<hbm>> -> memref<2000xi32, #tpu.memory_space<hbm>>
      %dma_start3A_54 = tpu.memref_slice %arg3[%add3A_6] : memref<160000xi32, #tpu.memory_space<hbm>> -> memref<2000xi32, #tpu.memory_space<hbm>>
      tpu.enqueue_dma source(%dma_start3A_54 : memref<2000xi32, #tpu.memory_space<hbm>>) target(%arg9 : memref<2000xi32, #tpu.memory_space<vmem>>) target_semaphore(%run_scoped3A : memref<!tpu.dma_semaphore, #tpu.memory_space<semaphore_mem>>)
      %dma_wait3A_55 = tpu.memref_slice %arg3[%add3A_6] : memref<160000xi32, #tpu.memory_space<hbm>> -> memref<2000xi32, #tpu.memory_space<hbm>>
      %dma_wait3A_56 = tpu.memref_slice %arg3[%add3A_6] : memref<160000xi32, #tpu.memory_space<hbm>> -> memref<2000xi32, #tpu.memory_space<hbm>>
      tpu.wait_dma2 semaphore(%run_scoped3A : memref<!tpu.dma_semaphore, #tpu.memory_space<semaphore_mem>>) src(%dma_wait3A_56 : memref<2000xi32, #tpu.memory_space<hbm>>) dst(%arg9 : memref<2000xi32, #tpu.memory_space<vmem>>)
      tpu.yield
    }) : () -> ()
    %scan3A = arith.constant 0 : i32
    %scan3A_7 = arith.constant 5 : i32
    %scan3A_8 = arith.addi %scan3A, %scan3A_7 : i32
    %scan3A_9 = arith.constant 1 : i32
    scf.for %scan3A_54 = %scan3A to %scan3A_8 step %scan3A_9  : i32 {
      %mul3A_55 = arith.constant 1 : i32
      %mul3A_56 = arith.muli %scan3A_54, %mul3A_55 : i32
      %add3A_57 = arith.constant 0 : i32
      %add3A_58 = arith.addi %add3A_57, %mul3A_56 : i32
      %mul3A_59 = arith.constant 2 : i32
      %mul3A_60 = arith.muli %add3A_58, %mul3A_59 : i32
      %add3A_61 = arith.constant 0 : i32
      %add3A_62 = arith.addi %mul3A_60, %add3A_61 : i32
      %ge3A = arith.constant 2 : i32
      %ge3A_63 = arith.cmpi sge, %add3A_62, %ge3A : i32
      %convert_element_type3A = arith.extui %ge3A_63 : i1 to i32
      %cond3A = arith.constant 0 : i32
      %cond3A_64 = arith.cmpi ne, %convert_element_type3A, %cond3A : i32
      scf.if %cond3A_64 {
        %sub3A = arith.constant 2 : i32
        %sub3A_199 = arith.subi %add3A_62, %sub3A : i32
        %mul3A_200 = arith.constant 200 : i32
        %mul3A_201 = arith.muli %sub3A_199, %mul3A_200 : i32
        %add3A_202 = arith.addi %mul3A_2, %mul3A_201 : i32
        %dma_wait3A_203 = arith.constant 0 : i32
        %dma_wait3A_204 = arith.constant 0 : i32
        %dma_wait3A_205 = tpu.memref_slice %arg10[%dma_wait3A_203, %dma_wait3A_204] : memref<200x128xf32, #tpu.memory_space<vmem>> -> memref<200x128xf32, #tpu.memory_space<vmem>>
        %dma_wait3A_206 = arith.constant 0 : i32
        %dma_wait3A_207 = tpu.memref_slice %arg6[%add3A_202, %dma_wait3A_206] : memref<64000x128xf32, #tpu.memory_space<hbm>> -> memref<200x128xf32, #tpu.memory_space<hbm>>
        %dma_wait3A_208 = arith.constant 0 : i32
        %dma_wait3A_209 = tpu.memref_slice %arg6[%add3A_202, %dma_wait3A_208] : memref<64000x128xf32, #tpu.memory_space<hbm>> -> memref<200x128xf32, #tpu.memory_space<hbm>>
        %dma_wait3A_210 = arith.constant 0 : i32
        %dma_wait3A_211 = arith.constant 0 : i32
        %dma_wait3A_212 = tpu.memref_slice %arg10[%dma_wait3A_210, %dma_wait3A_211] : memref<200x128xf32, #tpu.memory_space<vmem>> -> memref<200x128xf32, #tpu.memory_space<vmem>>
        tpu.wait_dma2 semaphore(%arg16 : memref<!tpu.dma_semaphore, #tpu.memory_space<semaphore_mem>>) src(%dma_wait3A_212 : memref<200x128xf32, #tpu.memory_space<vmem>>) dst(%dma_wait3A_209 : memref<200x128xf32, #tpu.memory_space<hbm>>)
        %dma_wait3A_213 = arith.constant 0 : i32
        %dma_wait3A_214 = arith.constant 0 : i32
        %dma_wait3A_215 = tpu.memref_slice %arg12[%dma_wait3A_213, %dma_wait3A_214] : memref<200x128xf32, #tpu.memory_space<vmem>> -> memref<200x128xf32, #tpu.memory_space<vmem>>
        %dma_wait3A_216 = arith.constant 0 : i32
        %dma_wait3A_217 = tpu.memref_slice %arg7[%add3A_202, %dma_wait3A_216] : memref<64000x128xf32, #tpu.memory_space<hbm>> -> memref<200x128xf32, #tpu.memory_space<hbm>>
        %dma_wait3A_218 = arith.constant 0 : i32
        %dma_wait3A_219 = tpu.memref_slice %arg7[%add3A_202, %dma_wait3A_218] : memref<64000x128xf32, #tpu.memory_space<hbm>> -> memref<200x128xf32, #tpu.memory_space<hbm>>
        %dma_wait3A_220 = arith.constant 0 : i32
        %dma_wait3A_221 = arith.constant 0 : i32
        %dma_wait3A_222 = tpu.memref_slice %arg12[%dma_wait3A_220, %dma_wait3A_221] : memref<200x128xf32, #tpu.memory_space<vmem>> -> memref<200x128xf32, #tpu.memory_space<vmem>>
        tpu.wait_dma2 semaphore(%arg16 : memref<!tpu.dma_semaphore, #tpu.memory_space<semaphore_mem>>) src(%dma_wait3A_222 : memref<200x128xf32, #tpu.memory_space<vmem>>) dst(%dma_wait3A_219 : memref<200x128xf32, #tpu.memory_space<hbm>>)
      } else {
      }
      %mul3A_65 = arith.constant 200 : i32
      %mul3A_66 = arith.muli %add3A_62, %mul3A_65 : i32
      %dma_start3A = arith.constant 0 : i32
      %dma_start3A_67 = arith.constant 0 : i32
      %dma_start3A_68 = tpu.memref_slice %arg10[%dma_start3A, %dma_start3A_67] : memref<200x128xf32, #tpu.memory_space<vmem>> -> memref<200x128xf32, #tpu.memory_space<vmem>>
      %dma_start3A_69 = tpu.memref_slice %arg8[%mul3A_66] : memref<2000xi32, #tpu.memory_space<vmem>> -> memref<200xi32, #tpu.memory_space<vmem>>
      %dma_start3A_70 = arith.constant 0 : i32
      %dma_start3A_71 = arith.constant 0 : i32
      %dma_start3A_72 = tpu.memref_slice %arg4[%dma_start3A_70, %dma_start3A_71] : memref<10000x128xf32, #tpu.memory_space<hbm>> -> memref<10000x128xf32, #tpu.memory_space<hbm>>
      tpu.enqueue_indirect_dma source(%dma_start3A_72 : memref<10000x128xf32, #tpu.memory_space<hbm>>) target(%dma_start3A_68 : memref<200x128xf32, #tpu.memory_space<vmem>>) offsets(%dma_start3A_69 : memref<200xi32, #tpu.memory_space<vmem>>) semaphore(%arg14 : memref<!tpu.dma_semaphore, #tpu.memory_space<semaphore_mem>>)
      %mul3A_73 = arith.constant 200 : i32
      %mul3A_74 = arith.muli %add3A_62, %mul3A_73 : i32
      %dma_start3A_75 = arith.constant 0 : i32
      %dma_start3A_76 = arith.constant 0 : i32
      %dma_start3A_77 = tpu.memref_slice %arg12[%dma_start3A_75, %dma_start3A_76] : memref<200x128xf32, #tpu.memory_space<vmem>> -> memref<200x128xf32, #tpu.memory_space<vmem>>
      %dma_start3A_78 = tpu.memref_slice %arg9[%mul3A_74] : memref<2000xi32, #tpu.memory_space<vmem>> -> memref<200xi32, #tpu.memory_space<vmem>>
      %dma_start3A_79 = arith.constant 0 : i32
      %dma_start3A_80 = arith.constant 0 : i32
      %dma_start3A_81 = tpu.memref_slice %arg5[%dma_start3A_79, %dma_start3A_80] : memref<10000x128xf32, #tpu.memory_space<hbm>> -> memref<10000x128xf32, #tpu.memory_space<hbm>>
      tpu.enqueue_indirect_dma source(%dma_start3A_81 : memref<10000x128xf32, #tpu.memory_space<hbm>>) target(%dma_start3A_77 : memref<200x128xf32, #tpu.memory_space<vmem>>) offsets(%dma_start3A_78 : memref<200xi32, #tpu.memory_space<vmem>>) semaphore(%arg14 : memref<!tpu.dma_semaphore, #tpu.memory_space<semaphore_mem>>)
      %mul3A_82 = arith.constant 2 : i32
      %mul3A_83 = arith.muli %add3A_58, %mul3A_82 : i32
      %add3A_84 = arith.constant 1 : i32
      %add3A_85 = arith.addi %mul3A_83, %add3A_84 : i32
      %ge3A_86 = arith.constant 2 : i32
      %ge3A_87 = arith.cmpi sge, %add3A_85, %ge3A_86 : i32
      %convert_element_type3A_88 = arith.extui %ge3A_87 : i1 to i32
      %cond3A_89 = arith.constant 0 : i32
      %cond3A_90 = arith.cmpi ne, %convert_element_type3A_88, %cond3A_89 : i32
      scf.if %cond3A_90 {
        %sub3A = arith.constant 2 : i32
        %sub3A_199 = arith.subi %add3A_85, %sub3A : i32
        %mul3A_200 = arith.constant 200 : i32
        %mul3A_201 = arith.muli %sub3A_199, %mul3A_200 : i32
        %add3A_202 = arith.addi %mul3A_2, %mul3A_201 : i32
        %dma_wait3A_203 = arith.constant 0 : i32
        %dma_wait3A_204 = arith.constant 0 : i32
        %dma_wait3A_205 = tpu.memref_slice %arg11[%dma_wait3A_203, %dma_wait3A_204] : memref<200x128xf32, #tpu.memory_space<vmem>> -> memref<200x128xf32, #tpu.memory_space<vmem>>
        %dma_wait3A_206 = arith.constant 0 : i32
        %dma_wait3A_207 = tpu.memref_slice %arg6[%add3A_202, %dma_wait3A_206] : memref<64000x128xf32, #tpu.memory_space<hbm>> -> memref<200x128xf32, #tpu.memory_space<hbm>>
        %dma_wait3A_208 = arith.constant 0 : i32
        %dma_wait3A_209 = tpu.memref_slice %arg6[%add3A_202, %dma_wait3A_208] : memref<64000x128xf32, #tpu.memory_space<hbm>> -> memref<200x128xf32, #tpu.memory_space<hbm>>
        %dma_wait3A_210 = arith.constant 0 : i32
        %dma_wait3A_211 = arith.constant 0 : i32
        %dma_wait3A_212 = tpu.memref_slice %arg11[%dma_wait3A_210, %dma_wait3A_211] : memref<200x128xf32, #tpu.memory_space<vmem>> -> memref<200x128xf32, #tpu.memory_space<vmem>>
        tpu.wait_dma2 semaphore(%arg17 : memref<!tpu.dma_semaphore, #tpu.memory_space<semaphore_mem>>) src(%dma_wait3A_212 : memref<200x128xf32, #tpu.memory_space<vmem>>) dst(%dma_wait3A_209 : memref<200x128xf32, #tpu.memory_space<hbm>>)
        %dma_wait3A_213 = arith.constant 0 : i32
        %dma_wait3A_214 = arith.constant 0 : i32
        %dma_wait3A_215 = tpu.memref_slice %arg13[%dma_wait3A_213, %dma_wait3A_214] : memref<200x128xf32, #tpu.memory_space<vmem>> -> memref<200x128xf32, #tpu.memory_space<vmem>>
        %dma_wait3A_216 = arith.constant 0 : i32
        %dma_wait3A_217 = tpu.memref_slice %arg7[%add3A_202, %dma_wait3A_216] : memref<64000x128xf32, #tpu.memory_space<hbm>> -> memref<200x128xf32, #tpu.memory_space<hbm>>
        %dma_wait3A_218 = arith.constant 0 : i32
        %dma_wait3A_219 = tpu.memref_slice %arg7[%add3A_202, %dma_wait3A_218] : memref<64000x128xf32, #tpu.memory_space<hbm>> -> memref<200x128xf32, #tpu.memory_space<hbm>>
        %dma_wait3A_220 = arith.constant 0 : i32
        %dma_wait3A_221 = arith.constant 0 : i32
        %dma_wait3A_222 = tpu.memref_slice %arg13[%dma_wait3A_220, %dma_wait3A_221] : memref<200x128xf32, #tpu.memory_space<vmem>> -> memref<200x128xf32, #tpu.memory_space<vmem>>
        tpu.wait_dma2 semaphore(%arg17 : memref<!tpu.dma_semaphore, #tpu.memory_space<semaphore_mem>>) src(%dma_wait3A_222 : memref<200x128xf32, #tpu.memory_space<vmem>>) dst(%dma_wait3A_219 : memref<200x128xf32, #tpu.memory_space<hbm>>)
      } else {
      }
      %mul3A_91 = arith.constant 200 : i32
      %mul3A_92 = arith.muli %add3A_85, %mul3A_91 : i32
      %dma_start3A_93 = arith.constant 0 : i32
      %dma_start3A_94 = arith.constant 0 : i32
      %dma_start3A_95 = tpu.memref_slice %arg11[%dma_start3A_93, %dma_start3A_94] : memref<200x128xf32, #tpu.memory_space<vmem>> -> memref<200x128xf32, #tpu.memory_space<vmem>>
      %dma_start3A_96 = tpu.memref_slice %arg8[%mul3A_92] : memref<2000xi32, #tpu.memory_space<vmem>> -> memref<200xi32, #tpu.memory_space<vmem>>
      %dma_start3A_97 = arith.constant 0 : i32
      %dma_start3A_98 = arith.constant 0 : i32
      %dma_start3A_99 = tpu.memref_slice %arg4[%dma_start3A_97, %dma_start3A_98] : memref<10000x128xf32, #tpu.memory_space<hbm>> -> memref<10000x128xf32, #tpu.memory_space<hbm>>
      tpu.enqueue_indirect_dma source(%dma_start3A_99 : memref<10000x128xf32, #tpu.memory_space<hbm>>) target(%dma_start3A_95 : memref<200x128xf32, #tpu.memory_space<vmem>>) offsets(%dma_start3A_96 : memref<200xi32, #tpu.memory_space<vmem>>) semaphore(%arg15 : memref<!tpu.dma_semaphore, #tpu.memory_space<semaphore_mem>>)
      %mul3A_100 = arith.constant 200 : i32
      %mul3A_101 = arith.muli %add3A_85, %mul3A_100 : i32
      %dma_start3A_102 = arith.constant 0 : i32
      %dma_start3A_103 = arith.constant 0 : i32
      %dma_start3A_104 = tpu.memref_slice %arg13[%dma_start3A_102, %dma_start3A_103] : memref<200x128xf32, #tpu.memory_space<vmem>> -> memref<200x128xf32, #tpu.memory_space<vmem>>
      %dma_start3A_105 = tpu.memref_slice %arg9[%mul3A_101] : memref<2000xi32, #tpu.memory_space<vmem>> -> memref<200xi32, #tpu.memory_space<vmem>>
      %dma_start3A_106 = arith.constant 0 : i32
      %dma_start3A_107 = arith.constant 0 : i32
      %dma_start3A_108 = tpu.memref_slice %arg5[%dma_start3A_106, %dma_start3A_107] : memref<10000x128xf32, #tpu.memory_space<hbm>> -> memref<10000x128xf32, #tpu.memory_space<hbm>>
      tpu.enqueue_indirect_dma source(%dma_start3A_108 : memref<10000x128xf32, #tpu.memory_space<hbm>>) target(%dma_start3A_104 : memref<200x128xf32, #tpu.memory_space<vmem>>) offsets(%dma_start3A_105 : memref<200xi32, #tpu.memory_space<vmem>>) semaphore(%arg15 : memref<!tpu.dma_semaphore, #tpu.memory_space<semaphore_mem>>)
      %mul3A_109 = arith.constant 2 : i32
      %mul3A_110 = arith.muli %add3A_58, %mul3A_109 : i32
      %add3A_111 = arith.constant 0 : i32
      %add3A_112 = arith.addi %mul3A_110, %add3A_111 : i32
      %mul3A_113 = arith.constant 200 : i32
      %mul3A_114 = arith.muli %add3A_112, %mul3A_113 : i32
      %dma_wait3A_115 = arith.constant 0 : i32
      %dma_wait3A_116 = arith.constant 0 : i32
      %dma_wait3A_117 = tpu.memref_slice %arg10[%dma_wait3A_115, %dma_wait3A_116] : memref<200x128xf32, #tpu.memory_space<vmem>> -> memref<200x128xf32, #tpu.memory_space<vmem>>
      %dma_wait3A_118 = tpu.memref_slice %arg8[%mul3A_114] : memref<2000xi32, #tpu.memory_space<vmem>> -> memref<200xi32, #tpu.memory_space<vmem>>
      %dma_wait3A_119 = arith.constant 0 : i32
      %dma_wait3A_120 = arith.constant 0 : i32
      %dma_wait3A_121 = tpu.memref_slice %arg4[%dma_wait3A_119, %dma_wait3A_120] : memref<10000x128xf32, #tpu.memory_space<hbm>> -> memref<10000x128xf32, #tpu.memory_space<hbm>>
      tpu.wait_indirect_dma semaphore(%arg14 : memref<!tpu.dma_semaphore, #tpu.memory_space<semaphore_mem>>) src(%dma_wait3A_121 : memref<10000x128xf32, #tpu.memory_space<hbm>>) dst(%dma_wait3A_117 : memref<200x128xf32, #tpu.memory_space<vmem>>)
      %mul3A_122 = arith.constant 200 : i32
      %mul3A_123 = arith.muli %add3A_112, %mul3A_122 : i32
      %dma_wait3A_124 = arith.constant 0 : i32
      %dma_wait3A_125 = arith.constant 0 : i32
      %dma_wait3A_126 = tpu.memref_slice %arg12[%dma_wait3A_124, %dma_wait3A_125] : memref<200x128xf32, #tpu.memory_space<vmem>> -> memref<200x128xf32, #tpu.memory_space<vmem>>
      %dma_wait3A_127 = tpu.memref_slice %arg9[%mul3A_123] : memref<2000xi32, #tpu.memory_space<vmem>> -> memref<200xi32, #tpu.memory_space<vmem>>
      %dma_wait3A_128 = arith.constant 0 : i32
      %dma_wait3A_129 = arith.constant 0 : i32
      %dma_wait3A_130 = tpu.memref_slice %arg5[%dma_wait3A_128, %dma_wait3A_129] : memref<10000x128xf32, #tpu.memory_space<hbm>> -> memref<10000x128xf32, #tpu.memory_space<hbm>>
      tpu.wait_indirect_dma semaphore(%arg14 : memref<!tpu.dma_semaphore, #tpu.memory_space<semaphore_mem>>) src(%dma_wait3A_130 : memref<10000x128xf32, #tpu.memory_space<hbm>>) dst(%dma_wait3A_126 : memref<200x128xf32, #tpu.memory_space<vmem>>)
      %mul3A_131 = arith.constant 200 : i32
      %mul3A_132 = arith.muli %add3A_112, %mul3A_131 : i32
      %add3A_133 = arith.addi %mul3A_2, %mul3A_132 : i32
      %dma_start3A_134 = arith.constant 0 : i32
      %dma_start3A_135 = arith.constant 0 : i32
      %dma_start3A_136 = tpu.memref_slice %arg10[%dma_start3A_134, %dma_start3A_135] : memref<200x128xf32, #tpu.memory_space<vmem>> -> memref<200x128xf32, #tpu.memory_space<vmem>>
      %dma_start3A_137 = arith.constant 0 : i32
      %dma_start3A_138 = tpu.memref_slice %arg6[%add3A_133, %dma_start3A_137] : memref<64000x128xf32, #tpu.memory_space<hbm>> -> memref<200x128xf32, #tpu.memory_space<hbm>>
      %dma_start3A_139 = arith.constant 0 : i32
      %dma_start3A_140 = tpu.memref_slice %arg6[%add3A_133, %dma_start3A_139] : memref<64000x128xf32, #tpu.memory_space<hbm>> -> memref<200x128xf32, #tpu.memory_space<hbm>>
      %dma_start3A_141 = arith.constant 0 : i32
      %dma_start3A_142 = arith.constant 0 : i32
      %dma_start3A_143 = tpu.memref_slice %arg10[%dma_start3A_141, %dma_start3A_142] : memref<200x128xf32, #tpu.memory_space<vmem>> -> memref<200x128xf32, #tpu.memory_space<vmem>>
      tpu.enqueue_dma source(%dma_start3A_143 : memref<200x128xf32, #tpu.memory_space<vmem>>) target(%dma_start3A_140 : memref<200x128xf32, #tpu.memory_space<hbm>>) target_semaphore(%arg16 : memref<!tpu.dma_semaphore, #tpu.memory_space<semaphore_mem>>)
      %dma_start3A_144 = arith.constant 0 : i32
      %dma_start3A_145 = arith.constant 0 : i32
      %dma_start3A_146 = tpu.memref_slice %arg12[%dma_start3A_144, %dma_start3A_145] : memref<200x128xf32, #tpu.memory_space<vmem>> -> memref<200x128xf32, #tpu.memory_space<vmem>>
      %dma_start3A_147 = arith.constant 0 : i32
      %dma_start3A_148 = tpu.memref_slice %arg7[%add3A_133, %dma_start3A_147] : memref<64000x128xf32, #tpu.memory_space<hbm>> -> memref<200x128xf32, #tpu.memory_space<hbm>>
      %dma_start3A_149 = arith.constant 0 : i32
      %dma_start3A_150 = tpu.memref_slice %arg7[%add3A_133, %dma_start3A_149] : memref<64000x128xf32, #tpu.memory_space<hbm>> -> memref<200x128xf32, #tpu.memory_space<hbm>>
      %dma_start3A_151 = arith.constant 0 : i32
      %dma_start3A_152 = arith.constant 0 : i32
      %dma_start3A_153 = tpu.memref_slice %arg12[%dma_start3A_151, %dma_start3A_152] : memref<200x128xf32, #tpu.memory_space<vmem>> -> memref<200x128xf32, #tpu.memory_space<vmem>>
      tpu.enqueue_dma source(%dma_start3A_153 : memref<200x128xf32, #tpu.memory_space<vmem>>) target(%dma_start3A_150 : memref<200x128xf32, #tpu.memory_space<hbm>>) target_semaphore(%arg16 : memref<!tpu.dma_semaphore, #tpu.memory_space<semaphore_mem>>)
      %mul3A_154 = arith.constant 2 : i32
      %mul3A_155 = arith.muli %add3A_58, %mul3A_154 : i32
      %add3A_156 = arith.constant 1 : i32
      %add3A_157 = arith.addi %mul3A_155, %add3A_156 : i32
      %mul3A_158 = arith.constant 200 : i32
      %mul3A_159 = arith.muli %add3A_157, %mul3A_158 : i32
      %dma_wait3A_160 = arith.constant 0 : i32
      %dma_wait3A_161 = arith.constant 0 : i32
      %dma_wait3A_162 = tpu.memref_slice %arg11[%dma_wait3A_160, %dma_wait3A_161] : memref<200x128xf32, #tpu.memory_space<vmem>> -> memref<200x128xf32, #tpu.memory_space<vmem>>
      %dma_wait3A_163 = tpu.memref_slice %arg8[%mul3A_159] : memref<2000xi32, #tpu.memory_space<vmem>> -> memref<200xi32, #tpu.memory_space<vmem>>
      %dma_wait3A_164 = arith.constant 0 : i32
      %dma_wait3A_165 = arith.constant 0 : i32
      %dma_wait3A_166 = tpu.memref_slice %arg4[%dma_wait3A_164, %dma_wait3A_165] : memref<10000x128xf32, #tpu.memory_space<hbm>> -> memref<10000x128xf32, #tpu.memory_space<hbm>>
      tpu.wait_indirect_dma semaphore(%arg15 : memref<!tpu.dma_semaphore, #tpu.memory_space<semaphore_mem>>) src(%dma_wait3A_166 : memref<10000x128xf32, #tpu.memory_space<hbm>>) dst(%dma_wait3A_162 : memref<200x128xf32, #tpu.memory_space<vmem>>)
      %mul3A_167 = arith.constant 200 : i32
      %mul3A_168 = arith.muli %add3A_157, %mul3A_167 : i32
      %dma_wait3A_169 = arith.constant 0 : i32
      %dma_wait3A_170 = arith.constant 0 : i32
      %dma_wait3A_171 = tpu.memref_slice %arg13[%dma_wait3A_169, %dma_wait3A_170] : memref<200x128xf32, #tpu.memory_space<vmem>> -> memref<200x128xf32, #tpu.memory_space<vmem>>
      %dma_wait3A_172 = tpu.memref_slice %arg9[%mul3A_168] : memref<2000xi32, #tpu.memory_space<vmem>> -> memref<200xi32, #tpu.memory_space<vmem>>
      %dma_wait3A_173 = arith.constant 0 : i32
      %dma_wait3A_174 = arith.constant 0 : i32
      %dma_wait3A_175 = tpu.memref_slice %arg5[%dma_wait3A_173, %dma_wait3A_174] : memref<10000x128xf32, #tpu.memory_space<hbm>> -> memref<10000x128xf32, #tpu.memory_space<hbm>>
      tpu.wait_indirect_dma semaphore(%arg15 : memref<!tpu.dma_semaphore, #tpu.memory_space<semaphore_mem>>) src(%dma_wait3A_175 : memref<10000x128xf32, #tpu.memory_space<hbm>>) dst(%dma_wait3A_171 : memref<200x128xf32, #tpu.memory_space<vmem>>)
      %mul3A_176 = arith.constant 200 : i32
      %mul3A_177 = arith.muli %add3A_157, %mul3A_176 : i32
      %add3A_178 = arith.addi %mul3A_2, %mul3A_177 : i32
      %dma_start3A_179 = arith.constant 0 : i32
      %dma_start3A_180 = arith.constant 0 : i32
      %dma_start3A_181 = tpu.memref_slice %arg11[%dma_start3A_179, %dma_start3A_180] : memref<200x128xf32, #tpu.memory_space<vmem>> -> memref<200x128xf32, #tpu.memory_space<vmem>>
      %dma_start3A_182 = arith.constant 0 : i32
      %dma_start3A_183 = tpu.memref_slice %arg6[%add3A_178, %dma_start3A_182] : memref<64000x128xf32, #tpu.memory_space<hbm>> -> memref<200x128xf32, #tpu.memory_space<hbm>>
      %dma_start3A_184 = arith.constant 0 : i32
      %dma_start3A_185 = tpu.memref_slice %arg6[%add3A_178, %dma_start3A_184] : memref<64000x128xf32, #tpu.memory_space<hbm>> -> memref<200x128xf32, #tpu.memory_space<hbm>>
      %dma_start3A_186 = arith.constant 0 : i32
      %dma_start3A_187 = arith.constant 0 : i32
      %dma_start3A_188 = tpu.memref_slice %arg11[%dma_start3A_186, %dma_start3A_187] : memref<200x128xf32, #tpu.memory_space<vmem>> -> memref<200x128xf32, #tpu.memory_space<vmem>>
      tpu.enqueue_dma source(%dma_start3A_188 : memref<200x128xf32, #tpu.memory_space<vmem>>) target(%dma_start3A_185 : memref<200x128xf32, #tpu.memory_space<hbm>>) target_semaphore(%arg17 : memref<!tpu.dma_semaphore, #tpu.memory_space<semaphore_mem>>)
      %dma_start3A_189 = arith.constant 0 : i32
      %dma_start3A_190 = arith.constant 0 : i32
      %dma_start3A_191 = tpu.memref_slice %arg13[%dma_start3A_189, %dma_start3A_190] : memref<200x128xf32, #tpu.memory_space<vmem>> -> memref<200x128xf32, #tpu.memory_space<vmem>>
      %dma_start3A_192 = arith.constant 0 : i32
      %dma_start3A_193 = tpu.memref_slice %arg7[%add3A_178, %dma_start3A_192] : memref<64000x128xf32, #tpu.memory_space<hbm>> -> memref<200x128xf32, #tpu.memory_space<hbm>>
      %dma_start3A_194 = arith.constant 0 : i32
      %dma_start3A_195 = tpu.memref_slice %arg7[%add3A_178, %dma_start3A_194] : memref<64000x128xf32, #tpu.memory_space<hbm>> -> memref<200x128xf32, #tpu.memory_space<hbm>>
      %dma_start3A_196 = arith.constant 0 : i32
      %dma_start3A_197 = arith.constant 0 : i32
      %dma_start3A_198 = tpu.memref_slice %arg13[%dma_start3A_196, %dma_start3A_197] : memref<200x128xf32, #tpu.memory_space<vmem>> -> memref<200x128xf32, #tpu.memory_space<vmem>>
      tpu.enqueue_dma source(%dma_start3A_198 : memref<200x128xf32, #tpu.memory_space<vmem>>) target(%dma_start3A_195 : memref<200x128xf32, #tpu.memory_space<hbm>>) target_semaphore(%arg17 : memref<!tpu.dma_semaphore, #tpu.memory_space<semaphore_mem>>)
    }
    %scan3A_10 = arith.constant 5 : i32
    %add3A_11 = arith.constant 1600 : i32
    %add3A_12 = arith.addi %mul3A_2, %add3A_11 : i32
    %dma_wait3A = arith.constant 0 : i32
    %dma_wait3A_13 = arith.constant 0 : i32
    %dma_wait3A_14 = tpu.memref_slice %arg10[%dma_wait3A, %dma_wait3A_13] : memref<200x128xf32, #tpu.memory_space<vmem>> -> memref<200x128xf32, #tpu.memory_space<vmem>>
    %dma_wait3A_15 = arith.constant 0 : i32
    %dma_wait3A_16 = tpu.memref_slice %arg6[%add3A_12, %dma_wait3A_15] : memref<64000x128xf32, #tpu.memory_space<hbm>> -> memref<200x128xf32, #tpu.memory_space<hbm>>
    %dma_wait3A_17 = arith.constant 0 : i32
    %dma_wait3A_18 = tpu.memref_slice %arg6[%add3A_12, %dma_wait3A_17] : memref<64000x128xf32, #tpu.memory_space<hbm>> -> memref<200x128xf32, #tpu.memory_space<hbm>>
    %dma_wait3A_19 = arith.constant 0 : i32
    %dma_wait3A_20 = arith.constant 0 : i32
    %dma_wait3A_21 = tpu.memref_slice %arg10[%dma_wait3A_19, %dma_wait3A_20] : memref<200x128xf32, #tpu.memory_space<vmem>> -> memref<200x128xf32, #tpu.memory_space<vmem>>
    tpu.wait_dma2 semaphore(%arg16 : memref<!tpu.dma_semaphore, #tpu.memory_space<semaphore_mem>>) src(%dma_wait3A_21 : memref<200x128xf32, #tpu.memory_space<vmem>>) dst(%dma_wait3A_18 : memref<200x128xf32, #tpu.memory_space<hbm>>)
    %dma_wait3A_22 = arith.constant 0 : i32
    %dma_wait3A_23 = arith.constant 0 : i32
    %dma_wait3A_24 = tpu.memref_slice %arg12[%dma_wait3A_22, %dma_wait3A_23] : memref<200x128xf32, #tpu.memory_space<vmem>> -> memref<200x128xf32, #tpu.memory_space<vmem>>
    %dma_wait3A_25 = arith.constant 0 : i32
    %dma_wait3A_26 = tpu.memref_slice %arg7[%add3A_12, %dma_wait3A_25] : memref<64000x128xf32, #tpu.memory_space<hbm>> -> memref<200x128xf32, #tpu.memory_space<hbm>>
    %dma_wait3A_27 = arith.constant 0 : i32
    %dma_wait3A_28 = tpu.memref_slice %arg7[%add3A_12, %dma_wait3A_27] : memref<64000x128xf32, #tpu.memory_space<hbm>> -> memref<200x128xf32, #tpu.memory_space<hbm>>
    %dma_wait3A_29 = arith.constant 0 : i32
    %dma_wait3A_30 = arith.constant 0 : i32
    %dma_wait3A_31 = tpu.memref_slice %arg12[%dma_wait3A_29, %dma_wait3A_30] : memref<200x128xf32, #tpu.memory_space<vmem>> -> memref<200x128xf32, #tpu.memory_space<vmem>>
    tpu.wait_dma2 semaphore(%arg16 : memref<!tpu.dma_semaphore, #tpu.memory_space<semaphore_mem>>) src(%dma_wait3A_31 : memref<200x128xf32, #tpu.memory_space<vmem>>) dst(%dma_wait3A_28 : memref<200x128xf32, #tpu.memory_space<hbm>>)
    %add3A_32 = arith.constant 1800 : i32
    %add3A_33 = arith.addi %mul3A_2, %add3A_32 : i32
    %dma_wait3A_34 = arith.constant 0 : i32
    %dma_wait3A_35 = arith.constant 0 : i32
    %dma_wait3A_36 = tpu.memref_slice %arg11[%dma_wait3A_34, %dma_wait3A_35] : memref<200x128xf32, #tpu.memory_space<vmem>> -> memref<200x128xf32, #tpu.memory_space<vmem>>
    %dma_wait3A_37 = arith.constant 0 : i32
    %dma_wait3A_38 = tpu.memref_slice %arg6[%add3A_33, %dma_wait3A_37] : memref<64000x128xf32, #tpu.memory_space<hbm>> -> memref<200x128xf32, #tpu.memory_space<hbm>>
    %dma_wait3A_39 = arith.constant 0 : i32
    %dma_wait3A_40 = tpu.memref_slice %arg6[%add3A_33, %dma_wait3A_39] : memref<64000x128xf32, #tpu.memory_space<hbm>> -> memref<200x128xf32, #tpu.memory_space<hbm>>
    %dma_wait3A_41 = arith.constant 0 : i32
    %dma_wait3A_42 = arith.constant 0 : i32
    %dma_wait3A_43 = tpu.memref_slice %arg11[%dma_wait3A_41, %dma_wait3A_42] : memref<200x128xf32, #tpu.memory_space<vmem>> -> memref<200x128xf32, #tpu.memory_space<vmem>>
    tpu.wait_dma2 semaphore(%arg17 : memref<!tpu.dma_semaphore, #tpu.memory_space<semaphore_mem>>) src(%dma_wait3A_43 : memref<200x128xf32, #tpu.memory_space<vmem>>) dst(%dma_wait3A_40 : memref<200x128xf32, #tpu.memory_space<hbm>>)
    %dma_wait3A_44 = arith.constant 0 : i32
    %dma_wait3A_45 = arith.constant 0 : i32
    %dma_wait3A_46 = tpu.memref_slice %arg13[%dma_wait3A_44, %dma_wait3A_45] : memref<200x128xf32, #tpu.memory_space<vmem>> -> memref<200x128xf32, #tpu.memory_space<vmem>>
    %dma_wait3A_47 = arith.constant 0 : i32
    %dma_wait3A_48 = tpu.memref_slice %arg7[%add3A_33, %dma_wait3A_47] : memref<64000x128xf32, #tpu.memory_space<hbm>> -> memref<200x128xf32, #tpu.memory_space<hbm>>
    %dma_wait3A_49 = arith.constant 0 : i32
    %dma_wait3A_50 = tpu.memref_slice %arg7[%add3A_33, %dma_wait3A_49] : memref<64000x128xf32, #tpu.memory_space<hbm>> -> memref<200x128xf32, #tpu.memory_space<hbm>>
    %dma_wait3A_51 = arith.constant 0 : i32
    %dma_wait3A_52 = arith.constant 0 : i32
    %dma_wait3A_53 = tpu.memref_slice %arg13[%dma_wait3A_51, %dma_wait3A_52] : memref<200x128xf32, #tpu.memory_space<vmem>> -> memref<200x128xf32, #tpu.memory_space<vmem>>
    tpu.wait_dma2 semaphore(%arg17 : memref<!tpu.dma_semaphore, #tpu.memory_space<semaphore_mem>>) src(%dma_wait3A_53 : memref<200x128xf32, #tpu.memory_space<vmem>>) dst(%dma_wait3A_50 : memref<200x128xf32, #tpu.memory_space<hbm>>)
    return
  }
}

#map = affine_map<(d0, d1) -> (0)>
#map1 = affine_map<(d0, d1) -> (0, 0)>
module attributes {stable_mosaic.version = 14 : i64} {
  func.func @k(%arg0: i32, %arg1: i32, %arg2: memref<160000xi32, #tpu.memory_space<hbm>>, %arg3: memref<160000xi32, #tpu.memory_space<hbm>>, %arg4: memref<10000x128xf32, #tpu.memory_space<hbm>>, %arg5: memref<10000x128xf32, #tpu.memory_space<hbm>>, %arg6: memref<32000x128xf32, #tpu.memory_space<hbm>>, %arg7: memref<32000x128xf32, #tpu.memory_space<hbm>>, %arg8: memref<1000xi32, #tpu.memory_space<vmem>>, %arg9: memref<1000xi32, #tpu.memory_space<vmem>>, %arg10: memref<200x128xf32, #tpu.memory_space<vmem>>, %arg11: memref<200x128xf32, #tpu.memory_space<vmem>>, %arg12: memref<200x128xf32, #tpu.memory_space<vmem>>, %arg13: memref<200x128xf32, #tpu.memory_space<vmem>>, %arg14: memref<!tpu.dma_semaphore, #tpu.memory_space<semaphore_mem>>, %arg15: memref<!tpu.dma_semaphore, #tpu.memory_space<semaphore_mem>>, %arg16: memref<!tpu.dma_semaphore, #tpu.memory_space<semaphore_mem>>, %arg17: memref<!tpu.dma_semaphore, #tpu.memory_space<semaphore_mem>>) attributes {dimension_semantics = [#tpu.dimension_semantics<core_parallel>, #tpu.dimension_semantics<subcore_parallel>], iteration_bounds = array<i64: 2, 16>, scalar_prefetch = 0 : i64, scratch_operands = 10 : i64, tpu.core_type = #tpu.core_type<sc_vector_subcore>, window_params = [{transform_indices = #map}, {transform_indices = #map}, {transform_indices = #map1}, {transform_indices = #map1}, {transform_indices = #map1}, {transform_indices = #map1}]} {
    %mul3A = arith.constant 2 : i32
    %mul3A_0 = arith.muli %arg1, %mul3A : i32
    %add3A = arith.addi %mul3A_0, %arg0 : i32
    %mul3A_1 = arith.constant 1000 : i32
    %mul3A_2 = arith.muli %add3A, %mul3A_1 : i32
    %add3A_3 = arith.constant 0 : i32
    %add3A_4 = arith.addi %add3A_3, %mul3A_2 : i32
    "tpu.region"() ({
      %run_scoped3A = tpu.sem_alloc : memref<!tpu.dma_semaphore, #tpu.memory_space<semaphore_mem>>
      %dma_start3A_129 = tpu.memref_slice %arg2[%add3A_4] : memref<160000xi32, #tpu.memory_space<hbm>> -> memref<1000xi32, #tpu.memory_space<hbm>>
      %dma_start3A_130 = tpu.memref_slice %arg2[%add3A_4] : memref<160000xi32, #tpu.memory_space<hbm>> -> memref<1000xi32, #tpu.memory_space<hbm>>
      tpu.enqueue_dma source(%dma_start3A_130 : memref<1000xi32, #tpu.memory_space<hbm>>) target(%arg8 : memref<1000xi32, #tpu.memory_space<vmem>>) target_semaphore(%run_scoped3A : memref<!tpu.dma_semaphore, #tpu.memory_space<semaphore_mem>>)
      %dma_wait3A_131 = tpu.memref_slice %arg2[%add3A_4] : memref<160000xi32, #tpu.memory_space<hbm>> -> memref<1000xi32, #tpu.memory_space<hbm>>
      %dma_wait3A_132 = tpu.memref_slice %arg2[%add3A_4] : memref<160000xi32, #tpu.memory_space<hbm>> -> memref<1000xi32, #tpu.memory_space<hbm>>
      tpu.wait_dma2 semaphore(%run_scoped3A : memref<!tpu.dma_semaphore, #tpu.memory_space<semaphore_mem>>) src(%dma_wait3A_132 : memref<1000xi32, #tpu.memory_space<hbm>>) dst(%arg8 : memref<1000xi32, #tpu.memory_space<vmem>>)
      tpu.yield
    }) : () -> ()
    %add3A_5 = arith.constant 0 : i32
    %add3A_6 = arith.addi %add3A_5, %mul3A_2 : i32
    "tpu.region"() ({
      %run_scoped3A = tpu.sem_alloc : memref<!tpu.dma_semaphore, #tpu.memory_space<semaphore_mem>>
      %dma_start3A_129 = tpu.memref_slice %arg3[%add3A_6] : memref<160000xi32, #tpu.memory_space<hbm>> -> memref<1000xi32, #tpu.memory_space<hbm>>
      %dma_start3A_130 = tpu.memref_slice %arg3[%add3A_6] : memref<160000xi32, #tpu.memory_space<hbm>> -> memref<1000xi32, #tpu.memory_space<hbm>>
      tpu.enqueue_dma source(%dma_start3A_130 : memref<1000xi32, #tpu.memory_space<hbm>>) target(%arg9 : memref<1000xi32, #tpu.memory_space<vmem>>) target_semaphore(%run_scoped3A : memref<!tpu.dma_semaphore, #tpu.memory_space<semaphore_mem>>)
      %dma_wait3A_131 = tpu.memref_slice %arg3[%add3A_6] : memref<160000xi32, #tpu.memory_space<hbm>> -> memref<1000xi32, #tpu.memory_space<hbm>>
      %dma_wait3A_132 = tpu.memref_slice %arg3[%add3A_6] : memref<160000xi32, #tpu.memory_space<hbm>> -> memref<1000xi32, #tpu.memory_space<hbm>>
      tpu.wait_dma2 semaphore(%run_scoped3A : memref<!tpu.dma_semaphore, #tpu.memory_space<semaphore_mem>>) src(%dma_wait3A_132 : memref<1000xi32, #tpu.memory_space<hbm>>) dst(%arg9 : memref<1000xi32, #tpu.memory_space<vmem>>)
      tpu.yield
    }) : () -> ()
    %scan3A = arith.constant 0 : i32
    %scan3A_7 = arith.constant 2 : i32
    %scan3A_8 = arith.addi %scan3A, %scan3A_7 : i32
    %scan3A_9 = arith.constant 1 : i32
    scf.for %scan3A_129 = %scan3A to %scan3A_8 step %scan3A_9  : i32 {
      %mul3A_130 = arith.constant 1 : i32
      %mul3A_131 = arith.muli %scan3A_129, %mul3A_130 : i32
      %add3A_132 = arith.constant 0 : i32
      %add3A_133 = arith.addi %add3A_132, %mul3A_131 : i32
      %mul3A_134 = arith.constant 2 : i32
      %mul3A_135 = arith.muli %add3A_133, %mul3A_134 : i32
      %add3A_136 = arith.constant 0 : i32
      %add3A_137 = arith.addi %mul3A_135, %add3A_136 : i32
      %ge3A = arith.constant 2 : i32
      %ge3A_138 = arith.cmpi sge, %add3A_137, %ge3A : i32
      %convert_element_type3A = arith.extui %ge3A_138 : i1 to i32
      %cond3A = arith.constant 0 : i32
      %cond3A_139 = arith.cmpi ne, %convert_element_type3A, %cond3A : i32
      scf.if %cond3A_139 {
        %sub3A = arith.constant 2 : i32
        %sub3A_275 = arith.subi %add3A_137, %sub3A : i32
        %mul3A_276 = arith.constant 200 : i32
        %mul3A_277 = arith.muli %sub3A_275, %mul3A_276 : i32
        %add3A_278 = arith.addi %mul3A_2, %mul3A_277 : i32
        %dma_wait3A_279 = arith.constant 0 : i32
        %dma_wait3A_280 = arith.constant 0 : i32
        %dma_wait3A_281 = tpu.memref_slice %arg10[%dma_wait3A_279, %dma_wait3A_280] : memref<200x128xf32, #tpu.memory_space<vmem>> -> memref<200x128xf32, #tpu.memory_space<vmem>>
        %dma_wait3A_282 = arith.constant 0 : i32
        %dma_wait3A_283 = tpu.memref_slice %arg6[%add3A_278, %dma_wait3A_282] : memref<32000x128xf32, #tpu.memory_space<hbm>> -> memref<200x128xf32, #tpu.memory_space<hbm>>
        %dma_wait3A_284 = arith.constant 0 : i32
        %dma_wait3A_285 = tpu.memref_slice %arg6[%add3A_278, %dma_wait3A_284] : memref<32000x128xf32, #tpu.memory_space<hbm>> -> memref<200x128xf32, #tpu.memory_space<hbm>>
        %dma_wait3A_286 = arith.constant 0 : i32
        %dma_wait3A_287 = arith.constant 0 : i32
        %dma_wait3A_288 = tpu.memref_slice %arg10[%dma_wait3A_286, %dma_wait3A_287] : memref<200x128xf32, #tpu.memory_space<vmem>> -> memref<200x128xf32, #tpu.memory_space<vmem>>
        tpu.wait_dma2 semaphore(%arg16 : memref<!tpu.dma_semaphore, #tpu.memory_space<semaphore_mem>>) src(%dma_wait3A_288 : memref<200x128xf32, #tpu.memory_space<vmem>>) dst(%dma_wait3A_285 : memref<200x128xf32, #tpu.memory_space<hbm>>)
        %dma_wait3A_289 = arith.constant 0 : i32
        %dma_wait3A_290 = arith.constant 0 : i32
        %dma_wait3A_291 = tpu.memref_slice %arg12[%dma_wait3A_289, %dma_wait3A_290] : memref<200x128xf32, #tpu.memory_space<vmem>> -> memref<200x128xf32, #tpu.memory_space<vmem>>
        %dma_wait3A_292 = arith.constant 0 : i32
        %dma_wait3A_293 = tpu.memref_slice %arg7[%add3A_278, %dma_wait3A_292] : memref<32000x128xf32, #tpu.memory_space<hbm>> -> memref<200x128xf32, #tpu.memory_space<hbm>>
        %dma_wait3A_294 = arith.constant 0 : i32
        %dma_wait3A_295 = tpu.memref_slice %arg7[%add3A_278, %dma_wait3A_294] : memref<32000x128xf32, #tpu.memory_space<hbm>> -> memref<200x128xf32, #tpu.memory_space<hbm>>
        %dma_wait3A_296 = arith.constant 0 : i32
        %dma_wait3A_297 = arith.constant 0 : i32
        %dma_wait3A_298 = tpu.memref_slice %arg12[%dma_wait3A_296, %dma_wait3A_297] : memref<200x128xf32, #tpu.memory_space<vmem>> -> memref<200x128xf32, #tpu.memory_space<vmem>>
        tpu.wait_dma2 semaphore(%arg16 : memref<!tpu.dma_semaphore, #tpu.memory_space<semaphore_mem>>) src(%dma_wait3A_298 : memref<200x128xf32, #tpu.memory_space<vmem>>) dst(%dma_wait3A_295 : memref<200x128xf32, #tpu.memory_space<hbm>>)
      } else {
      }
      %mul3A_140 = arith.constant 200 : i32
      %mul3A_141 = arith.muli %add3A_137, %mul3A_140 : i32
      %dma_start3A_142 = arith.constant 0 : i32
      %dma_start3A_143 = arith.constant 0 : i32
      %dma_start3A_144 = tpu.memref_slice %arg10[%dma_start3A_142, %dma_start3A_143] : memref<200x128xf32, #tpu.memory_space<vmem>> -> memref<200x128xf32, #tpu.memory_space<vmem>>
      %dma_start3A_145 = tpu.memref_slice %arg8[%mul3A_141] : memref<1000xi32, #tpu.memory_space<vmem>> -> memref<200xi32, #tpu.memory_space<vmem>>
      %dma_start3A_146 = arith.constant 0 : i32
      %dma_start3A_147 = arith.constant 0 : i32
      %dma_start3A_148 = tpu.memref_slice %arg4[%dma_start3A_146, %dma_start3A_147] : memref<10000x128xf32, #tpu.memory_space<hbm>> -> memref<10000x128xf32, #tpu.memory_space<hbm>>
      tpu.enqueue_indirect_dma source(%dma_start3A_148 : memref<10000x128xf32, #tpu.memory_space<hbm>>) target(%dma_start3A_144 : memref<200x128xf32, #tpu.memory_space<vmem>>) offsets(%dma_start3A_145 : memref<200xi32, #tpu.memory_space<vmem>>) semaphore(%arg14 : memref<!tpu.dma_semaphore, #tpu.memory_space<semaphore_mem>>)
      %mul3A_149 = arith.constant 200 : i32
      %mul3A_150 = arith.muli %add3A_137, %mul3A_149 : i32
      %dma_start3A_151 = arith.constant 0 : i32
      %dma_start3A_152 = arith.constant 0 : i32
      %dma_start3A_153 = tpu.memref_slice %arg12[%dma_start3A_151, %dma_start3A_152] : memref<200x128xf32, #tpu.memory_space<vmem>> -> memref<200x128xf32, #tpu.memory_space<vmem>>
      %dma_start3A_154 = tpu.memref_slice %arg9[%mul3A_150] : memref<1000xi32, #tpu.memory_space<vmem>> -> memref<200xi32, #tpu.memory_space<vmem>>
      %dma_start3A_155 = arith.constant 0 : i32
      %dma_start3A_156 = arith.constant 0 : i32
      %dma_start3A_157 = tpu.memref_slice %arg5[%dma_start3A_155, %dma_start3A_156] : memref<10000x128xf32, #tpu.memory_space<hbm>> -> memref<10000x128xf32, #tpu.memory_space<hbm>>
      tpu.enqueue_indirect_dma source(%dma_start3A_157 : memref<10000x128xf32, #tpu.memory_space<hbm>>) target(%dma_start3A_153 : memref<200x128xf32, #tpu.memory_space<vmem>>) offsets(%dma_start3A_154 : memref<200xi32, #tpu.memory_space<vmem>>) semaphore(%arg14 : memref<!tpu.dma_semaphore, #tpu.memory_space<semaphore_mem>>)
      %mul3A_158 = arith.constant 2 : i32
      %mul3A_159 = arith.muli %add3A_133, %mul3A_158 : i32
      %add3A_160 = arith.constant 1 : i32
      %add3A_161 = arith.addi %mul3A_159, %add3A_160 : i32
      %ge3A_162 = arith.constant 2 : i32
      %ge3A_163 = arith.cmpi sge, %add3A_161, %ge3A_162 : i32
      %convert_element_type3A_164 = arith.extui %ge3A_163 : i1 to i32
      %cond3A_165 = arith.constant 0 : i32
      %cond3A_166 = arith.cmpi ne, %convert_element_type3A_164, %cond3A_165 : i32
      scf.if %cond3A_166 {
        %sub3A = arith.constant 2 : i32
        %sub3A_275 = arith.subi %add3A_161, %sub3A : i32
        %mul3A_276 = arith.constant 200 : i32
        %mul3A_277 = arith.muli %sub3A_275, %mul3A_276 : i32
        %add3A_278 = arith.addi %mul3A_2, %mul3A_277 : i32
        %dma_wait3A_279 = arith.constant 0 : i32
        %dma_wait3A_280 = arith.constant 0 : i32
        %dma_wait3A_281 = tpu.memref_slice %arg11[%dma_wait3A_279, %dma_wait3A_280] : memref<200x128xf32, #tpu.memory_space<vmem>> -> memref<200x128xf32, #tpu.memory_space<vmem>>
        %dma_wait3A_282 = arith.constant 0 : i32
        %dma_wait3A_283 = tpu.memref_slice %arg6[%add3A_278, %dma_wait3A_282] : memref<32000x128xf32, #tpu.memory_space<hbm>> -> memref<200x128xf32, #tpu.memory_space<hbm>>
        %dma_wait3A_284 = arith.constant 0 : i32
        %dma_wait3A_285 = tpu.memref_slice %arg6[%add3A_278, %dma_wait3A_284] : memref<32000x128xf32, #tpu.memory_space<hbm>> -> memref<200x128xf32, #tpu.memory_space<hbm>>
        %dma_wait3A_286 = arith.constant 0 : i32
        %dma_wait3A_287 = arith.constant 0 : i32
        %dma_wait3A_288 = tpu.memref_slice %arg11[%dma_wait3A_286, %dma_wait3A_287] : memref<200x128xf32, #tpu.memory_space<vmem>> -> memref<200x128xf32, #tpu.memory_space<vmem>>
        tpu.wait_dma2 semaphore(%arg17 : memref<!tpu.dma_semaphore, #tpu.memory_space<semaphore_mem>>) src(%dma_wait3A_288 : memref<200x128xf32, #tpu.memory_space<vmem>>) dst(%dma_wait3A_285 : memref<200x128xf32, #tpu.memory_space<hbm>>)
        %dma_wait3A_289 = arith.constant 0 : i32
        %dma_wait3A_290 = arith.constant 0 : i32
        %dma_wait3A_291 = tpu.memref_slice %arg13[%dma_wait3A_289, %dma_wait3A_290] : memref<200x128xf32, #tpu.memory_space<vmem>> -> memref<200x128xf32, #tpu.memory_space<vmem>>
        %dma_wait3A_292 = arith.constant 0 : i32
        %dma_wait3A_293 = tpu.memref_slice %arg7[%add3A_278, %dma_wait3A_292] : memref<32000x128xf32, #tpu.memory_space<hbm>> -> memref<200x128xf32, #tpu.memory_space<hbm>>
        %dma_wait3A_294 = arith.constant 0 : i32
        %dma_wait3A_295 = tpu.memref_slice %arg7[%add3A_278, %dma_wait3A_294] : memref<32000x128xf32, #tpu.memory_space<hbm>> -> memref<200x128xf32, #tpu.memory_space<hbm>>
        %dma_wait3A_296 = arith.constant 0 : i32
        %dma_wait3A_297 = arith.constant 0 : i32
        %dma_wait3A_298 = tpu.memref_slice %arg13[%dma_wait3A_296, %dma_wait3A_297] : memref<200x128xf32, #tpu.memory_space<vmem>> -> memref<200x128xf32, #tpu.memory_space<vmem>>
        tpu.wait_dma2 semaphore(%arg17 : memref<!tpu.dma_semaphore, #tpu.memory_space<semaphore_mem>>) src(%dma_wait3A_298 : memref<200x128xf32, #tpu.memory_space<vmem>>) dst(%dma_wait3A_295 : memref<200x128xf32, #tpu.memory_space<hbm>>)
      } else {
      }
      %mul3A_167 = arith.constant 200 : i32
      %mul3A_168 = arith.muli %add3A_161, %mul3A_167 : i32
      %dma_start3A_169 = arith.constant 0 : i32
      %dma_start3A_170 = arith.constant 0 : i32
      %dma_start3A_171 = tpu.memref_slice %arg11[%dma_start3A_169, %dma_start3A_170] : memref<200x128xf32, #tpu.memory_space<vmem>> -> memref<200x128xf32, #tpu.memory_space<vmem>>
      %dma_start3A_172 = tpu.memref_slice %arg8[%mul3A_168] : memref<1000xi32, #tpu.memory_space<vmem>> -> memref<200xi32, #tpu.memory_space<vmem>>
      %dma_start3A_173 = arith.constant 0 : i32
      %dma_start3A_174 = arith.constant 0 : i32
      %dma_start3A_175 = tpu.memref_slice %arg4[%dma_start3A_173, %dma_start3A_174] : memref<10000x128xf32, #tpu.memory_space<hbm>> -> memref<10000x128xf32, #tpu.memory_space<hbm>>
      tpu.enqueue_indirect_dma source(%dma_start3A_175 : memref<10000x128xf32, #tpu.memory_space<hbm>>) target(%dma_start3A_171 : memref<200x128xf32, #tpu.memory_space<vmem>>) offsets(%dma_start3A_172 : memref<200xi32, #tpu.memory_space<vmem>>) semaphore(%arg15 : memref<!tpu.dma_semaphore, #tpu.memory_space<semaphore_mem>>)
      %mul3A_176 = arith.constant 200 : i32
      %mul3A_177 = arith.muli %add3A_161, %mul3A_176 : i32
      %dma_start3A_178 = arith.constant 0 : i32
      %dma_start3A_179 = arith.constant 0 : i32
      %dma_start3A_180 = tpu.memref_slice %arg13[%dma_start3A_178, %dma_start3A_179] : memref<200x128xf32, #tpu.memory_space<vmem>> -> memref<200x128xf32, #tpu.memory_space<vmem>>
      %dma_start3A_181 = tpu.memref_slice %arg9[%mul3A_177] : memref<1000xi32, #tpu.memory_space<vmem>> -> memref<200xi32, #tpu.memory_space<vmem>>
      %dma_start3A_182 = arith.constant 0 : i32
      %dma_start3A_183 = arith.constant 0 : i32
      %dma_start3A_184 = tpu.memref_slice %arg5[%dma_start3A_182, %dma_start3A_183] : memref<10000x128xf32, #tpu.memory_space<hbm>> -> memref<10000x128xf32, #tpu.memory_space<hbm>>
      tpu.enqueue_indirect_dma source(%dma_start3A_184 : memref<10000x128xf32, #tpu.memory_space<hbm>>) target(%dma_start3A_180 : memref<200x128xf32, #tpu.memory_space<vmem>>) offsets(%dma_start3A_181 : memref<200xi32, #tpu.memory_space<vmem>>) semaphore(%arg15 : memref<!tpu.dma_semaphore, #tpu.memory_space<semaphore_mem>>)
      %mul3A_185 = arith.constant 2 : i32
      %mul3A_186 = arith.muli %add3A_133, %mul3A_185 : i32
      %add3A_187 = arith.constant 0 : i32
      %add3A_188 = arith.addi %mul3A_186, %add3A_187 : i32
      %mul3A_189 = arith.constant 200 : i32
      %mul3A_190 = arith.muli %add3A_188, %mul3A_189 : i32
      %dma_wait3A_191 = arith.constant 0 : i32
      %dma_wait3A_192 = arith.constant 0 : i32
      %dma_wait3A_193 = tpu.memref_slice %arg10[%dma_wait3A_191, %dma_wait3A_192] : memref<200x128xf32, #tpu.memory_space<vmem>> -> memref<200x128xf32, #tpu.memory_space<vmem>>
      %dma_wait3A_194 = tpu.memref_slice %arg8[%mul3A_190] : memref<1000xi32, #tpu.memory_space<vmem>> -> memref<200xi32, #tpu.memory_space<vmem>>
      %dma_wait3A_195 = arith.constant 0 : i32
      %dma_wait3A_196 = arith.constant 0 : i32
      %dma_wait3A_197 = tpu.memref_slice %arg4[%dma_wait3A_195, %dma_wait3A_196] : memref<10000x128xf32, #tpu.memory_space<hbm>> -> memref<10000x128xf32, #tpu.memory_space<hbm>>
      tpu.wait_indirect_dma semaphore(%arg14 : memref<!tpu.dma_semaphore, #tpu.memory_space<semaphore_mem>>) src(%dma_wait3A_197 : memref<10000x128xf32, #tpu.memory_space<hbm>>) dst(%dma_wait3A_193 : memref<200x128xf32, #tpu.memory_space<vmem>>)
      %mul3A_198 = arith.constant 200 : i32
      %mul3A_199 = arith.muli %add3A_188, %mul3A_198 : i32
      %dma_wait3A_200 = arith.constant 0 : i32
      %dma_wait3A_201 = arith.constant 0 : i32
      %dma_wait3A_202 = tpu.memref_slice %arg12[%dma_wait3A_200, %dma_wait3A_201] : memref<200x128xf32, #tpu.memory_space<vmem>> -> memref<200x128xf32, #tpu.memory_space<vmem>>
      %dma_wait3A_203 = tpu.memref_slice %arg9[%mul3A_199] : memref<1000xi32, #tpu.memory_space<vmem>> -> memref<200xi32, #tpu.memory_space<vmem>>
      %dma_wait3A_204 = arith.constant 0 : i32
      %dma_wait3A_205 = arith.constant 0 : i32
      %dma_wait3A_206 = tpu.memref_slice %arg5[%dma_wait3A_204, %dma_wait3A_205] : memref<10000x128xf32, #tpu.memory_space<hbm>> -> memref<10000x128xf32, #tpu.memory_space<hbm>>
      tpu.wait_indirect_dma semaphore(%arg14 : memref<!tpu.dma_semaphore, #tpu.memory_space<semaphore_mem>>) src(%dma_wait3A_206 : memref<10000x128xf32, #tpu.memory_space<hbm>>) dst(%dma_wait3A_202 : memref<200x128xf32, #tpu.memory_space<vmem>>)
      %mul3A_207 = arith.constant 200 : i32
      %mul3A_208 = arith.muli %add3A_188, %mul3A_207 : i32
      %add3A_209 = arith.addi %mul3A_2, %mul3A_208 : i32
      %dma_start3A_210 = arith.constant 0 : i32
      %dma_start3A_211 = arith.constant 0 : i32
      %dma_start3A_212 = tpu.memref_slice %arg10[%dma_start3A_210, %dma_start3A_211] : memref<200x128xf32, #tpu.memory_space<vmem>> -> memref<200x128xf32, #tpu.memory_space<vmem>>
      %dma_start3A_213 = arith.constant 0 : i32
      %dma_start3A_214 = tpu.memref_slice %arg6[%add3A_209, %dma_start3A_213] : memref<32000x128xf32, #tpu.memory_space<hbm>> -> memref<200x128xf32, #tpu.memory_space<hbm>>
      %dma_start3A_215 = arith.constant 0 : i32
      %dma_start3A_216 = tpu.memref_slice %arg6[%add3A_209, %dma_start3A_215] : memref<32000x128xf32, #tpu.memory_space<hbm>> -> memref<200x128xf32, #tpu.memory_space<hbm>>
      %dma_start3A_217 = arith.constant 0 : i32
      %dma_start3A_218 = arith.constant 0 : i32
      %dma_start3A_219 = tpu.memref_slice %arg10[%dma_start3A_217, %dma_start3A_218] : memref<200x128xf32, #tpu.memory_space<vmem>> -> memref<200x128xf32, #tpu.memory_space<vmem>>
      tpu.enqueue_dma source(%dma_start3A_219 : memref<200x128xf32, #tpu.memory_space<vmem>>) target(%dma_start3A_216 : memref<200x128xf32, #tpu.memory_space<hbm>>) target_semaphore(%arg16 : memref<!tpu.dma_semaphore, #tpu.memory_space<semaphore_mem>>)
      %dma_start3A_220 = arith.constant 0 : i32
      %dma_start3A_221 = arith.constant 0 : i32
      %dma_start3A_222 = tpu.memref_slice %arg12[%dma_start3A_220, %dma_start3A_221] : memref<200x128xf32, #tpu.memory_space<vmem>> -> memref<200x128xf32, #tpu.memory_space<vmem>>
      %dma_start3A_223 = arith.constant 0 : i32
      %dma_start3A_224 = tpu.memref_slice %arg7[%add3A_209, %dma_start3A_223] : memref<32000x128xf32, #tpu.memory_space<hbm>> -> memref<200x128xf32, #tpu.memory_space<hbm>>
      %dma_start3A_225 = arith.constant 0 : i32
      %dma_start3A_226 = tpu.memref_slice %arg7[%add3A_209, %dma_start3A_225] : memref<32000x128xf32, #tpu.memory_space<hbm>> -> memref<200x128xf32, #tpu.memory_space<hbm>>
      %dma_start3A_227 = arith.constant 0 : i32
      %dma_start3A_228 = arith.constant 0 : i32
      %dma_start3A_229 = tpu.memref_slice %arg12[%dma_start3A_227, %dma_start3A_228] : memref<200x128xf32, #tpu.memory_space<vmem>> -> memref<200x128xf32, #tpu.memory_space<vmem>>
      tpu.enqueue_dma source(%dma_start3A_229 : memref<200x128xf32, #tpu.memory_space<vmem>>) target(%dma_start3A_226 : memref<200x128xf32, #tpu.memory_space<hbm>>) target_semaphore(%arg16 : memref<!tpu.dma_semaphore, #tpu.memory_space<semaphore_mem>>)
      %mul3A_230 = arith.constant 2 : i32
      %mul3A_231 = arith.muli %add3A_133, %mul3A_230 : i32
      %add3A_232 = arith.constant 1 : i32
      %add3A_233 = arith.addi %mul3A_231, %add3A_232 : i32
      %mul3A_234 = arith.constant 200 : i32
      %mul3A_235 = arith.muli %add3A_233, %mul3A_234 : i32
      %dma_wait3A_236 = arith.constant 0 : i32
      %dma_wait3A_237 = arith.constant 0 : i32
      %dma_wait3A_238 = tpu.memref_slice %arg11[%dma_wait3A_236, %dma_wait3A_237] : memref<200x128xf32, #tpu.memory_space<vmem>> -> memref<200x128xf32, #tpu.memory_space<vmem>>
      %dma_wait3A_239 = tpu.memref_slice %arg8[%mul3A_235] : memref<1000xi32, #tpu.memory_space<vmem>> -> memref<200xi32, #tpu.memory_space<vmem>>
      %dma_wait3A_240 = arith.constant 0 : i32
      %dma_wait3A_241 = arith.constant 0 : i32
      %dma_wait3A_242 = tpu.memref_slice %arg4[%dma_wait3A_240, %dma_wait3A_241] : memref<10000x128xf32, #tpu.memory_space<hbm>> -> memref<10000x128xf32, #tpu.memory_space<hbm>>
      tpu.wait_indirect_dma semaphore(%arg15 : memref<!tpu.dma_semaphore, #tpu.memory_space<semaphore_mem>>) src(%dma_wait3A_242 : memref<10000x128xf32, #tpu.memory_space<hbm>>) dst(%dma_wait3A_238 : memref<200x128xf32, #tpu.memory_space<vmem>>)
      %mul3A_243 = arith.constant 200 : i32
      %mul3A_244 = arith.muli %add3A_233, %mul3A_243 : i32
      %dma_wait3A_245 = arith.constant 0 : i32
      %dma_wait3A_246 = arith.constant 0 : i32
      %dma_wait3A_247 = tpu.memref_slice %arg13[%dma_wait3A_245, %dma_wait3A_246] : memref<200x128xf32, #tpu.memory_space<vmem>> -> memref<200x128xf32, #tpu.memory_space<vmem>>
      %dma_wait3A_248 = tpu.memref_slice %arg9[%mul3A_244] : memref<1000xi32, #tpu.memory_space<vmem>> -> memref<200xi32, #tpu.memory_space<vmem>>
      %dma_wait3A_249 = arith.constant 0 : i32
      %dma_wait3A_250 = arith.constant 0 : i32
      %dma_wait3A_251 = tpu.memref_slice %arg5[%dma_wait3A_249, %dma_wait3A_250] : memref<10000x128xf32, #tpu.memory_space<hbm>> -> memref<10000x128xf32, #tpu.memory_space<hbm>>
      tpu.wait_indirect_dma semaphore(%arg15 : memref<!tpu.dma_semaphore, #tpu.memory_space<semaphore_mem>>) src(%dma_wait3A_251 : memref<10000x128xf32, #tpu.memory_space<hbm>>) dst(%dma_wait3A_247 : memref<200x128xf32, #tpu.memory_space<vmem>>)
      %mul3A_252 = arith.constant 200 : i32
      %mul3A_253 = arith.muli %add3A_233, %mul3A_252 : i32
      %add3A_254 = arith.addi %mul3A_2, %mul3A_253 : i32
      %dma_start3A_255 = arith.constant 0 : i32
      %dma_start3A_256 = arith.constant 0 : i32
      %dma_start3A_257 = tpu.memref_slice %arg11[%dma_start3A_255, %dma_start3A_256] : memref<200x128xf32, #tpu.memory_space<vmem>> -> memref<200x128xf32, #tpu.memory_space<vmem>>
      %dma_start3A_258 = arith.constant 0 : i32
      %dma_start3A_259 = tpu.memref_slice %arg6[%add3A_254, %dma_start3A_258] : memref<32000x128xf32, #tpu.memory_space<hbm>> -> memref<200x128xf32, #tpu.memory_space<hbm>>
      %dma_start3A_260 = arith.constant 0 : i32
      %dma_start3A_261 = tpu.memref_slice %arg6[%add3A_254, %dma_start3A_260] : memref<32000x128xf32, #tpu.memory_space<hbm>> -> memref<200x128xf32, #tpu.memory_space<hbm>>
      %dma_start3A_262 = arith.constant 0 : i32
      %dma_start3A_263 = arith.constant 0 : i32
      %dma_start3A_264 = tpu.memref_slice %arg11[%dma_start3A_262, %dma_start3A_263] : memref<200x128xf32, #tpu.memory_space<vmem>> -> memref<200x128xf32, #tpu.memory_space<vmem>>
      tpu.enqueue_dma source(%dma_start3A_264 : memref<200x128xf32, #tpu.memory_space<vmem>>) target(%dma_start3A_261 : memref<200x128xf32, #tpu.memory_space<hbm>>) target_semaphore(%arg17 : memref<!tpu.dma_semaphore, #tpu.memory_space<semaphore_mem>>)
      %dma_start3A_265 = arith.constant 0 : i32
      %dma_start3A_266 = arith.constant 0 : i32
      %dma_start3A_267 = tpu.memref_slice %arg13[%dma_start3A_265, %dma_start3A_266] : memref<200x128xf32, #tpu.memory_space<vmem>> -> memref<200x128xf32, #tpu.memory_space<vmem>>
      %dma_start3A_268 = arith.constant 0 : i32
      %dma_start3A_269 = tpu.memref_slice %arg7[%add3A_254, %dma_start3A_268] : memref<32000x128xf32, #tpu.memory_space<hbm>> -> memref<200x128xf32, #tpu.memory_space<hbm>>
      %dma_start3A_270 = arith.constant 0 : i32
      %dma_start3A_271 = tpu.memref_slice %arg7[%add3A_254, %dma_start3A_270] : memref<32000x128xf32, #tpu.memory_space<hbm>> -> memref<200x128xf32, #tpu.memory_space<hbm>>
      %dma_start3A_272 = arith.constant 0 : i32
      %dma_start3A_273 = arith.constant 0 : i32
      %dma_start3A_274 = tpu.memref_slice %arg13[%dma_start3A_272, %dma_start3A_273] : memref<200x128xf32, #tpu.memory_space<vmem>> -> memref<200x128xf32, #tpu.memory_space<vmem>>
      tpu.enqueue_dma source(%dma_start3A_274 : memref<200x128xf32, #tpu.memory_space<vmem>>) target(%dma_start3A_271 : memref<200x128xf32, #tpu.memory_space<hbm>>) target_semaphore(%arg17 : memref<!tpu.dma_semaphore, #tpu.memory_space<semaphore_mem>>)
    }
    %scan3A_10 = arith.constant 2 : i32
    %add3A_11 = arith.constant 400 : i32
    %add3A_12 = arith.addi %mul3A_2, %add3A_11 : i32
    %dma_wait3A = arith.constant 0 : i32
    %dma_wait3A_13 = arith.constant 0 : i32
    %dma_wait3A_14 = tpu.memref_slice %arg10[%dma_wait3A, %dma_wait3A_13] : memref<200x128xf32, #tpu.memory_space<vmem>> -> memref<200x128xf32, #tpu.memory_space<vmem>>
    %dma_wait3A_15 = arith.constant 0 : i32
    %dma_wait3A_16 = tpu.memref_slice %arg6[%add3A_12, %dma_wait3A_15] : memref<32000x128xf32, #tpu.memory_space<hbm>> -> memref<200x128xf32, #tpu.memory_space<hbm>>
    %dma_wait3A_17 = arith.constant 0 : i32
    %dma_wait3A_18 = tpu.memref_slice %arg6[%add3A_12, %dma_wait3A_17] : memref<32000x128xf32, #tpu.memory_space<hbm>> -> memref<200x128xf32, #tpu.memory_space<hbm>>
    %dma_wait3A_19 = arith.constant 0 : i32
    %dma_wait3A_20 = arith.constant 0 : i32
    %dma_wait3A_21 = tpu.memref_slice %arg10[%dma_wait3A_19, %dma_wait3A_20] : memref<200x128xf32, #tpu.memory_space<vmem>> -> memref<200x128xf32, #tpu.memory_space<vmem>>
    tpu.wait_dma2 semaphore(%arg16 : memref<!tpu.dma_semaphore, #tpu.memory_space<semaphore_mem>>) src(%dma_wait3A_21 : memref<200x128xf32, #tpu.memory_space<vmem>>) dst(%dma_wait3A_18 : memref<200x128xf32, #tpu.memory_space<hbm>>)
    %dma_wait3A_22 = arith.constant 0 : i32
    %dma_wait3A_23 = arith.constant 0 : i32
    %dma_wait3A_24 = tpu.memref_slice %arg12[%dma_wait3A_22, %dma_wait3A_23] : memref<200x128xf32, #tpu.memory_space<vmem>> -> memref<200x128xf32, #tpu.memory_space<vmem>>
    %dma_wait3A_25 = arith.constant 0 : i32
    %dma_wait3A_26 = tpu.memref_slice %arg7[%add3A_12, %dma_wait3A_25] : memref<32000x128xf32, #tpu.memory_space<hbm>> -> memref<200x128xf32, #tpu.memory_space<hbm>>
    %dma_wait3A_27 = arith.constant 0 : i32
    %dma_wait3A_28 = tpu.memref_slice %arg7[%add3A_12, %dma_wait3A_27] : memref<32000x128xf32, #tpu.memory_space<hbm>> -> memref<200x128xf32, #tpu.memory_space<hbm>>
    %dma_wait3A_29 = arith.constant 0 : i32
    %dma_wait3A_30 = arith.constant 0 : i32
    %dma_wait3A_31 = tpu.memref_slice %arg12[%dma_wait3A_29, %dma_wait3A_30] : memref<200x128xf32, #tpu.memory_space<vmem>> -> memref<200x128xf32, #tpu.memory_space<vmem>>
    tpu.wait_dma2 semaphore(%arg16 : memref<!tpu.dma_semaphore, #tpu.memory_space<semaphore_mem>>) src(%dma_wait3A_31 : memref<200x128xf32, #tpu.memory_space<vmem>>) dst(%dma_wait3A_28 : memref<200x128xf32, #tpu.memory_space<hbm>>)
    %add3A_32 = arith.constant 600 : i32
    %add3A_33 = arith.addi %mul3A_2, %add3A_32 : i32
    %dma_wait3A_34 = arith.constant 0 : i32
    %dma_wait3A_35 = arith.constant 0 : i32
    %dma_wait3A_36 = tpu.memref_slice %arg11[%dma_wait3A_34, %dma_wait3A_35] : memref<200x128xf32, #tpu.memory_space<vmem>> -> memref<200x128xf32, #tpu.memory_space<vmem>>
    %dma_wait3A_37 = arith.constant 0 : i32
    %dma_wait3A_38 = tpu.memref_slice %arg6[%add3A_33, %dma_wait3A_37] : memref<32000x128xf32, #tpu.memory_space<hbm>> -> memref<200x128xf32, #tpu.memory_space<hbm>>
    %dma_wait3A_39 = arith.constant 0 : i32
    %dma_wait3A_40 = tpu.memref_slice %arg6[%add3A_33, %dma_wait3A_39] : memref<32000x128xf32, #tpu.memory_space<hbm>> -> memref<200x128xf32, #tpu.memory_space<hbm>>
    %dma_wait3A_41 = arith.constant 0 : i32
    %dma_wait3A_42 = arith.constant 0 : i32
    %dma_wait3A_43 = tpu.memref_slice %arg11[%dma_wait3A_41, %dma_wait3A_42] : memref<200x128xf32, #tpu.memory_space<vmem>> -> memref<200x128xf32, #tpu.memory_space<vmem>>
    tpu.wait_dma2 semaphore(%arg17 : memref<!tpu.dma_semaphore, #tpu.memory_space<semaphore_mem>>) src(%dma_wait3A_43 : memref<200x128xf32, #tpu.memory_space<vmem>>) dst(%dma_wait3A_40 : memref<200x128xf32, #tpu.memory_space<hbm>>)
    %dma_wait3A_44 = arith.constant 0 : i32
    %dma_wait3A_45 = arith.constant 0 : i32
    %dma_wait3A_46 = tpu.memref_slice %arg13[%dma_wait3A_44, %dma_wait3A_45] : memref<200x128xf32, #tpu.memory_space<vmem>> -> memref<200x128xf32, #tpu.memory_space<vmem>>
    %dma_wait3A_47 = arith.constant 0 : i32
    %dma_wait3A_48 = tpu.memref_slice %arg7[%add3A_33, %dma_wait3A_47] : memref<32000x128xf32, #tpu.memory_space<hbm>> -> memref<200x128xf32, #tpu.memory_space<hbm>>
    %dma_wait3A_49 = arith.constant 0 : i32
    %dma_wait3A_50 = tpu.memref_slice %arg7[%add3A_33, %dma_wait3A_49] : memref<32000x128xf32, #tpu.memory_space<hbm>> -> memref<200x128xf32, #tpu.memory_space<hbm>>
    %dma_wait3A_51 = arith.constant 0 : i32
    %dma_wait3A_52 = arith.constant 0 : i32
    %dma_wait3A_53 = tpu.memref_slice %arg13[%dma_wait3A_51, %dma_wait3A_52] : memref<200x128xf32, #tpu.memory_space<vmem>> -> memref<200x128xf32, #tpu.memory_space<vmem>>
    tpu.wait_dma2 semaphore(%arg17 : memref<!tpu.dma_semaphore, #tpu.memory_space<semaphore_mem>>) src(%dma_wait3A_53 : memref<200x128xf32, #tpu.memory_space<vmem>>) dst(%dma_wait3A_50 : memref<200x128xf32, #tpu.memory_space<hbm>>)
    %dma_start3A = arith.constant 0 : i32
    %dma_start3A_54 = arith.constant 0 : i32
    %dma_start3A_55 = tpu.memref_slice %arg10[%dma_start3A, %dma_start3A_54] : memref<200x128xf32, #tpu.memory_space<vmem>> -> memref<200x128xf32, #tpu.memory_space<vmem>>
    %dma_start3A_56 = arith.constant 800 : i32
    %dma_start3A_57 = tpu.memref_slice %arg8[%dma_start3A_56] : memref<1000xi32, #tpu.memory_space<vmem>> -> memref<200xi32, #tpu.memory_space<vmem>>
    %dma_start3A_58 = arith.constant 0 : i32
    %dma_start3A_59 = arith.constant 0 : i32
    %dma_start3A_60 = tpu.memref_slice %arg4[%dma_start3A_58, %dma_start3A_59] : memref<10000x128xf32, #tpu.memory_space<hbm>> -> memref<10000x128xf32, #tpu.memory_space<hbm>>
    tpu.enqueue_indirect_dma source(%dma_start3A_60 : memref<10000x128xf32, #tpu.memory_space<hbm>>) target(%dma_start3A_55 : memref<200x128xf32, #tpu.memory_space<vmem>>) offsets(%dma_start3A_57 : memref<200xi32, #tpu.memory_space<vmem>>) semaphore(%arg14 : memref<!tpu.dma_semaphore, #tpu.memory_space<semaphore_mem>>)
    %dma_start3A_61 = arith.constant 0 : i32
    %dma_start3A_62 = arith.constant 0 : i32
    %dma_start3A_63 = tpu.memref_slice %arg12[%dma_start3A_61, %dma_start3A_62] : memref<200x128xf32, #tpu.memory_space<vmem>> -> memref<200x128xf32, #tpu.memory_space<vmem>>
    %dma_start3A_64 = arith.constant 800 : i32
    %dma_start3A_65 = tpu.memref_slice %arg9[%dma_start3A_64] : memref<1000xi32, #tpu.memory_space<vmem>> -> memref<200xi32, #tpu.memory_space<vmem>>
    %dma_start3A_66 = arith.constant 0 : i32
    %dma_start3A_67 = arith.constant 0 : i32
    %dma_start3A_68 = tpu.memref_slice %arg5[%dma_start3A_66, %dma_start3A_67] : memref<10000x128xf32, #tpu.memory_space<hbm>> -> memref<10000x128xf32, #tpu.memory_space<hbm>>
    tpu.enqueue_indirect_dma source(%dma_start3A_68 : memref<10000x128xf32, #tpu.memory_space<hbm>>) target(%dma_start3A_63 : memref<200x128xf32, #tpu.memory_space<vmem>>) offsets(%dma_start3A_65 : memref<200xi32, #tpu.memory_space<vmem>>) semaphore(%arg14 : memref<!tpu.dma_semaphore, #tpu.memory_space<semaphore_mem>>)
    %dma_wait3A_69 = arith.constant 0 : i32
    %dma_wait3A_70 = arith.constant 0 : i32
    %dma_wait3A_71 = tpu.memref_slice %arg10[%dma_wait3A_69, %dma_wait3A_70] : memref<200x128xf32, #tpu.memory_space<vmem>> -> memref<200x128xf32, #tpu.memory_space<vmem>>
    %dma_wait3A_72 = arith.constant 800 : i32
    %dma_wait3A_73 = tpu.memref_slice %arg8[%dma_wait3A_72] : memref<1000xi32, #tpu.memory_space<vmem>> -> memref<200xi32, #tpu.memory_space<vmem>>
    %dma_wait3A_74 = arith.constant 0 : i32
    %dma_wait3A_75 = arith.constant 0 : i32
    %dma_wait3A_76 = tpu.memref_slice %arg4[%dma_wait3A_74, %dma_wait3A_75] : memref<10000x128xf32, #tpu.memory_space<hbm>> -> memref<10000x128xf32, #tpu.memory_space<hbm>>
    tpu.wait_indirect_dma semaphore(%arg14 : memref<!tpu.dma_semaphore, #tpu.memory_space<semaphore_mem>>) src(%dma_wait3A_76 : memref<10000x128xf32, #tpu.memory_space<hbm>>) dst(%dma_wait3A_71 : memref<200x128xf32, #tpu.memory_space<vmem>>)
    %dma_wait3A_77 = arith.constant 0 : i32
    %dma_wait3A_78 = arith.constant 0 : i32
    %dma_wait3A_79 = tpu.memref_slice %arg12[%dma_wait3A_77, %dma_wait3A_78] : memref<200x128xf32, #tpu.memory_space<vmem>> -> memref<200x128xf32, #tpu.memory_space<vmem>>
    %dma_wait3A_80 = arith.constant 800 : i32
    %dma_wait3A_81 = tpu.memref_slice %arg9[%dma_wait3A_80] : memref<1000xi32, #tpu.memory_space<vmem>> -> memref<200xi32, #tpu.memory_space<vmem>>
    %dma_wait3A_82 = arith.constant 0 : i32
    %dma_wait3A_83 = arith.constant 0 : i32
    %dma_wait3A_84 = tpu.memref_slice %arg5[%dma_wait3A_82, %dma_wait3A_83] : memref<10000x128xf32, #tpu.memory_space<hbm>> -> memref<10000x128xf32, #tpu.memory_space<hbm>>
    tpu.wait_indirect_dma semaphore(%arg14 : memref<!tpu.dma_semaphore, #tpu.memory_space<semaphore_mem>>) src(%dma_wait3A_84 : memref<10000x128xf32, #tpu.memory_space<hbm>>) dst(%dma_wait3A_79 : memref<200x128xf32, #tpu.memory_space<vmem>>)
    %add3A_85 = arith.constant 800 : i32
    %add3A_86 = arith.addi %mul3A_2, %add3A_85 : i32
    %dma_start3A_87 = arith.constant 0 : i32
    %dma_start3A_88 = arith.constant 0 : i32
    %dma_start3A_89 = tpu.memref_slice %arg10[%dma_start3A_87, %dma_start3A_88] : memref<200x128xf32, #tpu.memory_space<vmem>> -> memref<200x128xf32, #tpu.memory_space<vmem>>
    %dma_start3A_90 = arith.constant 0 : i32
    %dma_start3A_91 = tpu.memref_slice %arg6[%add3A_86, %dma_start3A_90] : memref<32000x128xf32, #tpu.memory_space<hbm>> -> memref<200x128xf32, #tpu.memory_space<hbm>>
    %dma_start3A_92 = arith.constant 0 : i32
    %dma_start3A_93 = tpu.memref_slice %arg6[%add3A_86, %dma_start3A_92] : memref<32000x128xf32, #tpu.memory_space<hbm>> -> memref<200x128xf32, #tpu.memory_space<hbm>>
    %dma_start3A_94 = arith.constant 0 : i32
    %dma_start3A_95 = arith.constant 0 : i32
    %dma_start3A_96 = tpu.memref_slice %arg10[%dma_start3A_94, %dma_start3A_95] : memref<200x128xf32, #tpu.memory_space<vmem>> -> memref<200x128xf32, #tpu.memory_space<vmem>>
    tpu.enqueue_dma source(%dma_start3A_96 : memref<200x128xf32, #tpu.memory_space<vmem>>) target(%dma_start3A_93 : memref<200x128xf32, #tpu.memory_space<hbm>>) target_semaphore(%arg16 : memref<!tpu.dma_semaphore, #tpu.memory_space<semaphore_mem>>)
    %dma_start3A_97 = arith.constant 0 : i32
    %dma_start3A_98 = arith.constant 0 : i32
    %dma_start3A_99 = tpu.memref_slice %arg12[%dma_start3A_97, %dma_start3A_98] : memref<200x128xf32, #tpu.memory_space<vmem>> -> memref<200x128xf32, #tpu.memory_space<vmem>>
    %dma_start3A_100 = arith.constant 0 : i32
    %dma_start3A_101 = tpu.memref_slice %arg7[%add3A_86, %dma_start3A_100] : memref<32000x128xf32, #tpu.memory_space<hbm>> -> memref<200x128xf32, #tpu.memory_space<hbm>>
    %dma_start3A_102 = arith.constant 0 : i32
    %dma_start3A_103 = tpu.memref_slice %arg7[%add3A_86, %dma_start3A_102] : memref<32000x128xf32, #tpu.memory_space<hbm>> -> memref<200x128xf32, #tpu.memory_space<hbm>>
    %dma_start3A_104 = arith.constant 0 : i32
    %dma_start3A_105 = arith.constant 0 : i32
    %dma_start3A_106 = tpu.memref_slice %arg12[%dma_start3A_104, %dma_start3A_105] : memref<200x128xf32, #tpu.memory_space<vmem>> -> memref<200x128xf32, #tpu.memory_space<vmem>>
    tpu.enqueue_dma source(%dma_start3A_106 : memref<200x128xf32, #tpu.memory_space<vmem>>) target(%dma_start3A_103 : memref<200x128xf32, #tpu.memory_space<hbm>>) target_semaphore(%arg16 : memref<!tpu.dma_semaphore, #tpu.memory_space<semaphore_mem>>)
    %add3A_107 = arith.constant 800 : i32
    %add3A_108 = arith.addi %mul3A_2, %add3A_107 : i32
    %dma_wait3A_109 = arith.constant 0 : i32
    %dma_wait3A_110 = arith.constant 0 : i32
    %dma_wait3A_111 = tpu.memref_slice %arg10[%dma_wait3A_109, %dma_wait3A_110] : memref<200x128xf32, #tpu.memory_space<vmem>> -> memref<200x128xf32, #tpu.memory_space<vmem>>
    %dma_wait3A_112 = arith.constant 0 : i32
    %dma_wait3A_113 = tpu.memref_slice %arg6[%add3A_108, %dma_wait3A_112] : memref<32000x128xf32, #tpu.memory_space<hbm>> -> memref<200x128xf32, #tpu.memory_space<hbm>>
    %dma_wait3A_114 = arith.constant 0 : i32
    %dma_wait3A_115 = tpu.memref_slice %arg6[%add3A_108, %dma_wait3A_114] : memref<32000x128xf32, #tpu.memory_space<hbm>> -> memref<200x128xf32, #tpu.memory_space<hbm>>
    %dma_wait3A_116 = arith.constant 0 : i32
    %dma_wait3A_117 = arith.constant 0 : i32
    %dma_wait3A_118 = tpu.memref_slice %arg10[%dma_wait3A_116, %dma_wait3A_117] : memref<200x128xf32, #tpu.memory_space<vmem>> -> memref<200x128xf32, #tpu.memory_space<vmem>>
    tpu.wait_dma2 semaphore(%arg16 : memref<!tpu.dma_semaphore, #tpu.memory_space<semaphore_mem>>) src(%dma_wait3A_118 : memref<200x128xf32, #tpu.memory_space<vmem>>) dst(%dma_wait3A_115 : memref<200x128xf32, #tpu.memory_space<hbm>>)
    %dma_wait3A_119 = arith.constant 0 : i32
    %dma_wait3A_120 = arith.constant 0 : i32
    %dma_wait3A_121 = tpu.memref_slice %arg12[%dma_wait3A_119, %dma_wait3A_120] : memref<200x128xf32, #tpu.memory_space<vmem>> -> memref<200x128xf32, #tpu.memory_space<vmem>>
    %dma_wait3A_122 = arith.constant 0 : i32
    %dma_wait3A_123 = tpu.memref_slice %arg7[%add3A_108, %dma_wait3A_122] : memref<32000x128xf32, #tpu.memory_space<hbm>> -> memref<200x128xf32, #tpu.memory_space<hbm>>
    %dma_wait3A_124 = arith.constant 0 : i32
    %dma_wait3A_125 = tpu.memref_slice %arg7[%add3A_108, %dma_wait3A_124] : memref<32000x128xf32, #tpu.memory_space<hbm>> -> memref<200x128xf32, #tpu.memory_space<hbm>>
    %dma_wait3A_126 = arith.constant 0 : i32
    %dma_wait3A_127 = arith.constant 0 : i32
    %dma_wait3A_128 = tpu.memref_slice %arg12[%dma_wait3A_126, %dma_wait3A_127] : memref<200x128xf32, #tpu.memory_space<vmem>> -> memref<200x128xf32, #tpu.memory_space<vmem>>
    tpu.wait_dma2 semaphore(%arg16 : memref<!tpu.dma_semaphore, #tpu.memory_space<semaphore_mem>>) src(%dma_wait3A_128 : memref<200x128xf32, #tpu.memory_space<vmem>>) dst(%dma_wait3A_125 : memref<200x128xf32, #tpu.memory_space<hbm>>)
    return
  }
}

#map = affine_map<(d0, d1) -> (0)>
#map1 = affine_map<(d0, d1) -> (0, 0)>
module attributes {stable_mosaic.version = 14 : i64} {
  func.func @k(%arg0: i32, %arg1: i32, %arg2: memref<160000xi32, #tpu.memory_space<hbm>>, %arg3: memref<160000xi32, #tpu.memory_space<hbm>>, %arg4: memref<10000x128xf32, #tpu.memory_space<hbm>>, %arg5: memref<10000x128xf32, #tpu.memory_space<hbm>>, %arg6: memref<64000x128xf32, #tpu.memory_space<hbm>>, %arg7: memref<64000x128xf32, #tpu.memory_space<hbm>>, %arg8: memref<2000xi32, #tpu.memory_space<vmem>>, %arg9: memref<2000xi32, #tpu.memory_space<vmem>>, %arg10: memref<200x128xf32, #tpu.memory_space<vmem>>, %arg11: memref<200x128xf32, #tpu.memory_space<vmem>>, %arg12: memref<200x128xf32, #tpu.memory_space<vmem>>, %arg13: memref<200x128xf32, #tpu.memory_space<vmem>>, %arg14: memref<!tpu.dma_semaphore, #tpu.memory_space<semaphore_mem>>, %arg15: memref<!tpu.dma_semaphore, #tpu.memory_space<semaphore_mem>>, %arg16: memref<!tpu.dma_semaphore, #tpu.memory_space<semaphore_mem>>, %arg17: memref<!tpu.dma_semaphore, #tpu.memory_space<semaphore_mem>>) attributes {dimension_semantics = [#tpu.dimension_semantics<core_parallel>, #tpu.dimension_semantics<subcore_parallel>], iteration_bounds = array<i64: 2, 16>, scalar_prefetch = 0 : i64, scratch_operands = 10 : i64, tpu.core_type = #tpu.core_type<sc_vector_subcore>, window_params = [{transform_indices = #map}, {transform_indices = #map}, {transform_indices = #map1}, {transform_indices = #map1}, {transform_indices = #map1}, {transform_indices = #map1}]} {
    %mul3A = arith.constant 2 : i32
    %mul3A_0 = arith.muli %arg1, %mul3A : i32
    %add3A = arith.addi %mul3A_0, %arg0 : i32
    %mul3A_1 = arith.constant 2000 : i32
    %mul3A_2 = arith.muli %add3A, %mul3A_1 : i32
    %add3A_3 = arith.constant 32000 : i32
    %add3A_4 = arith.addi %add3A_3, %mul3A_2 : i32
    "tpu.region"() ({
      %run_scoped3A = tpu.sem_alloc : memref<!tpu.dma_semaphore, #tpu.memory_space<semaphore_mem>>
      %dma_start3A = tpu.memref_slice %arg2[%add3A_4] : memref<160000xi32, #tpu.memory_space<hbm>> -> memref<2000xi32, #tpu.memory_space<hbm>>
      %dma_start3A_54 = tpu.memref_slice %arg2[%add3A_4] : memref<160000xi32, #tpu.memory_space<hbm>> -> memref<2000xi32, #tpu.memory_space<hbm>>
      tpu.enqueue_dma source(%dma_start3A_54 : memref<2000xi32, #tpu.memory_space<hbm>>) target(%arg8 : memref<2000xi32, #tpu.memory_space<vmem>>) target_semaphore(%run_scoped3A : memref<!tpu.dma_semaphore, #tpu.memory_space<semaphore_mem>>)
      %dma_wait3A_55 = tpu.memref_slice %arg2[%add3A_4] : memref<160000xi32, #tpu.memory_space<hbm>> -> memref<2000xi32, #tpu.memory_space<hbm>>
      %dma_wait3A_56 = tpu.memref_slice %arg2[%add3A_4] : memref<160000xi32, #tpu.memory_space<hbm>> -> memref<2000xi32, #tpu.memory_space<hbm>>
      tpu.wait_dma2 semaphore(%run_scoped3A : memref<!tpu.dma_semaphore, #tpu.memory_space<semaphore_mem>>) src(%dma_wait3A_56 : memref<2000xi32, #tpu.memory_space<hbm>>) dst(%arg8 : memref<2000xi32, #tpu.memory_space<vmem>>)
      tpu.yield
    }) : () -> ()
    %add3A_5 = arith.constant 32000 : i32
    %add3A_6 = arith.addi %add3A_5, %mul3A_2 : i32
    "tpu.region"() ({
      %run_scoped3A = tpu.sem_alloc : memref<!tpu.dma_semaphore, #tpu.memory_space<semaphore_mem>>
      %dma_start3A = tpu.memref_slice %arg3[%add3A_6] : memref<160000xi32, #tpu.memory_space<hbm>> -> memref<2000xi32, #tpu.memory_space<hbm>>
      %dma_start3A_54 = tpu.memref_slice %arg3[%add3A_6] : memref<160000xi32, #tpu.memory_space<hbm>> -> memref<2000xi32, #tpu.memory_space<hbm>>
      tpu.enqueue_dma source(%dma_start3A_54 : memref<2000xi32, #tpu.memory_space<hbm>>) target(%arg9 : memref<2000xi32, #tpu.memory_space<vmem>>) target_semaphore(%run_scoped3A : memref<!tpu.dma_semaphore, #tpu.memory_space<semaphore_mem>>)
      %dma_wait3A_55 = tpu.memref_slice %arg3[%add3A_6] : memref<160000xi32, #tpu.memory_space<hbm>> -> memref<2000xi32, #tpu.memory_space<hbm>>
      %dma_wait3A_56 = tpu.memref_slice %arg3[%add3A_6] : memref<160000xi32, #tpu.memory_space<hbm>> -> memref<2000xi32, #tpu.memory_space<hbm>>
      tpu.wait_dma2 semaphore(%run_scoped3A : memref<!tpu.dma_semaphore, #tpu.memory_space<semaphore_mem>>) src(%dma_wait3A_56 : memref<2000xi32, #tpu.memory_space<hbm>>) dst(%arg9 : memref<2000xi32, #tpu.memory_space<vmem>>)
      tpu.yield
    }) : () -> ()
    %scan3A = arith.constant 0 : i32
    %scan3A_7 = arith.constant 5 : i32
    %scan3A_8 = arith.addi %scan3A, %scan3A_7 : i32
    %scan3A_9 = arith.constant 1 : i32
    scf.for %scan3A_54 = %scan3A to %scan3A_8 step %scan3A_9  : i32 {
      %mul3A_55 = arith.constant 1 : i32
      %mul3A_56 = arith.muli %scan3A_54, %mul3A_55 : i32
      %add3A_57 = arith.constant 0 : i32
      %add3A_58 = arith.addi %add3A_57, %mul3A_56 : i32
      %mul3A_59 = arith.constant 2 : i32
      %mul3A_60 = arith.muli %add3A_58, %mul3A_59 : i32
      %add3A_61 = arith.constant 0 : i32
      %add3A_62 = arith.addi %mul3A_60, %add3A_61 : i32
      %ge3A = arith.constant 2 : i32
      %ge3A_63 = arith.cmpi sge, %add3A_62, %ge3A : i32
      %convert_element_type3A = arith.extui %ge3A_63 : i1 to i32
      %cond3A = arith.constant 0 : i32
      %cond3A_64 = arith.cmpi ne, %convert_element_type3A, %cond3A : i32
      scf.if %cond3A_64 {
        %sub3A = arith.constant 2 : i32
        %sub3A_199 = arith.subi %add3A_62, %sub3A : i32
        %mul3A_200 = arith.constant 200 : i32
        %mul3A_201 = arith.muli %sub3A_199, %mul3A_200 : i32
        %add3A_202 = arith.addi %mul3A_2, %mul3A_201 : i32
        %dma_wait3A_203 = arith.constant 0 : i32
        %dma_wait3A_204 = arith.constant 0 : i32
        %dma_wait3A_205 = tpu.memref_slice %arg10[%dma_wait3A_203, %dma_wait3A_204] : memref<200x128xf32, #tpu.memory_space<vmem>> -> memref<200x128xf32, #tpu.memory_space<vmem>>
        %dma_wait3A_206 = arith.constant 0 : i32
        %dma_wait3A_207 = tpu.memref_slice %arg6[%add3A_202, %dma_wait3A_206] : memref<64000x128xf32, #tpu.memory_space<hbm>> -> memref<200x128xf32, #tpu.memory_space<hbm>>
        %dma_wait3A_208 = arith.constant 0 : i32
        %dma_wait3A_209 = tpu.memref_slice %arg6[%add3A_202, %dma_wait3A_208] : memref<64000x128xf32, #tpu.memory_space<hbm>> -> memref<200x128xf32, #tpu.memory_space<hbm>>
        %dma_wait3A_210 = arith.constant 0 : i32
        %dma_wait3A_211 = arith.constant 0 : i32
        %dma_wait3A_212 = tpu.memref_slice %arg10[%dma_wait3A_210, %dma_wait3A_211] : memref<200x128xf32, #tpu.memory_space<vmem>> -> memref<200x128xf32, #tpu.memory_space<vmem>>
        tpu.wait_dma2 semaphore(%arg16 : memref<!tpu.dma_semaphore, #tpu.memory_space<semaphore_mem>>) src(%dma_wait3A_212 : memref<200x128xf32, #tpu.memory_space<vmem>>) dst(%dma_wait3A_209 : memref<200x128xf32, #tpu.memory_space<hbm>>)
        %dma_wait3A_213 = arith.constant 0 : i32
        %dma_wait3A_214 = arith.constant 0 : i32
        %dma_wait3A_215 = tpu.memref_slice %arg12[%dma_wait3A_213, %dma_wait3A_214] : memref<200x128xf32, #tpu.memory_space<vmem>> -> memref<200x128xf32, #tpu.memory_space<vmem>>
        %dma_wait3A_216 = arith.constant 0 : i32
        %dma_wait3A_217 = tpu.memref_slice %arg7[%add3A_202, %dma_wait3A_216] : memref<64000x128xf32, #tpu.memory_space<hbm>> -> memref<200x128xf32, #tpu.memory_space<hbm>>
        %dma_wait3A_218 = arith.constant 0 : i32
        %dma_wait3A_219 = tpu.memref_slice %arg7[%add3A_202, %dma_wait3A_218] : memref<64000x128xf32, #tpu.memory_space<hbm>> -> memref<200x128xf32, #tpu.memory_space<hbm>>
        %dma_wait3A_220 = arith.constant 0 : i32
        %dma_wait3A_221 = arith.constant 0 : i32
        %dma_wait3A_222 = tpu.memref_slice %arg12[%dma_wait3A_220, %dma_wait3A_221] : memref<200x128xf32, #tpu.memory_space<vmem>> -> memref<200x128xf32, #tpu.memory_space<vmem>>
        tpu.wait_dma2 semaphore(%arg16 : memref<!tpu.dma_semaphore, #tpu.memory_space<semaphore_mem>>) src(%dma_wait3A_222 : memref<200x128xf32, #tpu.memory_space<vmem>>) dst(%dma_wait3A_219 : memref<200x128xf32, #tpu.memory_space<hbm>>)
      } else {
      }
      %mul3A_65 = arith.constant 200 : i32
      %mul3A_66 = arith.muli %add3A_62, %mul3A_65 : i32
      %dma_start3A = arith.constant 0 : i32
      %dma_start3A_67 = arith.constant 0 : i32
      %dma_start3A_68 = tpu.memref_slice %arg10[%dma_start3A, %dma_start3A_67] : memref<200x128xf32, #tpu.memory_space<vmem>> -> memref<200x128xf32, #tpu.memory_space<vmem>>
      %dma_start3A_69 = tpu.memref_slice %arg8[%mul3A_66] : memref<2000xi32, #tpu.memory_space<vmem>> -> memref<200xi32, #tpu.memory_space<vmem>>
      %dma_start3A_70 = arith.constant 0 : i32
      %dma_start3A_71 = arith.constant 0 : i32
      %dma_start3A_72 = tpu.memref_slice %arg4[%dma_start3A_70, %dma_start3A_71] : memref<10000x128xf32, #tpu.memory_space<hbm>> -> memref<10000x128xf32, #tpu.memory_space<hbm>>
      tpu.enqueue_indirect_dma source(%dma_start3A_72 : memref<10000x128xf32, #tpu.memory_space<hbm>>) target(%dma_start3A_68 : memref<200x128xf32, #tpu.memory_space<vmem>>) offsets(%dma_start3A_69 : memref<200xi32, #tpu.memory_space<vmem>>) semaphore(%arg14 : memref<!tpu.dma_semaphore, #tpu.memory_space<semaphore_mem>>)
      %mul3A_73 = arith.constant 200 : i32
      %mul3A_74 = arith.muli %add3A_62, %mul3A_73 : i32
      %dma_start3A_75 = arith.constant 0 : i32
      %dma_start3A_76 = arith.constant 0 : i32
      %dma_start3A_77 = tpu.memref_slice %arg12[%dma_start3A_75, %dma_start3A_76] : memref<200x128xf32, #tpu.memory_space<vmem>> -> memref<200x128xf32, #tpu.memory_space<vmem>>
      %dma_start3A_78 = tpu.memref_slice %arg9[%mul3A_74] : memref<2000xi32, #tpu.memory_space<vmem>> -> memref<200xi32, #tpu.memory_space<vmem>>
      %dma_start3A_79 = arith.constant 0 : i32
      %dma_start3A_80 = arith.constant 0 : i32
      %dma_start3A_81 = tpu.memref_slice %arg5[%dma_start3A_79, %dma_start3A_80] : memref<10000x128xf32, #tpu.memory_space<hbm>> -> memref<10000x128xf32, #tpu.memory_space<hbm>>
      tpu.enqueue_indirect_dma source(%dma_start3A_81 : memref<10000x128xf32, #tpu.memory_space<hbm>>) target(%dma_start3A_77 : memref<200x128xf32, #tpu.memory_space<vmem>>) offsets(%dma_start3A_78 : memref<200xi32, #tpu.memory_space<vmem>>) semaphore(%arg14 : memref<!tpu.dma_semaphore, #tpu.memory_space<semaphore_mem>>)
      %mul3A_82 = arith.constant 2 : i32
      %mul3A_83 = arith.muli %add3A_58, %mul3A_82 : i32
      %add3A_84 = arith.constant 1 : i32
      %add3A_85 = arith.addi %mul3A_83, %add3A_84 : i32
      %ge3A_86 = arith.constant 2 : i32
      %ge3A_87 = arith.cmpi sge, %add3A_85, %ge3A_86 : i32
      %convert_element_type3A_88 = arith.extui %ge3A_87 : i1 to i32
      %cond3A_89 = arith.constant 0 : i32
      %cond3A_90 = arith.cmpi ne, %convert_element_type3A_88, %cond3A_89 : i32
      scf.if %cond3A_90 {
        %sub3A = arith.constant 2 : i32
        %sub3A_199 = arith.subi %add3A_85, %sub3A : i32
        %mul3A_200 = arith.constant 200 : i32
        %mul3A_201 = arith.muli %sub3A_199, %mul3A_200 : i32
        %add3A_202 = arith.addi %mul3A_2, %mul3A_201 : i32
        %dma_wait3A_203 = arith.constant 0 : i32
        %dma_wait3A_204 = arith.constant 0 : i32
        %dma_wait3A_205 = tpu.memref_slice %arg11[%dma_wait3A_203, %dma_wait3A_204] : memref<200x128xf32, #tpu.memory_space<vmem>> -> memref<200x128xf32, #tpu.memory_space<vmem>>
        %dma_wait3A_206 = arith.constant 0 : i32
        %dma_wait3A_207 = tpu.memref_slice %arg6[%add3A_202, %dma_wait3A_206] : memref<64000x128xf32, #tpu.memory_space<hbm>> -> memref<200x128xf32, #tpu.memory_space<hbm>>
        %dma_wait3A_208 = arith.constant 0 : i32
        %dma_wait3A_209 = tpu.memref_slice %arg6[%add3A_202, %dma_wait3A_208] : memref<64000x128xf32, #tpu.memory_space<hbm>> -> memref<200x128xf32, #tpu.memory_space<hbm>>
        %dma_wait3A_210 = arith.constant 0 : i32
        %dma_wait3A_211 = arith.constant 0 : i32
        %dma_wait3A_212 = tpu.memref_slice %arg11[%dma_wait3A_210, %dma_wait3A_211] : memref<200x128xf32, #tpu.memory_space<vmem>> -> memref<200x128xf32, #tpu.memory_space<vmem>>
        tpu.wait_dma2 semaphore(%arg17 : memref<!tpu.dma_semaphore, #tpu.memory_space<semaphore_mem>>) src(%dma_wait3A_212 : memref<200x128xf32, #tpu.memory_space<vmem>>) dst(%dma_wait3A_209 : memref<200x128xf32, #tpu.memory_space<hbm>>)
        %dma_wait3A_213 = arith.constant 0 : i32
        %dma_wait3A_214 = arith.constant 0 : i32
        %dma_wait3A_215 = tpu.memref_slice %arg13[%dma_wait3A_213, %dma_wait3A_214] : memref<200x128xf32, #tpu.memory_space<vmem>> -> memref<200x128xf32, #tpu.memory_space<vmem>>
        %dma_wait3A_216 = arith.constant 0 : i32
        %dma_wait3A_217 = tpu.memref_slice %arg7[%add3A_202, %dma_wait3A_216] : memref<64000x128xf32, #tpu.memory_space<hbm>> -> memref<200x128xf32, #tpu.memory_space<hbm>>
        %dma_wait3A_218 = arith.constant 0 : i32
        %dma_wait3A_219 = tpu.memref_slice %arg7[%add3A_202, %dma_wait3A_218] : memref<64000x128xf32, #tpu.memory_space<hbm>> -> memref<200x128xf32, #tpu.memory_space<hbm>>
        %dma_wait3A_220 = arith.constant 0 : i32
        %dma_wait3A_221 = arith.constant 0 : i32
        %dma_wait3A_222 = tpu.memref_slice %arg13[%dma_wait3A_220, %dma_wait3A_221] : memref<200x128xf32, #tpu.memory_space<vmem>> -> memref<200x128xf32, #tpu.memory_space<vmem>>
        tpu.wait_dma2 semaphore(%arg17 : memref<!tpu.dma_semaphore, #tpu.memory_space<semaphore_mem>>) src(%dma_wait3A_222 : memref<200x128xf32, #tpu.memory_space<vmem>>) dst(%dma_wait3A_219 : memref<200x128xf32, #tpu.memory_space<hbm>>)
      } else {
      }
      %mul3A_91 = arith.constant 200 : i32
      %mul3A_92 = arith.muli %add3A_85, %mul3A_91 : i32
      %dma_start3A_93 = arith.constant 0 : i32
      %dma_start3A_94 = arith.constant 0 : i32
      %dma_start3A_95 = tpu.memref_slice %arg11[%dma_start3A_93, %dma_start3A_94] : memref<200x128xf32, #tpu.memory_space<vmem>> -> memref<200x128xf32, #tpu.memory_space<vmem>>
      %dma_start3A_96 = tpu.memref_slice %arg8[%mul3A_92] : memref<2000xi32, #tpu.memory_space<vmem>> -> memref<200xi32, #tpu.memory_space<vmem>>
      %dma_start3A_97 = arith.constant 0 : i32
      %dma_start3A_98 = arith.constant 0 : i32
      %dma_start3A_99 = tpu.memref_slice %arg4[%dma_start3A_97, %dma_start3A_98] : memref<10000x128xf32, #tpu.memory_space<hbm>> -> memref<10000x128xf32, #tpu.memory_space<hbm>>
      tpu.enqueue_indirect_dma source(%dma_start3A_99 : memref<10000x128xf32, #tpu.memory_space<hbm>>) target(%dma_start3A_95 : memref<200x128xf32, #tpu.memory_space<vmem>>) offsets(%dma_start3A_96 : memref<200xi32, #tpu.memory_space<vmem>>) semaphore(%arg15 : memref<!tpu.dma_semaphore, #tpu.memory_space<semaphore_mem>>)
      %mul3A_100 = arith.constant 200 : i32
      %mul3A_101 = arith.muli %add3A_85, %mul3A_100 : i32
      %dma_start3A_102 = arith.constant 0 : i32
      %dma_start3A_103 = arith.constant 0 : i32
      %dma_start3A_104 = tpu.memref_slice %arg13[%dma_start3A_102, %dma_start3A_103] : memref<200x128xf32, #tpu.memory_space<vmem>> -> memref<200x128xf32, #tpu.memory_space<vmem>>
      %dma_start3A_105 = tpu.memref_slice %arg9[%mul3A_101] : memref<2000xi32, #tpu.memory_space<vmem>> -> memref<200xi32, #tpu.memory_space<vmem>>
      %dma_start3A_106 = arith.constant 0 : i32
      %dma_start3A_107 = arith.constant 0 : i32
      %dma_start3A_108 = tpu.memref_slice %arg5[%dma_start3A_106, %dma_start3A_107] : memref<10000x128xf32, #tpu.memory_space<hbm>> -> memref<10000x128xf32, #tpu.memory_space<hbm>>
      tpu.enqueue_indirect_dma source(%dma_start3A_108 : memref<10000x128xf32, #tpu.memory_space<hbm>>) target(%dma_start3A_104 : memref<200x128xf32, #tpu.memory_space<vmem>>) offsets(%dma_start3A_105 : memref<200xi32, #tpu.memory_space<vmem>>) semaphore(%arg15 : memref<!tpu.dma_semaphore, #tpu.memory_space<semaphore_mem>>)
      %mul3A_109 = arith.constant 2 : i32
      %mul3A_110 = arith.muli %add3A_58, %mul3A_109 : i32
      %add3A_111 = arith.constant 0 : i32
      %add3A_112 = arith.addi %mul3A_110, %add3A_111 : i32
      %mul3A_113 = arith.constant 200 : i32
      %mul3A_114 = arith.muli %add3A_112, %mul3A_113 : i32
      %dma_wait3A_115 = arith.constant 0 : i32
      %dma_wait3A_116 = arith.constant 0 : i32
      %dma_wait3A_117 = tpu.memref_slice %arg10[%dma_wait3A_115, %dma_wait3A_116] : memref<200x128xf32, #tpu.memory_space<vmem>> -> memref<200x128xf32, #tpu.memory_space<vmem>>
      %dma_wait3A_118 = tpu.memref_slice %arg8[%mul3A_114] : memref<2000xi32, #tpu.memory_space<vmem>> -> memref<200xi32, #tpu.memory_space<vmem>>
      %dma_wait3A_119 = arith.constant 0 : i32
      %dma_wait3A_120 = arith.constant 0 : i32
      %dma_wait3A_121 = tpu.memref_slice %arg4[%dma_wait3A_119, %dma_wait3A_120] : memref<10000x128xf32, #tpu.memory_space<hbm>> -> memref<10000x128xf32, #tpu.memory_space<hbm>>
      tpu.wait_indirect_dma semaphore(%arg14 : memref<!tpu.dma_semaphore, #tpu.memory_space<semaphore_mem>>) src(%dma_wait3A_121 : memref<10000x128xf32, #tpu.memory_space<hbm>>) dst(%dma_wait3A_117 : memref<200x128xf32, #tpu.memory_space<vmem>>)
      %mul3A_122 = arith.constant 200 : i32
      %mul3A_123 = arith.muli %add3A_112, %mul3A_122 : i32
      %dma_wait3A_124 = arith.constant 0 : i32
      %dma_wait3A_125 = arith.constant 0 : i32
      %dma_wait3A_126 = tpu.memref_slice %arg12[%dma_wait3A_124, %dma_wait3A_125] : memref<200x128xf32, #tpu.memory_space<vmem>> -> memref<200x128xf32, #tpu.memory_space<vmem>>
      %dma_wait3A_127 = tpu.memref_slice %arg9[%mul3A_123] : memref<2000xi32, #tpu.memory_space<vmem>> -> memref<200xi32, #tpu.memory_space<vmem>>
      %dma_wait3A_128 = arith.constant 0 : i32
      %dma_wait3A_129 = arith.constant 0 : i32
      %dma_wait3A_130 = tpu.memref_slice %arg5[%dma_wait3A_128, %dma_wait3A_129] : memref<10000x128xf32, #tpu.memory_space<hbm>> -> memref<10000x128xf32, #tpu.memory_space<hbm>>
      tpu.wait_indirect_dma semaphore(%arg14 : memref<!tpu.dma_semaphore, #tpu.memory_space<semaphore_mem>>) src(%dma_wait3A_130 : memref<10000x128xf32, #tpu.memory_space<hbm>>) dst(%dma_wait3A_126 : memref<200x128xf32, #tpu.memory_space<vmem>>)
      %mul3A_131 = arith.constant 200 : i32
      %mul3A_132 = arith.muli %add3A_112, %mul3A_131 : i32
      %add3A_133 = arith.addi %mul3A_2, %mul3A_132 : i32
      %dma_start3A_134 = arith.constant 0 : i32
      %dma_start3A_135 = arith.constant 0 : i32
      %dma_start3A_136 = tpu.memref_slice %arg10[%dma_start3A_134, %dma_start3A_135] : memref<200x128xf32, #tpu.memory_space<vmem>> -> memref<200x128xf32, #tpu.memory_space<vmem>>
      %dma_start3A_137 = arith.constant 0 : i32
      %dma_start3A_138 = tpu.memref_slice %arg6[%add3A_133, %dma_start3A_137] : memref<64000x128xf32, #tpu.memory_space<hbm>> -> memref<200x128xf32, #tpu.memory_space<hbm>>
      %dma_start3A_139 = arith.constant 0 : i32
      %dma_start3A_140 = tpu.memref_slice %arg6[%add3A_133, %dma_start3A_139] : memref<64000x128xf32, #tpu.memory_space<hbm>> -> memref<200x128xf32, #tpu.memory_space<hbm>>
      %dma_start3A_141 = arith.constant 0 : i32
      %dma_start3A_142 = arith.constant 0 : i32
      %dma_start3A_143 = tpu.memref_slice %arg10[%dma_start3A_141, %dma_start3A_142] : memref<200x128xf32, #tpu.memory_space<vmem>> -> memref<200x128xf32, #tpu.memory_space<vmem>>
      tpu.enqueue_dma source(%dma_start3A_143 : memref<200x128xf32, #tpu.memory_space<vmem>>) target(%dma_start3A_140 : memref<200x128xf32, #tpu.memory_space<hbm>>) target_semaphore(%arg16 : memref<!tpu.dma_semaphore, #tpu.memory_space<semaphore_mem>>)
      %dma_start3A_144 = arith.constant 0 : i32
      %dma_start3A_145 = arith.constant 0 : i32
      %dma_start3A_146 = tpu.memref_slice %arg12[%dma_start3A_144, %dma_start3A_145] : memref<200x128xf32, #tpu.memory_space<vmem>> -> memref<200x128xf32, #tpu.memory_space<vmem>>
      %dma_start3A_147 = arith.constant 0 : i32
      %dma_start3A_148 = tpu.memref_slice %arg7[%add3A_133, %dma_start3A_147] : memref<64000x128xf32, #tpu.memory_space<hbm>> -> memref<200x128xf32, #tpu.memory_space<hbm>>
      %dma_start3A_149 = arith.constant 0 : i32
      %dma_start3A_150 = tpu.memref_slice %arg7[%add3A_133, %dma_start3A_149] : memref<64000x128xf32, #tpu.memory_space<hbm>> -> memref<200x128xf32, #tpu.memory_space<hbm>>
      %dma_start3A_151 = arith.constant 0 : i32
      %dma_start3A_152 = arith.constant 0 : i32
      %dma_start3A_153 = tpu.memref_slice %arg12[%dma_start3A_151, %dma_start3A_152] : memref<200x128xf32, #tpu.memory_space<vmem>> -> memref<200x128xf32, #tpu.memory_space<vmem>>
      tpu.enqueue_dma source(%dma_start3A_153 : memref<200x128xf32, #tpu.memory_space<vmem>>) target(%dma_start3A_150 : memref<200x128xf32, #tpu.memory_space<hbm>>) target_semaphore(%arg16 : memref<!tpu.dma_semaphore, #tpu.memory_space<semaphore_mem>>)
      %mul3A_154 = arith.constant 2 : i32
      %mul3A_155 = arith.muli %add3A_58, %mul3A_154 : i32
      %add3A_156 = arith.constant 1 : i32
      %add3A_157 = arith.addi %mul3A_155, %add3A_156 : i32
      %mul3A_158 = arith.constant 200 : i32
      %mul3A_159 = arith.muli %add3A_157, %mul3A_158 : i32
      %dma_wait3A_160 = arith.constant 0 : i32
      %dma_wait3A_161 = arith.constant 0 : i32
      %dma_wait3A_162 = tpu.memref_slice %arg11[%dma_wait3A_160, %dma_wait3A_161] : memref<200x128xf32, #tpu.memory_space<vmem>> -> memref<200x128xf32, #tpu.memory_space<vmem>>
      %dma_wait3A_163 = tpu.memref_slice %arg8[%mul3A_159] : memref<2000xi32, #tpu.memory_space<vmem>> -> memref<200xi32, #tpu.memory_space<vmem>>
      %dma_wait3A_164 = arith.constant 0 : i32
      %dma_wait3A_165 = arith.constant 0 : i32
      %dma_wait3A_166 = tpu.memref_slice %arg4[%dma_wait3A_164, %dma_wait3A_165] : memref<10000x128xf32, #tpu.memory_space<hbm>> -> memref<10000x128xf32, #tpu.memory_space<hbm>>
      tpu.wait_indirect_dma semaphore(%arg15 : memref<!tpu.dma_semaphore, #tpu.memory_space<semaphore_mem>>) src(%dma_wait3A_166 : memref<10000x128xf32, #tpu.memory_space<hbm>>) dst(%dma_wait3A_162 : memref<200x128xf32, #tpu.memory_space<vmem>>)
      %mul3A_167 = arith.constant 200 : i32
      %mul3A_168 = arith.muli %add3A_157, %mul3A_167 : i32
      %dma_wait3A_169 = arith.constant 0 : i32
      %dma_wait3A_170 = arith.constant 0 : i32
      %dma_wait3A_171 = tpu.memref_slice %arg13[%dma_wait3A_169, %dma_wait3A_170] : memref<200x128xf32, #tpu.memory_space<vmem>> -> memref<200x128xf32, #tpu.memory_space<vmem>>
      %dma_wait3A_172 = tpu.memref_slice %arg9[%mul3A_168] : memref<2000xi32, #tpu.memory_space<vmem>> -> memref<200xi32, #tpu.memory_space<vmem>>
      %dma_wait3A_173 = arith.constant 0 : i32
      %dma_wait3A_174 = arith.constant 0 : i32
      %dma_wait3A_175 = tpu.memref_slice %arg5[%dma_wait3A_173, %dma_wait3A_174] : memref<10000x128xf32, #tpu.memory_space<hbm>> -> memref<10000x128xf32, #tpu.memory_space<hbm>>
      tpu.wait_indirect_dma semaphore(%arg15 : memref<!tpu.dma_semaphore, #tpu.memory_space<semaphore_mem>>) src(%dma_wait3A_175 : memref<10000x128xf32, #tpu.memory_space<hbm>>) dst(%dma_wait3A_171 : memref<200x128xf32, #tpu.memory_space<vmem>>)
      %mul3A_176 = arith.constant 200 : i32
      %mul3A_177 = arith.muli %add3A_157, %mul3A_176 : i32
      %add3A_178 = arith.addi %mul3A_2, %mul3A_177 : i32
      %dma_start3A_179 = arith.constant 0 : i32
      %dma_start3A_180 = arith.constant 0 : i32
      %dma_start3A_181 = tpu.memref_slice %arg11[%dma_start3A_179, %dma_start3A_180] : memref<200x128xf32, #tpu.memory_space<vmem>> -> memref<200x128xf32, #tpu.memory_space<vmem>>
      %dma_start3A_182 = arith.constant 0 : i32
      %dma_start3A_183 = tpu.memref_slice %arg6[%add3A_178, %dma_start3A_182] : memref<64000x128xf32, #tpu.memory_space<hbm>> -> memref<200x128xf32, #tpu.memory_space<hbm>>
      %dma_start3A_184 = arith.constant 0 : i32
      %dma_start3A_185 = tpu.memref_slice %arg6[%add3A_178, %dma_start3A_184] : memref<64000x128xf32, #tpu.memory_space<hbm>> -> memref<200x128xf32, #tpu.memory_space<hbm>>
      %dma_start3A_186 = arith.constant 0 : i32
      %dma_start3A_187 = arith.constant 0 : i32
      %dma_start3A_188 = tpu.memref_slice %arg11[%dma_start3A_186, %dma_start3A_187] : memref<200x128xf32, #tpu.memory_space<vmem>> -> memref<200x128xf32, #tpu.memory_space<vmem>>
      tpu.enqueue_dma source(%dma_start3A_188 : memref<200x128xf32, #tpu.memory_space<vmem>>) target(%dma_start3A_185 : memref<200x128xf32, #tpu.memory_space<hbm>>) target_semaphore(%arg17 : memref<!tpu.dma_semaphore, #tpu.memory_space<semaphore_mem>>)
      %dma_start3A_189 = arith.constant 0 : i32
      %dma_start3A_190 = arith.constant 0 : i32
      %dma_start3A_191 = tpu.memref_slice %arg13[%dma_start3A_189, %dma_start3A_190] : memref<200x128xf32, #tpu.memory_space<vmem>> -> memref<200x128xf32, #tpu.memory_space<vmem>>
      %dma_start3A_192 = arith.constant 0 : i32
      %dma_start3A_193 = tpu.memref_slice %arg7[%add3A_178, %dma_start3A_192] : memref<64000x128xf32, #tpu.memory_space<hbm>> -> memref<200x128xf32, #tpu.memory_space<hbm>>
      %dma_start3A_194 = arith.constant 0 : i32
      %dma_start3A_195 = tpu.memref_slice %arg7[%add3A_178, %dma_start3A_194] : memref<64000x128xf32, #tpu.memory_space<hbm>> -> memref<200x128xf32, #tpu.memory_space<hbm>>
      %dma_start3A_196 = arith.constant 0 : i32
      %dma_start3A_197 = arith.constant 0 : i32
      %dma_start3A_198 = tpu.memref_slice %arg13[%dma_start3A_196, %dma_start3A_197] : memref<200x128xf32, #tpu.memory_space<vmem>> -> memref<200x128xf32, #tpu.memory_space<vmem>>
      tpu.enqueue_dma source(%dma_start3A_198 : memref<200x128xf32, #tpu.memory_space<vmem>>) target(%dma_start3A_195 : memref<200x128xf32, #tpu.memory_space<hbm>>) target_semaphore(%arg17 : memref<!tpu.dma_semaphore, #tpu.memory_space<semaphore_mem>>)
    }
    %scan3A_10 = arith.constant 5 : i32
    %add3A_11 = arith.constant 1600 : i32
    %add3A_12 = arith.addi %mul3A_2, %add3A_11 : i32
    %dma_wait3A = arith.constant 0 : i32
    %dma_wait3A_13 = arith.constant 0 : i32
    %dma_wait3A_14 = tpu.memref_slice %arg10[%dma_wait3A, %dma_wait3A_13] : memref<200x128xf32, #tpu.memory_space<vmem>> -> memref<200x128xf32, #tpu.memory_space<vmem>>
    %dma_wait3A_15 = arith.constant 0 : i32
    %dma_wait3A_16 = tpu.memref_slice %arg6[%add3A_12, %dma_wait3A_15] : memref<64000x128xf32, #tpu.memory_space<hbm>> -> memref<200x128xf32, #tpu.memory_space<hbm>>
    %dma_wait3A_17 = arith.constant 0 : i32
    %dma_wait3A_18 = tpu.memref_slice %arg6[%add3A_12, %dma_wait3A_17] : memref<64000x128xf32, #tpu.memory_space<hbm>> -> memref<200x128xf32, #tpu.memory_space<hbm>>
    %dma_wait3A_19 = arith.constant 0 : i32
    %dma_wait3A_20 = arith.constant 0 : i32
    %dma_wait3A_21 = tpu.memref_slice %arg10[%dma_wait3A_19, %dma_wait3A_20] : memref<200x128xf32, #tpu.memory_space<vmem>> -> memref<200x128xf32, #tpu.memory_space<vmem>>
    tpu.wait_dma2 semaphore(%arg16 : memref<!tpu.dma_semaphore, #tpu.memory_space<semaphore_mem>>) src(%dma_wait3A_21 : memref<200x128xf32, #tpu.memory_space<vmem>>) dst(%dma_wait3A_18 : memref<200x128xf32, #tpu.memory_space<hbm>>)
    %dma_wait3A_22 = arith.constant 0 : i32
    %dma_wait3A_23 = arith.constant 0 : i32
    %dma_wait3A_24 = tpu.memref_slice %arg12[%dma_wait3A_22, %dma_wait3A_23] : memref<200x128xf32, #tpu.memory_space<vmem>> -> memref<200x128xf32, #tpu.memory_space<vmem>>
    %dma_wait3A_25 = arith.constant 0 : i32
    %dma_wait3A_26 = tpu.memref_slice %arg7[%add3A_12, %dma_wait3A_25] : memref<64000x128xf32, #tpu.memory_space<hbm>> -> memref<200x128xf32, #tpu.memory_space<hbm>>
    %dma_wait3A_27 = arith.constant 0 : i32
    %dma_wait3A_28 = tpu.memref_slice %arg7[%add3A_12, %dma_wait3A_27] : memref<64000x128xf32, #tpu.memory_space<hbm>> -> memref<200x128xf32, #tpu.memory_space<hbm>>
    %dma_wait3A_29 = arith.constant 0 : i32
    %dma_wait3A_30 = arith.constant 0 : i32
    %dma_wait3A_31 = tpu.memref_slice %arg12[%dma_wait3A_29, %dma_wait3A_30] : memref<200x128xf32, #tpu.memory_space<vmem>> -> memref<200x128xf32, #tpu.memory_space<vmem>>
    tpu.wait_dma2 semaphore(%arg16 : memref<!tpu.dma_semaphore, #tpu.memory_space<semaphore_mem>>) src(%dma_wait3A_31 : memref<200x128xf32, #tpu.memory_space<vmem>>) dst(%dma_wait3A_28 : memref<200x128xf32, #tpu.memory_space<hbm>>)
    %add3A_32 = arith.constant 1800 : i32
    %add3A_33 = arith.addi %mul3A_2, %add3A_32 : i32
    %dma_wait3A_34 = arith.constant 0 : i32
    %dma_wait3A_35 = arith.constant 0 : i32
    %dma_wait3A_36 = tpu.memref_slice %arg11[%dma_wait3A_34, %dma_wait3A_35] : memref<200x128xf32, #tpu.memory_space<vmem>> -> memref<200x128xf32, #tpu.memory_space<vmem>>
    %dma_wait3A_37 = arith.constant 0 : i32
    %dma_wait3A_38 = tpu.memref_slice %arg6[%add3A_33, %dma_wait3A_37] : memref<64000x128xf32, #tpu.memory_space<hbm>> -> memref<200x128xf32, #tpu.memory_space<hbm>>
    %dma_wait3A_39 = arith.constant 0 : i32
    %dma_wait3A_40 = tpu.memref_slice %arg6[%add3A_33, %dma_wait3A_39] : memref<64000x128xf32, #tpu.memory_space<hbm>> -> memref<200x128xf32, #tpu.memory_space<hbm>>
    %dma_wait3A_41 = arith.constant 0 : i32
    %dma_wait3A_42 = arith.constant 0 : i32
    %dma_wait3A_43 = tpu.memref_slice %arg11[%dma_wait3A_41, %dma_wait3A_42] : memref<200x128xf32, #tpu.memory_space<vmem>> -> memref<200x128xf32, #tpu.memory_space<vmem>>
    tpu.wait_dma2 semaphore(%arg17 : memref<!tpu.dma_semaphore, #tpu.memory_space<semaphore_mem>>) src(%dma_wait3A_43 : memref<200x128xf32, #tpu.memory_space<vmem>>) dst(%dma_wait3A_40 : memref<200x128xf32, #tpu.memory_space<hbm>>)
    %dma_wait3A_44 = arith.constant 0 : i32
    %dma_wait3A_45 = arith.constant 0 : i32
    %dma_wait3A_46 = tpu.memref_slice %arg13[%dma_wait3A_44, %dma_wait3A_45] : memref<200x128xf32, #tpu.memory_space<vmem>> -> memref<200x128xf32, #tpu.memory_space<vmem>>
    %dma_wait3A_47 = arith.constant 0 : i32
    %dma_wait3A_48 = tpu.memref_slice %arg7[%add3A_33, %dma_wait3A_47] : memref<64000x128xf32, #tpu.memory_space<hbm>> -> memref<200x128xf32, #tpu.memory_space<hbm>>
    %dma_wait3A_49 = arith.constant 0 : i32
    %dma_wait3A_50 = tpu.memref_slice %arg7[%add3A_33, %dma_wait3A_49] : memref<64000x128xf32, #tpu.memory_space<hbm>> -> memref<200x128xf32, #tpu.memory_space<hbm>>
    %dma_wait3A_51 = arith.constant 0 : i32
    %dma_wait3A_52 = arith.constant 0 : i32
    %dma_wait3A_53 = tpu.memref_slice %arg13[%dma_wait3A_51, %dma_wait3A_52] : memref<200x128xf32, #tpu.memory_space<vmem>> -> memref<200x128xf32, #tpu.memory_space<vmem>>
    tpu.wait_dma2 semaphore(%arg17 : memref<!tpu.dma_semaphore, #tpu.memory_space<semaphore_mem>>) src(%dma_wait3A_53 : memref<200x128xf32, #tpu.memory_space<vmem>>) dst(%dma_wait3A_50 : memref<200x128xf32, #tpu.memory_space<hbm>>)
    return
  }
}

#map = affine_map<(d0, d1) -> (0, 0, 0)>
#map1 = affine_map<(d0, d1) -> (0, 0)>
module attributes {stable_mosaic.version = 14 : i64} {
  func.func @k(%arg0: i32, %arg1: i32, %arg2: memref<16x50x80xi32, #tpu.memory_space<hbm>>, %arg3: memref<64000x256xf32, #tpu.memory_space<hbm>>, %arg4: memref<10000x128xf32, #tpu.memory_space<hbm>>, %arg5: memref<10000x256xf32, #tpu.memory_space<hbm>>, %arg6: memref<50x80xi32, #tpu.memory_space<vmem>>, %arg7: memref<80x128xf32, #tpu.memory_space<vmem>>, %arg8: memref<80x128xf32, #tpu.memory_space<vmem>>, %arg9: memref<!tpu.dma_semaphore, #tpu.memory_space<semaphore_mem>>, %arg10: memref<!tpu.dma_semaphore, #tpu.memory_space<semaphore_mem>>, %arg11: memref<10000x128xf32, #tpu.memory_space<vmem_shared>>) attributes {dimension_semantics = [#tpu.dimension_semantics<core_parallel>, #tpu.dimension_semantics<subcore_parallel>], iteration_bounds = array<i64: 2, 16>, scalar_prefetch = 0 : i64, scratch_operands = 6 : i64, tpu.core_type = #tpu.core_type<sc_vector_subcore>, window_params = [{transform_indices = #map}, {transform_indices = #map1}, {transform_indices = #map1}, {transform_indices = #map1}]} {
    %mul3A = arith.constant 128 : i32
    %mul3A_0 = arith.muli %arg0, %mul3A : i32
    "tpu.region"() ({
      %run_scoped3A = tpu.sem_alloc : memref<!tpu.dma_semaphore, #tpu.memory_space<semaphore_mem>>
      %dma_start3A_35 = arith.constant 0 : i32
      %dma_start3A_36 = arith.constant 0 : i32
      %dma_start3A_37 = tpu.memref_slice %arg2[%arg1, %dma_start3A_35, %dma_start3A_36] : memref<16x50x80xi32, #tpu.memory_space<hbm>> -> memref<1x50x80xi32, #tpu.memory_space<hbm>>
      %dma_start3A_38 = tpu.memref_squeeze %dma_start3A_37 : memref<1x50x80xi32, #tpu.memory_space<hbm>> -> memref<50x80xi32, #tpu.memory_space<hbm>>
      %dma_start3A_39 = arith.constant 0 : i32
      %dma_start3A_40 = arith.constant 0 : i32
      %dma_start3A_41 = tpu.memref_slice %arg2[%arg1, %dma_start3A_39, %dma_start3A_40] : memref<16x50x80xi32, #tpu.memory_space<hbm>> -> memref<1x50x80xi32, #tpu.memory_space<hbm>>
      %dma_start3A_42 = tpu.memref_squeeze %dma_start3A_41 : memref<1x50x80xi32, #tpu.memory_space<hbm>> -> memref<50x80xi32, #tpu.memory_space<hbm>>
      tpu.enqueue_dma source(%dma_start3A_42 : memref<50x80xi32, #tpu.memory_space<hbm>>) target(%arg6 : memref<50x80xi32, #tpu.memory_space<vmem>>) target_semaphore(%run_scoped3A : memref<!tpu.dma_semaphore, #tpu.memory_space<semaphore_mem>>)
      %dma_wait3A = arith.constant 0 : i32
      %dma_wait3A_43 = arith.constant 0 : i32
      %dma_wait3A_44 = tpu.memref_slice %arg2[%arg1, %dma_wait3A, %dma_wait3A_43] : memref<16x50x80xi32, #tpu.memory_space<hbm>> -> memref<1x50x80xi32, #tpu.memory_space<hbm>>
      %dma_wait3A_45 = tpu.memref_squeeze %dma_wait3A_44 : memref<1x50x80xi32, #tpu.memory_space<hbm>> -> memref<50x80xi32, #tpu.memory_space<hbm>>
      %dma_wait3A_46 = arith.constant 0 : i32
      %dma_wait3A_47 = arith.constant 0 : i32
      %dma_wait3A_48 = tpu.memref_slice %arg2[%arg1, %dma_wait3A_46, %dma_wait3A_47] : memref<16x50x80xi32, #tpu.memory_space<hbm>> -> memref<1x50x80xi32, #tpu.memory_space<hbm>>
      %dma_wait3A_49 = tpu.memref_squeeze %dma_wait3A_48 : memref<1x50x80xi32, #tpu.memory_space<hbm>> -> memref<50x80xi32, #tpu.memory_space<hbm>>
      tpu.wait_dma2 semaphore(%run_scoped3A : memref<!tpu.dma_semaphore, #tpu.memory_space<semaphore_mem>>) src(%dma_wait3A_49 : memref<50x80xi32, #tpu.memory_space<hbm>>) dst(%arg6 : memref<50x80xi32, #tpu.memory_space<vmem>>)
      tpu.yield
    }) : () -> ()
    %add3A = arith.constant 0 : i32
    %add3A_1 = arith.addi %add3A, %arg1 : i32
    %lt3A = arith.constant 25 : i32
    %lt3A_2 = arith.cmpi slt, %add3A_1, %lt3A : i32
    %convert_element_type3A = arith.extui %lt3A_2 : i1 to i32
    %cond3A = arith.constant 0 : i32
    %cond3A_3 = arith.cmpi ne, %convert_element_type3A, %cond3A : i32
    scf.if %cond3A_3 {
      %mul3A_35 = arith.constant 400 : i32
      %mul3A_36 = arith.muli %add3A_1, %mul3A_35 : i32
      %mul3A_37 = arith.constant 400 : i32
      %mul3A_38 = arith.muli %add3A_1, %mul3A_37 : i32
      "tpu.region"() ({
        %run_scoped3A = tpu.sem_alloc : memref<!tpu.dma_semaphore, #tpu.memory_space<semaphore_mem>>
        %dma_start3A_39 = arith.constant 0 : i32
        %dma_start3A_40 = tpu.memref_slice %arg11[%mul3A_38, %dma_start3A_39] : memref<10000x128xf32, #tpu.memory_space<vmem_shared>> -> memref<400x128xf32, #tpu.memory_space<vmem_shared>>
        %dma_start3A_41 = arith.constant 0 : i32
        %dma_start3A_42 = tpu.memref_slice %arg4[%mul3A_36, %dma_start3A_41] : memref<10000x128xf32, #tpu.memory_space<hbm>> -> memref<400x128xf32, #tpu.memory_space<hbm>>
        tpu.enqueue_dma source(%dma_start3A_42 : memref<400x128xf32, #tpu.memory_space<hbm>>) target(%dma_start3A_40 : memref<400x128xf32, #tpu.memory_space<vmem_shared>>) target_semaphore(%run_scoped3A : memref<!tpu.dma_semaphore, #tpu.memory_space<semaphore_mem>>)
        %dma_wait3A = arith.constant 0 : i32
        %dma_wait3A_43 = tpu.memref_slice %arg11[%mul3A_38, %dma_wait3A] : memref<10000x128xf32, #tpu.memory_space<vmem_shared>> -> memref<400x128xf32, #tpu.memory_space<vmem_shared>>
        %dma_wait3A_44 = arith.constant 0 : i32
        %dma_wait3A_45 = tpu.memref_slice %arg4[%mul3A_36, %dma_wait3A_44] : memref<10000x128xf32, #tpu.memory_space<hbm>> -> memref<400x128xf32, #tpu.memory_space<hbm>>
        tpu.wait_dma2 semaphore(%run_scoped3A : memref<!tpu.dma_semaphore, #tpu.memory_space<semaphore_mem>>) src(%dma_wait3A_45 : memref<400x128xf32, #tpu.memory_space<hbm>>) dst(%dma_wait3A_43 : memref<400x128xf32, #tpu.memory_space<vmem_shared>>)
        tpu.yield
      }) : () -> ()
    } else {
    }
    %add3A_4 = arith.constant 16 : i32
    %add3A_5 = arith.addi %add3A_4, %arg1 : i32
    %lt3A_6 = arith.constant 25 : i32
    %lt3A_7 = arith.cmpi slt, %add3A_5, %lt3A_6 : i32
    %convert_element_type3A_8 = arith.extui %lt3A_7 : i1 to i32
    %cond3A_9 = arith.constant 0 : i32
    %cond3A_10 = arith.cmpi ne, %convert_element_type3A_8, %cond3A_9 : i32
    scf.if %cond3A_10 {
      %mul3A_35 = arith.constant 400 : i32
      %mul3A_36 = arith.muli %add3A_5, %mul3A_35 : i32
      %mul3A_37 = arith.constant 400 : i32
      %mul3A_38 = arith.muli %add3A_5, %mul3A_37 : i32
      "tpu.region"() ({
        %run_scoped3A = tpu.sem_alloc : memref<!tpu.dma_semaphore, #tpu.memory_space<semaphore_mem>>
        %dma_start3A_39 = arith.constant 0 : i32
        %dma_start3A_40 = tpu.memref_slice %arg11[%mul3A_38, %dma_start3A_39] : memref<10000x128xf32, #tpu.memory_space<vmem_shared>> -> memref<400x128xf32, #tpu.memory_space<vmem_shared>>
        %dma_start3A_41 = arith.constant 0 : i32
        %dma_start3A_42 = tpu.memref_slice %arg4[%mul3A_36, %dma_start3A_41] : memref<10000x128xf32, #tpu.memory_space<hbm>> -> memref<400x128xf32, #tpu.memory_space<hbm>>
        tpu.enqueue_dma source(%dma_start3A_42 : memref<400x128xf32, #tpu.memory_space<hbm>>) target(%dma_start3A_40 : memref<400x128xf32, #tpu.memory_space<vmem_shared>>) target_semaphore(%run_scoped3A : memref<!tpu.dma_semaphore, #tpu.memory_space<semaphore_mem>>)
        %dma_wait3A = arith.constant 0 : i32
        %dma_wait3A_43 = tpu.memref_slice %arg11[%mul3A_38, %dma_wait3A] : memref<10000x128xf32, #tpu.memory_space<vmem_shared>> -> memref<400x128xf32, #tpu.memory_space<vmem_shared>>
        %dma_wait3A_44 = arith.constant 0 : i32
        %dma_wait3A_45 = tpu.memref_slice %arg4[%mul3A_36, %dma_wait3A_44] : memref<10000x128xf32, #tpu.memory_space<hbm>> -> memref<400x128xf32, #tpu.memory_space<hbm>>
        tpu.wait_dma2 semaphore(%run_scoped3A : memref<!tpu.dma_semaphore, #tpu.memory_space<semaphore_mem>>) src(%dma_wait3A_45 : memref<400x128xf32, #tpu.memory_space<hbm>>) dst(%dma_wait3A_43 : memref<400x128xf32, #tpu.memory_space<vmem_shared>>)
        tpu.yield
      }) : () -> ()
    } else {
    }
    %mul3A_11 = arith.constant 4000 : i32
    %mul3A_12 = arith.muli %arg1, %mul3A_11 : i32
    %add3A_13 = arith.constant 0 : i32
    %add3A_14 = arith.addi %mul3A_12, %add3A_13 : i32
    %dma_start3A = tpu.memref_slice %arg3[%add3A_14, %mul3A_0] : memref<64000x256xf32, #tpu.memory_space<hbm>> -> memref<80x128xf32, #tpu.memory_space<hbm>>
    %dma_start3A_15 = tpu.memref_slice %arg3[%add3A_14, %mul3A_0] : memref<64000x256xf32, #tpu.memory_space<hbm>> -> memref<80x128xf32, #tpu.memory_space<hbm>>
    tpu.enqueue_dma source(%dma_start3A_15 : memref<80x128xf32, #tpu.memory_space<hbm>>) target(%arg7 : memref<80x128xf32, #tpu.memory_space<vmem>>) target_semaphore(%arg9 : memref<!tpu.dma_semaphore, #tpu.memory_space<semaphore_mem>>)
    %barrier3A = arith.constant 0 : index
    tpu.barrier barrier_id(%barrier3A)
    %scan3A = arith.constant 0 : i32
    %scan3A_16 = arith.constant 25 : i32
    %scan3A_17 = arith.addi %scan3A, %scan3A_16 : i32
    %scan3A_18 = arith.constant 1 : i32
    scf.for %scan3A_35 = %scan3A to %scan3A_17 step %scan3A_18  : i32 {
      %mul3A_36 = arith.constant 1 : i32
      %mul3A_37 = arith.muli %scan3A_35, %mul3A_36 : i32
      %add3A_38 = arith.constant 0 : i32
      %add3A_39 = arith.addi %add3A_38, %mul3A_37 : i32
      %mul3A_40 = arith.constant 2 : i32
      %mul3A_41 = arith.muli %add3A_39, %mul3A_40 : i32
      %add3A_42 = arith.constant 0 : i32
      %add3A_43 = arith.addi %mul3A_41, %add3A_42 : i32
      %add3A_44 = arith.constant 1 : i32
      %add3A_45 = arith.addi %add3A_43, %add3A_44 : i32
      %lt3A_46 = arith.constant 50 : i32
      %lt3A_47 = arith.cmpi slt, %add3A_45, %lt3A_46 : i32
      %convert_element_type3A_48 = arith.extui %lt3A_47 : i1 to i32
      %cond3A_49 = arith.constant 0 : i32
      %cond3A_50 = arith.cmpi ne, %convert_element_type3A_48, %cond3A_49 : i32
      scf.if %cond3A_50 {
        %add3A_75 = arith.constant 1 : i32
        %add3A_76 = arith.addi %add3A_43, %add3A_75 : i32
        %mul3A_77 = arith.constant 4000 : i32
        %mul3A_78 = arith.muli %arg1, %mul3A_77 : i32
        %mul3A_79 = arith.constant 80 : i32
        %mul3A_80 = arith.muli %add3A_76, %mul3A_79 : i32
        %add3A_81 = arith.addi %mul3A_78, %mul3A_80 : i32
        %dma_start3A_82 = tpu.memref_slice %arg3[%add3A_81, %mul3A_0] : memref<64000x256xf32, #tpu.memory_space<hbm>> -> memref<80x128xf32, #tpu.memory_space<hbm>>
        %dma_start3A_83 = tpu.memref_slice %arg3[%add3A_81, %mul3A_0] : memref<64000x256xf32, #tpu.memory_space<hbm>> -> memref<80x128xf32, #tpu.memory_space<hbm>>
        tpu.enqueue_dma source(%dma_start3A_83 : memref<80x128xf32, #tpu.memory_space<hbm>>) target(%arg8 : memref<80x128xf32, #tpu.memory_space<vmem>>) target_semaphore(%arg10 : memref<!tpu.dma_semaphore, #tpu.memory_space<semaphore_mem>>)
      } else {
      }
      %mul3A_51 = arith.constant 4000 : i32
      %mul3A_52 = arith.muli %arg1, %mul3A_51 : i32
      %mul3A_53 = arith.constant 80 : i32
      %mul3A_54 = arith.muli %add3A_43, %mul3A_53 : i32
      %add3A_55 = arith.addi %mul3A_52, %mul3A_54 : i32
      %dma_wait3A = tpu.memref_slice %arg3[%add3A_55, %mul3A_0] : memref<64000x256xf32, #tpu.memory_space<hbm>> -> memref<80x128xf32, #tpu.memory_space<hbm>>
      %dma_wait3A_56 = tpu.memref_slice %arg3[%add3A_55, %mul3A_0] : memref<64000x256xf32, #tpu.memory_space<hbm>> -> memref<80x128xf32, #tpu.memory_space<hbm>>
      tpu.wait_dma2 semaphore(%arg9 : memref<!tpu.dma_semaphore, #tpu.memory_space<semaphore_mem>>) src(%dma_wait3A_56 : memref<80x128xf32, #tpu.memory_space<hbm>>) dst(%arg7 : memref<80x128xf32, #tpu.memory_space<vmem>>)
      "tpu.region"() ({
        %run_scoped3A = tpu.sem_alloc : memref<!tpu.dma_semaphore, #tpu.memory_space<semaphore_mem>>
        %dma_start3A_75 = arith.constant 0 : i32
        %dma_start3A_76 = tpu.memref_slice %arg6[%add3A_43, %dma_start3A_75] : memref<50x80xi32, #tpu.memory_space<vmem>> -> memref<1x80xi32, #tpu.memory_space<vmem>>
        %dma_start3A_77 = tpu.memref_squeeze %dma_start3A_76 : memref<1x80xi32, #tpu.memory_space<vmem>> -> memref<80xi32, #tpu.memory_space<vmem>>
        %dma_start3A_78 = arith.constant 0 : i32
        %dma_start3A_79 = arith.constant 0 : i32
        %dma_start3A_80 = tpu.memref_slice %arg11[%dma_start3A_78, %dma_start3A_79] : memref<10000x128xf32, #tpu.memory_space<vmem_shared>> -> memref<10000x128xf32, #tpu.memory_space<vmem_shared>>
        tpu.enqueue_indirect_dma source(%arg7 : memref<80x128xf32, #tpu.memory_space<vmem>>) target(%dma_start3A_80 : memref<10000x128xf32, #tpu.memory_space<vmem_shared>>) offsets(%dma_start3A_77 : memref<80xi32, #tpu.memory_space<vmem>>) semaphore(%run_scoped3A : memref<!tpu.dma_semaphore, #tpu.memory_space<semaphore_mem>>) {add = true}
        %dma_wait3A_81 = arith.constant 0 : i32
        %dma_wait3A_82 = tpu.memref_slice %arg6[%add3A_43, %dma_wait3A_81] : memref<50x80xi32, #tpu.memory_space<vmem>> -> memref<1x80xi32, #tpu.memory_space<vmem>>
        %dma_wait3A_83 = tpu.memref_squeeze %dma_wait3A_82 : memref<1x80xi32, #tpu.memory_space<vmem>> -> memref<80xi32, #tpu.memory_space<vmem>>
        %dma_wait3A_84 = arith.constant 0 : i32
        %dma_wait3A_85 = arith.constant 0 : i32
        %dma_wait3A_86 = tpu.memref_slice %arg11[%dma_wait3A_84, %dma_wait3A_85] : memref<10000x128xf32, #tpu.memory_space<vmem_shared>> -> memref<10000x128xf32, #tpu.memory_space<vmem_shared>>
        tpu.wait_indirect_dma semaphore(%run_scoped3A : memref<!tpu.dma_semaphore, #tpu.memory_space<semaphore_mem>>) src(%arg7 : memref<80x128xf32, #tpu.memory_space<vmem>>) dst(%dma_wait3A_86 : memref<10000x128xf32, #tpu.memory_space<vmem_shared>>)
        tpu.yield
      }) : () -> ()
      %mul3A_57 = arith.constant 2 : i32
      %mul3A_58 = arith.muli %add3A_39, %mul3A_57 : i32
      %add3A_59 = arith.constant 1 : i32
      %add3A_60 = arith.addi %mul3A_58, %add3A_59 : i32
      %add3A_61 = arith.constant 1 : i32
      %add3A_62 = arith.addi %add3A_60, %add3A_61 : i32
      %lt3A_63 = arith.constant 50 : i32
      %lt3A_64 = arith.cmpi slt, %add3A_62, %lt3A_63 : i32
      %convert_element_type3A_65 = arith.extui %lt3A_64 : i1 to i32
      %cond3A_66 = arith.constant 0 : i32
      %cond3A_67 = arith.cmpi ne, %convert_element_type3A_65, %cond3A_66 : i32
      scf.if %cond3A_67 {
        %add3A_75 = arith.constant 1 : i32
        %add3A_76 = arith.addi %add3A_60, %add3A_75 : i32
        %mul3A_77 = arith.constant 4000 : i32
        %mul3A_78 = arith.muli %arg1, %mul3A_77 : i32
        %mul3A_79 = arith.constant 80 : i32
        %mul3A_80 = arith.muli %add3A_76, %mul3A_79 : i32
        %add3A_81 = arith.addi %mul3A_78, %mul3A_80 : i32
        %dma_start3A_82 = tpu.memref_slice %arg3[%add3A_81, %mul3A_0] : memref<64000x256xf32, #tpu.memory_space<hbm>> -> memref<80x128xf32, #tpu.memory_space<hbm>>
        %dma_start3A_83 = tpu.memref_slice %arg3[%add3A_81, %mul3A_0] : memref<64000x256xf32, #tpu.memory_space<hbm>> -> memref<80x128xf32, #tpu.memory_space<hbm>>
        tpu.enqueue_dma source(%dma_start3A_83 : memref<80x128xf32, #tpu.memory_space<hbm>>) target(%arg7 : memref<80x128xf32, #tpu.memory_space<vmem>>) target_semaphore(%arg9 : memref<!tpu.dma_semaphore, #tpu.memory_space<semaphore_mem>>)
      } else {
      }
      %mul3A_68 = arith.constant 4000 : i32
      %mul3A_69 = arith.muli %arg1, %mul3A_68 : i32
      %mul3A_70 = arith.constant 80 : i32
      %mul3A_71 = arith.muli %add3A_60, %mul3A_70 : i32
      %add3A_72 = arith.addi %mul3A_69, %mul3A_71 : i32
      %dma_wait3A_73 = tpu.memref_slice %arg3[%add3A_72, %mul3A_0] : memref<64000x256xf32, #tpu.memory_space<hbm>> -> memref<80x128xf32, #tpu.memory_space<hbm>>
      %dma_wait3A_74 = tpu.memref_slice %arg3[%add3A_72, %mul3A_0] : memref<64000x256xf32, #tpu.memory_space<hbm>> -> memref<80x128xf32, #tpu.memory_space<hbm>>
      tpu.wait_dma2 semaphore(%arg10 : memref<!tpu.dma_semaphore, #tpu.memory_space<semaphore_mem>>) src(%dma_wait3A_74 : memref<80x128xf32, #tpu.memory_space<hbm>>) dst(%arg8 : memref<80x128xf32, #tpu.memory_space<vmem>>)
      "tpu.region"() ({
        %run_scoped3A = tpu.sem_alloc : memref<!tpu.dma_semaphore, #tpu.memory_space<semaphore_mem>>
        %dma_start3A_75 = arith.constant 0 : i32
        %dma_start3A_76 = tpu.memref_slice %arg6[%add3A_60, %dma_start3A_75] : memref<50x80xi32, #tpu.memory_space<vmem>> -> memref<1x80xi32, #tpu.memory_space<vmem>>
        %dma_start3A_77 = tpu.memref_squeeze %dma_start3A_76 : memref<1x80xi32, #tpu.memory_space<vmem>> -> memref<80xi32, #tpu.memory_space<vmem>>
        %dma_start3A_78 = arith.constant 0 : i32
        %dma_start3A_79 = arith.constant 0 : i32
        %dma_start3A_80 = tpu.memref_slice %arg11[%dma_start3A_78, %dma_start3A_79] : memref<10000x128xf32, #tpu.memory_space<vmem_shared>> -> memref<10000x128xf32, #tpu.memory_space<vmem_shared>>
        tpu.enqueue_indirect_dma source(%arg8 : memref<80x128xf32, #tpu.memory_space<vmem>>) target(%dma_start3A_80 : memref<10000x128xf32, #tpu.memory_space<vmem_shared>>) offsets(%dma_start3A_77 : memref<80xi32, #tpu.memory_space<vmem>>) semaphore(%run_scoped3A : memref<!tpu.dma_semaphore, #tpu.memory_space<semaphore_mem>>) {add = true}
        %dma_wait3A_81 = arith.constant 0 : i32
        %dma_wait3A_82 = tpu.memref_slice %arg6[%add3A_60, %dma_wait3A_81] : memref<50x80xi32, #tpu.memory_space<vmem>> -> memref<1x80xi32, #tpu.memory_space<vmem>>
        %dma_wait3A_83 = tpu.memref_squeeze %dma_wait3A_82 : memref<1x80xi32, #tpu.memory_space<vmem>> -> memref<80xi32, #tpu.memory_space<vmem>>
        %dma_wait3A_84 = arith.constant 0 : i32
        %dma_wait3A_85 = arith.constant 0 : i32
        %dma_wait3A_86 = tpu.memref_slice %arg11[%dma_wait3A_84, %dma_wait3A_85] : memref<10000x128xf32, #tpu.memory_space<vmem_shared>> -> memref<10000x128xf32, #tpu.memory_space<vmem_shared>>
        tpu.wait_indirect_dma semaphore(%run_scoped3A : memref<!tpu.dma_semaphore, #tpu.memory_space<semaphore_mem>>) src(%arg8 : memref<80x128xf32, #tpu.memory_space<vmem>>) dst(%dma_wait3A_86 : memref<10000x128xf32, #tpu.memory_space<vmem_shared>>)
        tpu.yield
      }) : () -> ()
    }
    %scan3A_19 = arith.constant 25 : i32
    %barrier3A_20 = arith.constant 0 : index
    tpu.barrier barrier_id(%barrier3A_20)
    %add3A_21 = arith.constant 0 : i32
    %add3A_22 = arith.addi %add3A_21, %arg1 : i32
    %lt3A_23 = arith.constant 25 : i32
    %lt3A_24 = arith.cmpi slt, %add3A_22, %lt3A_23 : i32
    %convert_element_type3A_25 = arith.extui %lt3A_24 : i1 to i32
    %cond3A_26 = arith.constant 0 : i32
    %cond3A_27 = arith.cmpi ne, %convert_element_type3A_25, %cond3A_26 : i32
    scf.if %cond3A_27 {
      %mul3A_35 = arith.constant 400 : i32
      %mul3A_36 = arith.muli %add3A_22, %mul3A_35 : i32
      %mul3A_37 = arith.constant 400 : i32
      %mul3A_38 = arith.muli %add3A_22, %mul3A_37 : i32
      "tpu.region"() ({
        %run_scoped3A = tpu.sem_alloc : memref<!tpu.dma_semaphore, #tpu.memory_space<semaphore_mem>>
        %dma_start3A_39 = tpu.memref_slice %arg5[%mul3A_38, %mul3A_0] : memref<10000x256xf32, #tpu.memory_space<hbm>> -> memref<400x128xf32, #tpu.memory_space<hbm>>
        %dma_start3A_40 = arith.constant 0 : i32
        %dma_start3A_41 = tpu.memref_slice %arg11[%mul3A_36, %dma_start3A_40] : memref<10000x128xf32, #tpu.memory_space<vmem_shared>> -> memref<400x128xf32, #tpu.memory_space<vmem_shared>>
        tpu.enqueue_dma source(%dma_start3A_41 : memref<400x128xf32, #tpu.memory_space<vmem_shared>>) target(%dma_start3A_39 : memref<400x128xf32, #tpu.memory_space<hbm>>) target_semaphore(%run_scoped3A : memref<!tpu.dma_semaphore, #tpu.memory_space<semaphore_mem>>)
        %dma_wait3A = tpu.memref_slice %arg5[%mul3A_38, %mul3A_0] : memref<10000x256xf32, #tpu.memory_space<hbm>> -> memref<400x128xf32, #tpu.memory_space<hbm>>
        %dma_wait3A_42 = arith.constant 0 : i32
        %dma_wait3A_43 = tpu.memref_slice %arg11[%mul3A_36, %dma_wait3A_42] : memref<10000x128xf32, #tpu.memory_space<vmem_shared>> -> memref<400x128xf32, #tpu.memory_space<vmem_shared>>
        tpu.wait_dma2 semaphore(%run_scoped3A : memref<!tpu.dma_semaphore, #tpu.memory_space<semaphore_mem>>) src(%dma_wait3A_43 : memref<400x128xf32, #tpu.memory_space<vmem_shared>>) dst(%dma_wait3A : memref<400x128xf32, #tpu.memory_space<hbm>>)
        tpu.yield
      }) : () -> ()
    } else {
    }
    %add3A_28 = arith.constant 16 : i32
    %add3A_29 = arith.addi %add3A_28, %arg1 : i32
    %lt3A_30 = arith.constant 25 : i32
    %lt3A_31 = arith.cmpi slt, %add3A_29, %lt3A_30 : i32
    %convert_element_type3A_32 = arith.extui %lt3A_31 : i1 to i32
    %cond3A_33 = arith.constant 0 : i32
    %cond3A_34 = arith.cmpi ne, %convert_element_type3A_32, %cond3A_33 : i32
    scf.if %cond3A_34 {
      %mul3A_35 = arith.constant 400 : i32
      %mul3A_36 = arith.muli %add3A_29, %mul3A_35 : i32
      %mul3A_37 = arith.constant 400 : i32
      %mul3A_38 = arith.muli %add3A_29, %mul3A_37 : i32
      "tpu.region"() ({
        %run_scoped3A = tpu.sem_alloc : memref<!tpu.dma_semaphore, #tpu.memory_space<semaphore_mem>>
        %dma_start3A_39 = tpu.memref_slice %arg5[%mul3A_38, %mul3A_0] : memref<10000x256xf32, #tpu.memory_space<hbm>> -> memref<400x128xf32, #tpu.memory_space<hbm>>
        %dma_start3A_40 = arith.constant 0 : i32
        %dma_start3A_41 = tpu.memref_slice %arg11[%mul3A_36, %dma_start3A_40] : memref<10000x128xf32, #tpu.memory_space<vmem_shared>> -> memref<400x128xf32, #tpu.memory_space<vmem_shared>>
        tpu.enqueue_dma source(%dma_start3A_41 : memref<400x128xf32, #tpu.memory_space<vmem_shared>>) target(%dma_start3A_39 : memref<400x128xf32, #tpu.memory_space<hbm>>) target_semaphore(%run_scoped3A : memref<!tpu.dma_semaphore, #tpu.memory_space<semaphore_mem>>)
        %dma_wait3A = tpu.memref_slice %arg5[%mul3A_38, %mul3A_0] : memref<10000x256xf32, #tpu.memory_space<hbm>> -> memref<400x128xf32, #tpu.memory_space<hbm>>
        %dma_wait3A_42 = arith.constant 0 : i32
        %dma_wait3A_43 = tpu.memref_slice %arg11[%mul3A_36, %dma_wait3A_42] : memref<10000x128xf32, #tpu.memory_space<vmem_shared>> -> memref<400x128xf32, #tpu.memory_space<vmem_shared>>
        tpu.wait_dma2 semaphore(%run_scoped3A : memref<!tpu.dma_semaphore, #tpu.memory_space<semaphore_mem>>) src(%dma_wait3A_43 : memref<400x128xf32, #tpu.memory_space<vmem_shared>>) dst(%dma_wait3A : memref<400x128xf32, #tpu.memory_space<hbm>>)
        tpu.yield
      }) : () -> ()
    } else {
    }
    return
  }
}

#map = affine_map<(d0, d1) -> (0, 0, 0)>
#map1 = affine_map<(d0, d1) -> (0, 0)>
module attributes {stable_mosaic.version = 14 : i64} {
  func.func @k(%arg0: i32, %arg1: i32, %arg2: memref<16x50x80xi32, #tpu.memory_space<hbm>>, %arg3: memref<64000x256xf32, #tpu.memory_space<hbm>>, %arg4: memref<10000x128xf32, #tpu.memory_space<hbm>>, %arg5: memref<10000x256xf32, #tpu.memory_space<hbm>>, %arg6: memref<50x80xi32, #tpu.memory_space<vmem>>, %arg7: memref<80x128xf32, #tpu.memory_space<vmem>>, %arg8: memref<80x128xf32, #tpu.memory_space<vmem>>, %arg9: memref<!tpu.dma_semaphore, #tpu.memory_space<semaphore_mem>>, %arg10: memref<!tpu.dma_semaphore, #tpu.memory_space<semaphore_mem>>, %arg11: memref<10000x128xf32, #tpu.memory_space<vmem_shared>>) attributes {dimension_semantics = [#tpu.dimension_semantics<core_parallel>, #tpu.dimension_semantics<subcore_parallel>], iteration_bounds = array<i64: 2, 16>, scalar_prefetch = 0 : i64, scratch_operands = 6 : i64, tpu.core_type = #tpu.core_type<sc_vector_subcore>, window_params = [{transform_indices = #map}, {transform_indices = #map1}, {transform_indices = #map1}, {transform_indices = #map1}]} {
    %mul3A = arith.constant 128 : i32
    %mul3A_0 = arith.muli %arg0, %mul3A : i32
    "tpu.region"() ({
      %run_scoped3A = tpu.sem_alloc : memref<!tpu.dma_semaphore, #tpu.memory_space<semaphore_mem>>
      %dma_start3A_35 = arith.constant 0 : i32
      %dma_start3A_36 = arith.constant 0 : i32
      %dma_start3A_37 = tpu.memref_slice %arg2[%arg1, %dma_start3A_35, %dma_start3A_36] : memref<16x50x80xi32, #tpu.memory_space<hbm>> -> memref<1x50x80xi32, #tpu.memory_space<hbm>>
      %dma_start3A_38 = tpu.memref_squeeze %dma_start3A_37 : memref<1x50x80xi32, #tpu.memory_space<hbm>> -> memref<50x80xi32, #tpu.memory_space<hbm>>
      %dma_start3A_39 = arith.constant 0 : i32
      %dma_start3A_40 = arith.constant 0 : i32
      %dma_start3A_41 = tpu.memref_slice %arg2[%arg1, %dma_start3A_39, %dma_start3A_40] : memref<16x50x80xi32, #tpu.memory_space<hbm>> -> memref<1x50x80xi32, #tpu.memory_space<hbm>>
      %dma_start3A_42 = tpu.memref_squeeze %dma_start3A_41 : memref<1x50x80xi32, #tpu.memory_space<hbm>> -> memref<50x80xi32, #tpu.memory_space<hbm>>
      tpu.enqueue_dma source(%dma_start3A_42 : memref<50x80xi32, #tpu.memory_space<hbm>>) target(%arg6 : memref<50x80xi32, #tpu.memory_space<vmem>>) target_semaphore(%run_scoped3A : memref<!tpu.dma_semaphore, #tpu.memory_space<semaphore_mem>>)
      %dma_wait3A = arith.constant 0 : i32
      %dma_wait3A_43 = arith.constant 0 : i32
      %dma_wait3A_44 = tpu.memref_slice %arg2[%arg1, %dma_wait3A, %dma_wait3A_43] : memref<16x50x80xi32, #tpu.memory_space<hbm>> -> memref<1x50x80xi32, #tpu.memory_space<hbm>>
      %dma_wait3A_45 = tpu.memref_squeeze %dma_wait3A_44 : memref<1x50x80xi32, #tpu.memory_space<hbm>> -> memref<50x80xi32, #tpu.memory_space<hbm>>
      %dma_wait3A_46 = arith.constant 0 : i32
      %dma_wait3A_47 = arith.constant 0 : i32
      %dma_wait3A_48 = tpu.memref_slice %arg2[%arg1, %dma_wait3A_46, %dma_wait3A_47] : memref<16x50x80xi32, #tpu.memory_space<hbm>> -> memref<1x50x80xi32, #tpu.memory_space<hbm>>
      %dma_wait3A_49 = tpu.memref_squeeze %dma_wait3A_48 : memref<1x50x80xi32, #tpu.memory_space<hbm>> -> memref<50x80xi32, #tpu.memory_space<hbm>>
      tpu.wait_dma2 semaphore(%run_scoped3A : memref<!tpu.dma_semaphore, #tpu.memory_space<semaphore_mem>>) src(%dma_wait3A_49 : memref<50x80xi32, #tpu.memory_space<hbm>>) dst(%arg6 : memref<50x80xi32, #tpu.memory_space<vmem>>)
      tpu.yield
    }) : () -> ()
    %add3A = arith.constant 0 : i32
    %add3A_1 = arith.addi %add3A, %arg1 : i32
    %lt3A = arith.constant 25 : i32
    %lt3A_2 = arith.cmpi slt, %add3A_1, %lt3A : i32
    %convert_element_type3A = arith.extui %lt3A_2 : i1 to i32
    %cond3A = arith.constant 0 : i32
    %cond3A_3 = arith.cmpi ne, %convert_element_type3A, %cond3A : i32
    scf.if %cond3A_3 {
      %mul3A_35 = arith.constant 400 : i32
      %mul3A_36 = arith.muli %add3A_1, %mul3A_35 : i32
      %mul3A_37 = arith.constant 400 : i32
      %mul3A_38 = arith.muli %add3A_1, %mul3A_37 : i32
      "tpu.region"() ({
        %run_scoped3A = tpu.sem_alloc : memref<!tpu.dma_semaphore, #tpu.memory_space<semaphore_mem>>
        %dma_start3A_39 = arith.constant 0 : i32
        %dma_start3A_40 = tpu.memref_slice %arg11[%mul3A_38, %dma_start3A_39] : memref<10000x128xf32, #tpu.memory_space<vmem_shared>> -> memref<400x128xf32, #tpu.memory_space<vmem_shared>>
        %dma_start3A_41 = arith.constant 0 : i32
        %dma_start3A_42 = tpu.memref_slice %arg4[%mul3A_36, %dma_start3A_41] : memref<10000x128xf32, #tpu.memory_space<hbm>> -> memref<400x128xf32, #tpu.memory_space<hbm>>
        tpu.enqueue_dma source(%dma_start3A_42 : memref<400x128xf32, #tpu.memory_space<hbm>>) target(%dma_start3A_40 : memref<400x128xf32, #tpu.memory_space<vmem_shared>>) target_semaphore(%run_scoped3A : memref<!tpu.dma_semaphore, #tpu.memory_space<semaphore_mem>>)
        %dma_wait3A = arith.constant 0 : i32
        %dma_wait3A_43 = tpu.memref_slice %arg11[%mul3A_38, %dma_wait3A] : memref<10000x128xf32, #tpu.memory_space<vmem_shared>> -> memref<400x128xf32, #tpu.memory_space<vmem_shared>>
        %dma_wait3A_44 = arith.constant 0 : i32
        %dma_wait3A_45 = tpu.memref_slice %arg4[%mul3A_36, %dma_wait3A_44] : memref<10000x128xf32, #tpu.memory_space<hbm>> -> memref<400x128xf32, #tpu.memory_space<hbm>>
        tpu.wait_dma2 semaphore(%run_scoped3A : memref<!tpu.dma_semaphore, #tpu.memory_space<semaphore_mem>>) src(%dma_wait3A_45 : memref<400x128xf32, #tpu.memory_space<hbm>>) dst(%dma_wait3A_43 : memref<400x128xf32, #tpu.memory_space<vmem_shared>>)
        tpu.yield
      }) : () -> ()
    } else {
    }
    %add3A_4 = arith.constant 16 : i32
    %add3A_5 = arith.addi %add3A_4, %arg1 : i32
    %lt3A_6 = arith.constant 25 : i32
    %lt3A_7 = arith.cmpi slt, %add3A_5, %lt3A_6 : i32
    %convert_element_type3A_8 = arith.extui %lt3A_7 : i1 to i32
    %cond3A_9 = arith.constant 0 : i32
    %cond3A_10 = arith.cmpi ne, %convert_element_type3A_8, %cond3A_9 : i32
    scf.if %cond3A_10 {
      %mul3A_35 = arith.constant 400 : i32
      %mul3A_36 = arith.muli %add3A_5, %mul3A_35 : i32
      %mul3A_37 = arith.constant 400 : i32
      %mul3A_38 = arith.muli %add3A_5, %mul3A_37 : i32
      "tpu.region"() ({
        %run_scoped3A = tpu.sem_alloc : memref<!tpu.dma_semaphore, #tpu.memory_space<semaphore_mem>>
        %dma_start3A_39 = arith.constant 0 : i32
        %dma_start3A_40 = tpu.memref_slice %arg11[%mul3A_38, %dma_start3A_39] : memref<10000x128xf32, #tpu.memory_space<vmem_shared>> -> memref<400x128xf32, #tpu.memory_space<vmem_shared>>
        %dma_start3A_41 = arith.constant 0 : i32
        %dma_start3A_42 = tpu.memref_slice %arg4[%mul3A_36, %dma_start3A_41] : memref<10000x128xf32, #tpu.memory_space<hbm>> -> memref<400x128xf32, #tpu.memory_space<hbm>>
        tpu.enqueue_dma source(%dma_start3A_42 : memref<400x128xf32, #tpu.memory_space<hbm>>) target(%dma_start3A_40 : memref<400x128xf32, #tpu.memory_space<vmem_shared>>) target_semaphore(%run_scoped3A : memref<!tpu.dma_semaphore, #tpu.memory_space<semaphore_mem>>)
        %dma_wait3A = arith.constant 0 : i32
        %dma_wait3A_43 = tpu.memref_slice %arg11[%mul3A_38, %dma_wait3A] : memref<10000x128xf32, #tpu.memory_space<vmem_shared>> -> memref<400x128xf32, #tpu.memory_space<vmem_shared>>
        %dma_wait3A_44 = arith.constant 0 : i32
        %dma_wait3A_45 = tpu.memref_slice %arg4[%mul3A_36, %dma_wait3A_44] : memref<10000x128xf32, #tpu.memory_space<hbm>> -> memref<400x128xf32, #tpu.memory_space<hbm>>
        tpu.wait_dma2 semaphore(%run_scoped3A : memref<!tpu.dma_semaphore, #tpu.memory_space<semaphore_mem>>) src(%dma_wait3A_45 : memref<400x128xf32, #tpu.memory_space<hbm>>) dst(%dma_wait3A_43 : memref<400x128xf32, #tpu.memory_space<vmem_shared>>)
        tpu.yield
      }) : () -> ()
    } else {
    }
    %mul3A_11 = arith.constant 4000 : i32
    %mul3A_12 = arith.muli %arg1, %mul3A_11 : i32
    %add3A_13 = arith.constant 0 : i32
    %add3A_14 = arith.addi %mul3A_12, %add3A_13 : i32
    %dma_start3A = tpu.memref_slice %arg3[%add3A_14, %mul3A_0] : memref<64000x256xf32, #tpu.memory_space<hbm>> -> memref<80x128xf32, #tpu.memory_space<hbm>>
    %dma_start3A_15 = tpu.memref_slice %arg3[%add3A_14, %mul3A_0] : memref<64000x256xf32, #tpu.memory_space<hbm>> -> memref<80x128xf32, #tpu.memory_space<hbm>>
    tpu.enqueue_dma source(%dma_start3A_15 : memref<80x128xf32, #tpu.memory_space<hbm>>) target(%arg7 : memref<80x128xf32, #tpu.memory_space<vmem>>) target_semaphore(%arg9 : memref<!tpu.dma_semaphore, #tpu.memory_space<semaphore_mem>>)
    %barrier3A = arith.constant 0 : index
    tpu.barrier barrier_id(%barrier3A)
    %scan3A = arith.constant 0 : i32
    %scan3A_16 = arith.constant 25 : i32
    %scan3A_17 = arith.addi %scan3A, %scan3A_16 : i32
    %scan3A_18 = arith.constant 1 : i32
    scf.for %scan3A_35 = %scan3A to %scan3A_17 step %scan3A_18  : i32 {
      %mul3A_36 = arith.constant 1 : i32
      %mul3A_37 = arith.muli %scan3A_35, %mul3A_36 : i32
      %add3A_38 = arith.constant 0 : i32
      %add3A_39 = arith.addi %add3A_38, %mul3A_37 : i32
      %mul3A_40 = arith.constant 2 : i32
      %mul3A_41 = arith.muli %add3A_39, %mul3A_40 : i32
      %add3A_42 = arith.constant 0 : i32
      %add3A_43 = arith.addi %mul3A_41, %add3A_42 : i32
      %add3A_44 = arith.constant 1 : i32
      %add3A_45 = arith.addi %add3A_43, %add3A_44 : i32
      %lt3A_46 = arith.constant 50 : i32
      %lt3A_47 = arith.cmpi slt, %add3A_45, %lt3A_46 : i32
      %convert_element_type3A_48 = arith.extui %lt3A_47 : i1 to i32
      %cond3A_49 = arith.constant 0 : i32
      %cond3A_50 = arith.cmpi ne, %convert_element_type3A_48, %cond3A_49 : i32
      scf.if %cond3A_50 {
        %add3A_75 = arith.constant 1 : i32
        %add3A_76 = arith.addi %add3A_43, %add3A_75 : i32
        %mul3A_77 = arith.constant 4000 : i32
        %mul3A_78 = arith.muli %arg1, %mul3A_77 : i32
        %mul3A_79 = arith.constant 80 : i32
        %mul3A_80 = arith.muli %add3A_76, %mul3A_79 : i32
        %add3A_81 = arith.addi %mul3A_78, %mul3A_80 : i32
        %dma_start3A_82 = tpu.memref_slice %arg3[%add3A_81, %mul3A_0] : memref<64000x256xf32, #tpu.memory_space<hbm>> -> memref<80x128xf32, #tpu.memory_space<hbm>>
        %dma_start3A_83 = tpu.memref_slice %arg3[%add3A_81, %mul3A_0] : memref<64000x256xf32, #tpu.memory_space<hbm>> -> memref<80x128xf32, #tpu.memory_space<hbm>>
        tpu.enqueue_dma source(%dma_start3A_83 : memref<80x128xf32, #tpu.memory_space<hbm>>) target(%arg8 : memref<80x128xf32, #tpu.memory_space<vmem>>) target_semaphore(%arg10 : memref<!tpu.dma_semaphore, #tpu.memory_space<semaphore_mem>>)
      } else {
      }
      %mul3A_51 = arith.constant 4000 : i32
      %mul3A_52 = arith.muli %arg1, %mul3A_51 : i32
      %mul3A_53 = arith.constant 80 : i32
      %mul3A_54 = arith.muli %add3A_43, %mul3A_53 : i32
      %add3A_55 = arith.addi %mul3A_52, %mul3A_54 : i32
      %dma_wait3A = tpu.memref_slice %arg3[%add3A_55, %mul3A_0] : memref<64000x256xf32, #tpu.memory_space<hbm>> -> memref<80x128xf32, #tpu.memory_space<hbm>>
      %dma_wait3A_56 = tpu.memref_slice %arg3[%add3A_55, %mul3A_0] : memref<64000x256xf32, #tpu.memory_space<hbm>> -> memref<80x128xf32, #tpu.memory_space<hbm>>
      tpu.wait_dma2 semaphore(%arg9 : memref<!tpu.dma_semaphore, #tpu.memory_space<semaphore_mem>>) src(%dma_wait3A_56 : memref<80x128xf32, #tpu.memory_space<hbm>>) dst(%arg7 : memref<80x128xf32, #tpu.memory_space<vmem>>)
      "tpu.region"() ({
        %run_scoped3A = tpu.sem_alloc : memref<!tpu.dma_semaphore, #tpu.memory_space<semaphore_mem>>
        %dma_start3A_75 = arith.constant 0 : i32
        %dma_start3A_76 = tpu.memref_slice %arg6[%add3A_43, %dma_start3A_75] : memref<50x80xi32, #tpu.memory_space<vmem>> -> memref<1x80xi32, #tpu.memory_space<vmem>>
        %dma_start3A_77 = tpu.memref_squeeze %dma_start3A_76 : memref<1x80xi32, #tpu.memory_space<vmem>> -> memref<80xi32, #tpu.memory_space<vmem>>
        %dma_start3A_78 = arith.constant 0 : i32
        %dma_start3A_79 = arith.constant 0 : i32
        %dma_start3A_80 = tpu.memref_slice %arg11[%dma_start3A_78, %dma_start3A_79] : memref<10000x128xf32, #tpu.memory_space<vmem_shared>> -> memref<10000x128xf32, #tpu.memory_space<vmem_shared>>
        tpu.enqueue_indirect_dma source(%arg7 : memref<80x128xf32, #tpu.memory_space<vmem>>) target(%dma_start3A_80 : memref<10000x128xf32, #tpu.memory_space<vmem_shared>>) offsets(%dma_start3A_77 : memref<80xi32, #tpu.memory_space<vmem>>) semaphore(%run_scoped3A : memref<!tpu.dma_semaphore, #tpu.memory_space<semaphore_mem>>) {add = true}
        %dma_wait3A_81 = arith.constant 0 : i32
        %dma_wait3A_82 = tpu.memref_slice %arg6[%add3A_43, %dma_wait3A_81] : memref<50x80xi32, #tpu.memory_space<vmem>> -> memref<1x80xi32, #tpu.memory_space<vmem>>
        %dma_wait3A_83 = tpu.memref_squeeze %dma_wait3A_82 : memref<1x80xi32, #tpu.memory_space<vmem>> -> memref<80xi32, #tpu.memory_space<vmem>>
        %dma_wait3A_84 = arith.constant 0 : i32
        %dma_wait3A_85 = arith.constant 0 : i32
        %dma_wait3A_86 = tpu.memref_slice %arg11[%dma_wait3A_84, %dma_wait3A_85] : memref<10000x128xf32, #tpu.memory_space<vmem_shared>> -> memref<10000x128xf32, #tpu.memory_space<vmem_shared>>
        tpu.wait_indirect_dma semaphore(%run_scoped3A : memref<!tpu.dma_semaphore, #tpu.memory_space<semaphore_mem>>) src(%arg7 : memref<80x128xf32, #tpu.memory_space<vmem>>) dst(%dma_wait3A_86 : memref<10000x128xf32, #tpu.memory_space<vmem_shared>>)
        tpu.yield
      }) : () -> ()
      %mul3A_57 = arith.constant 2 : i32
      %mul3A_58 = arith.muli %add3A_39, %mul3A_57 : i32
      %add3A_59 = arith.constant 1 : i32
      %add3A_60 = arith.addi %mul3A_58, %add3A_59 : i32
      %add3A_61 = arith.constant 1 : i32
      %add3A_62 = arith.addi %add3A_60, %add3A_61 : i32
      %lt3A_63 = arith.constant 50 : i32
      %lt3A_64 = arith.cmpi slt, %add3A_62, %lt3A_63 : i32
      %convert_element_type3A_65 = arith.extui %lt3A_64 : i1 to i32
      %cond3A_66 = arith.constant 0 : i32
      %cond3A_67 = arith.cmpi ne, %convert_element_type3A_65, %cond3A_66 : i32
      scf.if %cond3A_67 {
        %add3A_75 = arith.constant 1 : i32
        %add3A_76 = arith.addi %add3A_60, %add3A_75 : i32
        %mul3A_77 = arith.constant 4000 : i32
        %mul3A_78 = arith.muli %arg1, %mul3A_77 : i32
        %mul3A_79 = arith.constant 80 : i32
        %mul3A_80 = arith.muli %add3A_76, %mul3A_79 : i32
        %add3A_81 = arith.addi %mul3A_78, %mul3A_80 : i32
        %dma_start3A_82 = tpu.memref_slice %arg3[%add3A_81, %mul3A_0] : memref<64000x256xf32, #tpu.memory_space<hbm>> -> memref<80x128xf32, #tpu.memory_space<hbm>>
        %dma_start3A_83 = tpu.memref_slice %arg3[%add3A_81, %mul3A_0] : memref<64000x256xf32, #tpu.memory_space<hbm>> -> memref<80x128xf32, #tpu.memory_space<hbm>>
        tpu.enqueue_dma source(%dma_start3A_83 : memref<80x128xf32, #tpu.memory_space<hbm>>) target(%arg7 : memref<80x128xf32, #tpu.memory_space<vmem>>) target_semaphore(%arg9 : memref<!tpu.dma_semaphore, #tpu.memory_space<semaphore_mem>>)
      } else {
      }
      %mul3A_68 = arith.constant 4000 : i32
      %mul3A_69 = arith.muli %arg1, %mul3A_68 : i32
      %mul3A_70 = arith.constant 80 : i32
      %mul3A_71 = arith.muli %add3A_60, %mul3A_70 : i32
      %add3A_72 = arith.addi %mul3A_69, %mul3A_71 : i32
      %dma_wait3A_73 = tpu.memref_slice %arg3[%add3A_72, %mul3A_0] : memref<64000x256xf32, #tpu.memory_space<hbm>> -> memref<80x128xf32, #tpu.memory_space<hbm>>
      %dma_wait3A_74 = tpu.memref_slice %arg3[%add3A_72, %mul3A_0] : memref<64000x256xf32, #tpu.memory_space<hbm>> -> memref<80x128xf32, #tpu.memory_space<hbm>>
      tpu.wait_dma2 semaphore(%arg10 : memref<!tpu.dma_semaphore, #tpu.memory_space<semaphore_mem>>) src(%dma_wait3A_74 : memref<80x128xf32, #tpu.memory_space<hbm>>) dst(%arg8 : memref<80x128xf32, #tpu.memory_space<vmem>>)
      "tpu.region"() ({
        %run_scoped3A = tpu.sem_alloc : memref<!tpu.dma_semaphore, #tpu.memory_space<semaphore_mem>>
        %dma_start3A_75 = arith.constant 0 : i32
        %dma_start3A_76 = tpu.memref_slice %arg6[%add3A_60, %dma_start3A_75] : memref<50x80xi32, #tpu.memory_space<vmem>> -> memref<1x80xi32, #tpu.memory_space<vmem>>
        %dma_start3A_77 = tpu.memref_squeeze %dma_start3A_76 : memref<1x80xi32, #tpu.memory_space<vmem>> -> memref<80xi32, #tpu.memory_space<vmem>>
        %dma_start3A_78 = arith.constant 0 : i32
        %dma_start3A_79 = arith.constant 0 : i32
        %dma_start3A_80 = tpu.memref_slice %arg11[%dma_start3A_78, %dma_start3A_79] : memref<10000x128xf32, #tpu.memory_space<vmem_shared>> -> memref<10000x128xf32, #tpu.memory_space<vmem_shared>>
        tpu.enqueue_indirect_dma source(%arg8 : memref<80x128xf32, #tpu.memory_space<vmem>>) target(%dma_start3A_80 : memref<10000x128xf32, #tpu.memory_space<vmem_shared>>) offsets(%dma_start3A_77 : memref<80xi32, #tpu.memory_space<vmem>>) semaphore(%run_scoped3A : memref<!tpu.dma_semaphore, #tpu.memory_space<semaphore_mem>>) {add = true}
        %dma_wait3A_81 = arith.constant 0 : i32
        %dma_wait3A_82 = tpu.memref_slice %arg6[%add3A_60, %dma_wait3A_81] : memref<50x80xi32, #tpu.memory_space<vmem>> -> memref<1x80xi32, #tpu.memory_space<vmem>>
        %dma_wait3A_83 = tpu.memref_squeeze %dma_wait3A_82 : memref<1x80xi32, #tpu.memory_space<vmem>> -> memref<80xi32, #tpu.memory_space<vmem>>
        %dma_wait3A_84 = arith.constant 0 : i32
        %dma_wait3A_85 = arith.constant 0 : i32
        %dma_wait3A_86 = tpu.memref_slice %arg11[%dma_wait3A_84, %dma_wait3A_85] : memref<10000x128xf32, #tpu.memory_space<vmem_shared>> -> memref<10000x128xf32, #tpu.memory_space<vmem_shared>>
        tpu.wait_indirect_dma semaphore(%run_scoped3A : memref<!tpu.dma_semaphore, #tpu.memory_space<semaphore_mem>>) src(%arg8 : memref<80x128xf32, #tpu.memory_space<vmem>>) dst(%dma_wait3A_86 : memref<10000x128xf32, #tpu.memory_space<vmem_shared>>)
        tpu.yield
      }) : () -> ()
    }
    %scan3A_19 = arith.constant 25 : i32
    %barrier3A_20 = arith.constant 0 : index
    tpu.barrier barrier_id(%barrier3A_20)
    %add3A_21 = arith.constant 0 : i32
    %add3A_22 = arith.addi %add3A_21, %arg1 : i32
    %lt3A_23 = arith.constant 25 : i32
    %lt3A_24 = arith.cmpi slt, %add3A_22, %lt3A_23 : i32
    %convert_element_type3A_25 = arith.extui %lt3A_24 : i1 to i32
    %cond3A_26 = arith.constant 0 : i32
    %cond3A_27 = arith.cmpi ne, %convert_element_type3A_25, %cond3A_26 : i32
    scf.if %cond3A_27 {
      %mul3A_35 = arith.constant 400 : i32
      %mul3A_36 = arith.muli %add3A_22, %mul3A_35 : i32
      %mul3A_37 = arith.constant 400 : i32
      %mul3A_38 = arith.muli %add3A_22, %mul3A_37 : i32
      "tpu.region"() ({
        %run_scoped3A = tpu.sem_alloc : memref<!tpu.dma_semaphore, #tpu.memory_space<semaphore_mem>>
        %dma_start3A_39 = tpu.memref_slice %arg5[%mul3A_38, %mul3A_0] : memref<10000x256xf32, #tpu.memory_space<hbm>> -> memref<400x128xf32, #tpu.memory_space<hbm>>
        %dma_start3A_40 = arith.constant 0 : i32
        %dma_start3A_41 = tpu.memref_slice %arg11[%mul3A_36, %dma_start3A_40] : memref<10000x128xf32, #tpu.memory_space<vmem_shared>> -> memref<400x128xf32, #tpu.memory_space<vmem_shared>>
        tpu.enqueue_dma source(%dma_start3A_41 : memref<400x128xf32, #tpu.memory_space<vmem_shared>>) target(%dma_start3A_39 : memref<400x128xf32, #tpu.memory_space<hbm>>) target_semaphore(%run_scoped3A : memref<!tpu.dma_semaphore, #tpu.memory_space<semaphore_mem>>)
        %dma_wait3A = tpu.memref_slice %arg5[%mul3A_38, %mul3A_0] : memref<10000x256xf32, #tpu.memory_space<hbm>> -> memref<400x128xf32, #tpu.memory_space<hbm>>
        %dma_wait3A_42 = arith.constant 0 : i32
        %dma_wait3A_43 = tpu.memref_slice %arg11[%mul3A_36, %dma_wait3A_42] : memref<10000x128xf32, #tpu.memory_space<vmem_shared>> -> memref<400x128xf32, #tpu.memory_space<vmem_shared>>
        tpu.wait_dma2 semaphore(%run_scoped3A : memref<!tpu.dma_semaphore, #tpu.memory_space<semaphore_mem>>) src(%dma_wait3A_43 : memref<400x128xf32, #tpu.memory_space<vmem_shared>>) dst(%dma_wait3A : memref<400x128xf32, #tpu.memory_space<hbm>>)
        tpu.yield
      }) : () -> ()
    } else {
    }
    %add3A_28 = arith.constant 16 : i32
    %add3A_29 = arith.addi %add3A_28, %arg1 : i32
    %lt3A_30 = arith.constant 25 : i32
    %lt3A_31 = arith.cmpi slt, %add3A_29, %lt3A_30 : i32
    %convert_element_type3A_32 = arith.extui %lt3A_31 : i1 to i32
    %cond3A_33 = arith.constant 0 : i32
    %cond3A_34 = arith.cmpi ne, %convert_element_type3A_32, %cond3A_33 : i32
    scf.if %cond3A_34 {
      %mul3A_35 = arith.constant 400 : i32
      %mul3A_36 = arith.muli %add3A_29, %mul3A_35 : i32
      %mul3A_37 = arith.constant 400 : i32
      %mul3A_38 = arith.muli %add3A_29, %mul3A_37 : i32
      "tpu.region"() ({
        %run_scoped3A = tpu.sem_alloc : memref<!tpu.dma_semaphore, #tpu.memory_space<semaphore_mem>>
        %dma_start3A_39 = tpu.memref_slice %arg5[%mul3A_38, %mul3A_0] : memref<10000x256xf32, #tpu.memory_space<hbm>> -> memref<400x128xf32, #tpu.memory_space<hbm>>
        %dma_start3A_40 = arith.constant 0 : i32
        %dma_start3A_41 = tpu.memref_slice %arg11[%mul3A_36, %dma_start3A_40] : memref<10000x128xf32, #tpu.memory_space<vmem_shared>> -> memref<400x128xf32, #tpu.memory_space<vmem_shared>>
        tpu.enqueue_dma source(%dma_start3A_41 : memref<400x128xf32, #tpu.memory_space<vmem_shared>>) target(%dma_start3A_39 : memref<400x128xf32, #tpu.memory_space<hbm>>) target_semaphore(%run_scoped3A : memref<!tpu.dma_semaphore, #tpu.memory_space<semaphore_mem>>)
        %dma_wait3A = tpu.memref_slice %arg5[%mul3A_38, %mul3A_0] : memref<10000x256xf32, #tpu.memory_space<hbm>> -> memref<400x128xf32, #tpu.memory_space<hbm>>
        %dma_wait3A_42 = arith.constant 0 : i32
        %dma_wait3A_43 = tpu.memref_slice %arg11[%mul3A_36, %dma_wait3A_42] : memref<10000x128xf32, #tpu.memory_space<vmem_shared>> -> memref<400x128xf32, #tpu.memory_space<vmem_shared>>
        tpu.wait_dma2 semaphore(%run_scoped3A : memref<!tpu.dma_semaphore, #tpu.memory_space<semaphore_mem>>) src(%dma_wait3A_43 : memref<400x128xf32, #tpu.memory_space<vmem_shared>>) dst(%dma_wait3A : memref<400x128xf32, #tpu.memory_space<hbm>>)
        tpu.yield
      }) : () -> ()
    } else {
    }
    return
  }
}

module attributes {stable_mosaic.version = 14 : i64} {
  func.func @body(%arg0: i32, %arg1: memref<2000x256xf32, #tpu.memory_space<vmem>>, %arg2: memref<512x256xf32, #tpu.memory_space<vmem>>, %arg3: memref<2000x128xf32, #tpu.memory_space<vmem>>, %arg4: memref<2000x128xf32, #tpu.memory_space<vmem>>) attributes {dimension_semantics = [#tpu.dimension_semantics<arbitrary>], iteration_bounds = array<i64: 5>, scalar_prefetch = 0 : i64, scratch_operands = 0 : i64, tpu.core_type = #tpu.core_type<tc>, window_params = [{transform_indices = @transform_0, window_bounds = array<i64: 2000, 256>}, {transform_indices = @transform_1, window_bounds = array<i64: 512, 256>}, {transform_indices = @transform_2, window_bounds = array<i64: 2000, 128>}, {transform_indices = @transform_3, window_bounds = array<i64: 2000, 128>}]} {
    %get3A = arith.constant 0 : index
    %get3A_0 = arith.constant 0 : index
    %get3A_1 = vector.load %arg1[%get3A, %get3A_0] : memref<2000x256xf32, #tpu.memory_space<vmem>>, vector<2000x256xf32>
    %get3A_2 = arith.constant 0 : index
    %get3A_3 = arith.constant 0 : index
    %get3A_4 = vector.load %arg2[%get3A_2, %get3A_3] : memref<512x256xf32, #tpu.memory_space<vmem>>, vector<512x256xf32>
    %convert_element_type3A = arith.truncf %get3A_1 : vector<2000x256xf32> to vector<2000x256xbf16>
    %convert_element_type3A_5 = arith.truncf %get3A_4 : vector<512x256xf32> to vector<512x256xbf16>
    %slice3A = vector.extract_strided_slice %convert_element_type3A_5 {offsets = [0, 0], sizes = [256, 256], strides = [1, 1]} : vector<512x256xbf16> to vector<256x256xbf16>
    %dot_general3A = arith.constant dense<0.000000e+00> : vector<2000x256xf32>
    %dot_general3A_6 = tpu.matmul %convert_element_type3A, %slice3A, %dot_general3A {dimension_numbers = #tpu.dot_dimension_numbers<[1], [0], [0], [1], [0, 0, 1, 1], [], []>, transpose_lhs_hint = false} : vector<2000x256xbf16>, vector<256x256xbf16>, vector<2000x256xf32> -> vector<2000x256xf32>
    %slice3A_7 = vector.extract_strided_slice %convert_element_type3A_5 {offsets = [256, 0], sizes = [256, 256], strides = [1, 1]} : vector<512x256xbf16> to vector<256x256xbf16>
    %dot_general3A_8 = arith.constant dense<0.000000e+00> : vector<2000x256xf32>
    %dot_general3A_9 = tpu.matmul %convert_element_type3A, %slice3A_7, %dot_general3A_8 {dimension_numbers = #tpu.dot_dimension_numbers<[1], [0], [0], [1], [0, 0, 1, 1], [], []>, transpose_lhs_hint = false} : vector<2000x256xbf16>, vector<256x256xbf16>, vector<2000x256xf32> -> vector<2000x256xf32>
    %bitcast_convert_type3A = tpu.bitcast %dot_general3A_6 : vector<2000x256xf32> -> vector<2000x256xi32>
    %slice3A_10 = vector.extract_strided_slice %bitcast_convert_type3A {offsets = [0, 0], sizes = [2000, 128], strides = [1, 1]} : vector<2000x256xi32> to vector<2000x128xi32>
    %shift_right_logical3A = arith.constant 16 : i32
    %shift_right_logical3A_11 = vector.broadcast %shift_right_logical3A : i32 to vector<2000x128xi32>
    %shift_right_logical3A_12 = arith.shrui %slice3A_10, %shift_right_logical3A_11 : vector<2000x128xi32>
    %and3A = arith.constant 1 : i32
    %and3A_13 = vector.broadcast %and3A : i32 to vector<2000x128xi32>
    %and3A_14 = arith.andi %shift_right_logical3A_12, %and3A_13 : vector<2000x128xi32>
    %add3A = arith.constant 32767 : i32
    %add3A_15 = vector.broadcast %add3A : i32 to vector<2000x128xi32>
    %add3A_16 = arith.addi %add3A_15, %and3A_14 : vector<2000x128xi32>
    %add3A_17 = arith.addi %slice3A_10, %add3A_16 : vector<2000x128xi32>
    %and3A_18 = arith.constant -65536 : i32
    %and3A_19 = vector.broadcast %and3A_18 : i32 to vector<2000x128xi32>
    %and3A_20 = arith.andi %add3A_17, %and3A_19 : vector<2000x128xi32>
    %shift_right_logical3A_21 = arith.constant 16 : i32
    %shift_right_logical3A_22 = vector.broadcast %shift_right_logical3A_21 : i32 to vector<2000x128xi32>
    %shift_right_logical3A_23 = arith.shrui %and3A_20, %shift_right_logical3A_22 : vector<2000x128xi32>
    %slice3A_24 = vector.extract_strided_slice %bitcast_convert_type3A {offsets = [0, 128], sizes = [2000, 128], strides = [1, 1]} : vector<2000x256xi32> to vector<2000x128xi32>
    %shift_right_logical3A_25 = arith.constant 16 : i32
    %shift_right_logical3A_26 = vector.broadcast %shift_right_logical3A_25 : i32 to vector<2000x128xi32>
    %shift_right_logical3A_27 = arith.shrui %slice3A_24, %shift_right_logical3A_26 : vector<2000x128xi32>
    %and3A_28 = arith.constant 1 : i32
    %and3A_29 = vector.broadcast %and3A_28 : i32 to vector<2000x128xi32>
    %and3A_30 = arith.andi %shift_right_logical3A_27, %and3A_29 : vector<2000x128xi32>
    %add3A_31 = arith.constant 32767 : i32
    %add3A_32 = vector.broadcast %add3A_31 : i32 to vector<2000x128xi32>
    %add3A_33 = arith.addi %add3A_32, %and3A_30 : vector<2000x128xi32>
    %add3A_34 = arith.addi %slice3A_24, %add3A_33 : vector<2000x128xi32>
    %and3A_35 = arith.constant -65536 : i32
    %and3A_36 = vector.broadcast %and3A_35 : i32 to vector<2000x128xi32>
    %and3A_37 = arith.andi %add3A_34, %and3A_36 : vector<2000x128xi32>
    %or3A = arith.ori %and3A_37, %shift_right_logical3A_23 : vector<2000x128xi32>
    %bitcast_convert_type3A_38 = tpu.bitcast %or3A : vector<2000x128xi32> -> vector<2000x128xf32>
    %swap3A = arith.constant 0 : index
    %swap3A_39 = arith.constant 0 : index
    %swap3A_40 = vector.load %arg3[%swap3A, %swap3A_39] : memref<2000x128xf32, #tpu.memory_space<vmem>>, vector<2000x128xf32>
    tpu.vector_store %arg3[%swap3A, %swap3A_39], %bitcast_convert_type3A_38 {strides = array<i32>} : memref<2000x128xf32, #tpu.memory_space<vmem>>, vector<2000x128xf32>,
    %bitcast_convert_type3A_41 = tpu.bitcast %dot_general3A_9 : vector<2000x256xf32> -> vector<2000x256xi32>
    %slice3A_42 = vector.extract_strided_slice %bitcast_convert_type3A_41 {offsets = [0, 0], sizes = [2000, 128], strides = [1, 1]} : vector<2000x256xi32> to vector<2000x128xi32>
    %shift_right_logical3A_43 = arith.constant 16 : i32
    %shift_right_logical3A_44 = vector.broadcast %shift_right_logical3A_43 : i32 to vector<2000x128xi32>
    %shift_right_logical3A_45 = arith.shrui %slice3A_42, %shift_right_logical3A_44 : vector<2000x128xi32>
    %and3A_46 = arith.constant 1 : i32
    %and3A_47 = vector.broadcast %and3A_46 : i32 to vector<2000x128xi32>
    %and3A_48 = arith.andi %shift_right_logical3A_45, %and3A_47 : vector<2000x128xi32>
    %add3A_49 = arith.constant 32767 : i32
    %add3A_50 = vector.broadcast %add3A_49 : i32 to vector<2000x128xi32>
    %add3A_51 = arith.addi %add3A_50, %and3A_48 : vector<2000x128xi32>
    %add3A_52 = arith.addi %slice3A_42, %add3A_51 : vector<2000x128xi32>
    %and3A_53 = arith.constant -65536 : i32
    %and3A_54 = vector.broadcast %and3A_53 : i32 to vector<2000x128xi32>
    %and3A_55 = arith.andi %add3A_52, %and3A_54 : vector<2000x128xi32>
    %shift_right_logical3A_56 = arith.constant 16 : i32
    %shift_right_logical3A_57 = vector.broadcast %shift_right_logical3A_56 : i32 to vector<2000x128xi32>
    %shift_right_logical3A_58 = arith.shrui %and3A_55, %shift_right_logical3A_57 : vector<2000x128xi32>
    %slice3A_59 = vector.extract_strided_slice %bitcast_convert_type3A_41 {offsets = [0, 128], sizes = [2000, 128], strides = [1, 1]} : vector<2000x256xi32> to vector<2000x128xi32>
    %shift_right_logical3A_60 = arith.constant 16 : i32
    %shift_right_logical3A_61 = vector.broadcast %shift_right_logical3A_60 : i32 to vector<2000x128xi32>
    %shift_right_logical3A_62 = arith.shrui %slice3A_59, %shift_right_logical3A_61 : vector<2000x128xi32>
    %and3A_63 = arith.constant 1 : i32
    %and3A_64 = vector.broadcast %and3A_63 : i32 to vector<2000x128xi32>
    %and3A_65 = arith.andi %shift_right_logical3A_62, %and3A_64 : vector<2000x128xi32>
    %add3A_66 = arith.constant 32767 : i32
    %add3A_67 = vector.broadcast %add3A_66 : i32 to vector<2000x128xi32>
    %add3A_68 = arith.addi %add3A_67, %and3A_65 : vector<2000x128xi32>
    %add3A_69 = arith.addi %slice3A_59, %add3A_68 : vector<2000x128xi32>
    %and3A_70 = arith.constant -65536 : i32
    %and3A_71 = vector.broadcast %and3A_70 : i32 to vector<2000x128xi32>
    %and3A_72 = arith.andi %add3A_69, %and3A_71 : vector<2000x128xi32>
    %or3A_73 = arith.ori %and3A_72, %shift_right_logical3A_58 : vector<2000x128xi32>
    %bitcast_convert_type3A_74 = tpu.bitcast %or3A_73 : vector<2000x128xi32> -> vector<2000x128xf32>
    %swap3A_75 = arith.constant 0 : index
    %swap3A_76 = arith.constant 0 : index
    %swap3A_77 = vector.load %arg4[%swap3A_75, %swap3A_76] : memref<2000x128xf32, #tpu.memory_space<vmem>>, vector<2000x128xf32>
    tpu.vector_store %arg4[%swap3A_75, %swap3A_76], %bitcast_convert_type3A_74 {strides = array<i32>} : memref<2000x128xf32, #tpu.memory_space<vmem>>, vector<2000x128xf32>,
    return
  }
  func.func @transform_0(%arg0: i32) -> (i32, i32) {
    %c0_i32 = arith.constant 0 : i32
    %c0_i32_0 = arith.constant 0 : i32
    return %arg0, %c0_i32 : i32, i32
  }
  func.func @transform_1(%arg0: i32) -> (i32, i32) {
    %c0_i32 = arith.constant 0 : i32
    %c0_i32_0 = arith.constant 0 : i32
    %c0_i32_1 = arith.constant 0 : i32
    return %c0_i32, %c0_i32_0 : i32, i32
  }
  func.func @transform_2(%arg0: i32) -> (i32, i32) {
    %c0_i32 = arith.constant 0 : i32
    %c0_i32_0 = arith.constant 0 : i32
    return %arg0, %c0_i32 : i32, i32
  }
  func.func @transform_3(%arg0: i32) -> (i32, i32) {
    %c0_i32 = arith.constant 0 : i32
    %c0_i32_0 = arith.constant 0 : i32
    return %arg0, %c0_i32 : i32, i32
  }
}

module attributes {stable_mosaic.version = 14 : i64} {
  func.func @body(%arg0: i32, %arg1: memref<2000x128xf32, #tpu.memory_space<vmem>>, %arg2: memref<2000x128xf32, #tpu.memory_space<vmem>>, %arg3: memref<2000x256xf32, #tpu.memory_space<vmem>>, %arg4: memref<256x256xf32, #tpu.memory_space<vmem>>, %arg5: memref<1x256xf32, #tpu.memory_space<vmem>>, %arg6: memref<256x256xf32, #tpu.memory_space<vmem>>, %arg7: memref<1x256xf32, #tpu.memory_space<vmem>>, %arg8: memref<1x256xf32, #tpu.memory_space<vmem>>, %arg9: memref<1x256xf32, #tpu.memory_space<vmem>>, %arg10: memref<2000x256xf32, #tpu.memory_space<vmem>>, %arg11: memref<2000x256xf32, #tpu.memory_space<vmem>>) attributes {dimension_semantics = [#tpu.dimension_semantics<arbitrary>], iteration_bounds = array<i64: 16>, scalar_prefetch = 0 : i64, scratch_operands = 0 : i64, tpu.core_type = #tpu.core_type<tc>, window_params = [{transform_indices = @transform_0, window_bounds = array<i64: 2000, 128>}, {transform_indices = @transform_1, window_bounds = array<i64: 2000, 128>}, {transform_indices = @transform_2, window_bounds = array<i64: 2000, 256>}, {transform_indices = @transform_3, window_bounds = array<i64: 256, 256>}, {pipeline_mode = #tpu.pipeline_mode<synchronous>, transform_indices = @transform_4, window_bounds = array<i64: 1, 256>}, {pipeline_mode = #tpu.pipeline_mode<synchronous>, transform_indices = @transform_5, window_bounds = array<i64: 256, 256>}, {pipeline_mode = #tpu.pipeline_mode<synchronous>, transform_indices = @transform_6, window_bounds = array<i64: 1, 256>}, {pipeline_mode = #tpu.pipeline_mode<synchronous>, transform_indices = @transform_7, window_bounds = array<i64: 1, 256>}, {pipeline_mode = #tpu.pipeline_mode<synchronous>, transform_indices = @transform_8, window_bounds = array<i64: 1, 256>}, {transform_indices = @transform_9, window_bounds = array<i64: 2000, 256>}, {transform_indices = @transform_10, window_bounds = array<i64: 2000, 256>}]} {
    %get3A = arith.constant 0 : index
    %get3A_0 = arith.constant 0 : index
    %get3A_1 = vector.load %arg3[%get3A, %get3A_0] : memref<2000x256xf32, #tpu.memory_space<vmem>>, vector<2000x256xf32>
    %get3A_2 = arith.constant 0 : index
    %get3A_3 = arith.constant 0 : index
    %get3A_4 = vector.load %arg1[%get3A_2, %get3A_3] : memref<2000x128xf32, #tpu.memory_space<vmem>>, vector<2000x128xf32>
    %bitcast_convert_type3A = tpu.bitcast %get3A_4 : vector<2000x128xf32> -> vector<2000x128xi32>
    %shift_left3A = arith.constant 16 : i32
    %shift_left3A_5 = vector.broadcast %shift_left3A : i32 to vector<2000x128xi32>
    %shift_left3A_6 = arith.shli %bitcast_convert_type3A, %shift_left3A_5 : vector<2000x128xi32>
    %bitcast_convert_type3A_7 = tpu.bitcast %shift_left3A_6 : vector<2000x128xi32> -> vector<2000x128xf32>
    %and3A = arith.constant -65536 : i32
    %and3A_8 = vector.broadcast %and3A : i32 to vector<2000x128xi32>
    %and3A_9 = arith.andi %bitcast_convert_type3A, %and3A_8 : vector<2000x128xi32>
    %bitcast_convert_type3A_10 = tpu.bitcast %and3A_9 : vector<2000x128xi32> -> vector<2000x128xf32>
    %concatenate3A = tpu.concatenate %bitcast_convert_type3A_7, %bitcast_convert_type3A_10 in 1 : vector<2000x128xf32>, vector<2000x128xf32> -> vector<2000x256xf32>
    %get3A_11 = arith.constant 0 : index
    %get3A_12 = arith.constant 0 : index
    %get3A_13 = vector.load %arg2[%get3A_11, %get3A_12] : memref<2000x128xf32, #tpu.memory_space<vmem>>, vector<2000x128xf32>
    %bitcast_convert_type3A_14 = tpu.bitcast %get3A_13 : vector<2000x128xf32> -> vector<2000x128xi32>
    %shift_left3A_15 = arith.constant 16 : i32
    %shift_left3A_16 = vector.broadcast %shift_left3A_15 : i32 to vector<2000x128xi32>
    %shift_left3A_17 = arith.shli %bitcast_convert_type3A_14, %shift_left3A_16 : vector<2000x128xi32>
    %bitcast_convert_type3A_18 = tpu.bitcast %shift_left3A_17 : vector<2000x128xi32> -> vector<2000x128xf32>
    %and3A_19 = arith.constant -65536 : i32
    %and3A_20 = vector.broadcast %and3A_19 : i32 to vector<2000x128xi32>
    %and3A_21 = arith.andi %bitcast_convert_type3A_14, %and3A_20 : vector<2000x128xi32>
    %bitcast_convert_type3A_22 = tpu.bitcast %and3A_21 : vector<2000x128xi32> -> vector<2000x128xf32>
    %concatenate3A_23 = tpu.concatenate %bitcast_convert_type3A_18, %bitcast_convert_type3A_22 in 1 : vector<2000x128xf32>, vector<2000x128xf32> -> vector<2000x256xf32>
    %add3A = arith.addf %concatenate3A, %concatenate3A_23 : vector<2000x256xf32>
    %get3A_24 = arith.constant 0 : index
    %get3A_25 = arith.constant 0 : index
    %get3A_26 = vector.load %arg5[%get3A_24, %get3A_25] : memref<1x256xf32, #tpu.memory_space<vmem>>, vector<1x256xf32>
    %add3A_27 = vector.broadcast %get3A_26 : vector<1x256xf32> to vector<2000x256xf32>
    %add3A_28 = arith.addf %add3A, %add3A_27 : vector<2000x256xf32>
    %convert_element_type3A = arith.truncf %get3A_1 : vector<2000x256xf32> to vector<2000x256xbf16>
    %get3A_29 = arith.constant 0 : index
    %get3A_30 = arith.constant 0 : index
    %get3A_31 = vector.load %arg4[%get3A_29, %get3A_30] : memref<256x256xf32, #tpu.memory_space<vmem>>, vector<256x256xf32>
    %convert_element_type3A_32 = arith.truncf %get3A_31 : vector<256x256xf32> to vector<256x256xbf16>
    %dot_general3A = arith.constant dense<0.000000e+00> : vector<2000x256xf32>
    %dot_general3A_33 = tpu.matmul %convert_element_type3A, %convert_element_type3A_32, %dot_general3A {dimension_numbers = #tpu.dot_dimension_numbers<[1], [0], [0], [1], [0, 0, 1, 1], [], []>, transpose_lhs_hint = false} : vector<2000x256xbf16>, vector<256x256xbf16>, vector<2000x256xf32> -> vector<2000x256xf32>
    %add3A_34 = arith.addf %add3A_28, %dot_general3A_33 : vector<2000x256xf32>
    %max3A = arith.constant 0.000000e+00 : f32
    %max3A_35 = vector.broadcast %max3A : f32 to vector<2000x256xf32>
    %max3A_36 = arith.maximumf %add3A_34, %max3A_35 : vector<2000x256xf32>
    %convert_element_type3A_37 = arith.truncf %max3A_36 : vector<2000x256xf32> to vector<2000x256xbf16>
    %get3A_38 = arith.constant 0 : index
    %get3A_39 = arith.constant 0 : index
    %get3A_40 = vector.load %arg6[%get3A_38, %get3A_39] : memref<256x256xf32, #tpu.memory_space<vmem>>, vector<256x256xf32>
    %convert_element_type3A_41 = arith.truncf %get3A_40 : vector<256x256xf32> to vector<256x256xbf16>
    %dot_general3A_42 = arith.constant dense<0.000000e+00> : vector<2000x256xf32>
    %dot_general3A_43 = tpu.matmul %convert_element_type3A_37, %convert_element_type3A_41, %dot_general3A_42 {dimension_numbers = #tpu.dot_dimension_numbers<[1], [0], [0], [1], [0, 0, 1, 1], [], []>, transpose_lhs_hint = false} : vector<2000x256xbf16>, vector<256x256xbf16>, vector<2000x256xf32> -> vector<2000x256xf32>
    %get3A_44 = arith.constant 0 : index
    %get3A_45 = arith.constant 0 : index
    %get3A_46 = vector.load %arg7[%get3A_44, %get3A_45] : memref<1x256xf32, #tpu.memory_space<vmem>>, vector<1x256xf32>
    %add3A_47 = vector.broadcast %get3A_46 : vector<1x256xf32> to vector<2000x256xf32>
    %add3A_48 = arith.addf %dot_general3A_43, %add3A_47 : vector<2000x256xf32>
    %swap3A = arith.constant 0 : index
    %swap3A_49 = arith.constant 0 : index
    %swap3A_50 = vector.load %arg10[%swap3A, %swap3A_49] : memref<2000x256xf32, #tpu.memory_space<vmem>>, vector<2000x256xf32>
    tpu.vector_store %arg10[%swap3A, %swap3A_49], %add3A_48 {strides = array<i32>} : memref<2000x256xf32, #tpu.memory_space<vmem>>, vector<2000x256xf32>,
    %add3A_51 = arith.addf %add3A_48, %get3A_1 : vector<2000x256xf32>
    %get3A_52 = arith.constant 0 : index
    %get3A_53 = arith.constant 0 : index
    %get3A_54 = vector.load %arg8[%get3A_52, %get3A_53] : memref<1x256xf32, #tpu.memory_space<vmem>>, vector<1x256xf32>
    %get3A_55 = arith.constant 0 : index
    %get3A_56 = arith.constant 0 : index
    %get3A_57 = vector.load %arg9[%get3A_55, %get3A_56] : memref<1x256xf32, #tpu.memory_space<vmem>>, vector<1x256xf32>
    %reduce_sum3A = arith.constant dense<0.000000e+00> : vector<2000xf32>
    %reduce_sum3A_58 = vector.multi_reduction <add>, %add3A_51, %reduce_sum3A [1] : vector<2000x256xf32> to vector<2000xf32>
    %broadcast_in_dim3A = vector.shape_cast %reduce_sum3A_58 : vector<2000xf32> to vector<2000x1xf32>
    %div3A = arith.constant 2.560000e+02 : f32
    %div3A_59 = vector.broadcast %div3A : f32 to vector<2000x1xf32>
    %div3A_60 = arith.divf %broadcast_in_dim3A, %div3A_59 : vector<2000x1xf32>
    %sub3A = vector.broadcast %div3A_60 : vector<2000x1xf32> to vector<2000x256xf32>
    %sub3A_61 = arith.subf %add3A_51, %sub3A : vector<2000x256xf32>
    %integer_pow3A = arith.mulf %sub3A_61, %sub3A_61 : vector<2000x256xf32>
    %reduce_sum3A_62 = arith.constant dense<0.000000e+00> : vector<2000xf32>
    %reduce_sum3A_63 = vector.multi_reduction <add>, %integer_pow3A, %reduce_sum3A_62 [1] : vector<2000x256xf32> to vector<2000xf32>
    %broadcast_in_dim3A_64 = vector.shape_cast %reduce_sum3A_63 : vector<2000xf32> to vector<2000x1xf32>
    %div3A_65 = arith.constant 2.560000e+02 : f32
    %div3A_66 = vector.broadcast %div3A_65 : f32 to vector<2000x1xf32>
    %div3A_67 = arith.divf %broadcast_in_dim3A_64, %div3A_66 : vector<2000x1xf32>
    %sub3A_68 = vector.broadcast %div3A_60 : vector<2000x1xf32> to vector<2000x256xf32>
    %sub3A_69 = arith.subf %add3A_51, %sub3A_68 : vector<2000x256xf32>
    %add3A_70 = arith.constant 9.99999974E-6 : f32
    %add3A_71 = vector.broadcast %add3A_70 : f32 to vector<2000x1xf32>
    %add3A_72 = arith.addf %div3A_67, %add3A_71 : vector<2000x1xf32>
    %rsqrt3A = math.rsqrt %add3A_72 : vector<2000x1xf32>
    %mul3A = vector.broadcast %rsqrt3A : vector<2000x1xf32> to vector<2000x256xf32>
    %mul3A_73 = arith.mulf %sub3A_69, %mul3A : vector<2000x256xf32>
    %mul3A_74 = vector.broadcast %get3A_54 : vector<1x256xf32> to vector<2000x256xf32>
    %mul3A_75 = arith.mulf %mul3A_73, %mul3A_74 : vector<2000x256xf32>
    %add3A_76 = vector.broadcast %get3A_57 : vector<1x256xf32> to vector<2000x256xf32>
    %add3A_77 = arith.addf %mul3A_75, %add3A_76 : vector<2000x256xf32>
    %swap3A_78 = arith.constant 0 : index
    %swap3A_79 = arith.constant 0 : index
    %swap3A_80 = vector.load %arg11[%swap3A_78, %swap3A_79] : memref<2000x256xf32, #tpu.memory_space<vmem>>, vector<2000x256xf32>
    tpu.vector_store %arg11[%swap3A_78, %swap3A_79], %add3A_77 {strides = array<i32>} : memref<2000x256xf32, #tpu.memory_space<vmem>>, vector<2000x256xf32>,
    return
  }
  func.func @transform_0(%arg0: i32) -> (i32, i32) {
    %c0_i32 = arith.constant 0 : i32
    %c0_i32_0 = arith.constant 0 : i32
    return %arg0, %c0_i32 : i32, i32
  }
  func.func @transform_1(%arg0: i32) -> (i32, i32) {
    %c0_i32 = arith.constant 0 : i32
    %c0_i32_0 = arith.constant 0 : i32
    return %arg0, %c0_i32 : i32, i32
  }
  func.func @transform_2(%arg0: i32) -> (i32, i32) {
    %add3A = arith.constant 0 : i32
    %add3A_0 = arith.addi %arg0, %add3A : i32
    %c0_i32 = arith.constant 0 : i32
    %c0_i32_1 = arith.constant 0 : i32
    return %add3A_0, %c0_i32 : i32, i32
  }
  func.func @transform_3(%arg0: i32) -> (i32, i32) {
    %c2_i32 = arith.constant 2 : i32
    %c0_i32 = arith.constant 0 : i32
    %c0_i32_0 = arith.constant 0 : i32
    return %c2_i32, %c0_i32 : i32, i32
  }
  func.func @transform_4(%arg0: i32) -> (i32, i32) {
    %c0_i32 = arith.constant 0 : i32
    %c0_i32_0 = arith.constant 0 : i32
    %c0_i32_1 = arith.constant 0 : i32
    return %c0_i32, %c0_i32_0 : i32, i32
  }
  func.func @transform_5(%arg0: i32) -> (i32, i32) {
    %c0_i32 = arith.constant 0 : i32
    %c0_i32_0 = arith.constant 0 : i32
    %c0_i32_1 = arith.constant 0 : i32
    return %c0_i32, %c0_i32_0 : i32, i32
  }
  func.func @transform_6(%arg0: i32) -> (i32, i32) {
    %c0_i32 = arith.constant 0 : i32
    %c0_i32_0 = arith.constant 0 : i32
    %c0_i32_1 = arith.constant 0 : i32
    return %c0_i32, %c0_i32_0 : i32, i32
  }
  func.func @transform_7(%arg0: i32) -> (i32, i32) {
    %c0_i32 = arith.constant 0 : i32
    %c0_i32_0 = arith.constant 0 : i32
    %c0_i32_1 = arith.constant 0 : i32
    return %c0_i32, %c0_i32_0 : i32, i32
  }
  func.func @transform_8(%arg0: i32) -> (i32, i32) {
    %c0_i32 = arith.constant 0 : i32
    %c0_i32_0 = arith.constant 0 : i32
    %c0_i32_1 = arith.constant 0 : i32
    return %c0_i32, %c0_i32_0 : i32, i32
  }
  func.func @transform_9(%arg0: i32) -> (i32, i32) {
    %c0_i32 = arith.constant 0 : i32
    %c0_i32_0 = arith.constant 0 : i32
    return %arg0, %c0_i32 : i32, i32
  }
  func.func @transform_10(%arg0: i32) -> (i32, i32) {
    %add3A = arith.constant 0 : i32
    %add3A_0 = arith.addi %arg0, %add3A : i32
    %c0_i32 = arith.constant 0 : i32
    %c0_i32_1 = arith.constant 0 : i32
    return %add3A_0, %c0_i32 : i32, i32
  }
}

module attributes {stable_mosaic.version = 14 : i64} {
  func.func @body(%arg0: i32, %arg1: memref<2000x128xf32, #tpu.memory_space<vmem>>, %arg2: memref<2000x128xf32, #tpu.memory_space<vmem>>, %arg3: memref<2000x256xf32, #tpu.memory_space<vmem>>, %arg4: memref<256x256xf32, #tpu.memory_space<vmem>>, %arg5: memref<1x256xf32, #tpu.memory_space<vmem>>, %arg6: memref<256x256xf32, #tpu.memory_space<vmem>>, %arg7: memref<1x256xf32, #tpu.memory_space<vmem>>, %arg8: memref<1x256xf32, #tpu.memory_space<vmem>>, %arg9: memref<1x256xf32, #tpu.memory_space<vmem>>, %arg10: memref<160000x256xf32, #tpu.memory_space<any>>, %arg11: memref<2000x256xf32, #tpu.memory_space<vmem>>, %arg12: memref<2000x256xf32, #tpu.memory_space<vmem>>) attributes {dimension_semantics = [#tpu.dimension_semantics<arbitrary>], iteration_bounds = array<i64: 32>, scalar_prefetch = 0 : i64, scratch_operands = 0 : i64, tpu.core_type = #tpu.core_type<tc>, window_params = [{transform_indices = @transform_0, window_bounds = array<i64: 2000, 128>}, {transform_indices = @transform_1, window_bounds = array<i64: 2000, 128>}, {transform_indices = @transform_2, window_bounds = array<i64: 2000, 256>}, {transform_indices = @transform_3, window_bounds = array<i64: 256, 256>}, {pipeline_mode = #tpu.pipeline_mode<synchronous>, transform_indices = @transform_4, window_bounds = array<i64: 1, 256>}, {pipeline_mode = #tpu.pipeline_mode<synchronous>, transform_indices = @transform_5, window_bounds = array<i64: 256, 256>}, {pipeline_mode = #tpu.pipeline_mode<synchronous>, transform_indices = @transform_6, window_bounds = array<i64: 1, 256>}, {pipeline_mode = #tpu.pipeline_mode<synchronous>, transform_indices = @transform_7, window_bounds = array<i64: 1, 256>}, {pipeline_mode = #tpu.pipeline_mode<synchronous>, transform_indices = @transform_8, window_bounds = array<i64: 1, 256>}, {}, {transform_indices = @transform_10, window_bounds = array<i64: 2000, 256>}, {transform_indices = @transform_11, window_bounds = array<i64: 2000, 256>}]} {
    %get3A = arith.constant 0 : index
    %get3A_0 = arith.constant 0 : index
    %get3A_1 = vector.load %arg3[%get3A, %get3A_0] : memref<2000x256xf32, #tpu.memory_space<vmem>>, vector<2000x256xf32>
    %get3A_2 = arith.constant 0 : index
    %get3A_3 = arith.constant 0 : index
    %get3A_4 = vector.load %arg1[%get3A_2, %get3A_3] : memref<2000x128xf32, #tpu.memory_space<vmem>>, vector<2000x128xf32>
    %bitcast_convert_type3A = tpu.bitcast %get3A_4 : vector<2000x128xf32> -> vector<2000x128xi32>
    %shift_left3A = arith.constant 16 : i32
    %shift_left3A_5 = vector.broadcast %shift_left3A : i32 to vector<2000x128xi32>
    %shift_left3A_6 = arith.shli %bitcast_convert_type3A, %shift_left3A_5 : vector<2000x128xi32>
    %bitcast_convert_type3A_7 = tpu.bitcast %shift_left3A_6 : vector<2000x128xi32> -> vector<2000x128xf32>
    %and3A = arith.constant -65536 : i32
    %and3A_8 = vector.broadcast %and3A : i32 to vector<2000x128xi32>
    %and3A_9 = arith.andi %bitcast_convert_type3A, %and3A_8 : vector<2000x128xi32>
    %bitcast_convert_type3A_10 = tpu.bitcast %and3A_9 : vector<2000x128xi32> -> vector<2000x128xf32>
    %concatenate3A = tpu.concatenate %bitcast_convert_type3A_7, %bitcast_convert_type3A_10 in 1 : vector<2000x128xf32>, vector<2000x128xf32> -> vector<2000x256xf32>
    %get3A_11 = arith.constant 0 : index
    %get3A_12 = arith.constant 0 : index
    %get3A_13 = vector.load %arg2[%get3A_11, %get3A_12] : memref<2000x128xf32, #tpu.memory_space<vmem>>, vector<2000x128xf32>
    %bitcast_convert_type3A_14 = tpu.bitcast %get3A_13 : vector<2000x128xf32> -> vector<2000x128xi32>
    %shift_left3A_15 = arith.constant 16 : i32
    %shift_left3A_16 = vector.broadcast %shift_left3A_15 : i32 to vector<2000x128xi32>
    %shift_left3A_17 = arith.shli %bitcast_convert_type3A_14, %shift_left3A_16 : vector<2000x128xi32>
    %bitcast_convert_type3A_18 = tpu.bitcast %shift_left3A_17 : vector<2000x128xi32> -> vector<2000x128xf32>
    %and3A_19 = arith.constant -65536 : i32
    %and3A_20 = vector.broadcast %and3A_19 : i32 to vector<2000x128xi32>
    %and3A_21 = arith.andi %bitcast_convert_type3A_14, %and3A_20 : vector<2000x128xi32>
    %bitcast_convert_type3A_22 = tpu.bitcast %and3A_21 : vector<2000x128xi32> -> vector<2000x128xf32>
    %concatenate3A_23 = tpu.concatenate %bitcast_convert_type3A_18, %bitcast_convert_type3A_22 in 1 : vector<2000x128xf32>, vector<2000x128xf32> -> vector<2000x256xf32>
    %add3A = arith.addf %concatenate3A, %concatenate3A_23 : vector<2000x256xf32>
    %get3A_24 = arith.constant 0 : index
    %get3A_25 = arith.constant 0 : index
    %get3A_26 = vector.load %arg5[%get3A_24, %get3A_25] : memref<1x256xf32, #tpu.memory_space<vmem>>, vector<1x256xf32>
    %add3A_27 = vector.broadcast %get3A_26 : vector<1x256xf32> to vector<2000x256xf32>
    %add3A_28 = arith.addf %add3A, %add3A_27 : vector<2000x256xf32>
    %convert_element_type3A = arith.truncf %get3A_1 : vector<2000x256xf32> to vector<2000x256xbf16>
    %get3A_29 = arith.constant 0 : index
    %get3A_30 = arith.constant 0 : index
    %get3A_31 = vector.load %arg4[%get3A_29, %get3A_30] : memref<256x256xf32, #tpu.memory_space<vmem>>, vector<256x256xf32>
    %convert_element_type3A_32 = arith.truncf %get3A_31 : vector<256x256xf32> to vector<256x256xbf16>
    %dot_general3A = arith.constant dense<0.000000e+00> : vector<2000x256xf32>
    %dot_general3A_33 = tpu.matmul %convert_element_type3A, %convert_element_type3A_32, %dot_general3A {dimension_numbers = #tpu.dot_dimension_numbers<[1], [0], [0], [1], [0, 0, 1, 1], [], []>, transpose_lhs_hint = false} : vector<2000x256xbf16>, vector<256x256xbf16>, vector<2000x256xf32> -> vector<2000x256xf32>
    %add3A_34 = arith.addf %add3A_28, %dot_general3A_33 : vector<2000x256xf32>
    %max3A = arith.constant 0.000000e+00 : f32
    %max3A_35 = vector.broadcast %max3A : f32 to vector<2000x256xf32>
    %max3A_36 = arith.maximumf %add3A_34, %max3A_35 : vector<2000x256xf32>
    %convert_element_type3A_37 = arith.truncf %max3A_36 : vector<2000x256xf32> to vector<2000x256xbf16>
    %get3A_38 = arith.constant 0 : index
    %get3A_39 = arith.constant 0 : index
    %get3A_40 = vector.load %arg6[%get3A_38, %get3A_39] : memref<256x256xf32, #tpu.memory_space<vmem>>, vector<256x256xf32>
    %convert_element_type3A_41 = arith.truncf %get3A_40 : vector<256x256xf32> to vector<256x256xbf16>
    %dot_general3A_42 = arith.constant dense<0.000000e+00> : vector<2000x256xf32>
    %dot_general3A_43 = tpu.matmul %convert_element_type3A_37, %convert_element_type3A_41, %dot_general3A_42 {dimension_numbers = #tpu.dot_dimension_numbers<[1], [0], [0], [1], [0, 0, 1, 1], [], []>, transpose_lhs_hint = false} : vector<2000x256xbf16>, vector<256x256xbf16>, vector<2000x256xf32> -> vector<2000x256xf32>
    %get3A_44 = arith.constant 0 : index
    %get3A_45 = arith.constant 0 : index
    %get3A_46 = vector.load %arg7[%get3A_44, %get3A_45] : memref<1x256xf32, #tpu.memory_space<vmem>>, vector<1x256xf32>
    %add3A_47 = vector.broadcast %get3A_46 : vector<1x256xf32> to vector<2000x256xf32>
    %add3A_48 = arith.addf %dot_general3A_43, %add3A_47 : vector<2000x256xf32>
    %swap3A = arith.constant 0 : index
    %swap3A_49 = arith.constant 0 : index
    %swap3A_50 = vector.load %arg11[%swap3A, %swap3A_49] : memref<2000x256xf32, #tpu.memory_space<vmem>>, vector<2000x256xf32>
    tpu.vector_store %arg11[%swap3A, %swap3A_49], %add3A_48 {strides = array<i32>} : memref<2000x256xf32, #tpu.memory_space<vmem>>, vector<2000x256xf32>,
    %add3A_51 = arith.addf %add3A_48, %get3A_1 : vector<2000x256xf32>
    %get3A_52 = arith.constant 0 : index
    %get3A_53 = arith.constant 0 : index
    %get3A_54 = vector.load %arg8[%get3A_52, %get3A_53] : memref<1x256xf32, #tpu.memory_space<vmem>>, vector<1x256xf32>
    %get3A_55 = arith.constant 0 : index
    %get3A_56 = arith.constant 0 : index
    %get3A_57 = vector.load %arg9[%get3A_55, %get3A_56] : memref<1x256xf32, #tpu.memory_space<vmem>>, vector<1x256xf32>
    %reduce_sum3A = arith.constant dense<0.000000e+00> : vector<2000xf32>
    %reduce_sum3A_58 = vector.multi_reduction <add>, %add3A_51, %reduce_sum3A [1] : vector<2000x256xf32> to vector<2000xf32>
    %broadcast_in_dim3A = vector.shape_cast %reduce_sum3A_58 : vector<2000xf32> to vector<2000x1xf32>
    %div3A = arith.constant 2.560000e+02 : f32
    %div3A_59 = vector.broadcast %div3A : f32 to vector<2000x1xf32>
    %div3A_60 = arith.divf %broadcast_in_dim3A, %div3A_59 : vector<2000x1xf32>
    %sub3A = vector.broadcast %div3A_60 : vector<2000x1xf32> to vector<2000x256xf32>
    %sub3A_61 = arith.subf %add3A_51, %sub3A : vector<2000x256xf32>
    %integer_pow3A = arith.mulf %sub3A_61, %sub3A_61 : vector<2000x256xf32>
    %reduce_sum3A_62 = arith.constant dense<0.000000e+00> : vector<2000xf32>
    %reduce_sum3A_63 = vector.multi_reduction <add>, %integer_pow3A, %reduce_sum3A_62 [1] : vector<2000x256xf32> to vector<2000xf32>
    %broadcast_in_dim3A_64 = vector.shape_cast %reduce_sum3A_63 : vector<2000xf32> to vector<2000x1xf32>
    %div3A_65 = arith.constant 2.560000e+02 : f32
    %div3A_66 = vector.broadcast %div3A_65 : f32 to vector<2000x1xf32>
    %div3A_67 = arith.divf %broadcast_in_dim3A_64, %div3A_66 : vector<2000x1xf32>
    %sub3A_68 = vector.broadcast %div3A_60 : vector<2000x1xf32> to vector<2000x256xf32>
    %sub3A_69 = arith.subf %add3A_51, %sub3A_68 : vector<2000x256xf32>
    %add3A_70 = arith.constant 9.99999974E-6 : f32
    %add3A_71 = vector.broadcast %add3A_70 : f32 to vector<2000x1xf32>
    %add3A_72 = arith.addf %div3A_67, %add3A_71 : vector<2000x1xf32>
    %rsqrt3A = math.rsqrt %add3A_72 : vector<2000x1xf32>
    %mul3A = vector.broadcast %rsqrt3A : vector<2000x1xf32> to vector<2000x256xf32>
    %mul3A_73 = arith.mulf %sub3A_69, %mul3A : vector<2000x256xf32>
    %mul3A_74 = vector.broadcast %get3A_54 : vector<1x256xf32> to vector<2000x256xf32>
    %mul3A_75 = arith.mulf %mul3A_73, %mul3A_74 : vector<2000x256xf32>
    %add3A_76 = vector.broadcast %get3A_57 : vector<1x256xf32> to vector<2000x256xf32>
    %add3A_77 = arith.addf %mul3A_75, %add3A_76 : vector<2000x256xf32>
    %swap3A_78 = arith.constant 0 : index
    %swap3A_79 = arith.constant 0 : index
    %swap3A_80 = vector.load %arg12[%swap3A_78, %swap3A_79] : memref<2000x256xf32, #tpu.memory_space<vmem>>, vector<2000x256xf32>
    tpu.vector_store %arg12[%swap3A_78, %swap3A_79], %add3A_77 {strides = array<i32>} : memref<2000x256xf32, #tpu.memory_space<vmem>>, vector<2000x256xf32>,
    return
  }
  func.func @transform_0(%arg0: i32) -> (i32, i32) {
    %c0_i32 = arith.constant 0 : i32
    %c0_i32_0 = arith.constant 0 : i32
    return %arg0, %c0_i32 : i32, i32
  }
  func.func @transform_1(%arg0: i32) -> (i32, i32) {
    %c0_i32 = arith.constant 0 : i32
    %c0_i32_0 = arith.constant 0 : i32
    return %arg0, %c0_i32 : i32, i32
  }
  func.func @transform_2(%arg0: i32) -> (i32, i32) {
    %add3A = arith.constant 16 : i32
    %add3A_0 = arith.addi %arg0, %add3A : i32
    %c0_i32 = arith.constant 0 : i32
    %c0_i32_1 = arith.constant 0 : i32
    return %add3A_0, %c0_i32 : i32, i32
  }
  func.func @transform_3(%arg0: i32) -> (i32, i32) {
    %c2_i32 = arith.constant 2 : i32
    %c0_i32 = arith.constant 0 : i32
    %c0_i32_0 = arith.constant 0 : i32
    return %c2_i32, %c0_i32 : i32, i32
  }
  func.func @transform_4(%arg0: i32) -> (i32, i32) {
    %c0_i32 = arith.constant 0 : i32
    %c0_i32_0 = arith.constant 0 : i32
    %c0_i32_1 = arith.constant 0 : i32
    return %c0_i32, %c0_i32_0 : i32, i32
  }
  func.func @transform_5(%arg0: i32) -> (i32, i32) {
    %c0_i32 = arith.constant 0 : i32
    %c0_i32_0 = arith.constant 0 : i32
    %c0_i32_1 = arith.constant 0 : i32
    return %c0_i32, %c0_i32_0 : i32, i32
  }
  func.func @transform_6(%arg0: i32) -> (i32, i32) {
    %c0_i32 = arith.constant 0 : i32
    %c0_i32_0 = arith.constant 0 : i32
    %c0_i32_1 = arith.constant 0 : i32
    return %c0_i32, %c0_i32_0 : i32, i32
  }
  func.func @transform_7(%arg0: i32) -> (i32, i32) {
    %c0_i32 = arith.constant 0 : i32
    %c0_i32_0 = arith.constant 0 : i32
    %c0_i32_1 = arith.constant 0 : i32
    return %c0_i32, %c0_i32_0 : i32, i32
  }
  func.func @transform_8(%arg0: i32) -> (i32, i32) {
    %c0_i32 = arith.constant 0 : i32
    %c0_i32_0 = arith.constant 0 : i32
    %c0_i32_1 = arith.constant 0 : i32
    return %c0_i32, %c0_i32_0 : i32, i32
  }
  func.func @transform_10(%arg0: i32) -> (i32, i32) {
    %c0_i32 = arith.constant 0 : i32
    %c0_i32_0 = arith.constant 0 : i32
    return %arg0, %c0_i32 : i32, i32
  }
  func.func @transform_11(%arg0: i32) -> (i32, i32) {
    %add3A = arith.constant 16 : i32
    %add3A_0 = arith.addi %arg0, %add3A : i32
    %c0_i32 = arith.constant 0 : i32
    %c0_i32_1 = arith.constant 0 : i32
    return %add3A_0, %c0_i32 : i32, i32
  }
}

module attributes {stable_mosaic.version = 14 : i64} {
  func.func @body(%arg0: i32, %arg1: memref<2000x128xf32, #tpu.memory_space<vmem>>, %arg2: memref<2000x128xf32, #tpu.memory_space<vmem>>, %arg3: memref<2000x256xf32, #tpu.memory_space<vmem>>, %arg4: memref<256x256xf32, #tpu.memory_space<vmem>>, %arg5: memref<1x256xf32, #tpu.memory_space<vmem>>, %arg6: memref<256x256xf32, #tpu.memory_space<vmem>>, %arg7: memref<1x256xf32, #tpu.memory_space<vmem>>, %arg8: memref<1x256xf32, #tpu.memory_space<vmem>>, %arg9: memref<1x256xf32, #tpu.memory_space<vmem>>, %arg10: memref<160000x256xf32, #tpu.memory_space<any>>, %arg11: memref<2000x256xf32, #tpu.memory_space<vmem>>, %arg12: memref<2000x256xf32, #tpu.memory_space<vmem>>) attributes {dimension_semantics = [#tpu.dimension_semantics<arbitrary>], iteration_bounds = array<i64: 32>, scalar_prefetch = 0 : i64, scratch_operands = 0 : i64, tpu.core_type = #tpu.core_type<tc>, window_params = [{transform_indices = @transform_0, window_bounds = array<i64: 2000, 128>}, {transform_indices = @transform_1, window_bounds = array<i64: 2000, 128>}, {transform_indices = @transform_2, window_bounds = array<i64: 2000, 256>}, {transform_indices = @transform_3, window_bounds = array<i64: 256, 256>}, {pipeline_mode = #tpu.pipeline_mode<synchronous>, transform_indices = @transform_4, window_bounds = array<i64: 1, 256>}, {pipeline_mode = #tpu.pipeline_mode<synchronous>, transform_indices = @transform_5, window_bounds = array<i64: 256, 256>}, {pipeline_mode = #tpu.pipeline_mode<synchronous>, transform_indices = @transform_6, window_bounds = array<i64: 1, 256>}, {pipeline_mode = #tpu.pipeline_mode<synchronous>, transform_indices = @transform_7, window_bounds = array<i64: 1, 256>}, {pipeline_mode = #tpu.pipeline_mode<synchronous>, transform_indices = @transform_8, window_bounds = array<i64: 1, 256>}, {}, {transform_indices = @transform_10, window_bounds = array<i64: 2000, 256>}, {transform_indices = @transform_11, window_bounds = array<i64: 2000, 256>}]} {
    %get3A = arith.constant 0 : index
    %get3A_0 = arith.constant 0 : index
    %get3A_1 = vector.load %arg3[%get3A, %get3A_0] : memref<2000x256xf32, #tpu.memory_space<vmem>>, vector<2000x256xf32>
    %get3A_2 = arith.constant 0 : index
    %get3A_3 = arith.constant 0 : index
    %get3A_4 = vector.load %arg1[%get3A_2, %get3A_3] : memref<2000x128xf32, #tpu.memory_space<vmem>>, vector<2000x128xf32>
    %bitcast_convert_type3A = tpu.bitcast %get3A_4 : vector<2000x128xf32> -> vector<2000x128xi32>
    %shift_left3A = arith.constant 16 : i32
    %shift_left3A_5 = vector.broadcast %shift_left3A : i32 to vector<2000x128xi32>
    %shift_left3A_6 = arith.shli %bitcast_convert_type3A, %shift_left3A_5 : vector<2000x128xi32>
    %bitcast_convert_type3A_7 = tpu.bitcast %shift_left3A_6 : vector<2000x128xi32> -> vector<2000x128xf32>
    %and3A = arith.constant -65536 : i32
    %and3A_8 = vector.broadcast %and3A : i32 to vector<2000x128xi32>
    %and3A_9 = arith.andi %bitcast_convert_type3A, %and3A_8 : vector<2000x128xi32>
    %bitcast_convert_type3A_10 = tpu.bitcast %and3A_9 : vector<2000x128xi32> -> vector<2000x128xf32>
    %concatenate3A = tpu.concatenate %bitcast_convert_type3A_7, %bitcast_convert_type3A_10 in 1 : vector<2000x128xf32>, vector<2000x128xf32> -> vector<2000x256xf32>
    %get3A_11 = arith.constant 0 : index
    %get3A_12 = arith.constant 0 : index
    %get3A_13 = vector.load %arg2[%get3A_11, %get3A_12] : memref<2000x128xf32, #tpu.memory_space<vmem>>, vector<2000x128xf32>
    %bitcast_convert_type3A_14 = tpu.bitcast %get3A_13 : vector<2000x128xf32> -> vector<2000x128xi32>
    %shift_left3A_15 = arith.constant 16 : i32
    %shift_left3A_16 = vector.broadcast %shift_left3A_15 : i32 to vector<2000x128xi32>
    %shift_left3A_17 = arith.shli %bitcast_convert_type3A_14, %shift_left3A_16 : vector<2000x128xi32>
    %bitcast_convert_type3A_18 = tpu.bitcast %shift_left3A_17 : vector<2000x128xi32> -> vector<2000x128xf32>
    %and3A_19 = arith.constant -65536 : i32
    %and3A_20 = vector.broadcast %and3A_19 : i32 to vector<2000x128xi32>
    %and3A_21 = arith.andi %bitcast_convert_type3A_14, %and3A_20 : vector<2000x128xi32>
    %bitcast_convert_type3A_22 = tpu.bitcast %and3A_21 : vector<2000x128xi32> -> vector<2000x128xf32>
    %concatenate3A_23 = tpu.concatenate %bitcast_convert_type3A_18, %bitcast_convert_type3A_22 in 1 : vector<2000x128xf32>, vector<2000x128xf32> -> vector<2000x256xf32>
    %add3A = arith.addf %concatenate3A, %concatenate3A_23 : vector<2000x256xf32>
    %get3A_24 = arith.constant 0 : index
    %get3A_25 = arith.constant 0 : index
    %get3A_26 = vector.load %arg5[%get3A_24, %get3A_25] : memref<1x256xf32, #tpu.memory_space<vmem>>, vector<1x256xf32>
    %add3A_27 = vector.broadcast %get3A_26 : vector<1x256xf32> to vector<2000x256xf32>
    %add3A_28 = arith.addf %add3A, %add3A_27 : vector<2000x256xf32>
    %convert_element_type3A = arith.truncf %get3A_1 : vector<2000x256xf32> to vector<2000x256xbf16>
    %get3A_29 = arith.constant 0 : index
    %get3A_30 = arith.constant 0 : index
    %get3A_31 = vector.load %arg4[%get3A_29, %get3A_30] : memref<256x256xf32, #tpu.memory_space<vmem>>, vector<256x256xf32>
    %convert_element_type3A_32 = arith.truncf %get3A_31 : vector<256x256xf32> to vector<256x256xbf16>
    %dot_general3A = arith.constant dense<0.000000e+00> : vector<2000x256xf32>
    %dot_general3A_33 = tpu.matmul %convert_element_type3A, %convert_element_type3A_32, %dot_general3A {dimension_numbers = #tpu.dot_dimension_numbers<[1], [0], [0], [1], [0, 0, 1, 1], [], []>, transpose_lhs_hint = false} : vector<2000x256xbf16>, vector<256x256xbf16>, vector<2000x256xf32> -> vector<2000x256xf32>
    %add3A_34 = arith.addf %add3A_28, %dot_general3A_33 : vector<2000x256xf32>
    %max3A = arith.constant 0.000000e+00 : f32
    %max3A_35 = vector.broadcast %max3A : f32 to vector<2000x256xf32>
    %max3A_36 = arith.maximumf %add3A_34, %max3A_35 : vector<2000x256xf32>
    %convert_element_type3A_37 = arith.truncf %max3A_36 : vector<2000x256xf32> to vector<2000x256xbf16>
    %get3A_38 = arith.constant 0 : index
    %get3A_39 = arith.constant 0 : index
    %get3A_40 = vector.load %arg6[%get3A_38, %get3A_39] : memref<256x256xf32, #tpu.memory_space<vmem>>, vector<256x256xf32>
    %convert_element_type3A_41 = arith.truncf %get3A_40 : vector<256x256xf32> to vector<256x256xbf16>
    %dot_general3A_42 = arith.constant dense<0.000000e+00> : vector<2000x256xf32>
    %dot_general3A_43 = tpu.matmul %convert_element_type3A_37, %convert_element_type3A_41, %dot_general3A_42 {dimension_numbers = #tpu.dot_dimension_numbers<[1], [0], [0], [1], [0, 0, 1, 1], [], []>, transpose_lhs_hint = false} : vector<2000x256xbf16>, vector<256x256xbf16>, vector<2000x256xf32> -> vector<2000x256xf32>
    %get3A_44 = arith.constant 0 : index
    %get3A_45 = arith.constant 0 : index
    %get3A_46 = vector.load %arg7[%get3A_44, %get3A_45] : memref<1x256xf32, #tpu.memory_space<vmem>>, vector<1x256xf32>
    %add3A_47 = vector.broadcast %get3A_46 : vector<1x256xf32> to vector<2000x256xf32>
    %add3A_48 = arith.addf %dot_general3A_43, %add3A_47 : vector<2000x256xf32>
    %swap3A = arith.constant 0 : index
    %swap3A_49 = arith.constant 0 : index
    %swap3A_50 = vector.load %arg11[%swap3A, %swap3A_49] : memref<2000x256xf32, #tpu.memory_space<vmem>>, vector<2000x256xf32>
    tpu.vector_store %arg11[%swap3A, %swap3A_49], %add3A_48 {strides = array<i32>} : memref<2000x256xf32, #tpu.memory_space<vmem>>, vector<2000x256xf32>,
    %add3A_51 = arith.addf %add3A_48, %get3A_1 : vector<2000x256xf32>
    %get3A_52 = arith.constant 0 : index
    %get3A_53 = arith.constant 0 : index
    %get3A_54 = vector.load %arg8[%get3A_52, %get3A_53] : memref<1x256xf32, #tpu.memory_space<vmem>>, vector<1x256xf32>
    %get3A_55 = arith.constant 0 : index
    %get3A_56 = arith.constant 0 : index
    %get3A_57 = vector.load %arg9[%get3A_55, %get3A_56] : memref<1x256xf32, #tpu.memory_space<vmem>>, vector<1x256xf32>
    %reduce_sum3A = arith.constant dense<0.000000e+00> : vector<2000xf32>
    %reduce_sum3A_58 = vector.multi_reduction <add>, %add3A_51, %reduce_sum3A [1] : vector<2000x256xf32> to vector<2000xf32>
    %broadcast_in_dim3A = vector.shape_cast %reduce_sum3A_58 : vector<2000xf32> to vector<2000x1xf32>
    %div3A = arith.constant 2.560000e+02 : f32
    %div3A_59 = vector.broadcast %div3A : f32 to vector<2000x1xf32>
    %div3A_60 = arith.divf %broadcast_in_dim3A, %div3A_59 : vector<2000x1xf32>
    %sub3A = vector.broadcast %div3A_60 : vector<2000x1xf32> to vector<2000x256xf32>
    %sub3A_61 = arith.subf %add3A_51, %sub3A : vector<2000x256xf32>
    %integer_pow3A = arith.mulf %sub3A_61, %sub3A_61 : vector<2000x256xf32>
    %reduce_sum3A_62 = arith.constant dense<0.000000e+00> : vector<2000xf32>
    %reduce_sum3A_63 = vector.multi_reduction <add>, %integer_pow3A, %reduce_sum3A_62 [1] : vector<2000x256xf32> to vector<2000xf32>
    %broadcast_in_dim3A_64 = vector.shape_cast %reduce_sum3A_63 : vector<2000xf32> to vector<2000x1xf32>
    %div3A_65 = arith.constant 2.560000e+02 : f32
    %div3A_66 = vector.broadcast %div3A_65 : f32 to vector<2000x1xf32>
    %div3A_67 = arith.divf %broadcast_in_dim3A_64, %div3A_66 : vector<2000x1xf32>
    %sub3A_68 = vector.broadcast %div3A_60 : vector<2000x1xf32> to vector<2000x256xf32>
    %sub3A_69 = arith.subf %add3A_51, %sub3A_68 : vector<2000x256xf32>
    %add3A_70 = arith.constant 9.99999974E-6 : f32
    %add3A_71 = vector.broadcast %add3A_70 : f32 to vector<2000x1xf32>
    %add3A_72 = arith.addf %div3A_67, %add3A_71 : vector<2000x1xf32>
    %rsqrt3A = math.rsqrt %add3A_72 : vector<2000x1xf32>
    %mul3A = vector.broadcast %rsqrt3A : vector<2000x1xf32> to vector<2000x256xf32>
    %mul3A_73 = arith.mulf %sub3A_69, %mul3A : vector<2000x256xf32>
    %mul3A_74 = vector.broadcast %get3A_54 : vector<1x256xf32> to vector<2000x256xf32>
    %mul3A_75 = arith.mulf %mul3A_73, %mul3A_74 : vector<2000x256xf32>
    %add3A_76 = vector.broadcast %get3A_57 : vector<1x256xf32> to vector<2000x256xf32>
    %add3A_77 = arith.addf %mul3A_75, %add3A_76 : vector<2000x256xf32>
    %swap3A_78 = arith.constant 0 : index
    %swap3A_79 = arith.constant 0 : index
    %swap3A_80 = vector.load %arg12[%swap3A_78, %swap3A_79] : memref<2000x256xf32, #tpu.memory_space<vmem>>, vector<2000x256xf32>
    tpu.vector_store %arg12[%swap3A_78, %swap3A_79], %add3A_77 {strides = array<i32>} : memref<2000x256xf32, #tpu.memory_space<vmem>>, vector<2000x256xf32>,
    return
  }
  func.func @transform_0(%arg0: i32) -> (i32, i32) {
    %c0_i32 = arith.constant 0 : i32
    %c0_i32_0 = arith.constant 0 : i32
    return %arg0, %c0_i32 : i32, i32
  }
  func.func @transform_1(%arg0: i32) -> (i32, i32) {
    %c0_i32 = arith.constant 0 : i32
    %c0_i32_0 = arith.constant 0 : i32
    return %arg0, %c0_i32 : i32, i32
  }
  func.func @transform_2(%arg0: i32) -> (i32, i32) {
    %add3A = arith.constant 48 : i32
    %add3A_0 = arith.addi %arg0, %add3A : i32
    %c0_i32 = arith.constant 0 : i32
    %c0_i32_1 = arith.constant 0 : i32
    return %add3A_0, %c0_i32 : i32, i32
  }
  func.func @transform_3(%arg0: i32) -> (i32, i32) {
    %c2_i32 = arith.constant 2 : i32
    %c0_i32 = arith.constant 0 : i32
    %c0_i32_0 = arith.constant 0 : i32
    return %c2_i32, %c0_i32 : i32, i32
  }
  func.func @transform_4(%arg0: i32) -> (i32, i32) {
    %c0_i32 = arith.constant 0 : i32
    %c0_i32_0 = arith.constant 0 : i32
    %c0_i32_1 = arith.constant 0 : i32
    return %c0_i32, %c0_i32_0 : i32, i32
  }
  func.func @transform_5(%arg0: i32) -> (i32, i32) {
    %c0_i32 = arith.constant 0 : i32
    %c0_i32_0 = arith.constant 0 : i32
    %c0_i32_1 = arith.constant 0 : i32
    return %c0_i32, %c0_i32_0 : i32, i32
  }
  func.func @transform_6(%arg0: i32) -> (i32, i32) {
    %c0_i32 = arith.constant 0 : i32
    %c0_i32_0 = arith.constant 0 : i32
    %c0_i32_1 = arith.constant 0 : i32
    return %c0_i32, %c0_i32_0 : i32, i32
  }
  func.func @transform_7(%arg0: i32) -> (i32, i32) {
    %c0_i32 = arith.constant 0 : i32
    %c0_i32_0 = arith.constant 0 : i32
    %c0_i32_1 = arith.constant 0 : i32
    return %c0_i32, %c0_i32_0 : i32, i32
  }
  func.func @transform_8(%arg0: i32) -> (i32, i32) {
    %c0_i32 = arith.constant 0 : i32
    %c0_i32_0 = arith.constant 0 : i32
    %c0_i32_1 = arith.constant 0 : i32
    return %c0_i32, %c0_i32_0 : i32, i32
  }
  func.func @transform_10(%arg0: i32) -> (i32, i32) {
    %c0_i32 = arith.constant 0 : i32
    %c0_i32_0 = arith.constant 0 : i32
    return %arg0, %c0_i32 : i32, i32
  }
  func.func @transform_11(%arg0: i32) -> (i32, i32) {
    %add3A = arith.constant 48 : i32
    %add3A_0 = arith.addi %arg0, %add3A : i32
    %c0_i32 = arith.constant 0 : i32
    %c0_i32_1 = arith.constant 0 : i32
    return %add3A_0, %c0_i32 : i32, i32
  }
}

module attributes {stable_mosaic.version = 14 : i64} {
  func.func @body(%arg0: i32, %arg1: memref<1000x256xf32, #tpu.memory_space<vmem>>, %arg2: memref<1000x256xf32, #tpu.memory_space<vmem>>, %arg3: memref<1000x256xf32, #tpu.memory_space<vmem>>, %arg4: memref<1000x256xf32, #tpu.memory_space<vmem>>, %arg5: memref<512x256xf32, #tpu.memory_space<vmem>>, %arg6: memref<1x256xf32, #tpu.memory_space<vmem>>, %arg7: memref<256x256xf32, #tpu.memory_space<vmem>>, %arg8: memref<1x256xf32, #tpu.memory_space<vmem>>, %arg9: memref<1x256xf32, #tpu.memory_space<vmem>>, %arg10: memref<1x256xf32, #tpu.memory_space<vmem>>, %arg11: memref<1000x256xf32, #tpu.memory_space<vmem>>) attributes {dimension_semantics = [#tpu.dimension_semantics<arbitrary>], iteration_bounds = array<i64: 10>, scalar_prefetch = 0 : i64, scratch_operands = 0 : i64, tpu.core_type = #tpu.core_type<tc>, window_params = [{transform_indices = @transform_0, window_bounds = array<i64: 1000, 256>}, {transform_indices = @transform_1, window_bounds = array<i64: 1000, 256>}, {transform_indices = @transform_2, window_bounds = array<i64: 1000, 256>}, {transform_indices = @transform_3, window_bounds = array<i64: 1000, 256>}, {pipeline_mode = #tpu.pipeline_mode<synchronous>, transform_indices = @transform_4, window_bounds = array<i64: 512, 256>}, {pipeline_mode = #tpu.pipeline_mode<synchronous>, transform_indices = @transform_5, window_bounds = array<i64: 1, 256>}, {pipeline_mode = #tpu.pipeline_mode<synchronous>, transform_indices = @transform_6, window_bounds = array<i64: 256, 256>}, {pipeline_mode = #tpu.pipeline_mode<synchronous>, transform_indices = @transform_7, window_bounds = array<i64: 1, 256>}, {pipeline_mode = #tpu.pipeline_mode<synchronous>, transform_indices = @transform_8, window_bounds = array<i64: 1, 256>}, {pipeline_mode = #tpu.pipeline_mode<synchronous>, transform_indices = @transform_9, window_bounds = array<i64: 1, 256>}, {transform_indices = @transform_10, window_bounds = array<i64: 1000, 256>}]} {
    %get3A = arith.constant 0 : index
    %get3A_0 = arith.constant 0 : index
    %get3A_1 = vector.load %arg1[%get3A, %get3A_0] : memref<1000x256xf32, #tpu.memory_space<vmem>>, vector<1000x256xf32>
    %get3A_2 = arith.constant 0 : index
    %get3A_3 = arith.constant 0 : index
    %get3A_4 = vector.load %arg2[%get3A_2, %get3A_3] : memref<1000x256xf32, #tpu.memory_space<vmem>>, vector<1000x256xf32>
    %get3A_5 = arith.constant 0 : index
    %get3A_6 = arith.constant 0 : index
    %get3A_7 = vector.load %arg3[%get3A_5, %get3A_6] : memref<1000x256xf32, #tpu.memory_space<vmem>>, vector<1000x256xf32>
    %add3A = arith.addf %get3A_4, %get3A_7 : vector<1000x256xf32>
    %get3A_8 = arith.constant 0 : index
    %get3A_9 = arith.constant 0 : index
    %get3A_10 = vector.load %arg4[%get3A_8, %get3A_9] : memref<1000x256xf32, #tpu.memory_space<vmem>>, vector<1000x256xf32>
    %add3A_11 = arith.addf %add3A, %get3A_10 : vector<1000x256xf32>
    %get3A_12 = arith.constant 0 : index
    %get3A_13 = arith.constant 0 : index
    %get3A_14 = vector.load %arg5[%get3A_12, %get3A_13] : memref<512x256xf32, #tpu.memory_space<vmem>>, vector<512x256xf32>
    %convert_element_type3A = arith.truncf %get3A_14 : vector<512x256xf32> to vector<512x256xbf16>
    %convert_element_type3A_15 = arith.truncf %get3A_1 : vector<1000x256xf32> to vector<1000x256xbf16>
    %slice3A = vector.extract_strided_slice %convert_element_type3A {offsets = [0, 0], sizes = [256, 256], strides = [1, 1]} : vector<512x256xbf16> to vector<256x256xbf16>
    %dot_general3A = arith.constant dense<0.000000e+00> : vector<1000x256xf32>
    %dot_general3A_16 = tpu.matmul %convert_element_type3A_15, %slice3A, %dot_general3A {dimension_numbers = #tpu.dot_dimension_numbers<[1], [0], [0], [1], [0, 0, 1, 1], [], []>, transpose_lhs_hint = false} : vector<1000x256xbf16>, vector<256x256xbf16>, vector<1000x256xf32> -> vector<1000x256xf32>
    %convert_element_type3A_17 = arith.truncf %add3A_11 : vector<1000x256xf32> to vector<1000x256xbf16>
    %slice3A_18 = vector.extract_strided_slice %convert_element_type3A {offsets = [256, 0], sizes = [256, 256], strides = [1, 1]} : vector<512x256xbf16> to vector<256x256xbf16>
    %dot_general3A_19 = arith.constant dense<0.000000e+00> : vector<1000x256xf32>
    %dot_general3A_20 = tpu.matmul %convert_element_type3A_17, %slice3A_18, %dot_general3A_19 {dimension_numbers = #tpu.dot_dimension_numbers<[1], [0], [0], [1], [0, 0, 1, 1], [], []>, transpose_lhs_hint = false} : vector<1000x256xbf16>, vector<256x256xbf16>, vector<1000x256xf32> -> vector<1000x256xf32>
    %add3A_21 = arith.addf %dot_general3A_16, %dot_general3A_20 : vector<1000x256xf32>
    %get3A_22 = arith.constant 0 : index
    %get3A_23 = arith.constant 0 : index
    %get3A_24 = vector.load %arg6[%get3A_22, %get3A_23] : memref<1x256xf32, #tpu.memory_space<vmem>>, vector<1x256xf32>
    %add3A_25 = vector.broadcast %get3A_24 : vector<1x256xf32> to vector<1000x256xf32>
    %add3A_26 = arith.addf %add3A_21, %add3A_25 : vector<1000x256xf32>
    %max3A = arith.constant 0.000000e+00 : f32
    %max3A_27 = vector.broadcast %max3A : f32 to vector<1000x256xf32>
    %max3A_28 = arith.maximumf %add3A_26, %max3A_27 : vector<1000x256xf32>
    %convert_element_type3A_29 = arith.truncf %max3A_28 : vector<1000x256xf32> to vector<1000x256xbf16>
    %get3A_30 = arith.constant 0 : index
    %get3A_31 = arith.constant 0 : index
    %get3A_32 = vector.load %arg7[%get3A_30, %get3A_31] : memref<256x256xf32, #tpu.memory_space<vmem>>, vector<256x256xf32>
    %convert_element_type3A_33 = arith.truncf %get3A_32 : vector<256x256xf32> to vector<256x256xbf16>
    %dot_general3A_34 = arith.constant dense<0.000000e+00> : vector<1000x256xf32>
    %dot_general3A_35 = tpu.matmul %convert_element_type3A_29, %convert_element_type3A_33, %dot_general3A_34 {dimension_numbers = #tpu.dot_dimension_numbers<[1], [0], [0], [1], [0, 0, 1, 1], [], []>, transpose_lhs_hint = false} : vector<1000x256xbf16>, vector<256x256xbf16>, vector<1000x256xf32> -> vector<1000x256xf32>
    %get3A_36 = arith.constant 0 : index
    %get3A_37 = arith.constant 0 : index
    %get3A_38 = vector.load %arg8[%get3A_36, %get3A_37] : memref<1x256xf32, #tpu.memory_space<vmem>>, vector<1x256xf32>
    %add3A_39 = vector.broadcast %get3A_38 : vector<1x256xf32> to vector<1000x256xf32>
    %add3A_40 = arith.addf %dot_general3A_35, %add3A_39 : vector<1000x256xf32>
    %add3A_41 = arith.addf %add3A_40, %get3A_1 : vector<1000x256xf32>
    %get3A_42 = arith.constant 0 : index
    %get3A_43 = arith.constant 0 : index
    %get3A_44 = vector.load %arg9[%get3A_42, %get3A_43] : memref<1x256xf32, #tpu.memory_space<vmem>>, vector<1x256xf32>
    %get3A_45 = arith.constant 0 : index
    %get3A_46 = arith.constant 0 : index
    %get3A_47 = vector.load %arg10[%get3A_45, %get3A_46] : memref<1x256xf32, #tpu.memory_space<vmem>>, vector<1x256xf32>
    %reduce_sum3A = arith.constant dense<0.000000e+00> : vector<1000xf32>
    %reduce_sum3A_48 = vector.multi_reduction <add>, %add3A_41, %reduce_sum3A [1] : vector<1000x256xf32> to vector<1000xf32>
    %broadcast_in_dim3A = vector.shape_cast %reduce_sum3A_48 : vector<1000xf32> to vector<1000x1xf32>
    %div3A = arith.constant 2.560000e+02 : f32
    %div3A_49 = vector.broadcast %div3A : f32 to vector<1000x1xf32>
    %div3A_50 = arith.divf %broadcast_in_dim3A, %div3A_49 : vector<1000x1xf32>
    %sub3A = vector.broadcast %div3A_50 : vector<1000x1xf32> to vector<1000x256xf32>
    %sub3A_51 = arith.subf %add3A_41, %sub3A : vector<1000x256xf32>
    %integer_pow3A = arith.mulf %sub3A_51, %sub3A_51 : vector<1000x256xf32>
    %reduce_sum3A_52 = arith.constant dense<0.000000e+00> : vector<1000xf32>
    %reduce_sum3A_53 = vector.multi_reduction <add>, %integer_pow3A, %reduce_sum3A_52 [1] : vector<1000x256xf32> to vector<1000xf32>
    %broadcast_in_dim3A_54 = vector.shape_cast %reduce_sum3A_53 : vector<1000xf32> to vector<1000x1xf32>
    %div3A_55 = arith.constant 2.560000e+02 : f32
    %div3A_56 = vector.broadcast %div3A_55 : f32 to vector<1000x1xf32>
    %div3A_57 = arith.divf %broadcast_in_dim3A_54, %div3A_56 : vector<1000x1xf32>
    %sub3A_58 = vector.broadcast %div3A_50 : vector<1000x1xf32> to vector<1000x256xf32>
    %sub3A_59 = arith.subf %add3A_41, %sub3A_58 : vector<1000x256xf32>
    %add3A_60 = arith.constant 9.99999974E-6 : f32
    %add3A_61 = vector.broadcast %add3A_60 : f32 to vector<1000x1xf32>
    %add3A_62 = arith.addf %div3A_57, %add3A_61 : vector<1000x1xf32>
    %rsqrt3A = math.rsqrt %add3A_62 : vector<1000x1xf32>
    %mul3A = vector.broadcast %rsqrt3A : vector<1000x1xf32> to vector<1000x256xf32>
    %mul3A_63 = arith.mulf %sub3A_59, %mul3A : vector<1000x256xf32>
    %mul3A_64 = vector.broadcast %get3A_44 : vector<1x256xf32> to vector<1000x256xf32>
    %mul3A_65 = arith.mulf %mul3A_63, %mul3A_64 : vector<1000x256xf32>
    %add3A_66 = vector.broadcast %get3A_47 : vector<1x256xf32> to vector<1000x256xf32>
    %add3A_67 = arith.addf %mul3A_65, %add3A_66 : vector<1000x256xf32>
    %swap3A = arith.constant 0 : index
    %swap3A_68 = arith.constant 0 : index
    %swap3A_69 = vector.load %arg11[%swap3A, %swap3A_68] : memref<1000x256xf32, #tpu.memory_space<vmem>>, vector<1000x256xf32>
    tpu.vector_store %arg11[%swap3A, %swap3A_68], %add3A_67 {strides = array<i32>} : memref<1000x256xf32, #tpu.memory_space<vmem>>, vector<1000x256xf32>,
    return
  }
  func.func @transform_0(%arg0: i32) -> (i32, i32) {
    %c0_i32 = arith.constant 0 : i32
    %c0_i32_0 = arith.constant 0 : i32
    return %arg0, %c0_i32 : i32, i32
  }
  func.func @transform_1(%arg0: i32) -> (i32, i32) {
    %c0_i32 = arith.constant 0 : i32
    %c0_i32_0 = arith.constant 0 : i32
    return %arg0, %c0_i32 : i32, i32
  }
  func.func @transform_2(%arg0: i32) -> (i32, i32) {
    %c0_i32 = arith.constant 0 : i32
    %c0_i32_0 = arith.constant 0 : i32
    return %arg0, %c0_i32 : i32, i32
  }
  func.func @transform_3(%arg0: i32) -> (i32, i32) {
    %c0_i32 = arith.constant 0 : i32
    %c0_i32_0 = arith.constant 0 : i32
    return %arg0, %c0_i32 : i32, i32
  }
  func.func @transform_4(%arg0: i32) -> (i32, i32) {
    %c0_i32 = arith.constant 0 : i32
    %c0_i32_0 = arith.constant 0 : i32
    %c0_i32_1 = arith.constant 0 : i32
    return %c0_i32, %c0_i32_0 : i32, i32
  }
  func.func @transform_5(%arg0: i32) -> (i32, i32) {
    %c0_i32 = arith.constant 0 : i32
    %c0_i32_0 = arith.constant 0 : i32
    %c0_i32_1 = arith.constant 0 : i32
    return %c0_i32, %c0_i32_0 : i32, i32
  }
  func.func @transform_6(%arg0: i32) -> (i32, i32) {
    %c0_i32 = arith.constant 0 : i32
    %c0_i32_0 = arith.constant 0 : i32
    %c0_i32_1 = arith.constant 0 : i32
    return %c0_i32, %c0_i32_0 : i32, i32
  }
  func.func @transform_7(%arg0: i32) -> (i32, i32) {
    %c0_i32 = arith.constant 0 : i32
    %c0_i32_0 = arith.constant 0 : i32
    %c0_i32_1 = arith.constant 0 : i32
    return %c0_i32, %c0_i32_0 : i32, i32
  }
  func.func @transform_8(%arg0: i32) -> (i32, i32) {
    %c0_i32 = arith.constant 0 : i32
    %c0_i32_0 = arith.constant 0 : i32
    %c0_i32_1 = arith.constant 0 : i32
    return %c0_i32, %c0_i32_0 : i32, i32
  }
  func.func @transform_9(%arg0: i32) -> (i32, i32) {
    %c0_i32 = arith.constant 0 : i32
    %c0_i32_0 = arith.constant 0 : i32
    %c0_i32_1 = arith.constant 0 : i32
    return %c0_i32, %c0_i32_0 : i32, i32
  }
  func.func @transform_10(%arg0: i32) -> (i32, i32) {
    %c0_i32 = arith.constant 0 : i32
    %c0_i32_0 = arith.constant 0 : i32
    return %arg0, %c0_i32 : i32, i32
  }
}

</mosaic_0001>

<sc_bundles>
// kernel: kernel.13.cloned.1.call-start
scs
__scs_entry_jumppad:
0x0: {  	(pc) =	sbr.rel $0x88, $3  }
0x1: {  	(tag) =	ssettag $0x0;
	lr =	simm.s32 $0x1  }
0x2: {  	[smem:$0x3F92] =	sst lr;
	_ =	strace $0xD0000000  }
0x3: {  	_ = 	snop  }
0x4: {  	_ = 	snop  }
0x5: {  	_ = 	snop  }
0x6: {  	_ = 	snop  }
0x7: {  	_ = 	snop  }
__scs_overlays_trampoline_lowered:
0x8: {  	[smem:$0x3FA1] =	sst s0  }
0x9: {  	[smem:$0x3FA2] =	sst s1  }
0xa: {  	[smem:$0x3FA3] =	sst s2  }
0xb: {  	[smem:$0x3FA4] =	sst s3  }
0xc: {  	[smem:$0x3FA5] =	sst s4  }
0xd: {  	[smem:$0x3FA6] =	sst s5  }
0xe: {  	[smem:$0x3FA7] =	sst s6  }
0xf: {  	[smem:$0x3FA8] =	sst s7  }
0x10: {  	[smem:$0x3FA9] =	sst s8  }
0x11: {  	[smem:$0x3FAA] =	sst s9;
	s0 =	simm.s32 @!p0 $0x0  }
0x12: {  	s1 =	sld [smem:$0x3F90];
	s0 =	simm.s32 @p0 $0x1  }
0x13: {  	[smem:$0x3FAB] =	sst s0;
	s0 =	simm.s32 @!p1 $0x0  }
0x14: {  	s2 =	sld [smem:$0x3F8F];
	s0 =	simm.s32 @p1 $0x1  }
0x15: {  	[smem:$0x3FAC] =	sst s0;
	s0 =	simm.s32 @!p2 $0x0  }
0x16: {  	s3 =	sld [smem:$0x3FDB];
	s0 =	simm.s32 @p2 $0x1  }
0x17: {  	s4 =	simm.s32 $0x1BF5;
	[smem:$0x3FAE] =	sst s0  }
0x18: {  	s0 =	sld [smem:$0x3F91];
	_ =	swait.ge [sflag:s4], $0x0  }
0x19: {  	s7 =	sld [smem:$0x3F92]  }
0x1a: {  	s8 =	sadd.s32 $0xFFFFE003, lr  }
0x1b: {  	s9 =	sadd.s32 $0xFFFFFEF7, lr;
	s5 =	simm.s32 $0xFFFFFFFF;
	p2 =	slt.u32 s8, $0xFFFFF086  }
0x1c: {  	p1 =	slt.u32 s9, $0xF7A;
	s5 =	simm.s32 @!p2 $0x0  }
0x1d: {  	s5 =	simm.s32 @p1 $0x1;
	p0 =	seq.s32 s7, s2  }
0x1e: {  	s7 =	smul.u32 @!p0 $0xF7A, s2;
	p2 =	seq.s32 @!p0 s5, $0x0  }
0x1f: {  	s9 =	smul.u32 $0xF7A, s1;
	s8 =	simm.s32 @!p0 $0x1BF5;
	p2 =	por !p2, p0  }
0x20: {  	[sflag:s8] =	ssyncset.s32 @!p0 $0xFFFFF086;
	s6 =	sadd.s32 @!p0 s3, s7;
	s7 =	simm.s32 @!p0 $0x108  }
0x21: {  	s3 =	sadd.s32 s3, s9;
	s6 =	sadd.s32 @!p0 $0x88, s6;
	s7 =	simm.s32 @p2 $0x1082  }
0x22: {  	[simem:s7], [sflag:s8] =	dma.local @!p0 [hbm:s6], $0xF7A  }
0x23: {  	s9 =	sor.u32 $0xD0000000, s2;
	s6 =	simm.s32 $0x108;
	_ =	swait.ge @!p0 [sflag:s8], $0x0  }
0x24: {  	s3 =	sadd.s32 $0x88, s3;
	s6 =	simm.s32 @!p1 $0x1082;
	[sflag:s4] =	ssyncset.s32 $0xFFFFF086  }
0x25: {  	[simem:s6], [sflag:s4] =	dma.local [hbm:s3], $0xF7A  }
0x26: {  	[smem:$0x3F92] =	sst s1;
	(tag) =	ssettag s2;
	_ =	strace s9  }
0x27: {  	s1 =	sld [smem:$0x3FA2]  }
0x28: {  	s2 =	sld [smem:$0x3FA3]  }
0x29: {  	s4 =	sld [smem:$0x3FA5]  }
0x2a: {  	p0 =	seq.s32 s5, $0x0;
	s5 =	sld [smem:$0x3FA6]  }
0x2b: {  	s6 =	sld [smem:$0x3FA7]  }
0x2c: {  	s7 =	sld [smem:$0x3FA8]  }
0x2d: {  	s3 =	simm.s32 $0x108;
	s8 =	sld [smem:$0x3FA9]  }
0x2e: {  	s3 =	simm.s32 @!p0 $0x1082;
	s9 =	sld [smem:$0x3FAA]  }
0x2f: {  	lr =	sadd.s32 s0, s3;
	s0 =	sld [smem:$0x3FA1]  }
0x30: {  	s3 =	sld [smem:$0x3FA4]  }
0x31: {  	[smem:$0x3FAD] =	sst s10  }
0x32: {  	s10 =	sld [smem:$0x3FAB];
	_ =	sdelay $0x3  }
0x33: {  	p0 =	seq.s32 s10, $0x1;
	s10 =	sld [smem:$0x3FAD];
	_ =	sdelay $0x3  }
0x34: {  	[smem:$0x3FAD] =	sst s10  }
0x35: {  	s10 =	sld [smem:$0x3FAC];
	_ =	sdelay $0x3  }
0x36: {  	p1 =	seq.s32 s10, $0x1;
	s10 =	sld [smem:$0x3FAD];
	_ =	sdelay $0x3  }
0x37: {  	[smem:$0x3FAD] =	sst s10  }
0x38: {  	s10 =	sld [smem:$0x3FAE]  }
0x39: {  	_ = 	snop;
	(pc) =	sbr.ind lr, $3  }
0x3a: {  	_ = 	snop  }
0x3b: {  	_ = 	snop  }
0x3c: {  	p2 =	seq.s32 s10, $0x1;
	s10 =	sld [smem:$0x3FAD]  }
0x3d: {  	_ =	shalt  }
0x3e: {  	_ =	shalt  }
0x3f: {  	_ =	shalt  }
0x40: {  	_ =	shalt  }
0x41: {  	_ =	shalt  }
0x42: {  	_ =	shalt  }
0x43: {  	_ =	shalt  }
0x44: {  	_ =	shalt  }
0x45: {  	_ =	shalt  }
0x46: {  	_ =	shalt  }
0x47: {  	_ =	shalt  }
0x48: {  	_ =	shalt  }
0x49: {  	_ =	shalt  }
0x4a: {  	_ =	shalt  }
0x4b: {  	_ =	shalt  }
0x4c: {  	_ =	shalt  }
0x4d: {  	_ =	shalt  }
0x4e: {  	_ =	shalt  }
0x4f: {  	_ =	shalt  }
0x50: {  	_ =	shalt  }
0x51: {  	_ =	shalt  }
0x52: {  	_ =	shalt  }
0x53: {  	_ =	shalt  }
0x54: {  	_ =	shalt  }
0x55: {  	_ =	shalt  }
0x56: {  	_ =	shalt  }
0x57: {  	_ =	shalt  }
0x58: {  	_ =	shalt  }
0x59: {  	_ =	shalt  }
0x5a: {  	_ =	shalt  }
0x5b: {  	_ =	shalt  }
0x5c: {  	_ =	shalt  }
0x5d: {  	_ =	shalt  }
0x5e: {  	_ =	shalt  }
0x5f: {  	_ =	shalt  }
0x60: {  	_ =	shalt  }
0x61: {  	_ =	shalt  }
0x62: {  	_ =	shalt  }
0x63: {  	_ =	shalt  }
0x64: {  	_ =	shalt  }
0x65: {  	_ =	shalt  }
0x66: {  	_ =	shalt  }
0x67: {  	_ =	shalt  }
0x68: {  	_ =	shalt  }
0x69: {  	_ =	shalt  }
0x6a: {  	_ =	shalt  }
0x6b: {  	_ =	shalt  }
0x6c: {  	_ =	shalt  }
0x6d: {  	_ =	shalt  }
0x6e: {  	_ =	shalt  }
0x6f: {  	_ =	shalt  }
0x70: {  	_ =	shalt  }
0x71: {  	_ =	shalt  }
0x72: {  	_ =	shalt  }
0x73: {  	_ =	shalt  }
0x74: {  	_ =	shalt  }
0x75: {  	_ =	shalt  }
0x76: {  	_ =	shalt  }
0x77: {  	_ =	shalt  }
0x78: {  	_ =	shalt  }
0x79: {  	_ =	shalt  }
0x7a: {  	_ =	shalt  }
0x7b: {  	_ =	shalt  }
0x7c: {  	_ =	shalt  }
0x7d: {  	_ =	shalt  }
0x7e: {  	_ =	shalt  }
0x7f: {  	_ =	shalt  }
0x80: {  	_ =	shalt  }
0x81: {  	_ =	shalt  }
0x82: {  	_ =	shalt  }
0x83: {  	_ =	shalt  }
0x84: {  	_ =	shalt  }
0x85: {  	_ =	shalt  }
0x86: {  	_ =	shalt  }
0x87: {  	_ =	shalt  }
.Lfunc_end0:
.L_simem_size_0:
called_computation_lowered:
.L_overlay_start_0:
0x88: {  	s2 =	sld [smem:$0x3FD9]  }
0x89: {  	s3 =	sld [smem:$0x3FFE];
	_ =	sdelay $0x1  }
0x8a: {  	s1 =	srdreg.scid  }
0x8b: {  	s0 =	sand.u32 $0x1, s1  }
0x8c: {  	s14 =	sshll.u32 s0, $0xA;
	s2 =	sadd.s32 s3, s2  }
0x8d: {  	s2 =	sadd.s32 s2, s14  }
0x8e: {  	[smem:$0x3FB9] =	sst s2  }
0x8f: {  	_ = 	snop  }
0x90: {  	s2 =	sld [smem:$0x3FD0];
	_ =	sdelay $0x2  }
0x91: {  	s15 =	simm.s32 $0xC;
	s4 =	simm.s32 $0x10  }
0x92: {  	[smem:s4], [sflag:s15] =	dma.local [hbm:s2], $0x1  }
0x93: {  	_ =	swait.eq [sflag:s15], $0x1  }
0x94: {  	[sflag:s15] =	ssyncset.done $0x0  }
0x95: {  	[sflag:s15] =	ssyncadd.s32 $0xFFFFFFFF  }
0x96: {  	s16 =	sld [smem:$0x11];
	(tm) =	ssettm $0x1  }
0x97: {  	s17 =	sld [smem:$0x3FFB];
	_ =	sdelay $0x3  }
0x98: {  	_ =	strace s17  }
0x99: {  	s3 =	sld [smem:$0x3FFC];
	_ =	sdelay $0x3  }
0x9a: {  	_ =	strace s3  }
0x9b: {  	s3 =	sld [smem:$0x3FFD];
	_ =	sdelay $0x3  }
0x9c: {  	_ =	strace s3  }
0x9d: {  	_ =	strace $0x8FFFFFFF  }
0x9e: {  	s18 =	sld [smem:$0x3FDB];
	_ =	sdelay $0x1  }
0x9f: {  	s19 =	simm.s32 $_scs_section_size  }
0xa0: {  	s5 =	simm.s32 $_size__tile_overlayer_lowered;
	s6 =	simm.s32 $_tile_overlayer_lowered  }
0xa1: {  	s22 =	simm.s32 $0x1BFF;
	s21 =	sshll.u32 s6, $0x1;
	s3 =	sadd.s32 s19, s18  }
0xa2: {  	s7 =	simm.s32 $0x0;
	s20 =	sshll.u32 s5, $0x1;
	s5 =	sadd.s32 s21, s3  }
0xa3: {  	[timem:s7], [sflag:s22] =	dma.local [hbm:s5], s20  }
0xa4: {  	_ =	swait.ge [sflag:s22], s20  }
0xa5: {  	s4 =	ssub.s32 $0x0, s20;
	[sflag:s22] =	ssyncset.done $0x0  }
0xa6: {  	[sflag:s22] =	ssyncadd.s32 s4;
	_ =	sdelay $0x1  }
0xa7: {  	s23 =	simm.s32 $0x1B8B  }
0xa8: {  	_ =	swait.ge [sflag:s23], $0x1  }
0xa9: {  	[sflag:s23] =	ssyncset.done $0x0  }
0xaa: {  	s25 =	simm.s32 $0x1B8E;
	s24 =	sld [smem:$0x3FFE];
	[sflag:s23] =	ssyncadd.s32 $0xFFFFFFFF  }
0xab: {  	s26 =	simm.s32 $execute0_lowered;
	[smem:$0x3FD2] =	sst s25  }
0xac: {  	s5 =	sshll.u32 s26, $0x1;
	_ =	strace $0x80000046;
	[dreg:$0x1] =	wrdreg $0xFFFFFFFF  }
0xad: {  	s28 =	simm.s32 $_size_execute0_lowered;
	s3 =	sadd.s32 s3, s5;
	[dreg:$0x0] =	wrdreg $0x0  }
0xae: {  	s5 =	sshll.u32 s28, $0x1;
	[dreg:$0x2] =	wrdreg s3  }
0xaf: {  	[dreg:$0x3] =	wrdreg s5  }
0xb0: {  	[dreg:$0x4] =	wrdreg $0xC0  }
0xb1: {  	_ =	task [dreg:s7], $0x5FFFF  }
0xb2: {  	[dreg:$0x1] =	wrdreg $0xFFFFFFFF  }
0xb3: {  	[dreg:$0x0] =	wrdreg $0x60  }
0xb4: {  	[dreg:$0x2] =	wrdreg s24  }
0xb5: {  	[dreg:$0x3] =	wrdreg s16  }
0xb6: {  	[dreg:$0x4] =	wrdreg $0xA  }
0xb7: {  	_ =	task.clear_ibuf [dreg:s7], $0x5FFFF;
	_ =	strace $0x90000046  }
0xb8: {  	s29 =	simm.s32 $0xA;
	_ =	strace $0x80000048  }
0xb9: {  	_ =	swait.ge [sflag:s29], $0x1  }
0xba: {  	[sflag:s29] =	ssyncadd.s32 $0xFFFFFFFF  }
0xbb: {  	_ =	strace $0x90000048  }
0xbc: {  	_ =	sfence  }
0xbd: {  	s30 =	sld [smem:$0x0];
	_ =	sdelay $0x2  }
0xbe: {  	s31 =	sshll.u32 s1, $0xD;
	s1 =	sshrl.u32 s1, $0x2  }
0xbf: {  	s3 =	sand.u32 $0x4000, s31;
	s1 =	sadd.s32 s1, s30  }
0xc0: {  	s0 =	sor.u32 s3, s0;
	s1 =	sshll.u32 s1, $0x11  }
0xc1: {  	s0 =	sor.u32 s1, s0  }
0xc2: {  	s0 =	sadd.s32 $0x8F2B, s0  }
0xc3: {  	[sflag:s0] =	ssyncadd.remote.s32 $0x1  }
0xc4: {  	_ =	sfence.sel $0xFFFF  }
0xc5: {  	[dreg:$0x0] =	wrdreg $0xFFFFFFFF;
	(pc) =	sbr.abs _section_cstart, $3  }
0xc6: {  	[dreg:$0x1] =	wrdreg $0xFFFFFFFF  }
0xc7: {  	_ =	task.clear_ibuf [dreg:s7], $0x2FFFF;
	_ =	strace $0x9FFFFFFF  }
0xc8: {  	(tm) =	ssettm $0x7FFFFFFF  }
0xc9: {  	_ =	shalt  }
tec
execute0_lowered:
.L_overlay_start_1:
0x0: {  	(tag) =	ssettag $0x1  }
0x1: {  	s0 =	srdreg.scid  }
0x2: {  	s16 =	stileid.u32;
	s1 =	rddreg [dreg:$0x0]  }
0x3: {  	s5 =	rddreg [dreg:$0x1];
	s30 =	simm.s32 $0x5;
	s29 =	simm.s32 $0x400  }
0x4: {  	s15 =	simm.s32 $0x6C00;
	s31 =	simm.s32 $0x4C8;
	p0 =	por $0x0, $0x0  }
0x5: {  	s28 =	simm.s32 $0x590;
	s0 =	sand.u32 $0x1, s0;
	s2 =	sshll.u32 s16, $0x1  }
0x6: {  	s14 =	simm.s32 $0x4;
	s8 =	sadd.s32 $0x5CA00, s1;
	s4 =	sor.u32 s0, s2  }
0x7: {  	s2 =	simm.s32 $0x0;
	s0 =	ssub.s32 $0x2, s0;
	s3 =	smul.u32 $0x7D, s4  }
0x8: {  	[smem:$0x7FF] =	sst s2;
	s7 =	smul.u32 $0x1F400, s4;
	s9 =	sshrl.u32 s0, $0x1  }
0x9: {  	s19 =	smul.u32 $0x3E80, s4;
	s4 =	sadd.s32 $0x35800, s1;
	_ =	strace $0x80000047  }
0xa: {  	s0 =	ssub.s32 s0, s9;
	s9 =	simm.s32 $0xC8;
	s6 =	sadd.s32 s3, s1  }
0xb: {  	s3 =	sadd.s32 $0xE600, s1;
	s7 =	sshrl.u32 s7, $0x3;
	s0 =	smax.u32 s0, $0x1  }
0xc: {  	s22 =	sadd.s32 s5, s19;
	s23 =	sadd.s32 s8, s19;
	s24 =	sadd.s32 $0xC80, s19  }
0xd: {  	s25 =	sadd.s32 $0x1900, s19;
	s26 =	sadd.s32 $0x2580, s19;
	s19 =	simm.s32 $0x2  }
0xe: {  	s1 =	simm.s32 $0x320;
	s10 =	sadd.s32 $0x9600, s6;
	s6 =	sadd.s32 $0x4600, s6  }
0xf: {  	s7 =	sadd.s32 $0x3200, s7;
	s20 =	sadd.s32 s5, s24;
	s21 =	sadd.s32 s8, s24  }
0x10: {  	s12 =	sadd.s32 s5, s25;
	s13 =	sadd.s32 s8, s25;
	s11 =	sadd.s32 s8, s26  }
0x11: {  	p1 =	sne.s32 s0, $0x1;
	s0 =	sadd.s32 $0xFFFFFFFF, s0;
	[dreg:$0x3] =	wrdreg s10  }
0x12: {  	s24 =	simm.s32 $0x258;
	s25 =	simm.s32 $0x658;
	[dreg:$0x4] =	wrdreg s6  }
.Ltmp0:
0x13: {  	s17 =	sadd.s32 s5, s7;
	s18 =	sadd.s32 s8, s7;
	(pc) =	sbr.rel @!p1 .LBB2_5-.Ltmp0, $4  }
0x14: {  	s10 =	sadd.s32 s5, s26;
	s5 =	simm.s32 $0x800;
	[dreg:$0x7] =	wrdreg s0  }
0x15: {  	s6 =	simm.s32 $0xD000;
	s8 =	simm.s32 $0x1;
	[dreg:$0x5] =	wrdreg s17  }
0x16: {  	s7 =	simm.s32 $0x3;
	s26 =	simm.s32 $0x190;
	[dreg:$0x6] =	wrdreg s18  }
0x17: {  	s18 =	simm.s32 $0x13400;
	s17 =	simm.s32 $0x720;
	s0 =	rddreg [dreg:$0x3]  }
0x18: {  	[tilespmem:s2], [sflag:$0x5] =	stream.linear.gather [hbm4b:s0+s2], $0x3E8, $0x38;
	[tilespmem:$0x19800] =	vst v63  }
0x19: {  	_ =	swait.ge [sflag:s30], $0x3E8  }
0x1a: {  	[sflag:s30] =	ssyncset.done $0x0  }
0x1b: {  	s16 =	rddreg [dreg:$0x4];
	[sflag:s30] =	ssyncadd.s32 $0xFFFFFC18  }
0x1c: {  	[tilespmem:s29], [sflag:$0x5] =	stream.linear.gather [hbm4b:s16+s2], $0x3E8, $0x38;
	[tilespmem:$0x19800] =	vst v63  }
0x1d: {  	_ =	swait.ge [sflag:s30], $0x3E8  }
0x1e: {  	[sflag:s30] =	ssyncset.done $0x0  }
0x1f: {  	[sflag:s30] =	ssyncadd.s32 $0xFFFFFC18  }
0x20: {  	[tilespmem:s5], [sflag:$0x1] =	stream.indirect.gather [hbm4b:s3+s9], $0x80, s2, s9, $0xb8;
	[tilespmem:$0x19800] =	vst v63  }
0x21: {  	_ = 	snop  }
0x22: {  	[tilespmem:s6], [sflag:$0x1] =	stream.indirect.gather [hbm4b:s4+s9], $0x80, s29, s9, $0xb8;
	[tilespmem:$0x19800] =	vst v63  }
0x23: {  	_ = 	snop  }
0x24: {  	[tilespmem:s15], [sflag:$0x2] =	stream.indirect.gather [hbm4b:s3+s9], $0x80, s9, s9, $0xb8;
	[tilespmem:$0x19800] =	vst v63  }
0x25: {  	_ = 	snop  }
0x26: {  	[tilespmem:s18], [sflag:$0x2] =	stream.indirect.gather [hbm4b:s4+s9], $0x80, s31, s9, $0xb8;
	[tilespmem:$0x19800] =	vst v63  }
0x27: {  	_ =	swait.ge [sflag:s8], $0x6400  }
0x28: {  	[sflag:s8] =	ssyncset.done $0x0  }
0x29: {  	[sflag:s8] =	ssyncadd.s32 $0xFFFF9C00  }
0x2a: {  	_ =	swait.ge [sflag:s8], $0x6400  }
0x2b: {  	[sflag:s8] =	ssyncset.done $0x0  }
0x2c: {  	[sflag:s8] =	ssyncadd.s32 $0xFFFF9C00  }
0x2d: {  	[hbm4b:s22+s2] =	stream.linear.scatter [tilespmem:s5], [sflag:$0x3], $0x6400, $0x38;
	[tilespmem:$0x19800] =	vst v63  }
0x2e: {  	_ = 	snop  }
0x2f: {  	[hbm4b:s23+s2] =	stream.linear.scatter [tilespmem:s6], [sflag:$0x3], $0x6400, $0x38;
	[tilespmem:$0x19800] =	vst v63  }
0x30: {  	_ =	swait.ge [sflag:s19], $0x6400  }
0x31: {  	[sflag:s19] =	ssyncset.done $0x0  }
0x32: {  	[sflag:s19] =	ssyncadd.s32 $0xFFFF9C00  }
0x33: {  	_ =	swait.ge [sflag:s19], $0x6400  }
0x34: {  	[sflag:s19] =	ssyncset.done $0x0  }
0x35: {  	[sflag:s19] =	ssyncadd.s32 $0xFFFF9C00  }
0x36: {  	[hbm4b:s20+s2] =	stream.linear.scatter [tilespmem:s15], [sflag:$0x4], $0x6400, $0x38;
	[tilespmem:$0x19800] =	vst v63  }
0x37: {  	_ = 	snop  }
0x38: {  	[hbm4b:s21+s2] =	stream.linear.scatter [tilespmem:s18], [sflag:$0x4], $0x6400, $0x38;
	[tilespmem:$0x19800] =	vst v63  }
0x39: {  	_ =	swait.ge [sflag:s7], $0x6400  }
0x3a: {  	[sflag:s7] =	ssyncset.done $0x0  }
0x3b: {  	[sflag:s7] =	ssyncadd.s32 $0xFFFF9C00  }
0x3c: {  	_ =	swait.ge [sflag:s7], $0x6400  }
0x3d: {  	[sflag:s7] =	ssyncset.done $0x0  }
0x3e: {  	[sflag:s7] =	ssyncadd.s32 $0xFFFF9C00  }
0x3f: {  	[tilespmem:s5], [sflag:$0x1] =	stream.indirect.gather [hbm4b:s3+s9], $0x80, s26, s9, $0xb8;
	[tilespmem:$0x19800] =	vst v63  }
0x40: {  	_ = 	snop  }
0x41: {  	[tilespmem:s6], [sflag:$0x1] =	stream.indirect.gather [hbm4b:s4+s9], $0x80, s28, s9, $0xb8;
	[tilespmem:$0x19800] =	vst v63  }
0x42: {  	_ =	swait.ge [sflag:s14], $0x6400  }
0x43: {  	[sflag:s14] =	ssyncset.done $0x0  }
0x44: {  	[sflag:s14] =	ssyncadd.s32 $0xFFFF9C00  }
0x45: {  	_ =	swait.ge [sflag:s14], $0x6400  }
0x46: {  	[sflag:s14] =	ssyncset.done $0x0  }
0x47: {  	[sflag:s14] =	ssyncadd.s32 $0xFFFF9C00  }
0x48: {  	[tilespmem:s15], [sflag:$0x2] =	stream.indirect.gather [hbm4b:s3+s9], $0x80, s24, s9, $0xb8;
	[tilespmem:$0x19800] =	vst v63  }
0x49: {  	_ = 	snop  }
0x4a: {  	[tilespmem:s18], [sflag:$0x2] =	stream.indirect.gather [hbm4b:s4+s9], $0x80, s25, s9, $0xb8;
	[tilespmem:$0x19800] =	vst v63  }
0x4b: {  	_ =	swait.ge [sflag:s8], $0x6400  }
0x4c: {  	[sflag:s8] =	ssyncset.done $0x0  }
0x4d: {  	[sflag:s8] =	ssyncadd.s32 $0xFFFF9C00  }
0x4e: {  	_ =	swait.ge [sflag:s8], $0x6400  }
0x4f: {  	[sflag:s8] =	ssyncset.done $0x0  }
0x50: {  	[sflag:s8] =	ssyncadd.s32 $0xFFFF9C00  }
0x51: {  	[hbm4b:s12+s2] =	stream.linear.scatter [tilespmem:s5], [sflag:$0x3], $0x6400, $0x38;
	[tilespmem:$0x19800] =	vst v63  }
0x52: {  	_ = 	snop  }
0x53: {  	[hbm4b:s13+s2] =	stream.linear.scatter [tilespmem:s6], [sflag:$0x3], $0x6400, $0x38;
	[tilespmem:$0x19800] =	vst v63  }
0x54: {  	_ =	swait.ge [sflag:s19], $0x6400  }
0x55: {  	[sflag:s19] =	ssyncset.done $0x0  }
0x56: {  	[sflag:s19] =	ssyncadd.s32 $0xFFFF9C00  }
0x57: {  	_ =	swait.ge [sflag:s19], $0x6400  }
0x58: {  	[sflag:s19] =	ssyncset.done $0x0  }
0x59: {  	[sflag:s19] =	ssyncadd.s32 $0xFFFF9C00  }
0x5a: {  	[hbm4b:s10+s2] =	stream.linear.scatter [tilespmem:s15], [sflag:$0x4], $0x6400, $0x38;
	[tilespmem:$0x19800] =	vst v63  }
0x5b: {  	_ = 	snop  }
0x5c: {  	[hbm4b:s11+s2] =	stream.linear.scatter [tilespmem:s18], [sflag:$0x4], $0x6400, $0x38;
	[tilespmem:$0x19800] =	vst v63  }
0x5d: {  	_ =	swait.ge [sflag:s7], $0x6400  }
0x5e: {  	[sflag:s7] =	ssyncset.done $0x0  }
0x5f: {  	[sflag:s7] =	ssyncadd.s32 $0xFFFF9C00  }
0x60: {  	_ =	swait.ge [sflag:s7], $0x6400  }
0x61: {  	[sflag:s7] =	ssyncset.done $0x0  }
0x62: {  	[sflag:s7] =	ssyncadd.s32 $0xFFFF9C00  }
0x63: {  	_ =	swait.ge [sflag:s14], $0x6400  }
0x64: {  	[sflag:s14] =	ssyncset.done $0x0  }
0x65: {  	[sflag:s14] =	ssyncadd.s32 $0xFFFF9C00  }
0x66: {  	_ =	swait.ge [sflag:s14], $0x6400  }
0x67: {  	[sflag:s14] =	ssyncset.done $0x0  }
0x68: {  	[sflag:s14] =	ssyncadd.s32 $0xFFFF9C00  }
0x69: {  	[tilespmem:s5], [sflag:$0x1] =	stream.indirect.gather [hbm4b:s3+s9], $0x80, s1, s9, $0xb8;
	[tilespmem:$0x19800] =	vst v63  }
0x6a: {  	_ = 	snop  }
0x6b: {  	[tilespmem:s6], [sflag:$0x1] =	stream.indirect.gather [hbm4b:s4+s9], $0x80, s17, s9, $0xb8;
	[tilespmem:$0x19800] =	vst v63  }
0x6c: {  	_ =	swait.ge [sflag:s8], $0x6400  }
0x6d: {  	[sflag:s8] =	ssyncset.done $0x0  }
0x6e: {  	[sflag:s8] =	ssyncadd.s32 $0xFFFF9C00  }
0x6f: {  	_ =	swait.ge [sflag:s8], $0x6400  }
0x70: {  	[sflag:s8] =	ssyncset.done $0x0  }
0x71: {  	s1 =	rddreg [dreg:$0x5];
	[sflag:s8] =	ssyncadd.s32 $0xFFFF9C00  }
0x72: {  	[hbm4b:s1+s2] =	stream.linear.scatter [tilespmem:s5], [sflag:$0x3], $0x6400, $0x38;
	[tilespmem:$0x19800] =	vst v63  }
0x73: {  	s16 =	rddreg [dreg:$0x6]  }
0x74: {  	[hbm4b:s16+s2] =	stream.linear.scatter [tilespmem:s6], [sflag:$0x3], $0x6400, $0x38;
	[tilespmem:$0x19800] =	vst v63  }
0x75: {  	_ =	swait.ge [sflag:s7], $0x6400  }
0x76: {  	s16 =	rddreg [dreg:$0x7]  }
0x77: {  	p1 =	sne.s32 s16, $0x1  }
.Ltmp1:
0x78: {  	p0 =	por $0x1, $0x1;
	(pc) =	sbr.rel @!p1 .LBB2_2-.Ltmp1, $4  }
0x79: {  	s31 =	simm.s32 $0x590;
	s26 =	simm.s32 $0x658;
	[sflag:s7] =	ssyncset.done $0x0  }
0x7a: {  	s28 =	simm.s32 $0x190;
	s24 =	simm.s32 $0x4C8;
	[sflag:s7] =	ssyncadd.s32 $0xFFFF9C00  }
0x7b: {  	s25 =	simm.s32 $0x258;
	s17 =	simm.s32 $0x320;
	_ =	swait.ge [sflag:s7], $0x6400  }
0x7c: {  	s1 =	sadd.s32 $0xFFFFFFFF, s16;
	s0 =	rddreg [dreg:$0x3];
	[sflag:s7] =	ssyncset.done $0x0  }
.LBB2_3:
0x7d: {  	[sflag:s7] =	ssyncadd.s32 $0xFFFF9C00  }
0x7e: {  	[tilespmem:s2], [sflag:$0x5] =	stream.linear.gather [hbm4b:s0+s2], $0x3E8, $0x38;
	[tilespmem:$0x19800] =	vst v63  }
0x7f: {  	_ =	swait.ge [sflag:s30], $0x3E8  }
0x80: {  	[sflag:s30] =	ssyncset.done $0x0  }
0x81: {  	s16 =	rddreg [dreg:$0x4];
	[sflag:s30] =	ssyncadd.s32 $0xFFFFFC18  }
0x82: {  	[tilespmem:s29], [sflag:$0x5] =	stream.linear.gather [hbm4b:s16+s2], $0x3E8, $0x38;
	[tilespmem:$0x19800] =	vst v63  }
0x83: {  	_ =	swait.ge [sflag:s30], $0x3E8  }
0x84: {  	[sflag:s30] =	ssyncset.done $0x0  }
0x85: {  	[sflag:s30] =	ssyncadd.s32 $0xFFFFFC18  }
0x86: {  	[tilespmem:s5], [sflag:$0x1] =	stream.indirect.gather [hbm4b:s3+s9], $0x80, s2, s9, $0xb8;
	[tilespmem:$0x19800] =	vst v63  }
0x87: {  	_ = 	snop  }
0x88: {  	[tilespmem:s6], [sflag:$0x1] =	stream.indirect.gather [hbm4b:s4+s9], $0x80, s29, s9, $0xb8;
	[tilespmem:$0x19800] =	vst v63  }
0x89: {  	_ = 	snop  }
0x8a: {  	[tilespmem:s15], [sflag:$0x2] =	stream.indirect.gather [hbm4b:s3+s9], $0x80, s9, s9, $0xb8;
	[tilespmem:$0x19800] =	vst v63  }
0x8b: {  	_ = 	snop  }
0x8c: {  	[tilespmem:s18], [sflag:$0x2] =	stream.indirect.gather [hbm4b:s4+s9], $0x80, s24, s9, $0xb8;
	[tilespmem:$0x19800] =	vst v63  }
0x8d: {  	_ =	swait.ge [sflag:s8], $0x6400  }
0x8e: {  	[sflag:s8] =	ssyncset.done $0x0  }
0x8f: {  	[sflag:s8] =	ssyncadd.s32 $0xFFFF9C00  }
0x90: {  	_ =	swait.ge [sflag:s8], $0x6400  }
0x91: {  	[sflag:s8] =	ssyncset.done $0x0  }
0x92: {  	[sflag:s8] =	ssyncadd.s32 $0xFFFF9C00  }
0x93: {  	[hbm4b:s22+s2] =	stream.linear.scatter [tilespmem:s5], [sflag:$0x3], $0x6400, $0x38;
	[tilespmem:$0x19800] =	vst v63  }
0x94: {  	_ = 	snop  }
0x95: {  	[hbm4b:s23+s2] =	stream.linear.scatter [tilespmem:s6], [sflag:$0x3], $0x6400, $0x38;
	[tilespmem:$0x19800] =	vst v63  }
0x96: {  	_ =	swait.ge [sflag:s19], $0x6400  }
0x97: {  	[sflag:s19] =	ssyncset.done $0x0  }
0x98: {  	[sflag:s19] =	ssyncadd.s32 $0xFFFF9C00  }
0x99: {  	_ =	swait.ge [sflag:s19], $0x6400  }
0x9a: {  	[sflag:s19] =	ssyncset.done $0x0  }
0x9b: {  	[sflag:s19] =	ssyncadd.s32 $0xFFFF9C00  }
0x9c: {  	[hbm4b:s20+s2] =	stream.linear.scatter [tilespmem:s15], [sflag:$0x4], $0x6400, $0x38;
	[tilespmem:$0x19800] =	vst v63  }
0x9d: {  	_ = 	snop  }
0x9e: {  	[hbm4b:s21+s2] =	stream.linear.scatter [tilespmem:s18], [sflag:$0x4], $0x6400, $0x38;
	[tilespmem:$0x19800] =	vst v63  }
0x9f: {  	_ =	swait.ge [sflag:s7], $0x6400  }
0xa0: {  	[sflag:s7] =	ssyncset.done $0x0  }
0xa1: {  	[sflag:s7] =	ssyncadd.s32 $0xFFFF9C00  }
0xa2: {  	_ =	swait.ge [sflag:s7], $0x6400  }
0xa3: {  	[sflag:s7] =	ssyncset.done $0x0  }
0xa4: {  	[sflag:s7] =	ssyncadd.s32 $0xFFFF9C00  }
0xa5: {  	[tilespmem:s5], [sflag:$0x1] =	stream.indirect.gather [hbm4b:s3+s9], $0x80, s28, s9, $0xb8;
	[tilespmem:$0x19800] =	vst v63  }
0xa6: {  	_ = 	snop  }
0xa7: {  	[tilespmem:s6], [sflag:$0x1] =	stream.indirect.gather [hbm4b:s4+s9], $0x80, s31, s9, $0xb8;
	[tilespmem:$0x19800] =	vst v63  }
0xa8: {  	_ =	swait.ge [sflag:s14], $0x6400  }
0xa9: {  	[sflag:s14] =	ssyncset.done $0x0  }
0xaa: {  	[sflag:s14] =	ssyncadd.s32 $0xFFFF9C00  }
0xab: {  	_ =	swait.ge [sflag:s14], $0x6400  }
0xac: {  	[sflag:s14] =	ssyncset.done $0x0  }
0xad: {  	[sflag:s14] =	ssyncadd.s32 $0xFFFF9C00  }
0xae: {  	[tilespmem:s15], [sflag:$0x2] =	stream.indirect.gather [hbm4b:s3+s9], $0x80, s25, s9, $0xb8;
	[tilespmem:$0x19800] =	vst v63  }
0xaf: {  	_ = 	snop  }
0xb0: {  	[tilespmem:s18], [sflag:$0x2] =	stream.indirect.gather [hbm4b:s4+s9], $0x80, s26, s9, $0xb8;
	[tilespmem:$0x19800] =	vst v63  }
0xb1: {  	_ =	swait.ge [sflag:s8], $0x6400  }
0xb2: {  	[sflag:s8] =	ssyncset.done $0x0  }
0xb3: {  	[sflag:s8] =	ssyncadd.s32 $0xFFFF9C00  }
0xb4: {  	_ =	swait.ge [sflag:s8], $0x6400  }
0xb5: {  	[sflag:s8] =	ssyncset.done $0x0  }
0xb6: {  	[sflag:s8] =	ssyncadd.s32 $0xFFFF9C00  }
0xb7: {  	[hbm4b:s12+s2] =	stream.linear.scatter [tilespmem:s5], [sflag:$0x3], $0x6400, $0x38;
	[tilespmem:$0x19800] =	vst v63  }
0xb8: {  	_ = 	snop  }
0xb9: {  	[hbm4b:s13+s2] =	stream.linear.scatter [tilespmem:s6], [sflag:$0x3], $0x6400, $0x38;
	[tilespmem:$0x19800] =	vst v63  }
0xba: {  	_ =	swait.ge [sflag:s19], $0x6400  }
0xbb: {  	[sflag:s19] =	ssyncset.done $0x0  }
0xbc: {  	[sflag:s19] =	ssyncadd.s32 $0xFFFF9C00  }
0xbd: {  	_ =	swait.ge [sflag:s19], $0x6400  }
0xbe: {  	[sflag:s19] =	ssyncset.done $0x0  }
0xbf: {  	[sflag:s19] =	ssyncadd.s32 $0xFFFF9C00  }
0xc0: {  	[hbm4b:s10+s2] =	stream.linear.scatter [tilespmem:s15], [sflag:$0x4], $0x6400, $0x38;
	[tilespmem:$0x19800] =	vst v63  }
0xc1: {  	_ = 	snop  }
0xc2: {  	[hbm4b:s11+s2] =	stream.linear.scatter [tilespmem:s18], [sflag:$0x4], $0x6400, $0x38;
	[tilespmem:$0x19800] =	vst v63  }
0xc3: {  	_ =	swait.ge [sflag:s7], $0x6400  }
0xc4: {  	[sflag:s7] =	ssyncset.done $0x0  }
0xc5: {  	[sflag:s7] =	ssyncadd.s32 $0xFFFF9C00  }
0xc6: {  	_ =	swait.ge [sflag:s7], $0x6400  }
0xc7: {  	[sflag:s7] =	ssyncset.done $0x0  }
0xc8: {  	[sflag:s7] =	ssyncadd.s32 $0xFFFF9C00  }
0xc9: {  	_ =	swait.ge [sflag:s14], $0x6400  }
0xca: {  	[sflag:s14] =	ssyncset.done $0x0  }
0xcb: {  	[sflag:s14] =	ssyncadd.s32 $0xFFFF9C00  }
0xcc: {  	_ =	swait.ge [sflag:s14], $0x6400  }
0xcd: {  	[sflag:s14] =	ssyncset.done $0x0  }
0xce: {  	[sflag:s14] =	ssyncadd.s32 $0xFFFF9C00  }
0xcf: {  	[tilespmem:s5], [sflag:$0x1] =	stream.indirect.gather [hbm4b:s3+s9], $0x80, s17, s9, $0xb8;
	[tilespmem:$0x19800] =	vst v63  }
0xd0: {  	s16 =	simm.s32 $0x720  }
0xd1: {  	[tilespmem:s6], [sflag:$0x1] =	stream.indirect.gather [hbm4b:s4+s9], $0x80, s16, s9, $0xb8;
	[tilespmem:$0x19800] =	vst v63  }
0xd2: {  	_ =	swait.ge [sflag:s8], $0x6400  }
0xd3: {  	[sflag:s8] =	ssyncset.done $0x0  }
0xd4: {  	[sflag:s8] =	ssyncadd.s32 $0xFFFF9C00  }
0xd5: {  	_ =	swait.ge [sflag:s8], $0x6400  }
0xd6: {  	[sflag:s8] =	ssyncset.done $0x0  }
0xd7: {  	s0 =	rddreg [dreg:$0x5];
	[sflag:s8] =	ssyncadd.s32 $0xFFFF9C00  }
0xd8: {  	[hbm4b:s0+s2] =	stream.linear.scatter [tilespmem:s5], [sflag:$0x3], $0x6400, $0x38;
	[tilespmem:$0x19800] =	vst v63  }
0xd9: {  	p1 =	sne.s32 s1, $0x1;
	s16 =	rddreg [dreg:$0x6]  }
0xda: {  	[hbm4b:s16+s2] =	stream.linear.scatter [tilespmem:s6], [sflag:$0x3], $0x6400, $0x38;
	[tilespmem:$0x19800] =	vst v63  }
.Ltmp2:
0xdb: {  	_ =	swait.ge [sflag:s7], $0x6400;
	(pc) =	sbr.rel @p1 .LBB2_3-.Ltmp2, $4  }
0xdc: {  	[sflag:s7] =	ssyncset.done $0x0  }
0xdd: {  	[sflag:s7] =	ssyncadd.s32 $0xFFFF9C00  }
0xde: {  	_ =	swait.ge [sflag:s7], $0x6400  }
0xdf: {  	s1 =	sadd.s32 $0xFFFFFFFF, s1;
	s0 =	rddreg [dreg:$0x3];
	[sflag:s7] =	ssyncset.done $0x0  }
0xe0: {  	s16 =	stileid.u32;
	s1 =	simm.s32 $0x320  }
0xe1: {  	s17 =	simm.s32 $0x720;
	s24 =	simm.s32 $0x258;
	s25 =	simm.s32 $0x658  }
0xe2: {  	s26 =	simm.s32 $0x190;
	s28 =	simm.s32 $0x590;
	s31 =	simm.s32 $0x4C8  }
.LBB2_5:
0xe3: {  	[sflag:s7] =	ssyncadd.s32 @p0 $0xFFFF9C00  }
0xe4: {  	[tilespmem:s2], [sflag:$0x5] =	stream.linear.gather [hbm4b:s0+s2], $0x3E8, $0x38;
	[tilespmem:$0x19800] =	vst v63  }
0xe5: {  	_ =	swait.ge [sflag:s30], $0x3E8  }
0xe6: {  	[sflag:s30] =	ssyncset.done $0x0  }
0xe7: {  	s0 =	rddreg [dreg:$0x4];
	[sflag:s30] =	ssyncadd.s32 $0xFFFFFC18  }
0xe8: {  	[tilespmem:s29], [sflag:$0x5] =	stream.linear.gather [hbm4b:s0+s2], $0x3E8, $0x38;
	[tilespmem:$0x19800] =	vst v63  }
0xe9: {  	_ =	swait.ge [sflag:s30], $0x3E8  }
0xea: {  	[sflag:s30] =	ssyncset.done $0x0  }
0xeb: {  	[sflag:s30] =	ssyncadd.s32 $0xFFFFFC18  }
0xec: {  	[tilespmem:s5], [sflag:$0x1] =	stream.indirect.gather [hbm4b:s3+s9], $0x80, s2, s9, $0xb8;
	[tilespmem:$0x19800] =	vst v63  }
0xed: {  	_ = 	snop  }
0xee: {  	[tilespmem:s6], [sflag:$0x1] =	stream.indirect.gather [hbm4b:s4+s9], $0x80, s29, s9, $0xb8;
	[tilespmem:$0x19800] =	vst v63  }
0xef: {  	_ = 	snop  }
0xf0: {  	[tilespmem:s15], [sflag:$0x2] =	stream.indirect.gather [hbm4b:s3+s9], $0x80, s9, s9, $0xb8;
	[tilespmem:$0x19800] =	vst v63  }
0xf1: {  	_ = 	snop  }
0xf2: {  	[tilespmem:s18], [sflag:$0x2] =	stream.indirect.gather [hbm4b:s4+s9], $0x80, s31, s9, $0xb8;
	[tilespmem:$0x19800] =	vst v63  }
0xf3: {  	_ =	swait.ge [sflag:s8], $0x6400  }
0xf4: {  	[sflag:s8] =	ssyncset.done $0x0  }
0xf5: {  	[sflag:s8] =	ssyncadd.s32 $0xFFFF9C00  }
0xf6: {  	_ =	swait.ge [sflag:s8], $0x6400  }
0xf7: {  	[sflag:s8] =	ssyncset.done $0x0  }
0xf8: {  	[sflag:s8] =	ssyncadd.s32 $0xFFFF9C00  }
0xf9: {  	[hbm4b:s22+s2] =	stream.linear.scatter [tilespmem:s5], [sflag:$0x3], $0x6400, $0x38;
	[tilespmem:$0x19800] =	vst v63  }
0xfa: {  	_ = 	snop  }
0xfb: {  	[hbm4b:s23+s2] =	stream.linear.scatter [tilespmem:s6], [sflag:$0x3], $0x6400, $0x38;
	[tilespmem:$0x19800] =	vst v63  }
0xfc: {  	_ =	swait.ge [sflag:s19], $0x6400  }
0xfd: {  	[sflag:s19] =	ssyncset.done $0x0  }
0xfe: {  	[sflag:s19] =	ssyncadd.s32 $0xFFFF9C00  }
0xff: {  	_ =	swait.ge [sflag:s19], $0x6400  }
0x100: {  	[sflag:s19] =	ssyncset.done $0x0  }
0x101: {  	[sflag:s19] =	ssyncadd.s32 $0xFFFF9C00  }
0x102: {  	[hbm4b:s20+s2] =	stream.linear.scatter [tilespmem:s15], [sflag:$0x4], $0x6400, $0x38;
	[tilespmem:$0x19800] =	vst v63  }
0x103: {  	_ = 	snop  }
0x104: {  	[hbm4b:s21+s2] =	stream.linear.scatter [tilespmem:s18], [sflag:$0x4], $0x6400, $0x38;
	[tilespmem:$0x19800] =	vst v63  }
0x105: {  	_ =	swait.ge [sflag:s7], $0x6400  }
0x106: {  	[sflag:s7] =	ssyncset.done $0x0  }
0x107: {  	[sflag:s7] =	ssyncadd.s32 $0xFFFF9C00  }
0x108: {  	_ =	swait.ge [sflag:s7], $0x6400  }
0x109: {  	[sflag:s7] =	ssyncset.done $0x0  }
0x10a: {  	[sflag:s7] =	ssyncadd.s32 $0xFFFF9C00  }
0x10b: {  	[tilespmem:s5], [sflag:$0x1] =	stream.indirect.gather [hbm4b:s3+s9], $0x80, s26, s9, $0xb8;
	[tilespmem:$0x19800] =	vst v63  }
0x10c: {  	_ = 	snop  }
0x10d: {  	[tilespmem:s6], [sflag:$0x1] =	stream.indirect.gather [hbm4b:s4+s9], $0x80, s28, s9, $0xb8;
	[tilespmem:$0x19800] =	vst v63  }
0x10e: {  	_ =	swait.ge [sflag:s14], $0x6400  }
0x10f: {  	[sflag:s14] =	ssyncset.done $0x0  }
0x110: {  	[sflag:s14] =	ssyncadd.s32 $0xFFFF9C00  }
0x111: {  	_ =	swait.ge [sflag:s14], $0x6400  }
0x112: {  	[sflag:s14] =	ssyncset.done $0x0  }
0x113: {  	[sflag:s14] =	ssyncadd.s32 $0xFFFF9C00  }
0x114: {  	[tilespmem:s15], [sflag:$0x2] =	stream.indirect.gather [hbm4b:s3+s9], $0x80, s24, s9, $0xb8;
	[tilespmem:$0x19800] =	vst v63  }
0x115: {  	_ = 	snop  }
0x116: {  	[tilespmem:s18], [sflag:$0x2] =	stream.indirect.gather [hbm4b:s4+s9], $0x80, s25, s9, $0xb8;
	[tilespmem:$0x19800] =	vst v63  }
0x117: {  	_ =	swait.ge [sflag:s8], $0x6400  }
0x118: {  	[sflag:s8] =	ssyncset.done $0x0  }
0x119: {  	[sflag:s8] =	ssyncadd.s32 $0xFFFF9C00  }
0x11a: {  	_ =	swait.ge [sflag:s8], $0x6400  }
0x11b: {  	[sflag:s8] =	ssyncset.done $0x0  }
0x11c: {  	[sflag:s8] =	ssyncadd.s32 $0xFFFF9C00  }
0x11d: {  	[hbm4b:s12+s2] =	stream.linear.scatter [tilespmem:s5], [sflag:$0x3], $0x6400, $0x38;
	[tilespmem:$0x19800] =	vst v63  }
0x11e: {  	_ = 	snop  }
0x11f: {  	[hbm4b:s13+s2] =	stream.linear.scatter [tilespmem:s6], [sflag:$0x3], $0x6400, $0x38;
	[tilespmem:$0x19800] =	vst v63  }
0x120: {  	_ =	swait.ge [sflag:s19], $0x6400  }
0x121: {  	[sflag:s19] =	ssyncset.done $0x0  }
0x122: {  	[sflag:s19] =	ssyncadd.s32 $0xFFFF9C00  }
0x123: {  	_ =	swait.ge [sflag:s19], $0x6400  }
0x124: {  	[sflag:s19] =	ssyncset.done $0x0  }
0x125: {  	[sflag:s19] =	ssyncadd.s32 $0xFFFF9C00  }
0x126: {  	[hbm4b:s10+s2] =	stream.linear.scatter [tilespmem:s15], [sflag:$0x4], $0x6400, $0x38;
	[tilespmem:$0x19800] =	vst v63  }
0x127: {  	_ = 	snop  }
0x128: {  	[hbm4b:s11+s2] =	stream.linear.scatter [tilespmem:s18], [sflag:$0x4], $0x6400, $0x38;
	[tilespmem:$0x19800] =	vst v63  }
0x129: {  	_ =	swait.ge [sflag:s7], $0x6400  }
0x12a: {  	[sflag:s7] =	ssyncset.done $0x0  }
0x12b: {  	[sflag:s7] =	ssyncadd.s32 $0xFFFF9C00  }
0x12c: {  	_ =	swait.ge [sflag:s7], $0x6400  }
0x12d: {  	[sflag:s7] =	ssyncset.done $0x0  }
0x12e: {  	[sflag:s7] =	ssyncadd.s32 $0xFFFF9C00  }
0x12f: {  	_ =	swait.ge [sflag:s14], $0x6400  }
0x130: {  	[sflag:s14] =	ssyncset.done $0x0  }
0x131: {  	[sflag:s14] =	ssyncadd.s32 $0xFFFF9C00  }
0x132: {  	_ =	swait.ge [sflag:s14], $0x6400  }
0x133: {  	[sflag:s14] =	ssyncset.done $0x0  }
0x134: {  	[sflag:s14] =	ssyncadd.s32 $0xFFFF9C00  }
0x135: {  	[tilespmem:s5], [sflag:$0x1] =	stream.indirect.gather [hbm4b:s3+s9], $0x80, s1, s9, $0xb8;
	[tilespmem:$0x19800] =	vst v63  }
0x136: {  	_ = 	snop  }
0x137: {  	[tilespmem:s6], [sflag:$0x1] =	stream.indirect.gather [hbm4b:s4+s9], $0x80, s17, s9, $0xb8;
	[tilespmem:$0x19800] =	vst v63  }
0x138: {  	_ =	swait.ge [sflag:s8], $0x6400  }
0x139: {  	[sflag:s8] =	ssyncset.done $0x0  }
0x13a: {  	[sflag:s8] =	ssyncadd.s32 $0xFFFF9C00  }
0x13b: {  	_ =	swait.ge [sflag:s8], $0x6400  }
0x13c: {  	[sflag:s8] =	ssyncset.done $0x0  }
0x13d: {  	s30 =	rddreg [dreg:$0x5];
	[sflag:s8] =	ssyncadd.s32 $0xFFFF9C00  }
0x13e: {  	[hbm4b:s30+s2] =	stream.linear.scatter [tilespmem:s5], [sflag:$0x3], $0x6400, $0x38;
	[tilespmem:$0x19800] =	vst v63  }
0x13f: {  	s31 =	rddreg [dreg:$0x6]  }
0x140: {  	[hbm4b:s31+s2] =	stream.linear.scatter [tilespmem:s6], [sflag:$0x3], $0x6400, $0x38;
	[tilespmem:$0x19800] =	vst v63  }
0x141: {  	_ =	swait.ge [sflag:s7], $0x6400  }
0x142: {  	[sflag:s7] =	ssyncset.done $0x0  }
0x143: {  	[sflag:s7] =	ssyncadd.s32 $0xFFFF9C00  }
0x144: {  	_ =	swait.ge [sflag:s7], $0x6400  }
0x145: {  	[sflag:s7] =	ssyncset.done $0x0  }
0x146: {  	[sflag:s7] =	ssyncadd.s32 $0xFFFF9C00  }
0x147: {  	_ =	sfence.sel $0x180000  }
0x148: {  	[bflag:$0x0] =	sbarrier.arrive $0xFFFF  }
0x149: {  	_ =	strace $0x90000047  }
0x14a: {  	[bflag:$0x2] =	sbarrier.arrive $0xFFFF  }
0x14b: {  	p0 =	sne.s32 s16, $0x0;
	s0 =	rddreg [dreg:$0x2]  }
0x14c: {  	s0 =	sadd.s32 @!p0 $0x100000, s0  }
0x14d: {  	[sflag:s0] =	ssyncadd.tile.s32 @!p0 $0x1;
	_ =	shalt  }
.LBB2_2:
.Ltmp3:
0x14e: {  	(pc) =	sbr.rel .LBB2_5-.Ltmp3, $4  }
0x14f: {  	_ = 	snop  }
0x150: {  	s16 =	stileid.u32;
	s1 =	simm.s32 $0x320  }
0x151: {  	s17 =	simm.s32 $0x720;
	s24 =	simm.s32 $0x258;
	s25 =	simm.s32 $0x658  }
0x152: {  	s26 =	simm.s32 $0x190;
	s28 =	simm.s32 $0x590;
	s31 =	simm.s32 $0x4C8  }
.Lfunc_end2:
_tile_overlayer_lowered:
.L_overlay_start_2:
0x153: {  	(tag) =	ssettag $0x2  }
0x154: {  	s0 =	rddreg [dreg:$0x0];
	s2 =	stileid.u32  }
0x155: {  	s1 =	rddreg [dreg:$0x1];
	p0 =	sne.s32 s2, $0x0  }
0x156: {  	s3 =	rddreg [dreg:$0x2];
	[bflag:$0x3] =	sbarrier.arrive $0xFFFF;
	s2 =	simm.s32 @!p0 $0x1C05  }
0x157: {  	[timem:s3], [sflag:s2] =	dma.local @!p0 [hbm:s0], s1  }
0x158: {  	s0 =	simm.s32 @!p0 $0x5  }
0x159: {  	_ =	swait.ge @!p0 [sflag:s0], s1  }
0x15a: {  	s1 =	ssub.s32 @!p0 $0x0, s1;
	[sflag:s0] =	ssyncset.done @!p0 $0x0  }
0x15b: {  	[sflag:s0] =	ssyncadd.s32 @!p0 s1  }
0x15c: {  	[bflag:$0x3] =	sbarrier.arrive $0xFFFF  }
0x15d: {  	_ =	shalt  }

// kernel: kernel.16.cloned.1.call-start
scs
__scs_entry_jumppad:
0x0: {  	(pc) =	sbr.rel $0x88, $3  }
0x1: {  	(tag) =	ssettag $0x0;
	lr =	simm.s32 $0x1  }
0x2: {  	[smem:$0x3F92] =	sst lr;
	_ =	strace $0xD0000000  }
0x3: {  	_ = 	snop  }
0x4: {  	_ = 	snop  }
0x5: {  	_ = 	snop  }
0x6: {  	_ = 	snop  }
0x7: {  	_ = 	snop  }
__scs_overlays_trampoline_lowered:
0x8: {  	[smem:$0x3FA1] =	sst s0  }
0x9: {  	[smem:$0x3FA2] =	sst s1  }
0xa: {  	[smem:$0x3FA3] =	sst s2  }
0xb: {  	[smem:$0x3FA4] =	sst s3  }
0xc: {  	[smem:$0x3FA5] =	sst s4  }
0xd: {  	[smem:$0x3FA6] =	sst s5  }
0xe: {  	[smem:$0x3FA7] =	sst s6  }
0xf: {  	[smem:$0x3FA8] =	sst s7  }
0x10: {  	[smem:$0x3FA9] =	sst s8  }
0x11: {  	[smem:$0x3FAA] =	sst s9;
	s0 =	simm.s32 @!p0 $0x0  }
0x12: {  	s1 =	sld [smem:$0x3F90];
	s0 =	simm.s32 @p0 $0x1  }
0x13: {  	[smem:$0x3FAB] =	sst s0;
	s0 =	simm.s32 @!p1 $0x0  }
0x14: {  	s2 =	sld [smem:$0x3F8F];
	s0 =	simm.s32 @p1 $0x1  }
0x15: {  	[smem:$0x3FAC] =	sst s0;
	s0 =	simm.s32 @!p2 $0x0  }
0x16: {  	s3 =	sld [smem:$0x3FDB];
	s0 =	simm.s32 @p2 $0x1  }
0x17: {  	s4 =	simm.s32 $0x1BF5;
	[smem:$0x3FAE] =	sst s0  }
0x18: {  	s0 =	sld [smem:$0x3F91];
	_ =	swait.ge [sflag:s4], $0x0  }
0x19: {  	s7 =	sld [smem:$0x3F92]  }
0x1a: {  	s8 =	sadd.s32 $0xFFFFE003, lr  }
0x1b: {  	s9 =	sadd.s32 $0xFFFFFEF7, lr;
	s5 =	simm.s32 $0xFFFFFFFF;
	p2 =	slt.u32 s8, $0xFFFFF086  }
0x1c: {  	p1 =	slt.u32 s9, $0xF7A;
	s5 =	simm.s32 @!p2 $0x0  }
0x1d: {  	s5 =	simm.s32 @p1 $0x1;
	p0 =	seq.s32 s7, s2  }
0x1e: {  	s7 =	smul.u32 @!p0 $0xF7A, s2;
	p2 =	seq.s32 @!p0 s5, $0x0  }
0x1f: {  	s9 =	smul.u32 $0xF7A, s1;
	s8 =	simm.s32 @!p0 $0x1BF5;
	p2 =	por !p2, p0  }
0x20: {  	[sflag:s8] =	ssyncset.s32 @!p0 $0xFFFFF086;
	s6 =	sadd.s32 @!p0 s3, s7;
	s7 =	simm.s32 @!p0 $0x108  }
0x21: {  	s3 =	sadd.s32 s3, s9;
	s6 =	sadd.s32 @!p0 $0x88, s6;
	s7 =	simm.s32 @p2 $0x1082  }
0x22: {  	[simem:s7], [sflag:s8] =	dma.local @!p0 [hbm:s6], $0xF7A  }
0x23: {  	s9 =	sor.u32 $0xD0000000, s2;
	s6 =	simm.s32 $0x108;
	_ =	swait.ge @!p0 [sflag:s8], $0x0  }
0x24: {  	s3 =	sadd.s32 $0x88, s3;
	s6 =	simm.s32 @!p1 $0x1082;
	[sflag:s4] =	ssyncset.s32 $0xFFFFF086  }
0x25: {  	[simem:s6], [sflag:s4] =	dma.local [hbm:s3], $0xF7A  }
0x26: {  	[smem:$0x3F92] =	sst s1;
	(tag) =	ssettag s2;
	_ =	strace s9  }
0x27: {  	s1 =	sld [smem:$0x3FA2]  }
0x28: {  	s2 =	sld [smem:$0x3FA3]  }
0x29: {  	s4 =	sld [smem:$0x3FA5]  }
0x2a: {  	p0 =	seq.s32 s5, $0x0;
	s5 =	sld [smem:$0x3FA6]  }
0x2b: {  	s6 =	sld [smem:$0x3FA7]  }
0x2c: {  	s7 =	sld [smem:$0x3FA8]  }
0x2d: {  	s3 =	simm.s32 $0x108;
	s8 =	sld [smem:$0x3FA9]  }
0x2e: {  	s3 =	simm.s32 @!p0 $0x1082;
	s9 =	sld [smem:$0x3FAA]  }
0x2f: {  	lr =	sadd.s32 s0, s3;
	s0 =	sld [smem:$0x3FA1]  }
0x30: {  	s3 =	sld [smem:$0x3FA4]  }
0x31: {  	[smem:$0x3FAD] =	sst s10  }
0x32: {  	s10 =	sld [smem:$0x3FAB];
	_ =	sdelay $0x3  }
0x33: {  	p0 =	seq.s32 s10, $0x1;
	s10 =	sld [smem:$0x3FAD];
	_ =	sdelay $0x3  }
0x34: {  	[smem:$0x3FAD] =	sst s10  }
0x35: {  	s10 =	sld [smem:$0x3FAC];
	_ =	sdelay $0x3  }
0x36: {  	p1 =	seq.s32 s10, $0x1;
	s10 =	sld [smem:$0x3FAD];
	_ =	sdelay $0x3  }
0x37: {  	[smem:$0x3FAD] =	sst s10  }
0x38: {  	s10 =	sld [smem:$0x3FAE]  }
0x39: {  	_ = 	snop;
	(pc) =	sbr.ind lr, $3  }
0x3a: {  	_ = 	snop  }
0x3b: {  	_ = 	snop  }
0x3c: {  	p2 =	seq.s32 s10, $0x1;
	s10 =	sld [smem:$0x3FAD]  }
0x3d: {  	_ =	shalt  }
0x3e: {  	_ =	shalt  }
0x3f: {  	_ =	shalt  }
0x40: {  	_ =	shalt  }
0x41: {  	_ =	shalt  }
0x42: {  	_ =	shalt  }
0x43: {  	_ =	shalt  }
0x44: {  	_ =	shalt  }
0x45: {  	_ =	shalt  }
0x46: {  	_ =	shalt  }
0x47: {  	_ =	shalt  }
0x48: {  	_ =	shalt  }
0x49: {  	_ =	shalt  }
0x4a: {  	_ =	shalt  }
0x4b: {  	_ =	shalt  }
0x4c: {  	_ =	shalt  }
0x4d: {  	_ =	shalt  }
0x4e: {  	_ =	shalt  }
0x4f: {  	_ =	shalt  }
0x50: {  	_ =	shalt  }
0x51: {  	_ =	shalt  }
0x52: {  	_ =	shalt  }
0x53: {  	_ =	shalt  }
0x54: {  	_ =	shalt  }
0x55: {  	_ =	shalt  }
0x56: {  	_ =	shalt  }
0x57: {  	_ =	shalt  }
0x58: {  	_ =	shalt  }
0x59: {  	_ =	shalt  }
0x5a: {  	_ =	shalt  }
0x5b: {  	_ =	shalt  }
0x5c: {  	_ =	shalt  }
0x5d: {  	_ =	shalt  }
0x5e: {  	_ =	shalt  }
0x5f: {  	_ =	shalt  }
0x60: {  	_ =	shalt  }
0x61: {  	_ =	shalt  }
0x62: {  	_ =	shalt  }
0x63: {  	_ =	shalt  }
0x64: {  	_ =	shalt  }
0x65: {  	_ =	shalt  }
0x66: {  	_ =	shalt  }
0x67: {  	_ =	shalt  }
0x68: {  	_ =	shalt  }
0x69: {  	_ =	shalt  }
0x6a: {  	_ =	shalt  }
0x6b: {  	_ =	shalt  }
0x6c: {  	_ =	shalt  }
0x6d: {  	_ =	shalt  }
0x6e: {  	_ =	shalt  }
0x6f: {  	_ =	shalt  }
0x70: {  	_ =	shalt  }
0x71: {  	_ =	shalt  }
0x72: {  	_ =	shalt  }
0x73: {  	_ =	shalt  }
0x74: {  	_ =	shalt  }
0x75: {  	_ =	shalt  }
0x76: {  	_ =	shalt  }
0x77: {  	_ =	shalt  }
0x78: {  	_ =	shalt  }
0x79: {  	_ =	shalt  }
0x7a: {  	_ =	shalt  }
0x7b: {  	_ =	shalt  }
0x7c: {  	_ =	shalt  }
0x7d: {  	_ =	shalt  }
0x7e: {  	_ =	shalt  }
0x7f: {  	_ =	shalt  }
0x80: {  	_ =	shalt  }
0x81: {  	_ =	shalt  }
0x82: {  	_ =	shalt  }
0x83: {  	_ =	shalt  }
0x84: {  	_ =	shalt  }
0x85: {  	_ =	shalt  }
0x86: {  	_ =	shalt  }
0x87: {  	_ =	shalt  }
.Lfunc_end0:
.L_simem_size_0:
called_computation.1_lowered:
.L_overlay_start_0:
0x88: {  	s2 =	sld [smem:$0x3FD9]  }
0x89: {  	s3 =	sld [smem:$0x3FFE];
	_ =	sdelay $0x1  }
0x8a: {  	s1 =	srdreg.scid  }
0x8b: {  	s0 =	sand.u32 $0x1, s1  }
0x8c: {  	s17 =	sshll.u32 s0, $0xA;
	s2 =	sadd.s32 s3, s2  }
0x8d: {  	s2 =	sadd.s32 s2, s17  }
0x8e: {  	[smem:$0x3FB9] =	sst s2  }
0x8f: {  	_ = 	snop  }
0x90: {  	(tm) =	ssettm $0x1  }
0x91: {  	s18 =	sld [smem:$0x3FFB];
	_ =	sdelay $0x3  }
0x92: {  	_ =	strace s18  }
0x93: {  	s2 =	sld [smem:$0x3FFC];
	_ =	sdelay $0x3  }
0x94: {  	_ =	strace s2  }
0x95: {  	s2 =	sld [smem:$0x3FFD];
	_ =	sdelay $0x3  }
0x96: {  	_ =	strace s2  }
0x97: {  	_ =	strace $0x8FFFFFFF  }
0x98: {  	s19 =	sld [smem:$0x3FDB];
	_ =	sdelay $0x1  }
0x99: {  	s20 =	simm.s32 $_scs_section_size  }
0x9a: {  	s4 =	simm.s32 $_size__tile_overlayer_lowered;
	s5 =	simm.s32 $_tile_overlayer_lowered  }
0x9b: {  	s6 =	simm.s32 $0x1BFF;
	s21 =	sshll.u32 s5, $0x1;
	s3 =	sadd.s32 s20, s19  }
0x9c: {  	s22 =	simm.s32 $0x0;
	s4 =	sshll.u32 s4, $0x1;
	s5 =	sadd.s32 s21, s3  }
0x9d: {  	[timem:s22], [sflag:s6] =	dma.local [hbm:s5], s4  }
0x9e: {  	_ =	swait.ge [sflag:s6], s4  }
0x9f: {  	s4 =	ssub.s32 $0x0, s4;
	[sflag:s6] =	ssyncset.done $0x0  }
0xa0: {  	[sflag:s6] =	ssyncadd.s32 s4;
	_ =	sdelay $0x1  }
0xa1: {  	s23 =	simm.s32 $0x1B8B  }
0xa2: {  	_ =	swait.ge [sflag:s23], $0x1  }
0xa3: {  	[sflag:s23] =	ssyncset.done $0x0  }
0xa4: {  	[sflag:s23] =	ssyncadd.s32 $0xFFFFFFFF  }
0xa5: {  	s4 =	sld [smem:$0x0]  }
0xa6: {  	s5 =	sand.u32 $0xFFFFFFFE, s1  }
0xa7: {  	p0 =	sne.s32 s1, s5  }
0xa8: {  	s5 =	sshll.u32 @p0 s5, $0xE  }
0xa9: {  	s5 =	sadd.s32 @p0 $0x11B8D, s5;
	s6 =	sshll.u32 @p0 s4, $0x11  }
0xaa: {  	s5 =	sor.u32 @p0 s6, s5  }
0xab: {  	[sflag:s5] =	ssyncadd.remote.s32 @p0 $0x1;
	_ =	sdelay $0x1  }
0xac: {  	s5 =	simm.s32 @p0 $0x1B8D  }
0xad: {  	_ =	swait.eq @p0 [sflag:s5], $0x1  }
0xae: {  	[sflag:s5] =	ssyncadd.s32 @p0 $0xFFFFFFFF  }
0xaf: {  	s6 =	sshll.u32 @!p0 s1, $0xE  }
0xb0: {  	s6 =	sor.u32 @!p0 $0x4000, s6;
	s5 =	simm.s32 @!p0 $0x1B8D  }
0xb1: {  	s4 =	sshll.u32 @!p0 s4, $0x11;
	s6 =	sadd.s32 @!p0 $0x11B8D, s6;
	_ =	swait.eq @!p0 [sflag:s5], $0x1  }
0xb2: {  	s4 =	sor.u32 @!p0 s4, s6;
	[sflag:s5] =	ssyncadd.s32 @!p0 $0xFFFFFFFF  }
0xb3: {  	s25 =	simm.s32 $0x1B8E;
	s24 =	sld [smem:$0x3FFE];
	[sflag:s4] =	ssyncadd.remote.s32 @!p0 $0x1  }
0xb4: {  	s26 =	simm.s32 $execute0_lowered;
	[smem:$0x3FD2] =	sst s25  }
0xb5: {  	s5 =	sshll.u32 s26, $0x1;
	_ =	strace $0x80000049;
	[dreg:$0x1] =	wrdreg $0xFFFFFFFF  }
0xb6: {  	s28 =	simm.s32 $_size_execute0_lowered;
	s3 =	sadd.s32 s3, s5;
	[dreg:$0x0] =	wrdreg $0x0  }
0xb7: {  	s5 =	sshll.u32 s28, $0x1;
	[dreg:$0x2] =	wrdreg s3  }
0xb8: {  	[dreg:$0x3] =	wrdreg s5  }
0xb9: {  	[dreg:$0x4] =	wrdreg $0xC0  }
0xba: {  	_ =	task [dreg:s22], $0x5FFFF  }
0xbb: {  	[dreg:$0x1] =	wrdreg $0xFFFFFFFF  }
0xbc: {  	[dreg:$0x0] =	wrdreg $0x60  }
0xbd: {  	[dreg:$0x2] =	wrdreg s24  }
0xbe: {  	[dreg:$0x3] =	wrdreg $0xB  }
0xbf: {  	_ =	task.clear_ibuf [dreg:s22], $0x4FFFF;
	_ =	strace $0x90000049  }
0xc0: {  	s29 =	simm.s32 $0xB;
	_ =	strace $0x8000004B  }
0xc1: {  	_ =	swait.ge [sflag:s29], $0x1  }
0xc2: {  	[sflag:s29] =	ssyncadd.s32 $0xFFFFFFFF  }
0xc3: {  	_ =	strace $0x9000004B  }
0xc4: {  	_ =	sfence  }
0xc5: {  	s30 =	sld [smem:$0x0];
	_ =	sdelay $0x2  }
0xc6: {  	s31 =	sshll.u32 s1, $0xD;
	s1 =	sshrl.u32 s1, $0x2  }
0xc7: {  	s4 =	sand.u32 $0x4000, s31;
	s1 =	sadd.s32 s1, s30  }
0xc8: {  	s0 =	sor.u32 s4, s0;
	s1 =	sshll.u32 s1, $0x11  }
0xc9: {  	s0 =	sor.u32 s1, s0  }
0xca: {  	s0 =	sadd.s32 $0x8F2B, s0  }
0xcb: {  	[sflag:s0] =	ssyncadd.remote.s32 $0x1  }
0xcc: {  	_ =	sfence.sel $0xFFFF  }
0xcd: {  	[dreg:$0x0] =	wrdreg $0xFFFFFFFF;
	(pc) =	sbr.abs _section_cstart, $3  }
0xce: {  	[dreg:$0x1] =	wrdreg $0xFFFFFFFF  }
0xcf: {  	_ =	task.clear_ibuf [dreg:s22], $0x2FFFF;
	_ =	strace $0x9FFFFFFF  }
0xd0: {  	(tm) =	ssettm $0x7FFFFFFF  }
0xd1: {  	_ =	shalt  }
tec
execute0_lowered:
.L_overlay_start_1:
0x0: {  	(tag) =	ssettag $0x1  }
0x1: {  	s5 =	rddreg [dreg:$0x0];
	s3 =	srdreg.scid  }
0x2: {  	s0 =	stileid.u32;
	s2 =	simm.s32 $0x0;
	s17 =	simm.s32 $0x1000  }
0x3: {  	s18 =	simm.s32 $0xD800;
	s19 =	simm.s32 $0x7400;
	s20 =	simm.s32 $0x8C8  }
0x4: {  	s21 =	simm.s32 $0x13C00;
	s22 =	simm.s32 $0x1;
	s23 =	simm.s32 $0x2  }
0x5: {  	s24 =	simm.s32 $0x3;
	s25 =	simm.s32 $0x4;
	s26 =	simm.s32 $0x0  }
0x6: {  	s11 =	sand.u32 $0x1, s3;
	s30 =	sshll.u32 s0, $0x1;
	[smem:$0x7FF] =	sst s2  }
0x7: {  	s3 =	sadd.s32 $0xE600, s5;
	s15 =	smul.u32 $0xFA00, s0;
	s6 =	sor.u32 s11, s30  }
0x8: {  	s4 =	sadd.s32 $0x35800, s5;
	s12 =	sadd.s32 $0xD9A00, s5;
	s7 =	smul.u32 $0x7D0, s6  }
0x9: {  	s13 =	sadd.s32 $0x1D3A00, s5;
	s8 =	ssub.s32 $0x2, s11;
	s31 =	smul.u32 $0x7D00, s6  }
0xa: {  	_ =	strace $0x8000004A;
	s16 =	smul.u32 $0x7D00, s11;
	s9 =	sshrl.u32 s8, $0x1  }
0xb: {  	s8 =	ssub.s32 s8, s9;
	s7 =	sshrl.u32 s7, $0x3;
	s14 =	sadd.s32 $0xC80, s31  }
0xc: {  	s9 =	sadd.s32 s13, s31;
	s7 =	sadd.s32 s5, s7;
	s10 =	sadd.s32 s12, s14  }
0xd: {  	s11 =	sadd.s32 s13, s14;
	s13 =	sadd.s32 s15, s13;
	s14 =	simm.s32 $0x5  }
0xe: {  	s5 =	sadd.s32 $0xA5A0, s7;
	s6 =	sadd.s32 $0x55A0, s7;
	s7 =	smax.u32 s8, $0x1  }
0xf: {  	s8 =	sadd.s32 s12, s31;
	s12 =	sadd.s32 s15, s12;
	s13 =	sadd.s32 s16, s13  }
0x10: {  	s15 =	simm.s32 $0x800;
	s12 =	sadd.s32 s16, s12;
	s16 =	simm.s32 $0xC8  }
.LBB2_1:
0x11: {  	[tilespmem:s2], [sflag:$0x5] =	stream.linear.gather [hbm4b:s5+s2], $0x7D0, $0x38;
	[tilespmem:$0x1A000] =	vst v63  }
0x12: {  	_ =	swait.ge [sflag:s14], $0x7D0  }
0x13: {  	[sflag:s14] =	ssyncset.done $0x0  }
0x14: {  	[sflag:s14] =	ssyncadd.s32 $0xFFFFF830  }
0x15: {  	[tilespmem:s15], [sflag:$0x5] =	stream.linear.gather [hbm4b:s6+s2], $0x7D0, $0x38;
	[tilespmem:$0x1A000] =	vst v63  }
0x16: {  	_ =	swait.ge [sflag:s14], $0x7D0  }
0x17: {  	[sflag:s14] =	ssyncset.done $0x0  }
0x18: {  	[sflag:s14] =	ssyncadd.s32 $0xFFFFF830  }
0x19: {  	[tilespmem:s17], [sflag:$0x1] =	stream.indirect.gather [hbm4b:s3+s16], $0x80, s2, s16, $0xb8;
	[tilespmem:$0x1A000] =	vst v63  }
0x1a: {  	_ = 	snop  }
0x1b: {  	[tilespmem:s18], [sflag:$0x1] =	stream.indirect.gather [hbm4b:s4+s16], $0x80, s15, s16, $0xb8;
	[tilespmem:$0x1A000] =	vst v63  }
0x1c: {  	_ = 	snop  }
0x1d: {  	[tilespmem:s19], [sflag:$0x2] =	stream.indirect.gather [hbm4b:s3+s16], $0x80, s16, s16, $0xb8;
	[tilespmem:$0x1A000] =	vst v63  }
0x1e: {  	_ = 	snop  }
0x1f: {  	[tilespmem:s21], [sflag:$0x2] =	stream.indirect.gather [hbm4b:s4+s16], $0x80, s20, s16, $0xb8;
	[tilespmem:$0x1A000] =	vst v63  }
0x20: {  	_ =	swait.ge [sflag:s22], $0x6400  }
0x21: {  	[sflag:s22] =	ssyncset.done $0x0  }
0x22: {  	[sflag:s22] =	ssyncadd.s32 $0xFFFF9C00  }
0x23: {  	_ =	swait.ge [sflag:s22], $0x6400  }
0x24: {  	[sflag:s22] =	ssyncset.done $0x0  }
0x25: {  	[sflag:s22] =	ssyncadd.s32 $0xFFFF9C00  }
0x26: {  	[hbm4b:s8+s2] =	stream.linear.scatter [tilespmem:s17], [sflag:$0x3], $0x6400, $0x38;
	[tilespmem:$0x1A000] =	vst v63  }
0x27: {  	_ = 	snop  }
0x28: {  	[hbm4b:s9+s2] =	stream.linear.scatter [tilespmem:s18], [sflag:$0x3], $0x6400, $0x38;
	[tilespmem:$0x1A000] =	vst v63  }
0x29: {  	_ =	swait.ge [sflag:s23], $0x6400  }
0x2a: {  	[sflag:s23] =	ssyncset.done $0x0  }
0x2b: {  	[sflag:s23] =	ssyncadd.s32 $0xFFFF9C00  }
0x2c: {  	_ =	swait.ge [sflag:s23], $0x6400  }
0x2d: {  	[sflag:s23] =	ssyncset.done $0x0  }
0x2e: {  	[sflag:s23] =	ssyncadd.s32 $0xFFFF9C00  }
0x2f: {  	[hbm4b:s10+s2] =	stream.linear.scatter [tilespmem:s19], [sflag:$0x4], $0x6400, $0x38;
	[tilespmem:$0x1A000] =	vst v63  }
0x30: {  	_ = 	snop  }
0x31: {  	[hbm4b:s11+s2] =	stream.linear.scatter [tilespmem:s21], [sflag:$0x4], $0x6400, $0x38;
	[tilespmem:$0x1A000] =	vst v63  }
0x32: {  	_ =	swait.ge [sflag:s24], $0x6400  }
0x33: {  	[sflag:s24] =	ssyncset.done $0x0  }
0x34: {  	[sflag:s24] =	ssyncadd.s32 $0xFFFF9C00  }
0x35: {  	_ =	swait.ge [sflag:s24], $0x6400  }
0x36: {  	[sflag:s24] =	ssyncset.done $0x0  }
0x37: {  	s28 =	simm.s32 $0x190;
	[sflag:s24] =	ssyncadd.s32 $0xFFFF9C00  }
0x38: {  	[tilespmem:s17], [sflag:$0x1] =	stream.indirect.gather [hbm4b:s3+s16], $0x80, s28, s16, $0xb8;
	[tilespmem:$0x1A000] =	vst v63  }
0x39: {  	s28 =	simm.s32 $0x990  }
0x3a: {  	[tilespmem:s18], [sflag:$0x1] =	stream.indirect.gather [hbm4b:s4+s16], $0x80, s28, s16, $0xb8;
	[tilespmem:$0x1A000] =	vst v63  }
0x3b: {  	_ =	swait.ge [sflag:s25], $0x6400  }
0x3c: {  	[sflag:s25] =	ssyncset.done $0x0  }
0x3d: {  	[sflag:s25] =	ssyncadd.s32 $0xFFFF9C00  }
0x3e: {  	_ =	swait.ge [sflag:s25], $0x6400  }
0x3f: {  	[sflag:s25] =	ssyncset.done $0x0  }
0x40: {  	s28 =	simm.s32 $0x258;
	[sflag:s25] =	ssyncadd.s32 $0xFFFF9C00  }
0x41: {  	[tilespmem:s19], [sflag:$0x2] =	stream.indirect.gather [hbm4b:s3+s16], $0x80, s28, s16, $0xb8;
	[tilespmem:$0x1A000] =	vst v63  }
0x42: {  	s28 =	simm.s32 $0xA58  }
0x43: {  	[tilespmem:s21], [sflag:$0x2] =	stream.indirect.gather [hbm4b:s4+s16], $0x80, s28, s16, $0xb8;
	[tilespmem:$0x1A000] =	vst v63  }
0x44: {  	_ =	swait.ge [sflag:s22], $0x6400  }
0x45: {  	[sflag:s22] =	ssyncset.done $0x0  }
0x46: {  	[sflag:s22] =	ssyncadd.s32 $0xFFFF9C00  }
0x47: {  	_ =	swait.ge [sflag:s22], $0x6400  }
0x48: {  	s28 =	sadd.s32 $0x0, s12;
	[sflag:s22] =	ssyncset.done $0x0  }
0x49: {  	s30 =	sadd.s32 $0x0, s13;
	s29 =	sadd.s32 $0x1900, s28;
	[sflag:s22] =	ssyncadd.s32 $0xFFFF9C00  }
0x4a: {  	[hbm4b:s29+s2] =	stream.linear.scatter [tilespmem:s17], [sflag:$0x3], $0x6400, $0x38;
	[tilespmem:$0x1A000] =	vst v63  }
0x4b: {  	s29 =	sadd.s32 $0x1900, s30  }
0x4c: {  	[hbm4b:s29+s2] =	stream.linear.scatter [tilespmem:s18], [sflag:$0x3], $0x6400, $0x38;
	[tilespmem:$0x1A000] =	vst v63  }
0x4d: {  	_ =	swait.ge [sflag:s23], $0x6400  }
0x4e: {  	[sflag:s23] =	ssyncset.done $0x0  }
0x4f: {  	[sflag:s23] =	ssyncadd.s32 $0xFFFF9C00  }
0x50: {  	_ =	swait.ge [sflag:s23], $0x6400  }
0x51: {  	[sflag:s23] =	ssyncset.done $0x0  }
0x52: {  	s31 =	sadd.s32 $0x2580, s30;
	s28 =	sadd.s32 $0x2580, s28;
	[sflag:s23] =	ssyncadd.s32 $0xFFFF9C00  }
0x53: {  	[hbm4b:s28+s2] =	stream.linear.scatter [tilespmem:s19], [sflag:$0x4], $0x6400, $0x38;
	[tilespmem:$0x1A000] =	vst v63  }
0x54: {  	s30 =	simm.s32 $0xBE8;
	s29 =	simm.s32 $0x3E8;
	s28 =	simm.s32 $0x1900  }
.LBB2_2:
0x55: {  	[hbm4b:s31+s2] =	stream.linear.scatter [tilespmem:s21], [sflag:$0x4], $0x6400, $0x38;
	[tilespmem:$0x1A000] =	vst v63  }
0x56: {  	s31 =	smov.u32 s28  }
0x57: {  	p0 =	sne.s32 s28, $0x4B00;
	s28 =	sadd.s32 $0x1900, s28;
	_ =	swait.ge [sflag:s24], $0x6400  }
0x58: {  	[sflag:s24] =	ssyncset.done $0x0  }
0x59: {  	[sflag:s24] =	ssyncadd.s32 $0xFFFF9C00  }
0x5a: {  	_ =	swait.ge [sflag:s24], $0x6400  }
0x5b: {  	[sflag:s24] =	ssyncset.done $0x0  }
0x5c: {  	s0 =	sadd.s32 $0xFFFFFF38, s29;
	[sflag:s24] =	ssyncadd.s32 $0xFFFF9C00  }
0x5d: {  	[tilespmem:s17], [sflag:$0x1] =	stream.indirect.gather [hbm4b:s3+s16], $0x80, s0, s16, $0xb8;
	[tilespmem:$0x1A000] =	vst v63  }
0x5e: {  	s0 =	sadd.s32 $0xFFFFFF38, s30  }
0x5f: {  	[tilespmem:s18], [sflag:$0x1] =	stream.indirect.gather [hbm4b:s4+s16], $0x80, s0, s16, $0xb8;
	[tilespmem:$0x1A000] =	vst v63  }
0x60: {  	_ =	swait.ge [sflag:s25], $0x6400  }
0x61: {  	[sflag:s25] =	ssyncset.done $0x0  }
0x62: {  	[sflag:s25] =	ssyncadd.s32 $0xFFFF9C00  }
0x63: {  	_ =	swait.ge [sflag:s25], $0x6400  }
0x64: {  	[sflag:s25] =	ssyncset.done $0x0  }
0x65: {  	[sflag:s25] =	ssyncadd.s32 $0xFFFF9C00  }
0x66: {  	[tilespmem:s19], [sflag:$0x2] =	stream.indirect.gather [hbm4b:s3+s16], $0x80, s29, s16, $0xb8;
	[tilespmem:$0x1A000] =	vst v63  }
0x67: {  	_ = 	snop  }
0x68: {  	[tilespmem:s21], [sflag:$0x2] =	stream.indirect.gather [hbm4b:s4+s16], $0x80, s30, s16, $0xb8;
	[tilespmem:$0x1A000] =	vst v63  }
0x69: {  	_ =	swait.ge [sflag:s22], $0x6400  }
0x6a: {  	[sflag:s22] =	ssyncset.done $0x0  }
0x6b: {  	[sflag:s22] =	ssyncadd.s32 $0xFFFF9C00  }
0x6c: {  	_ =	swait.ge [sflag:s22], $0x6400  }
0x6d: {  	s0 =	sadd.s32 s31, s12;
	[sflag:s22] =	ssyncset.done $0x0  }
0x6e: {  	s31 =	sadd.s32 s31, s13;
	s1 =	sadd.s32 $0x1900, s0;
	[sflag:s22] =	ssyncadd.s32 $0xFFFF9C00  }
0x6f: {  	[hbm4b:s1+s2] =	stream.linear.scatter [tilespmem:s17], [sflag:$0x3], $0x6400, $0x38;
	[tilespmem:$0x1A000] =	vst v63  }
0x70: {  	s1 =	sadd.s32 $0x1900, s31  }
0x71: {  	[hbm4b:s1+s2] =	stream.linear.scatter [tilespmem:s18], [sflag:$0x3], $0x6400, $0x38;
	[tilespmem:$0x1A000] =	vst v63  }
0x72: {  	_ =	swait.ge [sflag:s23], $0x6400  }
0x73: {  	[sflag:s23] =	ssyncset.done $0x0  }
0x74: {  	[sflag:s23] =	ssyncadd.s32 $0xFFFF9C00  }
.Ltmp0:
0x75: {  	_ =	swait.ge [sflag:s23], $0x6400;
	(pc) =	sbr.rel @p0 .LBB2_2-.Ltmp0, $4  }
0x76: {  	[sflag:s23] =	ssyncset.done $0x0  }
0x77: {  	s0 =	sadd.s32 $0x2580, s0;
	[sflag:s23] =	ssyncadd.s32 $0xFFFF9C00  }
0x78: {  	[hbm4b:s0+s2] =	stream.linear.scatter [tilespmem:s19], [sflag:$0x4], $0x6400, $0x38;
	[tilespmem:$0x1A000] =	vst v63  }
0x79: {  	s29 =	sadd.s32 $0x190, s29;
	s30 =	sadd.s32 $0x190, s30;
	s31 =	sadd.s32 $0x2580, s31  }
0x7a: {  	[hbm4b:s31+s2] =	stream.linear.scatter [tilespmem:s21], [sflag:$0x4], $0x6400, $0x38;
	[tilespmem:$0x1A000] =	vst v63  }
0x7b: {  	_ =	swait.ge [sflag:s24], $0x6400  }
0x7c: {  	[sflag:s24] =	ssyncset.done $0x0  }
0x7d: {  	[sflag:s24] =	ssyncadd.s32 $0xFFFF9C00  }
0x7e: {  	_ =	swait.ge [sflag:s24], $0x6400  }
0x7f: {  	[sflag:s24] =	ssyncset.done $0x0  }
0x80: {  	s26 =	sadd.s32 $0x1, s26;
	[sflag:s24] =	ssyncadd.s32 $0xFFFF9C00  }
0x81: {  	p0 =	sne.s32 s26, s7;
	_ =	swait.ge [sflag:s25], $0x6400  }
.Ltmp1:
0x82: {  	[sflag:s25] =	ssyncset.done $0x0;
	(pc) =	sbr.rel @p0 .LBB2_1-.Ltmp1, $4  }
0x83: {  	[sflag:s25] =	ssyncadd.s32 $0xFFFF9C00  }
0x84: {  	_ =	swait.ge [sflag:s25], $0x6400  }
0x85: {  	[sflag:s25] =	ssyncset.done $0x0  }
0x86: {  	[sflag:s25] =	ssyncadd.s32 $0xFFFF9C00  }
0x87: {  	_ =	sfence.sel $0x180000  }
0x88: {  	[bflag:$0x0] =	sbarrier.arrive $0xFFFF  }
0x89: {  	_ =	strace $0x9000004A  }
0x8a: {  	s0 =	stileid.u32;
	[bflag:$0x2] =	sbarrier.arrive $0xFFFF  }
0x8b: {  	p0 =	sne.s32 s0, $0x0;
	s0 =	rddreg [dreg:$0x1]  }
0x8c: {  	s0 =	sadd.s32 @!p0 $0x100000, s0  }
0x8d: {  	[sflag:s0] =	ssyncadd.tile.s32 @!p0 $0x1;
	_ =	shalt  }
.Lfunc_end2:
_tile_overlayer_lowered:
.L_overlay_start_2:
0x8e: {  	(tag) =	ssettag $0x2  }
0x8f: {  	s0 =	rddreg [dreg:$0x0];
	s2 =	stileid.u32  }
0x90: {  	s1 =	rddreg [dreg:$0x1];
	p0 =	sne.s32 s2, $0x0  }
0x91: {  	s3 =	rddreg [dreg:$0x2];
	[bflag:$0x3] =	sbarrier.arrive $0xFFFF;
	s2 =	simm.s32 @!p0 $0x1C05  }
0x92: {  	[timem:s3], [sflag:s2] =	dma.local @!p0 [hbm:s0], s1  }
0x93: {  	s0 =	simm.s32 @!p0 $0x5  }
0x94: {  	_ =	swait.ge @!p0 [sflag:s0], s1  }
0x95: {  	s1 =	ssub.s32 @!p0 $0x0, s1;
	[sflag:s0] =	ssyncset.done @!p0 $0x0  }
0x96: {  	[sflag:s0] =	ssyncadd.s32 @!p0 s1  }
0x97: {  	[bflag:$0x3] =	sbarrier.arrive $0xFFFF  }
0x98: {  	_ =	shalt  }

// kernel: kernel.19.cloned.1.call-start
scs
__scs_entry_jumppad:
0x0: {  	(pc) =	sbr.rel $0x88, $3  }
0x1: {  	(tag) =	ssettag $0x0;
	lr =	simm.s32 $0x1  }
0x2: {  	[smem:$0x3F92] =	sst lr;
	_ =	strace $0xD0000000  }
0x3: {  	_ = 	snop  }
0x4: {  	_ = 	snop  }
0x5: {  	_ = 	snop  }
0x6: {  	_ = 	snop  }
0x7: {  	_ = 	snop  }
__scs_overlays_trampoline_lowered:
0x8: {  	[smem:$0x3FA1] =	sst s0  }
0x9: {  	[smem:$0x3FA2] =	sst s1  }
0xa: {  	[smem:$0x3FA3] =	sst s2  }
0xb: {  	[smem:$0x3FA4] =	sst s3  }
0xc: {  	[smem:$0x3FA5] =	sst s4  }
0xd: {  	[smem:$0x3FA6] =	sst s5  }
0xe: {  	[smem:$0x3FA7] =	sst s6  }
0xf: {  	[smem:$0x3FA8] =	sst s7  }
0x10: {  	[smem:$0x3FA9] =	sst s8  }
0x11: {  	[smem:$0x3FAA] =	sst s9;
	s0 =	simm.s32 @!p0 $0x0  }
0x12: {  	s1 =	sld [smem:$0x3F90];
	s0 =	simm.s32 @p0 $0x1  }
0x13: {  	[smem:$0x3FAB] =	sst s0;
	s0 =	simm.s32 @!p1 $0x0  }
0x14: {  	s2 =	sld [smem:$0x3F8F];
	s0 =	simm.s32 @p1 $0x1  }
0x15: {  	[smem:$0x3FAC] =	sst s0;
	s0 =	simm.s32 @!p2 $0x0  }
0x16: {  	s3 =	sld [smem:$0x3FDB];
	s0 =	simm.s32 @p2 $0x1  }
0x17: {  	s4 =	simm.s32 $0x1BF5;
	[smem:$0x3FAE] =	sst s0  }
0x18: {  	s0 =	sld [smem:$0x3F91];
	_ =	swait.ge [sflag:s4], $0x0  }
0x19: {  	s7 =	sld [smem:$0x3F92]  }
0x1a: {  	s8 =	sadd.s32 $0xFFFFE003, lr  }
0x1b: {  	s9 =	sadd.s32 $0xFFFFFEF7, lr;
	s5 =	simm.s32 $0xFFFFFFFF;
	p2 =	slt.u32 s8, $0xFFFFF086  }
0x1c: {  	p1 =	slt.u32 s9, $0xF7A;
	s5 =	simm.s32 @!p2 $0x0  }
0x1d: {  	s5 =	simm.s32 @p1 $0x1;
	p0 =	seq.s32 s7, s2  }
0x1e: {  	s7 =	smul.u32 @!p0 $0xF7A, s2;
	p2 =	seq.s32 @!p0 s5, $0x0  }
0x1f: {  	s9 =	smul.u32 $0xF7A, s1;
	s8 =	simm.s32 @!p0 $0x1BF5;
	p2 =	por !p2, p0  }
0x20: {  	[sflag:s8] =	ssyncset.s32 @!p0 $0xFFFFF086;
	s6 =	sadd.s32 @!p0 s3, s7;
	s7 =	simm.s32 @!p0 $0x108  }
0x21: {  	s3 =	sadd.s32 s3, s9;
	s6 =	sadd.s32 @!p0 $0x88, s6;
	s7 =	simm.s32 @p2 $0x1082  }
0x22: {  	[simem:s7], [sflag:s8] =	dma.local @!p0 [hbm:s6], $0xF7A  }
0x23: {  	s9 =	sor.u32 $0xD0000000, s2;
	s6 =	simm.s32 $0x108;
	_ =	swait.ge @!p0 [sflag:s8], $0x0  }
0x24: {  	s3 =	sadd.s32 $0x88, s3;
	s6 =	simm.s32 @!p1 $0x1082;
	[sflag:s4] =	ssyncset.s32 $0xFFFFF086  }
0x25: {  	[simem:s6], [sflag:s4] =	dma.local [hbm:s3], $0xF7A  }
0x26: {  	[smem:$0x3F92] =	sst s1;
	(tag) =	ssettag s2;
	_ =	strace s9  }
0x27: {  	s1 =	sld [smem:$0x3FA2]  }
0x28: {  	s2 =	sld [smem:$0x3FA3]  }
0x29: {  	s4 =	sld [smem:$0x3FA5]  }
0x2a: {  	p0 =	seq.s32 s5, $0x0;
	s5 =	sld [smem:$0x3FA6]  }
0x2b: {  	s6 =	sld [smem:$0x3FA7]  }
0x2c: {  	s7 =	sld [smem:$0x3FA8]  }
0x2d: {  	s3 =	simm.s32 $0x108;
	s8 =	sld [smem:$0x3FA9]  }
0x2e: {  	s3 =	simm.s32 @!p0 $0x1082;
	s9 =	sld [smem:$0x3FAA]  }
0x2f: {  	lr =	sadd.s32 s0, s3;
	s0 =	sld [smem:$0x3FA1]  }
0x30: {  	s3 =	sld [smem:$0x3FA4]  }
0x31: {  	[smem:$0x3FAD] =	sst s10  }
0x32: {  	s10 =	sld [smem:$0x3FAB];
	_ =	sdelay $0x3  }
0x33: {  	p0 =	seq.s32 s10, $0x1;
	s10 =	sld [smem:$0x3FAD];
	_ =	sdelay $0x3  }
0x34: {  	[smem:$0x3FAD] =	sst s10  }
0x35: {  	s10 =	sld [smem:$0x3FAC];
	_ =	sdelay $0x3  }
0x36: {  	p1 =	seq.s32 s10, $0x1;
	s10 =	sld [smem:$0x3FAD];
	_ =	sdelay $0x3  }
0x37: {  	[smem:$0x3FAD] =	sst s10  }
0x38: {  	s10 =	sld [smem:$0x3FAE]  }
0x39: {  	_ = 	snop;
	(pc) =	sbr.ind lr, $3  }
0x3a: {  	_ = 	snop  }
0x3b: {  	_ = 	snop  }
0x3c: {  	p2 =	seq.s32 s10, $0x1;
	s10 =	sld [smem:$0x3FAD]  }
0x3d: {  	_ =	shalt  }
0x3e: {  	_ =	shalt  }
0x3f: {  	_ =	shalt  }
0x40: {  	_ =	shalt  }
0x41: {  	_ =	shalt  }
0x42: {  	_ =	shalt  }
0x43: {  	_ =	shalt  }
0x44: {  	_ =	shalt  }
0x45: {  	_ =	shalt  }
0x46: {  	_ =	shalt  }
0x47: {  	_ =	shalt  }
0x48: {  	_ =	shalt  }
0x49: {  	_ =	shalt  }
0x4a: {  	_ =	shalt  }
0x4b: {  	_ =	shalt  }
0x4c: {  	_ =	shalt  }
0x4d: {  	_ =	shalt  }
0x4e: {  	_ =	shalt  }
0x4f: {  	_ =	shalt  }
0x50: {  	_ =	shalt  }
0x51: {  	_ =	shalt  }
0x52: {  	_ =	shalt  }
0x53: {  	_ =	shalt  }
0x54: {  	_ =	shalt  }
0x55: {  	_ =	shalt  }
0x56: {  	_ =	shalt  }
0x57: {  	_ =	shalt  }
0x58: {  	_ =	shalt  }
0x59: {  	_ =	shalt  }
0x5a: {  	_ =	shalt  }
0x5b: {  	_ =	shalt  }
0x5c: {  	_ =	shalt  }
0x5d: {  	_ =	shalt  }
0x5e: {  	_ =	shalt  }
0x5f: {  	_ =	shalt  }
0x60: {  	_ =	shalt  }
0x61: {  	_ =	shalt  }
0x62: {  	_ =	shalt  }
0x63: {  	_ =	shalt  }
0x64: {  	_ =	shalt  }
0x65: {  	_ =	shalt  }
0x66: {  	_ =	shalt  }
0x67: {  	_ =	shalt  }
0x68: {  	_ =	shalt  }
0x69: {  	_ =	shalt  }
0x6a: {  	_ =	shalt  }
0x6b: {  	_ =	shalt  }
0x6c: {  	_ =	shalt  }
0x6d: {  	_ =	shalt  }
0x6e: {  	_ =	shalt  }
0x6f: {  	_ =	shalt  }
0x70: {  	_ =	shalt  }
0x71: {  	_ =	shalt  }
0x72: {  	_ =	shalt  }
0x73: {  	_ =	shalt  }
0x74: {  	_ =	shalt  }
0x75: {  	_ =	shalt  }
0x76: {  	_ =	shalt  }
0x77: {  	_ =	shalt  }
0x78: {  	_ =	shalt  }
0x79: {  	_ =	shalt  }
0x7a: {  	_ =	shalt  }
0x7b: {  	_ =	shalt  }
0x7c: {  	_ =	shalt  }
0x7d: {  	_ =	shalt  }
0x7e: {  	_ =	shalt  }
0x7f: {  	_ =	shalt  }
0x80: {  	_ =	shalt  }
0x81: {  	_ =	shalt  }
0x82: {  	_ =	shalt  }
0x83: {  	_ =	shalt  }
0x84: {  	_ =	shalt  }
0x85: {  	_ =	shalt  }
0x86: {  	_ =	shalt  }
0x87: {  	_ =	shalt  }
.Lfunc_end0:
.L_simem_size_0:
called_computation.2_lowered:
.L_overlay_start_0:
0x88: {  	s2 =	sld [smem:$0x3FD9]  }
0x89: {  	s3 =	sld [smem:$0x3FFE];
	_ =	sdelay $0x1  }
0x8a: {  	s1 =	srdreg.scid  }
0x8b: {  	s0 =	sand.u32 $0x1, s1  }
0x8c: {  	s17 =	sshll.u32 s0, $0xA;
	s2 =	sadd.s32 s3, s2  }
0x8d: {  	s2 =	sadd.s32 s2, s17  }
0x8e: {  	[smem:$0x3FB9] =	sst s2  }
0x8f: {  	_ = 	snop  }
0x90: {  	(tm) =	ssettm $0x1  }
0x91: {  	s18 =	sld [smem:$0x3FFB];
	_ =	sdelay $0x3  }
0x92: {  	_ =	strace s18  }
0x93: {  	s2 =	sld [smem:$0x3FFC];
	_ =	sdelay $0x3  }
0x94: {  	_ =	strace s2  }
0x95: {  	s2 =	sld [smem:$0x3FFD];
	_ =	sdelay $0x3  }
0x96: {  	_ =	strace s2  }
0x97: {  	_ =	strace $0x8FFFFFFF  }
0x98: {  	s19 =	sld [smem:$0x3FDB];
	_ =	sdelay $0x1  }
0x99: {  	s20 =	simm.s32 $_scs_section_size  }
0x9a: {  	s4 =	simm.s32 $_size__tile_overlayer_lowered;
	s5 =	simm.s32 $_tile_overlayer_lowered  }
0x9b: {  	s6 =	simm.s32 $0x1BFF;
	s21 =	sshll.u32 s5, $0x1;
	s3 =	sadd.s32 s20, s19  }
0x9c: {  	s22 =	simm.s32 $0x0;
	s4 =	sshll.u32 s4, $0x1;
	s5 =	sadd.s32 s21, s3  }
0x9d: {  	[timem:s22], [sflag:s6] =	dma.local [hbm:s5], s4  }
0x9e: {  	_ =	swait.ge [sflag:s6], s4  }
0x9f: {  	s4 =	ssub.s32 $0x0, s4;
	[sflag:s6] =	ssyncset.done $0x0  }
0xa0: {  	[sflag:s6] =	ssyncadd.s32 s4;
	_ =	sdelay $0x1  }
0xa1: {  	s23 =	simm.s32 $0x1B8B  }
0xa2: {  	_ =	swait.ge [sflag:s23], $0x1  }
0xa3: {  	[sflag:s23] =	ssyncset.done $0x0  }
0xa4: {  	[sflag:s23] =	ssyncadd.s32 $0xFFFFFFFF  }
0xa5: {  	s4 =	sld [smem:$0x0]  }
0xa6: {  	s5 =	sand.u32 $0xFFFFFFFE, s1  }
0xa7: {  	p0 =	sne.s32 s1, s5  }
0xa8: {  	s5 =	sshll.u32 @p0 s5, $0xE  }
0xa9: {  	s5 =	sadd.s32 @p0 $0x11B8D, s5;
	s6 =	sshll.u32 @p0 s4, $0x11  }
0xaa: {  	s5 =	sor.u32 @p0 s6, s5  }
0xab: {  	[sflag:s5] =	ssyncadd.remote.s32 @p0 $0x1;
	_ =	sdelay $0x1  }
0xac: {  	s5 =	simm.s32 @p0 $0x1B8D  }
0xad: {  	_ =	swait.eq @p0 [sflag:s5], $0x1  }
0xae: {  	[sflag:s5] =	ssyncadd.s32 @p0 $0xFFFFFFFF  }
0xaf: {  	s6 =	sshll.u32 @!p0 s1, $0xE  }
0xb0: {  	s6 =	sor.u32 @!p0 $0x4000, s6;
	s5 =	simm.s32 @!p0 $0x1B8D  }
0xb1: {  	s4 =	sshll.u32 @!p0 s4, $0x11;
	s6 =	sadd.s32 @!p0 $0x11B8D, s6;
	_ =	swait.eq @!p0 [sflag:s5], $0x1  }
0xb2: {  	s4 =	sor.u32 @!p0 s4, s6;
	[sflag:s5] =	ssyncadd.s32 @!p0 $0xFFFFFFFF  }
0xb3: {  	s25 =	simm.s32 $0x1B8E;
	s24 =	sld [smem:$0x3FFE];
	[sflag:s4] =	ssyncadd.remote.s32 @!p0 $0x1  }
0xb4: {  	s26 =	simm.s32 $execute0_lowered;
	[smem:$0x3FD2] =	sst s25  }
0xb5: {  	s5 =	sshll.u32 s26, $0x1;
	_ =	strace $0x8000004C;
	[dreg:$0x1] =	wrdreg $0xFFFFFFFF  }
0xb6: {  	s28 =	simm.s32 $_size_execute0_lowered;
	s3 =	sadd.s32 s3, s5;
	[dreg:$0x0] =	wrdreg $0x0  }
0xb7: {  	s5 =	sshll.u32 s28, $0x1;
	[dreg:$0x2] =	wrdreg s3  }
0xb8: {  	[dreg:$0x3] =	wrdreg s5  }
0xb9: {  	[dreg:$0x4] =	wrdreg $0xC0  }
0xba: {  	_ =	task [dreg:s22], $0x5FFFF  }
0xbb: {  	[dreg:$0x1] =	wrdreg $0xFFFFFFFF  }
0xbc: {  	[dreg:$0x0] =	wrdreg $0x60  }
0xbd: {  	[dreg:$0x2] =	wrdreg s24  }
0xbe: {  	[dreg:$0x3] =	wrdreg $0x9  }
0xbf: {  	_ =	task.clear_ibuf [dreg:s22], $0x4FFFF;
	_ =	strace $0x9000004C  }
0xc0: {  	s29 =	simm.s32 $0x9;
	_ =	strace $0x8000004E  }
0xc1: {  	_ =	swait.ge [sflag:s29], $0x1  }
0xc2: {  	[sflag:s29] =	ssyncadd.s32 $0xFFFFFFFF  }
0xc3: {  	_ =	strace $0x9000004E  }
0xc4: {  	_ =	sfence  }
0xc5: {  	s30 =	sld [smem:$0x0];
	_ =	sdelay $0x2  }
0xc6: {  	s31 =	sshll.u32 s1, $0xD;
	s1 =	sshrl.u32 s1, $0x2  }
0xc7: {  	s4 =	sand.u32 $0x4000, s31;
	s1 =	sadd.s32 s1, s30  }
0xc8: {  	s0 =	sor.u32 s4, s0;
	s1 =	sshll.u32 s1, $0x11  }
0xc9: {  	s0 =	sor.u32 s1, s0  }
0xca: {  	s0 =	sadd.s32 $0x8F2B, s0  }
0xcb: {  	[sflag:s0] =	ssyncadd.remote.s32 $0x1  }
0xcc: {  	_ =	sfence.sel $0xFFFF  }
0xcd: {  	[dreg:$0x0] =	wrdreg $0xFFFFFFFF;
	(pc) =	sbr.abs _section_cstart, $3  }
0xce: {  	[dreg:$0x1] =	wrdreg $0xFFFFFFFF  }
0xcf: {  	_ =	task.clear_ibuf [dreg:s22], $0x2FFFF;
	_ =	strace $0x9FFFFFFF  }
0xd0: {  	(tm) =	ssettm $0x7FFFFFFF  }
0xd1: {  	_ =	shalt  }
tec
execute0_lowered:
.L_overlay_start_1:
0x0: {  	(tag) =	ssettag $0x1  }
0x1: {  	s5 =	rddreg [dreg:$0x0];
	s3 =	srdreg.scid  }
0x2: {  	s0 =	stileid.u32;
	s2 =	simm.s32 $0x0;
	s17 =	simm.s32 $0x1000  }
0x3: {  	s18 =	simm.s32 $0xD800;
	s19 =	simm.s32 $0x7400;
	s20 =	simm.s32 $0x8C8  }
0x4: {  	s21 =	simm.s32 $0x13C00;
	s22 =	simm.s32 $0x1;
	s23 =	simm.s32 $0x2  }
0x5: {  	s24 =	simm.s32 $0x3;
	s25 =	simm.s32 $0x4;
	s26 =	simm.s32 $0x0  }
0x6: {  	s11 =	sand.u32 $0x1, s3;
	s30 =	sshll.u32 s0, $0x1;
	[smem:$0x7FF] =	sst s2  }
0x7: {  	s3 =	sadd.s32 $0xE600, s5;
	s15 =	smul.u32 $0xFA00, s0;
	s6 =	sor.u32 s11, s30  }
0x8: {  	s4 =	sadd.s32 $0x35800, s5;
	s12 =	sadd.s32 $0x2CDA00, s5;
	s7 =	smul.u32 $0x7D0, s6  }
0x9: {  	s13 =	sadd.s32 $0x3C7A00, s5;
	s8 =	ssub.s32 $0x2, s11;
	s31 =	smul.u32 $0x7D00, s6  }
0xa: {  	_ =	strace $0x8000004D;
	s16 =	smul.u32 $0x7D00, s11;
	s9 =	sshrl.u32 s8, $0x1  }
0xb: {  	s8 =	ssub.s32 s8, s9;
	s7 =	sshrl.u32 s7, $0x3;
	s14 =	sadd.s32 $0xC80, s31  }
0xc: {  	s9 =	sadd.s32 s13, s31;
	s7 =	sadd.s32 s5, s7;
	s10 =	sadd.s32 s12, s14  }
0xd: {  	s11 =	sadd.s32 s13, s14;
	s13 =	sadd.s32 s15, s13;
	s14 =	simm.s32 $0x5  }
0xe: {  	s5 =	sadd.s32 $0xC4E0, s7;
	s6 =	sadd.s32 $0x74E0, s7;
	s7 =	smax.u32 s8, $0x1  }
0xf: {  	s8 =	sadd.s32 s12, s31;
	s12 =	sadd.s32 s15, s12;
	s13 =	sadd.s32 s16, s13  }
0x10: {  	s15 =	simm.s32 $0x800;
	s12 =	sadd.s32 s16, s12;
	s16 =	simm.s32 $0xC8  }
.LBB2_1:
0x11: {  	[tilespmem:s2], [sflag:$0x5] =	stream.linear.gather [hbm4b:s5+s2], $0x7D0, $0x38;
	[tilespmem:$0x1A000] =	vst v63  }
0x12: {  	_ =	swait.ge [sflag:s14], $0x7D0  }
0x13: {  	[sflag:s14] =	ssyncset.done $0x0  }
0x14: {  	[sflag:s14] =	ssyncadd.s32 $0xFFFFF830  }
0x15: {  	[tilespmem:s15], [sflag:$0x5] =	stream.linear.gather [hbm4b:s6+s2], $0x7D0, $0x38;
	[tilespmem:$0x1A000] =	vst v63  }
0x16: {  	_ =	swait.ge [sflag:s14], $0x7D0  }
0x17: {  	[sflag:s14] =	ssyncset.done $0x0  }
0x18: {  	[sflag:s14] =	ssyncadd.s32 $0xFFFFF830  }
0x19: {  	[tilespmem:s17], [sflag:$0x1] =	stream.indirect.gather [hbm4b:s3+s16], $0x80, s2, s16, $0xb8;
	[tilespmem:$0x1A000] =	vst v63  }
0x1a: {  	_ = 	snop  }
0x1b: {  	[tilespmem:s18], [sflag:$0x1] =	stream.indirect.gather [hbm4b:s4+s16], $0x80, s15, s16, $0xb8;
	[tilespmem:$0x1A000] =	vst v63  }
0x1c: {  	_ = 	snop  }
0x1d: {  	[tilespmem:s19], [sflag:$0x2] =	stream.indirect.gather [hbm4b:s3+s16], $0x80, s16, s16, $0xb8;
	[tilespmem:$0x1A000] =	vst v63  }
0x1e: {  	_ = 	snop  }
0x1f: {  	[tilespmem:s21], [sflag:$0x2] =	stream.indirect.gather [hbm4b:s4+s16], $0x80, s20, s16, $0xb8;
	[tilespmem:$0x1A000] =	vst v63  }
0x20: {  	_ =	swait.ge [sflag:s22], $0x6400  }
0x21: {  	[sflag:s22] =	ssyncset.done $0x0  }
0x22: {  	[sflag:s22] =	ssyncadd.s32 $0xFFFF9C00  }
0x23: {  	_ =	swait.ge [sflag:s22], $0x6400  }
0x24: {  	[sflag:s22] =	ssyncset.done $0x0  }
0x25: {  	[sflag:s22] =	ssyncadd.s32 $0xFFFF9C00  }
0x26: {  	[hbm4b:s8+s2] =	stream.linear.scatter [tilespmem:s17], [sflag:$0x3], $0x6400, $0x38;
	[tilespmem:$0x1A000] =	vst v63  }
0x27: {  	_ = 	snop  }
0x28: {  	[hbm4b:s9+s2] =	stream.linear.scatter [tilespmem:s18], [sflag:$0x3], $0x6400, $0x38;
	[tilespmem:$0x1A000] =	vst v63  }
0x29: {  	_ =	swait.ge [sflag:s23], $0x6400  }
0x2a: {  	[sflag:s23] =	ssyncset.done $0x0  }
0x2b: {  	[sflag:s23] =	ssyncadd.s32 $0xFFFF9C00  }
0x2c: {  	_ =	swait.ge [sflag:s23], $0x6400  }
0x2d: {  	[sflag:s23] =	ssyncset.done $0x0  }
0x2e: {  	[sflag:s23] =	ssyncadd.s32 $0xFFFF9C00  }
0x2f: {  	[hbm4b:s10+s2] =	stream.linear.scatter [tilespmem:s19], [sflag:$0x4], $0x6400, $0x38;
	[tilespmem:$0x1A000] =	vst v63  }
0x30: {  	_ = 	snop  }
0x31: {  	[hbm4b:s11+s2] =	stream.linear.scatter [tilespmem:s21], [sflag:$0x4], $0x6400, $0x38;
	[tilespmem:$0x1A000] =	vst v63  }
0x32: {  	_ =	swait.ge [sflag:s24], $0x6400  }
0x33: {  	[sflag:s24] =	ssyncset.done $0x0  }
0x34: {  	[sflag:s24] =	ssyncadd.s32 $0xFFFF9C00  }
0x35: {  	_ =	swait.ge [sflag:s24], $0x6400  }
0x36: {  	[sflag:s24] =	ssyncset.done $0x0  }
0x37: {  	s28 =	simm.s32 $0x190;
	[sflag:s24] =	ssyncadd.s32 $0xFFFF9C00  }
0x38: {  	[tilespmem:s17], [sflag:$0x1] =	stream.indirect.gather [hbm4b:s3+s16], $0x80, s28, s16, $0xb8;
	[tilespmem:$0x1A000] =	vst v63  }
0x39: {  	s28 =	simm.s32 $0x990  }
0x3a: {  	[tilespmem:s18], [sflag:$0x1] =	stream.indirect.gather [hbm4b:s4+s16], $0x80, s28, s16, $0xb8;
	[tilespmem:$0x1A000] =	vst v63  }
0x3b: {  	_ =	swait.ge [sflag:s25], $0x6400  }
0x3c: {  	[sflag:s25] =	ssyncset.done $0x0  }
0x3d: {  	[sflag:s25] =	ssyncadd.s32 $0xFFFF9C00  }
0x3e: {  	_ =	swait.ge [sflag:s25], $0x6400  }
0x3f: {  	[sflag:s25] =	ssyncset.done $0x0  }
0x40: {  	s28 =	simm.s32 $0x258;
	[sflag:s25] =	ssyncadd.s32 $0xFFFF9C00  }
0x41: {  	[tilespmem:s19], [sflag:$0x2] =	stream.indirect.gather [hbm4b:s3+s16], $0x80, s28, s16, $0xb8;
	[tilespmem:$0x1A000] =	vst v63  }
0x42: {  	s28 =	simm.s32 $0xA58  }
0x43: {  	[tilespmem:s21], [sflag:$0x2] =	stream.indirect.gather [hbm4b:s4+s16], $0x80, s28, s16, $0xb8;
	[tilespmem:$0x1A000] =	vst v63  }
0x44: {  	_ =	swait.ge [sflag:s22], $0x6400  }
0x45: {  	[sflag:s22] =	ssyncset.done $0x0  }
0x46: {  	[sflag:s22] =	ssyncadd.s32 $0xFFFF9C00  }
0x47: {  	_ =	swait.ge [sflag:s22], $0x6400  }
0x48: {  	s28 =	sadd.s32 $0x0, s12;
	[sflag:s22] =	ssyncset.done $0x0  }
0x49: {  	s30 =	sadd.s32 $0x0, s13;
	s29 =	sadd.s32 $0x1900, s28;
	[sflag:s22] =	ssyncadd.s32 $0xFFFF9C00  }
0x4a: {  	[hbm4b:s29+s2] =	stream.linear.scatter [tilespmem:s17], [sflag:$0x3], $0x6400, $0x38;
	[tilespmem:$0x1A000] =	vst v63  }
0x4b: {  	s29 =	sadd.s32 $0x1900, s30  }
0x4c: {  	[hbm4b:s29+s2] =	stream.linear.scatter [tilespmem:s18], [sflag:$0x3], $0x6400, $0x38;
	[tilespmem:$0x1A000] =	vst v63  }
0x4d: {  	_ =	swait.ge [sflag:s23], $0x6400  }
0x4e: {  	[sflag:s23] =	ssyncset.done $0x0  }
0x4f: {  	[sflag:s23] =	ssyncadd.s32 $0xFFFF9C00  }
0x50: {  	_ =	swait.ge [sflag:s23], $0x6400  }
0x51: {  	[sflag:s23] =	ssyncset.done $0x0  }
0x52: {  	s31 =	sadd.s32 $0x2580, s30;
	s28 =	sadd.s32 $0x2580, s28;
	[sflag:s23] =	ssyncadd.s32 $0xFFFF9C00  }
0x53: {  	[hbm4b:s28+s2] =	stream.linear.scatter [tilespmem:s19], [sflag:$0x4], $0x6400, $0x38;
	[tilespmem:$0x1A000] =	vst v63  }
0x54: {  	s30 =	simm.s32 $0xBE8;
	s29 =	simm.s32 $0x3E8;
	s28 =	simm.s32 $0x1900  }
.LBB2_2:
0x55: {  	[hbm4b:s31+s2] =	stream.linear.scatter [tilespmem:s21], [sflag:$0x4], $0x6400, $0x38;
	[tilespmem:$0x1A000] =	vst v63  }
0x56: {  	s31 =	smov.u32 s28  }
0x57: {  	p0 =	sne.s32 s28, $0x4B00;
	s28 =	sadd.s32 $0x1900, s28;
	_ =	swait.ge [sflag:s24], $0x6400  }
0x58: {  	[sflag:s24] =	ssyncset.done $0x0  }
0x59: {  	[sflag:s24] =	ssyncadd.s32 $0xFFFF9C00  }
0x5a: {  	_ =	swait.ge [sflag:s24], $0x6400  }
0x5b: {  	[sflag:s24] =	ssyncset.done $0x0  }
0x5c: {  	s0 =	sadd.s32 $0xFFFFFF38, s29;
	[sflag:s24] =	ssyncadd.s32 $0xFFFF9C00  }
0x5d: {  	[tilespmem:s17], [sflag:$0x1] =	stream.indirect.gather [hbm4b:s3+s16], $0x80, s0, s16, $0xb8;
	[tilespmem:$0x1A000] =	vst v63  }
0x5e: {  	s0 =	sadd.s32 $0xFFFFFF38, s30  }
0x5f: {  	[tilespmem:s18], [sflag:$0x1] =	stream.indirect.gather [hbm4b:s4+s16], $0x80, s0, s16, $0xb8;
	[tilespmem:$0x1A000] =	vst v63  }
0x60: {  	_ =	swait.ge [sflag:s25], $0x6400  }
0x61: {  	[sflag:s25] =	ssyncset.done $0x0  }
0x62: {  	[sflag:s25] =	ssyncadd.s32 $0xFFFF9C00  }
0x63: {  	_ =	swait.ge [sflag:s25], $0x6400  }
0x64: {  	[sflag:s25] =	ssyncset.done $0x0  }
0x65: {  	[sflag:s25] =	ssyncadd.s32 $0xFFFF9C00  }
0x66: {  	[tilespmem:s19], [sflag:$0x2] =	stream.indirect.gather [hbm4b:s3+s16], $0x80, s29, s16, $0xb8;
	[tilespmem:$0x1A000] =	vst v63  }
0x67: {  	_ = 	snop  }
0x68: {  	[tilespmem:s21], [sflag:$0x2] =	stream.indirect.gather [hbm4b:s4+s16], $0x80, s30, s16, $0xb8;
	[tilespmem:$0x1A000] =	vst v63  }
0x69: {  	_ =	swait.ge [sflag:s22], $0x6400  }
0x6a: {  	[sflag:s22] =	ssyncset.done $0x0  }
0x6b: {  	[sflag:s22] =	ssyncadd.s32 $0xFFFF9C00  }
0x6c: {  	_ =	swait.ge [sflag:s22], $0x6400  }
0x6d: {  	s0 =	sadd.s32 s31, s12;
	[sflag:s22] =	ssyncset.done $0x0  }
0x6e: {  	s31 =	sadd.s32 s31, s13;
	s1 =	sadd.s32 $0x1900, s0;
	[sflag:s22] =	ssyncadd.s32 $0xFFFF9C00  }
0x6f: {  	[hbm4b:s1+s2] =	stream.linear.scatter [tilespmem:s17], [sflag:$0x3], $0x6400, $0x38;
	[tilespmem:$0x1A000] =	vst v63  }
0x70: {  	s1 =	sadd.s32 $0x1900, s31  }
0x71: {  	[hbm4b:s1+s2] =	stream.linear.scatter [tilespmem:s18], [sflag:$0x3], $0x6400, $0x38;
	[tilespmem:$0x1A000] =	vst v63  }
0x72: {  	_ =	swait.ge [sflag:s23], $0x6400  }
0x73: {  	[sflag:s23] =	ssyncset.done $0x0  }
0x74: {  	[sflag:s23] =	ssyncadd.s32 $0xFFFF9C00  }
.Ltmp0:
0x75: {  	_ =	swait.ge [sflag:s23], $0x6400;
	(pc) =	sbr.rel @p0 .LBB2_2-.Ltmp0, $4  }
0x76: {  	[sflag:s23] =	ssyncset.done $0x0  }
0x77: {  	s0 =	sadd.s32 $0x2580, s0;
	[sflag:s23] =	ssyncadd.s32 $0xFFFF9C00  }
0x78: {  	[hbm4b:s0+s2] =	stream.linear.scatter [tilespmem:s19], [sflag:$0x4], $0x6400, $0x38;
	[tilespmem:$0x1A000] =	vst v63  }
0x79: {  	s29 =	sadd.s32 $0x190, s29;
	s30 =	sadd.s32 $0x190, s30;
	s31 =	sadd.s32 $0x2580, s31  }
0x7a: {  	[hbm4b:s31+s2] =	stream.linear.scatter [tilespmem:s21], [sflag:$0x4], $0x6400, $0x38;
	[tilespmem:$0x1A000] =	vst v63  }
0x7b: {  	_ =	swait.ge [sflag:s24], $0x6400  }
0x7c: {  	[sflag:s24] =	ssyncset.done $0x0  }
0x7d: {  	[sflag:s24] =	ssyncadd.s32 $0xFFFF9C00  }
0x7e: {  	_ =	swait.ge [sflag:s24], $0x6400  }
0x7f: {  	[sflag:s24] =	ssyncset.done $0x0  }
0x80: {  	s26 =	sadd.s32 $0x1, s26;
	[sflag:s24] =	ssyncadd.s32 $0xFFFF9C00  }
0x81: {  	p0 =	sne.s32 s26, s7;
	_ =	swait.ge [sflag:s25], $0x6400  }
.Ltmp1:
0x82: {  	[sflag:s25] =	ssyncset.done $0x0;
	(pc) =	sbr.rel @p0 .LBB2_1-.Ltmp1, $4  }
0x83: {  	[sflag:s25] =	ssyncadd.s32 $0xFFFF9C00  }
0x84: {  	_ =	swait.ge [sflag:s25], $0x6400  }
0x85: {  	[sflag:s25] =	ssyncset.done $0x0  }
0x86: {  	[sflag:s25] =	ssyncadd.s32 $0xFFFF9C00  }
0x87: {  	_ =	sfence.sel $0x180000  }
0x88: {  	[bflag:$0x0] =	sbarrier.arrive $0xFFFF  }
0x89: {  	_ =	strace $0x9000004D  }
0x8a: {  	s0 =	stileid.u32;
	[bflag:$0x2] =	sbarrier.arrive $0xFFFF  }
0x8b: {  	p0 =	sne.s32 s0, $0x0;
	s0 =	rddreg [dreg:$0x1]  }
0x8c: {  	s0 =	sadd.s32 @!p0 $0x100000, s0  }
0x8d: {  	[sflag:s0] =	ssyncadd.tile.s32 @!p0 $0x1;
	_ =	shalt  }
.Lfunc_end2:
_tile_overlayer_lowered:
.L_overlay_start_2:
0x8e: {  	(tag) =	ssettag $0x2  }
0x8f: {  	s0 =	rddreg [dreg:$0x0];
	s2 =	stileid.u32  }
0x90: {  	s1 =	rddreg [dreg:$0x1];
	p0 =	sne.s32 s2, $0x0  }
0x91: {  	s3 =	rddreg [dreg:$0x2];
	[bflag:$0x3] =	sbarrier.arrive $0xFFFF;
	s2 =	simm.s32 @!p0 $0x1C05  }
0x92: {  	[timem:s3], [sflag:s2] =	dma.local @!p0 [hbm:s0], s1  }
0x93: {  	s0 =	simm.s32 @!p0 $0x5  }
0x94: {  	_ =	swait.ge @!p0 [sflag:s0], s1  }
0x95: {  	s1 =	ssub.s32 @!p0 $0x0, s1;
	[sflag:s0] =	ssyncset.done @!p0 $0x0  }
0x96: {  	[sflag:s0] =	ssyncadd.s32 @!p0 s1  }
0x97: {  	[bflag:$0x3] =	sbarrier.arrive $0xFFFF  }
0x98: {  	_ =	shalt  }

// kernel: kernel.22.cloned.1.call-start
scs
__scs_entry_jumppad:
0x0: {  	(pc) =	sbr.rel $0x88, $3  }
0x1: {  	(tag) =	ssettag $0x0;
	lr =	simm.s32 $0x1  }
0x2: {  	[smem:$0x3F92] =	sst lr;
	_ =	strace $0xD0000000  }
0x3: {  	_ = 	snop  }
0x4: {  	_ = 	snop  }
0x5: {  	_ = 	snop  }
0x6: {  	_ = 	snop  }
0x7: {  	_ = 	snop  }
__scs_overlays_trampoline_lowered:
0x8: {  	[smem:$0x3FA1] =	sst s0  }
0x9: {  	[smem:$0x3FA2] =	sst s1  }
0xa: {  	[smem:$0x3FA3] =	sst s2  }
0xb: {  	[smem:$0x3FA4] =	sst s3  }
0xc: {  	[smem:$0x3FA5] =	sst s4  }
0xd: {  	[smem:$0x3FA6] =	sst s5  }
0xe: {  	[smem:$0x3FA7] =	sst s6  }
0xf: {  	[smem:$0x3FA8] =	sst s7  }
0x10: {  	[smem:$0x3FA9] =	sst s8  }
0x11: {  	[smem:$0x3FAA] =	sst s9;
	s0 =	simm.s32 @!p0 $0x0  }
0x12: {  	s1 =	sld [smem:$0x3F90];
	s0 =	simm.s32 @p0 $0x1  }
0x13: {  	[smem:$0x3FAB] =	sst s0;
	s0 =	simm.s32 @!p1 $0x0  }
0x14: {  	s2 =	sld [smem:$0x3F8F];
	s0 =	simm.s32 @p1 $0x1  }
0x15: {  	[smem:$0x3FAC] =	sst s0;
	s0 =	simm.s32 @!p2 $0x0  }
0x16: {  	s3 =	sld [smem:$0x3FDB];
	s0 =	simm.s32 @p2 $0x1  }
0x17: {  	s4 =	simm.s32 $0x1BF5;
	[smem:$0x3FAE] =	sst s0  }
0x18: {  	s0 =	sld [smem:$0x3F91];
	_ =	swait.ge [sflag:s4], $0x0  }
0x19: {  	s7 =	sld [smem:$0x3F92]  }
0x1a: {  	s8 =	sadd.s32 $0xFFFFE003, lr  }
0x1b: {  	s9 =	sadd.s32 $0xFFFFFEF7, lr;
	s5 =	simm.s32 $0xFFFFFFFF;
	p2 =	slt.u32 s8, $0xFFFFF086  }
0x1c: {  	p1 =	slt.u32 s9, $0xF7A;
	s5 =	simm.s32 @!p2 $0x0  }
0x1d: {  	s5 =	simm.s32 @p1 $0x1;
	p0 =	seq.s32 s7, s2  }
0x1e: {  	s7 =	smul.u32 @!p0 $0xF7A, s2;
	p2 =	seq.s32 @!p0 s5, $0x0  }
0x1f: {  	s9 =	smul.u32 $0xF7A, s1;
	s8 =	simm.s32 @!p0 $0x1BF5;
	p2 =	por !p2, p0  }
0x20: {  	[sflag:s8] =	ssyncset.s32 @!p0 $0xFFFFF086;
	s6 =	sadd.s32 @!p0 s3, s7;
	s7 =	simm.s32 @!p0 $0x108  }
0x21: {  	s3 =	sadd.s32 s3, s9;
	s6 =	sadd.s32 @!p0 $0x88, s6;
	s7 =	simm.s32 @p2 $0x1082  }
0x22: {  	[simem:s7], [sflag:s8] =	dma.local @!p0 [hbm:s6], $0xF7A  }
0x23: {  	s9 =	sor.u32 $0xD0000000, s2;
	s6 =	simm.s32 $0x108;
	_ =	swait.ge @!p0 [sflag:s8], $0x0  }
0x24: {  	s3 =	sadd.s32 $0x88, s3;
	s6 =	simm.s32 @!p1 $0x1082;
	[sflag:s4] =	ssyncset.s32 $0xFFFFF086  }
0x25: {  	[simem:s6], [sflag:s4] =	dma.local [hbm:s3], $0xF7A  }
0x26: {  	[smem:$0x3F92] =	sst s1;
	(tag) =	ssettag s2;
	_ =	strace s9  }
0x27: {  	s1 =	sld [smem:$0x3FA2]  }
0x28: {  	s2 =	sld [smem:$0x3FA3]  }
0x29: {  	s4 =	sld [smem:$0x3FA5]  }
0x2a: {  	p0 =	seq.s32 s5, $0x0;
	s5 =	sld [smem:$0x3FA6]  }
0x2b: {  	s6 =	sld [smem:$0x3FA7]  }
0x2c: {  	s7 =	sld [smem:$0x3FA8]  }
0x2d: {  	s3 =	simm.s32 $0x108;
	s8 =	sld [smem:$0x3FA9]  }
0x2e: {  	s3 =	simm.s32 @!p0 $0x1082;
	s9 =	sld [smem:$0x3FAA]  }
0x2f: {  	lr =	sadd.s32 s0, s3;
	s0 =	sld [smem:$0x3FA1]  }
0x30: {  	s3 =	sld [smem:$0x3FA4]  }
0x31: {  	[smem:$0x3FAD] =	sst s10  }
0x32: {  	s10 =	sld [smem:$0x3FAB];
	_ =	sdelay $0x3  }
0x33: {  	p0 =	seq.s32 s10, $0x1;
	s10 =	sld [smem:$0x3FAD];
	_ =	sdelay $0x3  }
0x34: {  	[smem:$0x3FAD] =	sst s10  }
0x35: {  	s10 =	sld [smem:$0x3FAC];
	_ =	sdelay $0x3  }
0x36: {  	p1 =	seq.s32 s10, $0x1;
	s10 =	sld [smem:$0x3FAD];
	_ =	sdelay $0x3  }
0x37: {  	[smem:$0x3FAD] =	sst s10  }
0x38: {  	s10 =	sld [smem:$0x3FAE]  }
0x39: {  	_ = 	snop;
	(pc) =	sbr.ind lr, $3  }
0x3a: {  	_ = 	snop  }
0x3b: {  	_ = 	snop  }
0x3c: {  	p2 =	seq.s32 s10, $0x1;
	s10 =	sld [smem:$0x3FAD]  }
0x3d: {  	_ =	shalt  }
0x3e: {  	_ =	shalt  }
0x3f: {  	_ =	shalt  }
0x40: {  	_ =	shalt  }
0x41: {  	_ =	shalt  }
0x42: {  	_ =	shalt  }
0x43: {  	_ =	shalt  }
0x44: {  	_ =	shalt  }
0x45: {  	_ =	shalt  }
0x46: {  	_ =	shalt  }
0x47: {  	_ =	shalt  }
0x48: {  	_ =	shalt  }
0x49: {  	_ =	shalt  }
0x4a: {  	_ =	shalt  }
0x4b: {  	_ =	shalt  }
0x4c: {  	_ =	shalt  }
0x4d: {  	_ =	shalt  }
0x4e: {  	_ =	shalt  }
0x4f: {  	_ =	shalt  }
0x50: {  	_ =	shalt  }
0x51: {  	_ =	shalt  }
0x52: {  	_ =	shalt  }
0x53: {  	_ =	shalt  }
0x54: {  	_ =	shalt  }
0x55: {  	_ =	shalt  }
0x56: {  	_ =	shalt  }
0x57: {  	_ =	shalt  }
0x58: {  	_ =	shalt  }
0x59: {  	_ =	shalt  }
0x5a: {  	_ =	shalt  }
0x5b: {  	_ =	shalt  }
0x5c: {  	_ =	shalt  }
0x5d: {  	_ =	shalt  }
0x5e: {  	_ =	shalt  }
0x5f: {  	_ =	shalt  }
0x60: {  	_ =	shalt  }
0x61: {  	_ =	shalt  }
0x62: {  	_ =	shalt  }
0x63: {  	_ =	shalt  }
0x64: {  	_ =	shalt  }
0x65: {  	_ =	shalt  }
0x66: {  	_ =	shalt  }
0x67: {  	_ =	shalt  }
0x68: {  	_ =	shalt  }
0x69: {  	_ =	shalt  }
0x6a: {  	_ =	shalt  }
0x6b: {  	_ =	shalt  }
0x6c: {  	_ =	shalt  }
0x6d: {  	_ =	shalt  }
0x6e: {  	_ =	shalt  }
0x6f: {  	_ =	shalt  }
0x70: {  	_ =	shalt  }
0x71: {  	_ =	shalt  }
0x72: {  	_ =	shalt  }
0x73: {  	_ =	shalt  }
0x74: {  	_ =	shalt  }
0x75: {  	_ =	shalt  }
0x76: {  	_ =	shalt  }
0x77: {  	_ =	shalt  }
0x78: {  	_ =	shalt  }
0x79: {  	_ =	shalt  }
0x7a: {  	_ =	shalt  }
0x7b: {  	_ =	shalt  }
0x7c: {  	_ =	shalt  }
0x7d: {  	_ =	shalt  }
0x7e: {  	_ =	shalt  }
0x7f: {  	_ =	shalt  }
0x80: {  	_ =	shalt  }
0x81: {  	_ =	shalt  }
0x82: {  	_ =	shalt  }
0x83: {  	_ =	shalt  }
0x84: {  	_ =	shalt  }
0x85: {  	_ =	shalt  }
0x86: {  	_ =	shalt  }
0x87: {  	_ =	shalt  }
.Lfunc_end0:
.L_simem_size_0:
called_computation.3_lowered:
.L_overlay_start_0:
0x88: {  	s2 =	sld [smem:$0x3FD9]  }
0x89: {  	s3 =	sld [smem:$0x3FFE];
	_ =	sdelay $0x1  }
0x8a: {  	s1 =	srdreg.scid  }
0x8b: {  	s0 =	sand.u32 $0x1, s1  }
0x8c: {  	s15 =	sshll.u32 s0, $0xA;
	s2 =	sadd.s32 s3, s2  }
0x8d: {  	s2 =	sadd.s32 s2, s15  }
0x8e: {  	[smem:$0x3FB9] =	sst s2  }
0x8f: {  	_ = 	snop  }
0x90: {  	s2 =	sld [smem:$0x3FD0];
	_ =	sdelay $0x2  }
0x91: {  	s16 =	simm.s32 $0xC;
	s4 =	simm.s32 $0x10  }
0x92: {  	[smem:s4], [sflag:s16] =	dma.local [hbm:s2], $0x1  }
0x93: {  	_ =	swait.eq [sflag:s16], $0x1  }
0x94: {  	[sflag:s16] =	ssyncset.done $0x0  }
0x95: {  	[sflag:s16] =	ssyncadd.s32 $0xFFFFFFFF  }
0x96: {  	s17 =	sld [smem:$0x10];
	(tm) =	ssettm $0x1  }
0x97: {  	s18 =	sld [smem:$0x3FFB];
	_ =	sdelay $0x3  }
0x98: {  	_ =	strace s18  }
0x99: {  	s2 =	sld [smem:$0x3FFC];
	_ =	sdelay $0x3  }
0x9a: {  	_ =	strace s2  }
0x9b: {  	s2 =	sld [smem:$0x3FFD];
	_ =	sdelay $0x3  }
0x9c: {  	_ =	strace s2  }
0x9d: {  	_ =	strace $0x8FFFFFFF  }
0x9e: {  	s19 =	sld [smem:$0x3FDB];
	_ =	sdelay $0x1  }
0x9f: {  	s20 =	simm.s32 $_scs_section_size  }
0xa0: {  	s5 =	simm.s32 $_size__tile_overlayer_lowered;
	s6 =	simm.s32 $_tile_overlayer_lowered  }
0xa1: {  	s7 =	simm.s32 $0x1BFF;
	s21 =	sshll.u32 s6, $0x1;
	s4 =	sadd.s32 s20, s19  }
0xa2: {  	s22 =	simm.s32 $0x0;
	s5 =	sshll.u32 s5, $0x1;
	s6 =	sadd.s32 s21, s4  }
0xa3: {  	[timem:s22], [sflag:s7] =	dma.local [hbm:s6], s5  }
0xa4: {  	_ =	swait.ge [sflag:s7], s5  }
0xa5: {  	s5 =	ssub.s32 $0x0, s5;
	[sflag:s7] =	ssyncset.done $0x0  }
0xa6: {  	[sflag:s7] =	ssyncadd.s32 s5;
	_ =	sdelay $0x1  }
0xa7: {  	s23 =	simm.s32 $0x1B8B  }
0xa8: {  	_ =	swait.ge [sflag:s23], $0x1  }
0xa9: {  	[sflag:s23] =	ssyncset.done $0x0  }
0xaa: {  	[sflag:s23] =	ssyncadd.s32 $0xFFFFFFFF  }
0xab: {  	s5 =	sld [smem:$0x0]  }
0xac: {  	s6 =	sand.u32 $0xFFFFFFFE, s1  }
0xad: {  	p0 =	sne.s32 s1, s6  }
0xae: {  	s6 =	sshll.u32 @p0 s6, $0xE  }
0xaf: {  	s6 =	sadd.s32 @p0 $0x11B8D, s6;
	s7 =	sshll.u32 @p0 s5, $0x11  }
0xb0: {  	s6 =	sor.u32 @p0 s7, s6  }
0xb1: {  	[sflag:s6] =	ssyncadd.remote.s32 @p0 $0x1;
	_ =	sdelay $0x1  }
0xb2: {  	s6 =	simm.s32 @p0 $0x1B8D  }
0xb3: {  	_ =	swait.eq @p0 [sflag:s6], $0x1  }
0xb4: {  	[sflag:s6] =	ssyncadd.s32 @p0 $0xFFFFFFFF  }
0xb5: {  	s7 =	sshll.u32 @!p0 s1, $0xE  }
0xb6: {  	s7 =	sor.u32 @!p0 $0x4000, s7;
	s6 =	simm.s32 @!p0 $0x1B8D  }
0xb7: {  	s5 =	sshll.u32 @!p0 s5, $0x11;
	s7 =	sadd.s32 @!p0 $0x11B8D, s7;
	_ =	swait.eq @!p0 [sflag:s6], $0x1  }
0xb8: {  	s5 =	sor.u32 @!p0 s5, s7;
	[sflag:s6] =	ssyncadd.s32 @!p0 $0xFFFFFFFF  }
0xb9: {  	s25 =	simm.s32 $0x1B8E;
	s24 =	sld [smem:$0x3FFE];
	[sflag:s5] =	ssyncadd.remote.s32 @!p0 $0x1  }
0xba: {  	s26 =	simm.s32 $execute0_lowered;
	[smem:$0x3FD2] =	sst s25  }
0xbb: {  	s6 =	sshll.u32 s26, $0x1;
	_ =	strace $0x8000004F;
	[dreg:$0x1] =	wrdreg $0xFFFFFFFF  }
0xbc: {  	s28 =	simm.s32 $_size_execute0_lowered;
	s4 =	sadd.s32 s4, s6;
	[dreg:$0x0] =	wrdreg $0x0  }
0xbd: {  	s6 =	sshll.u32 s28, $0x1;
	[dreg:$0x2] =	wrdreg s4  }
0xbe: {  	[dreg:$0x3] =	wrdreg s6  }
0xbf: {  	[dreg:$0x4] =	wrdreg $0xC0  }
0xc0: {  	_ =	task [dreg:s22], $0x5FFFF  }
0xc1: {  	[dreg:$0x1] =	wrdreg $0xFFFFFFFF  }
0xc2: {  	[dreg:$0x0] =	wrdreg $0x60  }
0xc3: {  	[dreg:$0x2] =	wrdreg s24  }
0xc4: {  	[dreg:$0x3] =	wrdreg s17  }
0xc5: {  	[dreg:$0x4] =	wrdreg $0x60000  }
0xc6: {  	[dreg:$0x5] =	wrdreg $0xA  }
0xc7: {  	_ =	task.clear_ibuf [dreg:s22], $0x6FFFF;
	_ =	strace $0x9000004F  }
0xc8: {  	s29 =	simm.s32 $0xA;
	_ =	strace $0x80000051  }
0xc9: {  	_ =	swait.ge [sflag:s29], $0x1  }
0xca: {  	[sflag:s29] =	ssyncadd.s32 $0xFFFFFFFF  }
0xcb: {  	_ =	strace $0x90000051  }
0xcc: {  	_ =	sfence  }
0xcd: {  	s30 =	sld [smem:$0x0];
	_ =	sdelay $0x2  }
0xce: {  	s31 =	sshll.u32 s1, $0xD;
	s1 =	sshrl.u32 s1, $0x2  }
0xcf: {  	s4 =	sand.u32 $0x4000, s31;
	s1 =	sadd.s32 s1, s30  }
0xd0: {  	s0 =	sor.u32 s4, s0;
	s1 =	sshll.u32 s1, $0x11  }
0xd1: {  	s0 =	sor.u32 s1, s0  }
0xd2: {  	s0 =	sadd.s32 $0x8F2B, s0  }
0xd3: {  	[sflag:s0] =	ssyncadd.remote.s32 $0x1  }
0xd4: {  	_ =	sfence.sel $0xFFFF  }
0xd5: {  	[dreg:$0x0] =	wrdreg $0xFFFFFFFF;
	(pc) =	sbr.abs _section_cstart, $3  }
0xd6: {  	[dreg:$0x1] =	wrdreg $0xFFFFFFFF  }
0xd7: {  	_ =	task.clear_ibuf [dreg:s22], $0x2FFFF;
	_ =	strace $0x9FFFFFFF  }
0xd8: {  	(tm) =	ssettm $0x7FFFFFFF  }
0xd9: {  	_ =	shalt  }
tec
execute0_lowered:
.L_overlay_start_1:
0x0: {  	(tag) =	ssettag $0x1  }
0x1: {  	s0 =	rddreg [dreg:$0x0]  }
0x2: {  	s1 =	rddreg [dreg:$0x1]  }
0x3: {  	s2 =	rddreg [dreg:$0x2];
	s3 =	simm.s32 $0x0  }
0x4: {  	s15 =	stileid.u32;
	s6 =	srdreg.scid;
	s18 =	simm.s32 $0x400  }
0x5: {  	s19 =	simm.s32 $0x800;
	s29 =	simm.s32 $0x80;
	s20 =	smul.u32 $0x32000, s15  }
0x6: {  	s30 =	simm.s32 $0x0;
	[smem:$0x7FF] =	sst s3;
	s9 =	smul.u32 $0x1900, s15  }
0x7: {  	s4 =	sshll.u32 s15, $0x9;
	s7 =	sand.u32 $0x1, s6;
	s13 =	smul.u32 $0x7D000, s15  }
0x8: {  	s10 =	sor.u32 $0x10, s15;
	s14 =	smul.u32 $0x19000, s15;
	p0 =	sgt.u32 s15, $0x8  }
0x9: {  	s31 =	sshll.u32 s15, $0x6;
	_ =	strace $0x80000050;
	s5 =	sadd.s32 s4, s0  }
0xa: {  	s4 =	sadd.s32 $0x4C3A00, s0;
	s8 =	ssub.s32 $0x2, s7;
	s12 =	smul.u32 $0x32000, s10  }
0xb: {  	s0 =	sadd.s32 $0x5CA00, s0;
	s21 =	smul.u32 $0x1900, s10;
	s22 =	sshll.u32 s7, $0xA  }
0xc: {  	s10 =	smul.u32 $0x19000, s10;
	s15 =	sor.u32 $0x1C03, s31;
	s11 =	sshrl.u32 s8, $0x1  }
0xd: {  	s6 =	sshrl.u32 s20, $0x2;
	s5 =	sadd.s32 $0x4C1A00, s5;
	s13 =	sor.u32 s22, s13  }
0xe: {  	s25 =	sor.u32 s22, s14;
	s14 =	simm.s32 $0x3;
	s20 =	simm.s32 $0x1000  }
0xf: {  	s11 =	ssub.s32 s8, s11;
	s16 =	sadd.s32 s6, s2;
	s6 =	sadd.s32 s0, s9  }
0x10: {  	s23 =	sshrl.u32 s12, $0x2;
	s7 =	sadd.s32 s0, s21;
	s24 =	sshrl.u32 s13, $0x3  }
0x11: {  	s9 =	sor.u32 s22, s10;
	s0 =	sshrl.u32 s25, $0x3;
	s26 =	sadd.s32 $0x5000, s13  }
0x12: {  	s13 =	sadd.s32 $0xA000, s13;
	s21 =	simm.s32 $0x3800;
	s22 =	simm.s32 $0x1  }
0x13: {  	s17 =	sadd.s32 s23, s2;
	s8 =	sadd.s32 s4, s24;
	s10 =	sshrl.u32 s9, $0x3  }
0x14: {  	s9 =	sadd.s32 s1, s0;
	s28 =	sshrl.u32 s26, $0x3;
	s11 =	smax.u32 s11, $0x1  }
0x15: {  	s16 =	sshrl.u32 s16, $0x3;
	s23 =	simm.s32 $0x50;
	s24 =	simm.s32 $0x2  }
0x16: {  	s10 =	sadd.s32 s1, s10;
	s12 =	sadd.s32 s28, s4;
	s17 =	sshrl.u32 @!p0 s17, $0x3  }
.LBB2_1:
0x17: {  	[tilespmem:s3], [sflag:$0x3] =	stream.linear.gather [hbm4b:s5+s3], $0xC80, $0x38;
	[tilespmem:$0x19880] =	vst v63  }
0x18: {  	_ =	swait.ge [sflag:s14], $0xC80  }
0x19: {  	[sflag:s14] =	ssyncset.done $0x0  }
0x1a: {  	[sflag:s14] =	ssyncadd.s32 $0xFFFFF380  }
0x1b: {  	[spmem:s16], [sflag:s15] =	dma.local [hbm:s6], $0x1900  }
0x1c: {  	_ =	swait.ge [sflag:s14], $0x1900  }
0x1d: {  	[sflag:s14] =	ssyncset.done $0x0  }
0x1e: {  	s0 =	simm.s32 @!p0 $0x3;
	[sflag:s14] =	ssyncadd.s32 $0xFFFFE700  }
0x1f: {  	[spmem:s17], [sflag:s15] =	dma.local @!p0 [hbm:s7], $0x1900  }
0x20: {  	_ =	swait.ge @!p0 [sflag:s0], $0x1900  }
0x21: {  	[sflag:s0] =	ssyncset.done @!p0 $0x0  }
0x22: {  	[sflag:s0] =	ssyncadd.s32 @!p0 $0xFFFFE700  }
0x23: {  	[tilespmem:s20], [sflag:$0x1] =	stream.strided.gather [hbm4b:s8+s18], $0x2800, s19, s18, $0x38;
	[tilespmem:$0x19880] =	vst v63  }
0x24: {  	s25 =	sadd.s32 $0x0, s12;
	[bflag:$0x0] =	sbarrier.arrive $0xFFFF  }
0x25: {  	[tilespmem:s21], [sflag:$0x2] =	stream.strided.gather [hbm4b:s25+s18], $0x2800, s19, s18, $0x38;
	[tilespmem:$0x19880] =	vst v63  }
0x26: {  	_ =	swait.ge [sflag:s22], $0x2800  }
0x27: {  	[sflag:s22] =	ssyncset.done $0x0  }
0x28: {  	[sflag:s22] =	ssyncadd.s32 $0xFFFFD800  }
0x29: {  	[spmem:s2] =	stream.indirect.scatter.add.f32 [tilespmem:s20], [sflag:$0x3], $0x80, s3, s23, $0xb8;
	[tilespmem:$0x19880] =	vst v63  }
0x2a: {  	_ =	swait.ge [sflag:s14], $0x2800  }
0x2b: {  	s26 =	sshrl.u32 s13, $0x3;
	[sflag:s14] =	ssyncset.done $0x0  }
0x2c: {  	s0 =	sadd.s32 s4, s26;
	[sflag:s14] =	ssyncadd.s32 $0xFFFFD800  }
0x2d: {  	[tilespmem:s20], [sflag:$0x1] =	stream.strided.gather [hbm4b:s0+s18], $0x2800, s19, s18, $0x38;
	[tilespmem:$0x19880] =	vst v63  }
0x2e: {  	_ =	swait.ge [sflag:s24], $0x2800  }
0x2f: {  	[sflag:s24] =	ssyncset.done $0x0  }
0x30: {  	s28 =	simm.s32 $0x80;
	[sflag:s24] =	ssyncadd.s32 $0xFFFFD800  }
0x31: {  	[spmem:s2] =	stream.indirect.scatter.add.f32 [tilespmem:s21], [sflag:$0x3], $0x80, s28, s23, $0xb8;
	[tilespmem:$0x19880] =	vst v63  }
0x32: {  	s1 =	simm.s32 $0x1400;
	s31 =	simm.s32 $0x100;
	_ =	swait.ge [sflag:s14], $0x2800  }
0x33: {  	s25 =	simm.s32 $0x2800;
	s0 =	sadd.s32 $0xA000, s13;
	[sflag:s14] =	ssyncset.done $0x0  }
.LBB2_2:
0x34: {  	s26 =	sadd.s32 s1, s12  }
0x35: {  	[sflag:s14] =	ssyncadd.s32 $0xFFFFD800;
	s1 =	smov.u32 s25;
	s28 =	sadd.s32 $0x1400, s25  }
0x36: {  	[tilespmem:s21], [sflag:$0x2] =	stream.strided.gather [hbm4b:s26+s18], $0x2800, s19, s18, $0x38;
	[tilespmem:$0x19880] =	vst v63  }
0x37: {  	p1 =	sne.s32 s25, $0xDC00;
	_ =	swait.ge [sflag:s22], $0x2800  }
0x38: {  	[sflag:s22] =	ssyncset.done $0x0  }
0x39: {  	[sflag:s22] =	ssyncadd.s32 $0xFFFFD800  }
0x3a: {  	[spmem:s2] =	stream.indirect.scatter.add.f32 [tilespmem:s20], [sflag:$0x3], $0x80, s31, s23, $0xb8;
	[tilespmem:$0x19880] =	vst v63  }
0x3b: {  	_ =	swait.ge [sflag:s14], $0x2800  }
0x3c: {  	s25 =	sshrl.u32 s0, $0x3;
	[sflag:s14] =	ssyncset.done $0x0  }
0x3d: {  	s25 =	sadd.s32 s4, s25;
	[sflag:s14] =	ssyncadd.s32 $0xFFFFD800  }
0x3e: {  	[tilespmem:s20], [sflag:$0x1] =	stream.strided.gather [hbm4b:s25+s18], $0x2800, s19, s18, $0x38;
	[tilespmem:$0x19880] =	vst v63  }
0x3f: {  	_ =	swait.ge [sflag:s24], $0x2800  }
.Ltmp0:
0x40: {  	[sflag:s24] =	ssyncset.done $0x0;
	(pc) =	sbr.rel @p1 .LBB2_2-.Ltmp0, $4  }
0x41: {  	s25 =	sadd.s32 $0x80, s31;
	[sflag:s24] =	ssyncadd.s32 $0xFFFFD800  }
0x42: {  	[spmem:s2] =	stream.indirect.scatter.add.f32 [tilespmem:s21], [sflag:$0x3], $0x80, s25, s23, $0xb8;
	[tilespmem:$0x19880] =	vst v63  }
0x43: {  	s0 =	sadd.s32 $0xA000, s0;
	_ =	swait.ge [sflag:s14], $0x2800  }
0x44: {  	s31 =	sadd.s32 $0x100, s31;
	s25 =	smov.u32 s28;
	[sflag:s14] =	ssyncset.done $0x0  }
0x45: {  	s1 =	sadd.s32 s1, s12;
	[sflag:s14] =	ssyncadd.s32 $0xFFFFD800  }
0x46: {  	[tilespmem:s21], [sflag:$0x2] =	stream.strided.gather [hbm4b:s1+s18], $0x2800, s19, s18, $0x38;
	[tilespmem:$0x19880] =	vst v63  }
0x47: {  	_ =	swait.ge [sflag:s22], $0x2800  }
0x48: {  	[sflag:s22] =	ssyncset.done $0x0  }
0x49: {  	[sflag:s22] =	ssyncadd.s32 $0xFFFFD800  }
0x4a: {  	[spmem:s2] =	stream.indirect.scatter.add.f32 [tilespmem:s20], [sflag:$0x3], $0x80, s31, s23, $0xb8;
	[tilespmem:$0x19880] =	vst v63  }
0x4b: {  	_ =	swait.ge [sflag:s14], $0x2800  }
0x4c: {  	s0 =	sshrl.u32 s0, $0x3;
	[sflag:s14] =	ssyncset.done $0x0  }
0x4d: {  	s0 =	sadd.s32 s4, s0;
	[sflag:s14] =	ssyncadd.s32 $0xFFFFD800  }
0x4e: {  	[tilespmem:s20], [sflag:$0x1] =	stream.strided.gather [hbm4b:s0+s18], $0x2800, s19, s18, $0x38;
	[tilespmem:$0x19880] =	vst v63  }
0x4f: {  	_ =	swait.ge [sflag:s24], $0x2800  }
0x50: {  	[sflag:s24] =	ssyncset.done $0x0  }
0x51: {  	s25 =	sadd.s32 $0x80, s31;
	[sflag:s24] =	ssyncadd.s32 $0xFFFFD800  }
0x52: {  	[spmem:s2] =	stream.indirect.scatter.add.f32 [tilespmem:s21], [sflag:$0x3], $0x80, s25, s23, $0xb8;
	[tilespmem:$0x19880] =	vst v63  }
0x53: {  	_ =	swait.ge [sflag:s14], $0x2800  }
0x54: {  	[sflag:s14] =	ssyncset.done $0x0  }
0x55: {  	[sflag:s14] =	ssyncadd.s32 $0xFFFFD800  }
0x56: {  	_ =	swait.ge [sflag:s22], $0x2800  }
0x57: {  	[sflag:s22] =	ssyncset.done $0x0  }
0x58: {  	s26 =	simm.s32 $0xC00;
	[sflag:s22] =	ssyncadd.s32 $0xFFFFD800  }
0x59: {  	[spmem:s2] =	stream.indirect.scatter.add.f32 [tilespmem:s20], [sflag:$0x3], $0x80, s26, s23, $0xb8;
	[tilespmem:$0x19880] =	vst v63  }
0x5a: {  	_ =	swait.ge [sflag:s14], $0x2800  }
0x5b: {  	[sflag:s14] =	ssyncset.done $0x0  }
0x5c: {  	[sflag:s14] =	ssyncadd.s32 $0xFFFFD800  }
0x5d: {  	s28 =	simm.s32 $0x8;
	s31 =	simm.s32 $0x100;
	[bflag:$0x0] =	sbarrier.arrive $0xFFFF  }
0x5e: {  	[hbm:s9@s31], [sflag:s15] =	dma.strided [spmem:s16@s29], $0x1900, s28, $0x10   }
0x5f: {  	s30 =	sadd.s32 $0x1, s30;
	_ =	swait.ge [sflag:s14], $0x1900  }
0x60: {  	s1 =	simm.s32 @!p0 $0x100;
	p1 =	sne.s32 s30, s11;
	[sflag:s14] =	ssyncset.done $0x0  }
0x61: {  	s0 =	simm.s32 @!p0 $0x8;
	s25 =	simm.s32 @!p0 $0x80;
	[sflag:s14] =	ssyncadd.s32 $0xFFFFE700  }
0x62: {  	[hbm:s10@s1], [sflag:s15] =	dma.strided @!p0 [spmem:s17@s25], $0x1900, s0, $0x10   }
.Ltmp1:
0x63: {  	_ = 	snop;
	(pc) =	sbr.rel @p1 .LBB2_1-.Ltmp1, $4  }
0x64: {  	s0 =	simm.s32 @!p0 $0x3  }
0x65: {  	_ =	swait.ge @!p0 [sflag:s0], $0x1900  }
0x66: {  	[sflag:s0] =	ssyncset.done @!p0 $0x0  }
0x67: {  	[sflag:s0] =	ssyncadd.s32 @!p0 $0xFFFFE700  }
0x68: {  	_ =	sfence.sel $0x180000  }
0x69: {  	[bflag:$0x0] =	sbarrier.arrive $0xFFFF  }
0x6a: {  	_ =	strace $0x90000050  }
0x6b: {  	s0 =	stileid.u32;
	[bflag:$0x2] =	sbarrier.arrive $0xFFFF  }
0x6c: {  	p0 =	sne.s32 s0, $0x0;
	s0 =	rddreg [dreg:$0x3]  }
0x6d: {  	s0 =	sadd.s32 @!p0 $0x100000, s0  }
0x6e: {  	[sflag:s0] =	ssyncadd.tile.s32 @!p0 $0x1;
	_ =	shalt  }
.Lfunc_end2:
_tile_overlayer_lowered:
.L_overlay_start_2:
0x6f: {  	(tag) =	ssettag $0x2  }
0x70: {  	s0 =	rddreg [dreg:$0x0];
	s2 =	stileid.u32  }
0x71: {  	s1 =	rddreg [dreg:$0x1];
	p0 =	sne.s32 s2, $0x0  }
0x72: {  	s3 =	rddreg [dreg:$0x2];
	[bflag:$0x3] =	sbarrier.arrive $0xFFFF;
	s2 =	simm.s32 @!p0 $0x1C03  }
0x73: {  	[timem:s3], [sflag:s2] =	dma.local @!p0 [hbm:s0], s1  }
0x74: {  	s0 =	simm.s32 @!p0 $0x3  }
0x75: {  	_ =	swait.ge @!p0 [sflag:s0], s1  }
0x76: {  	s1 =	ssub.s32 @!p0 $0x0, s1;
	[sflag:s0] =	ssyncset.done @!p0 $0x0  }
0x77: {  	[sflag:s0] =	ssyncadd.s32 @!p0 s1  }
0x78: {  	[bflag:$0x3] =	sbarrier.arrive $0xFFFF  }
0x79: {  	_ =	shalt  }

// kernel: kernel.25.cloned.1.call-start
scs
__scs_entry_jumppad:
0x0: {  	(pc) =	sbr.rel $0x88, $3  }
0x1: {  	(tag) =	ssettag $0x0;
	lr =	simm.s32 $0x1  }
0x2: {  	[smem:$0x3F92] =	sst lr;
	_ =	strace $0xD0000000  }
0x3: {  	_ = 	snop  }
0x4: {  	_ = 	snop  }
0x5: {  	_ = 	snop  }
0x6: {  	_ = 	snop  }
0x7: {  	_ = 	snop  }
__scs_overlays_trampoline_lowered:
0x8: {  	[smem:$0x3FA1] =	sst s0  }
0x9: {  	[smem:$0x3FA2] =	sst s1  }
0xa: {  	[smem:$0x3FA3] =	sst s2  }
0xb: {  	[smem:$0x3FA4] =	sst s3  }
0xc: {  	[smem:$0x3FA5] =	sst s4  }
0xd: {  	[smem:$0x3FA6] =	sst s5  }
0xe: {  	[smem:$0x3FA7] =	sst s6  }
0xf: {  	[smem:$0x3FA8] =	sst s7  }
0x10: {  	[smem:$0x3FA9] =	sst s8  }
0x11: {  	[smem:$0x3FAA] =	sst s9;
	s0 =	simm.s32 @!p0 $0x0  }
0x12: {  	s1 =	sld [smem:$0x3F90];
	s0 =	simm.s32 @p0 $0x1  }
0x13: {  	[smem:$0x3FAB] =	sst s0;
	s0 =	simm.s32 @!p1 $0x0  }
0x14: {  	s2 =	sld [smem:$0x3F8F];
	s0 =	simm.s32 @p1 $0x1  }
0x15: {  	[smem:$0x3FAC] =	sst s0;
	s0 =	simm.s32 @!p2 $0x0  }
0x16: {  	s3 =	sld [smem:$0x3FDB];
	s0 =	simm.s32 @p2 $0x1  }
0x17: {  	s4 =	simm.s32 $0x1BF5;
	[smem:$0x3FAE] =	sst s0  }
0x18: {  	s0 =	sld [smem:$0x3F91];
	_ =	swait.ge [sflag:s4], $0x0  }
0x19: {  	s7 =	sld [smem:$0x3F92]  }
0x1a: {  	s8 =	sadd.s32 $0xFFFFE003, lr  }
0x1b: {  	s9 =	sadd.s32 $0xFFFFFEF7, lr;
	s5 =	simm.s32 $0xFFFFFFFF;
	p2 =	slt.u32 s8, $0xFFFFF086  }
0x1c: {  	p1 =	slt.u32 s9, $0xF7A;
	s5 =	simm.s32 @!p2 $0x0  }
0x1d: {  	s5 =	simm.s32 @p1 $0x1;
	p0 =	seq.s32 s7, s2  }
0x1e: {  	s7 =	smul.u32 @!p0 $0xF7A, s2;
	p2 =	seq.s32 @!p0 s5, $0x0  }
0x1f: {  	s9 =	smul.u32 $0xF7A, s1;
	s8 =	simm.s32 @!p0 $0x1BF5;
	p2 =	por !p2, p0  }
0x20: {  	[sflag:s8] =	ssyncset.s32 @!p0 $0xFFFFF086;
	s6 =	sadd.s32 @!p0 s3, s7;
	s7 =	simm.s32 @!p0 $0x108  }
0x21: {  	s3 =	sadd.s32 s3, s9;
	s6 =	sadd.s32 @!p0 $0x88, s6;
	s7 =	simm.s32 @p2 $0x1082  }
0x22: {  	[simem:s7], [sflag:s8] =	dma.local @!p0 [hbm:s6], $0xF7A  }
0x23: {  	s9 =	sor.u32 $0xD0000000, s2;
	s6 =	simm.s32 $0x108;
	_ =	swait.ge @!p0 [sflag:s8], $0x0  }
0x24: {  	s3 =	sadd.s32 $0x88, s3;
	s6 =	simm.s32 @!p1 $0x1082;
	[sflag:s4] =	ssyncset.s32 $0xFFFFF086  }
0x25: {  	[simem:s6], [sflag:s4] =	dma.local [hbm:s3], $0xF7A  }
0x26: {  	[smem:$0x3F92] =	sst s1;
	(tag) =	ssettag s2;
	_ =	strace s9  }
0x27: {  	s1 =	sld [smem:$0x3FA2]  }
0x28: {  	s2 =	sld [smem:$0x3FA3]  }
0x29: {  	s4 =	sld [smem:$0x3FA5]  }
0x2a: {  	p0 =	seq.s32 s5, $0x0;
	s5 =	sld [smem:$0x3FA6]  }
0x2b: {  	s6 =	sld [smem:$0x3FA7]  }
0x2c: {  	s7 =	sld [smem:$0x3FA8]  }
0x2d: {  	s3 =	simm.s32 $0x108;
	s8 =	sld [smem:$0x3FA9]  }
0x2e: {  	s3 =	simm.s32 @!p0 $0x1082;
	s9 =	sld [smem:$0x3FAA]  }
0x2f: {  	lr =	sadd.s32 s0, s3;
	s0 =	sld [smem:$0x3FA1]  }
0x30: {  	s3 =	sld [smem:$0x3FA4]  }
0x31: {  	[smem:$0x3FAD] =	sst s10  }
0x32: {  	s10 =	sld [smem:$0x3FAB];
	_ =	sdelay $0x3  }
0x33: {  	p0 =	seq.s32 s10, $0x1;
	s10 =	sld [smem:$0x3FAD];
	_ =	sdelay $0x3  }
0x34: {  	[smem:$0x3FAD] =	sst s10  }
0x35: {  	s10 =	sld [smem:$0x3FAC];
	_ =	sdelay $0x3  }
0x36: {  	p1 =	seq.s32 s10, $0x1;
	s10 =	sld [smem:$0x3FAD];
	_ =	sdelay $0x3  }
0x37: {  	[smem:$0x3FAD] =	sst s10  }
0x38: {  	s10 =	sld [smem:$0x3FAE]  }
0x39: {  	_ = 	snop;
	(pc) =	sbr.ind lr, $3  }
0x3a: {  	_ = 	snop  }
0x3b: {  	_ = 	snop  }
0x3c: {  	p2 =	seq.s32 s10, $0x1;
	s10 =	sld [smem:$0x3FAD]  }
0x3d: {  	_ =	shalt  }
0x3e: {  	_ =	shalt  }
0x3f: {  	_ =	shalt  }
0x40: {  	_ =	shalt  }
0x41: {  	_ =	shalt  }
0x42: {  	_ =	shalt  }
0x43: {  	_ =	shalt  }
0x44: {  	_ =	shalt  }
0x45: {  	_ =	shalt  }
0x46: {  	_ =	shalt  }
0x47: {  	_ =	shalt  }
0x48: {  	_ =	shalt  }
0x49: {  	_ =	shalt  }
0x4a: {  	_ =	shalt  }
0x4b: {  	_ =	shalt  }
0x4c: {  	_ =	shalt  }
0x4d: {  	_ =	shalt  }
0x4e: {  	_ =	shalt  }
0x4f: {  	_ =	shalt  }
0x50: {  	_ =	shalt  }
0x51: {  	_ =	shalt  }
0x52: {  	_ =	shalt  }
0x53: {  	_ =	shalt  }
0x54: {  	_ =	shalt  }
0x55: {  	_ =	shalt  }
0x56: {  	_ =	shalt  }
0x57: {  	_ =	shalt  }
0x58: {  	_ =	shalt  }
0x59: {  	_ =	shalt  }
0x5a: {  	_ =	shalt  }
0x5b: {  	_ =	shalt  }
0x5c: {  	_ =	shalt  }
0x5d: {  	_ =	shalt  }
0x5e: {  	_ =	shalt  }
0x5f: {  	_ =	shalt  }
0x60: {  	_ =	shalt  }
0x61: {  	_ =	shalt  }
0x62: {  	_ =	shalt  }
0x63: {  	_ =	shalt  }
0x64: {  	_ =	shalt  }
0x65: {  	_ =	shalt  }
0x66: {  	_ =	shalt  }
0x67: {  	_ =	shalt  }
0x68: {  	_ =	shalt  }
0x69: {  	_ =	shalt  }
0x6a: {  	_ =	shalt  }
0x6b: {  	_ =	shalt  }
0x6c: {  	_ =	shalt  }
0x6d: {  	_ =	shalt  }
0x6e: {  	_ =	shalt  }
0x6f: {  	_ =	shalt  }
0x70: {  	_ =	shalt  }
0x71: {  	_ =	shalt  }
0x72: {  	_ =	shalt  }
0x73: {  	_ =	shalt  }
0x74: {  	_ =	shalt  }
0x75: {  	_ =	shalt  }
0x76: {  	_ =	shalt  }
0x77: {  	_ =	shalt  }
0x78: {  	_ =	shalt  }
0x79: {  	_ =	shalt  }
0x7a: {  	_ =	shalt  }
0x7b: {  	_ =	shalt  }
0x7c: {  	_ =	shalt  }
0x7d: {  	_ =	shalt  }
0x7e: {  	_ =	shalt  }
0x7f: {  	_ =	shalt  }
0x80: {  	_ =	shalt  }
0x81: {  	_ =	shalt  }
0x82: {  	_ =	shalt  }
0x83: {  	_ =	shalt  }
0x84: {  	_ =	shalt  }
0x85: {  	_ =	shalt  }
0x86: {  	_ =	shalt  }
0x87: {  	_ =	shalt  }
.Lfunc_end0:
.L_simem_size_0:
called_computation.4_lowered:
.L_overlay_start_0:
0x88: {  	s2 =	sld [smem:$0x3FD9]  }
0x89: {  	s3 =	sld [smem:$0x3FFE];
	_ =	sdelay $0x1  }
0x8a: {  	s1 =	srdreg.scid  }
0x8b: {  	s0 =	sand.u32 $0x1, s1  }
0x8c: {  	s17 =	sshll.u32 s0, $0xA;
	s2 =	sadd.s32 s3, s2  }
0x8d: {  	s2 =	sadd.s32 s2, s17  }
0x8e: {  	[smem:$0x3FB9] =	sst s2  }
0x8f: {  	_ = 	snop  }
0x90: {  	(tm) =	ssettm $0x1  }
0x91: {  	s18 =	sld [smem:$0x3FFB];
	_ =	sdelay $0x3  }
0x92: {  	_ =	strace s18  }
0x93: {  	s2 =	sld [smem:$0x3FFC];
	_ =	sdelay $0x3  }
0x94: {  	_ =	strace s2  }
0x95: {  	s2 =	sld [smem:$0x3FFD];
	_ =	sdelay $0x3  }
0x96: {  	_ =	strace s2  }
0x97: {  	_ =	strace $0x8FFFFFFF  }
0x98: {  	s19 =	sld [smem:$0x3FDB];
	_ =	sdelay $0x1  }
0x99: {  	s20 =	simm.s32 $_scs_section_size  }
0x9a: {  	s4 =	simm.s32 $_size__tile_overlayer_lowered;
	s5 =	simm.s32 $_tile_overlayer_lowered  }
0x9b: {  	s6 =	simm.s32 $0x1BFF;
	s21 =	sshll.u32 s5, $0x1;
	s3 =	sadd.s32 s20, s19  }
0x9c: {  	s22 =	simm.s32 $0x0;
	s4 =	sshll.u32 s4, $0x1;
	s5 =	sadd.s32 s21, s3  }
0x9d: {  	[timem:s22], [sflag:s6] =	dma.local [hbm:s5], s4  }
0x9e: {  	_ =	swait.ge [sflag:s6], s4  }
0x9f: {  	s4 =	ssub.s32 $0x0, s4;
	[sflag:s6] =	ssyncset.done $0x0  }
0xa0: {  	[sflag:s6] =	ssyncadd.s32 s4;
	_ =	sdelay $0x1  }
0xa1: {  	s23 =	simm.s32 $0x1B8B  }
0xa2: {  	_ =	swait.ge [sflag:s23], $0x1  }
0xa3: {  	[sflag:s23] =	ssyncset.done $0x0  }
0xa4: {  	[sflag:s23] =	ssyncadd.s32 $0xFFFFFFFF  }
0xa5: {  	s4 =	sld [smem:$0x0]  }
0xa6: {  	s5 =	sand.u32 $0xFFFFFFFE, s1  }
0xa7: {  	p0 =	sne.s32 s1, s5  }
0xa8: {  	s5 =	sshll.u32 @p0 s5, $0xE  }
0xa9: {  	s5 =	sadd.s32 @p0 $0x11B8D, s5;
	s6 =	sshll.u32 @p0 s4, $0x11  }
0xaa: {  	s5 =	sor.u32 @p0 s6, s5  }
0xab: {  	[sflag:s5] =	ssyncadd.remote.s32 @p0 $0x1;
	_ =	sdelay $0x1  }
0xac: {  	s5 =	simm.s32 @p0 $0x1B8D  }
0xad: {  	_ =	swait.eq @p0 [sflag:s5], $0x1  }
0xae: {  	[sflag:s5] =	ssyncadd.s32 @p0 $0xFFFFFFFF  }
0xaf: {  	s6 =	sshll.u32 @!p0 s1, $0xE  }
0xb0: {  	s6 =	sor.u32 @!p0 $0x4000, s6;
	s5 =	simm.s32 @!p0 $0x1B8D  }
0xb1: {  	s4 =	sshll.u32 @!p0 s4, $0x11;
	s6 =	sadd.s32 @!p0 $0x11B8D, s6;
	_ =	swait.eq @!p0 [sflag:s5], $0x1  }
0xb2: {  	s4 =	sor.u32 @!p0 s4, s6;
	[sflag:s5] =	ssyncadd.s32 @!p0 $0xFFFFFFFF  }
0xb3: {  	s25 =	simm.s32 $0x1B8E;
	s24 =	sld [smem:$0x3FFE];
	[sflag:s4] =	ssyncadd.remote.s32 @!p0 $0x1  }
0xb4: {  	s26 =	simm.s32 $execute0_lowered;
	[smem:$0x3FD2] =	sst s25  }
0xb5: {  	s5 =	sshll.u32 s26, $0x1;
	_ =	strace $0x80000052;
	[dreg:$0x1] =	wrdreg $0xFFFFFFFF  }
0xb6: {  	s28 =	simm.s32 $_size_execute0_lowered;
	s3 =	sadd.s32 s3, s5;
	[dreg:$0x0] =	wrdreg $0x0  }
0xb7: {  	s5 =	sshll.u32 s28, $0x1;
	[dreg:$0x2] =	wrdreg s3  }
0xb8: {  	[dreg:$0x3] =	wrdreg s5  }
0xb9: {  	[dreg:$0x4] =	wrdreg $0xC0  }
0xba: {  	_ =	task [dreg:s22], $0x5FFFF  }
0xbb: {  	[dreg:$0x1] =	wrdreg $0xFFFFFFFF  }
0xbc: {  	[dreg:$0x0] =	wrdreg $0x60  }
0xbd: {  	[dreg:$0x2] =	wrdreg s24  }
0xbe: {  	[dreg:$0x3] =	wrdreg $0x6C000  }
0xbf: {  	[dreg:$0x4] =	wrdreg $0xB  }
0xc0: {  	_ =	task.clear_ibuf [dreg:s22], $0x5FFFF;
	_ =	strace $0x90000052  }
0xc1: {  	s29 =	simm.s32 $0xB;
	_ =	strace $0x80000054  }
0xc2: {  	_ =	swait.ge [sflag:s29], $0x1  }
0xc3: {  	[sflag:s29] =	ssyncadd.s32 $0xFFFFFFFF  }
0xc4: {  	_ =	strace $0x90000054  }
0xc5: {  	_ =	sfence  }
0xc6: {  	s30 =	sld [smem:$0x0];
	_ =	sdelay $0x2  }
0xc7: {  	s31 =	sshll.u32 s1, $0xD;
	s1 =	sshrl.u32 s1, $0x2  }
0xc8: {  	s4 =	sand.u32 $0x4000, s31;
	s1 =	sadd.s32 s1, s30  }
0xc9: {  	s0 =	sor.u32 s4, s0;
	s1 =	sshll.u32 s1, $0x11  }
0xca: {  	s0 =	sor.u32 s1, s0  }
0xcb: {  	s0 =	sadd.s32 $0x8F2B, s0  }
0xcc: {  	[sflag:s0] =	ssyncadd.remote.s32 $0x1  }
0xcd: {  	_ =	sfence.sel $0xFFFF  }
0xce: {  	[dreg:$0x0] =	wrdreg $0xFFFFFFFF;
	(pc) =	sbr.abs _section_cstart, $3  }
0xcf: {  	[dreg:$0x1] =	wrdreg $0xFFFFFFFF  }
0xd0: {  	_ =	task.clear_ibuf [dreg:s22], $0x2FFFF;
	_ =	strace $0x9FFFFFFF  }
0xd1: {  	(tm) =	ssettm $0x7FFFFFFF  }
tec
execute0_lowered:
.L_overlay_start_1:
0x0: {  	(tag) =	ssettag $0x1  }
0x1: {  	s0 =	rddreg [dreg:$0x0];
	s17 =	stileid.u32  }
0x2: {  	s2 =	rddreg [dreg:$0x1];
	s1 =	smul.u32 $0x380, s17  }
0x3: {  	s3 =	simm.s32 $0x0;
	s5 =	srdreg.scid;
	s6 =	smul.u32 $0x32000, s17  }
0x4: {  	[smem:$0x7FF] =	sst s3;
	s10 =	smul.u32 $0x1900, s17  }
0x5: {  	s4 =	sadd.s32 $0x5BDA00, s0;
	s7 =	sand.u32 $0x1, s5;
	s21 =	smul.u32 $0xFA000, s17  }
0x6: {  	s8 =	sadd.s32 $0x5CA00, s0;
	s11 =	sor.u32 $0x10, s17;
	s15 =	smul.u32 $0x19000, s17  }
0x7: {  	s31 =	sshll.u32 s17, $0x6;
	p0 =	sgt.u32 s17, $0x8;
	s19 =	smul.u32 $0x32000, s11  }
0x8: {  	_ =	strace $0x80000053;
	s5 =	ssub.s32 $0x2, s7;
	s13 =	smul.u32 $0x1900, s11  }
0x9: {  	s14 =	sshll.u32 s7, $0xA;
	s22 =	smul.u32 $0x19000, s11;
	s1 =	sadd.s32 s1, s0  }
0xa: {  	s9 =	sshrl.u32 s5, $0x1;
	s0 =	sadd.s32 $0x8AC00, s0;
	s20 =	sshrl.u32 s6, $0x2  }
0xb: {  	s6 =	sadd.s32 s8, s10;
	s16 =	sor.u32 s14, s21;
	s24 =	sor.u32 s14, s15  }
0xc: {  	s15 =	simm.s32 $0x3;
	s21 =	simm.s32 $0x1C00;
	s12 =	ssub.s32 s5, s9  }
0xd: {  	s5 =	sadd.s32 $0x83C00, s1;
	s1 =	sadd.s32 s20, s2;
	s9 =	sshrl.u32 s19, $0x2  }
0xe: {  	s7 =	sadd.s32 s8, s13;
	s23 =	sshrl.u32 s16, $0x3;
	s10 =	sshrl.u32 s24, $0x3  }
0xf: {  	s11 =	sor.u32 s14, s22;
	s26 =	sadd.s32 $0xF5000, s16;
	s29 =	sadd.s32 $0x5000, s16  }
0x10: {  	s14 =	sadd.s32 $0xA000, s16;
	s16 =	sor.u32 $0x1C03, s31;
	s19 =	simm.s32 $0x400  }
0x11: {  	s20 =	simm.s32 $0x800;
	s22 =	simm.s32 $0x4400;
	s24 =	simm.s32 $0x50  }
0x12: {  	s18 =	sadd.s32 s9, s2;
	s8 =	sadd.s32 s4, s23;
	s9 =	sadd.s32 s0, s10  }
0x13: {  	s25 =	sshrl.u32 s11, $0x3;
	s28 =	sshrl.u32 s26, $0x3;
	s11 =	smax.u32 s12, $0x1  }
0x14: {  	s30 =	sshrl.u32 s29, $0x3;
	s17 =	sshrl.u32 s1, $0x3;
	s23 =	simm.s32 $0x1  }
0x15: {  	s10 =	sadd.s32 s0, s25;
	s12 =	sadd.s32 s4, s28;
	s13 =	sadd.s32 s30, s4  }
0x16: {  	s18 =	sshrl.u32 @!p0 s18, $0x3;
	s25 =	simm.s32 $0x2;
	s0 =	simm.s32 $0x0  }
.LBB2_1:
0x17: {  	[tilespmem:s3], [sflag:$0x3] =	stream.linear.gather [hbm4b:s5+s3], $0x1900, $0x38;
	[tilespmem:$0x1A480] =	vst v63  }
0x18: {  	_ =	swait.ge [sflag:s15], $0x1900  }
0x19: {  	[sflag:s15] =	ssyncset.done $0x0  }
0x1a: {  	[sflag:s15] =	ssyncadd.s32 $0xFFFFE700  }
0x1b: {  	[spmem:s17], [sflag:s16] =	dma.local [hbm:s6], $0x1900  }
0x1c: {  	_ =	swait.ge [sflag:s15], $0x1900  }
0x1d: {  	[sflag:s15] =	ssyncset.done $0x0  }
0x1e: {  	s1 =	simm.s32 @!p0 $0x3;
	[sflag:s15] =	ssyncadd.s32 $0xFFFFE700  }
0x1f: {  	[spmem:s18], [sflag:s16] =	dma.local @!p0 [hbm:s7], $0x1900  }
0x20: {  	_ =	swait.ge @!p0 [sflag:s1], $0x1900  }
0x21: {  	[sflag:s1] =	ssyncset.done @!p0 $0x0  }
0x22: {  	[sflag:s1] =	ssyncadd.s32 @!p0 $0xFFFFE700  }
0x23: {  	[tilespmem:s21], [sflag:$0x1] =	stream.strided.gather [hbm4b:s8+s19], $0x2800, s20, s19, $0x38;
	[tilespmem:$0x1A480] =	vst v63  }
0x24: {  	s26 =	sadd.s32 $0x0, s13;
	[bflag:$0x0] =	sbarrier.arrive $0xFFFF  }
0x25: {  	[tilespmem:s22], [sflag:$0x2] =	stream.strided.gather [hbm4b:s26+s19], $0x2800, s20, s19, $0x38;
	[tilespmem:$0x1A480] =	vst v63  }
0x26: {  	_ =	swait.ge [sflag:s23], $0x2800  }
0x27: {  	[sflag:s23] =	ssyncset.done $0x0  }
0x28: {  	[sflag:s23] =	ssyncadd.s32 $0xFFFFD800  }
0x29: {  	[spmem:s2] =	stream.indirect.scatter.add.f32 [tilespmem:s21], [sflag:$0x3], $0x80, s3, s24, $0xb8;
	[tilespmem:$0x1A480] =	vst v63  }
0x2a: {  	_ =	swait.ge [sflag:s15], $0x2800  }
0x2b: {  	s30 =	sshrl.u32 s14, $0x3;
	[sflag:s15] =	ssyncset.done $0x0  }
0x2c: {  	s1 =	sadd.s32 s4, s30;
	[sflag:s15] =	ssyncadd.s32 $0xFFFFD800  }
0x2d: {  	[tilespmem:s21], [sflag:$0x1] =	stream.strided.gather [hbm4b:s1+s19], $0x2800, s20, s19, $0x38;
	[tilespmem:$0x1A480] =	vst v63  }
0x2e: {  	_ =	swait.ge [sflag:s25], $0x2800  }
0x2f: {  	[sflag:s25] =	ssyncset.done $0x0  }
0x30: {  	s31 =	simm.s32 $0x80;
	[sflag:s25] =	ssyncadd.s32 $0xFFFFD800  }
0x31: {  	[spmem:s2] =	stream.indirect.scatter.add.f32 [tilespmem:s22], [sflag:$0x3], $0x80, s31, s24, $0xb8;
	[tilespmem:$0x1A480] =	vst v63  }
0x32: {  	s28 =	simm.s32 $0x1400;
	s29 =	simm.s32 $0x2800;
	_ =	swait.ge [sflag:s15], $0x2800  }
0x33: {  	s26 =	sadd.s32 $0xA000, s14;
	s1 =	simm.s32 $0x100;
	[sflag:s15] =	ssyncset.done $0x0  }
.LBB2_2:
0x34: {  	s30 =	sadd.s32 s28, s13  }
0x35: {  	[sflag:s15] =	ssyncadd.s32 $0xFFFFD800;
	s28 =	smov.u32 s29;
	s31 =	sadd.s32 $0x1400, s29  }
0x36: {  	[tilespmem:s22], [sflag:$0x2] =	stream.strided.gather [hbm4b:s30+s19], $0x2800, s20, s19, $0x38;
	[tilespmem:$0x1A480] =	vst v63  }
0x37: {  	p1 =	sne.s32 s29, $0x1CC00;
	_ =	swait.ge [sflag:s23], $0x2800  }
0x38: {  	[sflag:s23] =	ssyncset.done $0x0  }
0x39: {  	[sflag:s23] =	ssyncadd.s32 $0xFFFFD800  }
0x3a: {  	[spmem:s2] =	stream.indirect.scatter.add.f32 [tilespmem:s21], [sflag:$0x3], $0x80, s1, s24, $0xb8;
	[tilespmem:$0x1A480] =	vst v63  }
0x3b: {  	_ =	swait.ge [sflag:s15], $0x2800  }
0x3c: {  	s29 =	sshrl.u32 s26, $0x3;
	[sflag:s15] =	ssyncset.done $0x0  }
0x3d: {  	s29 =	sadd.s32 s4, s29;
	[sflag:s15] =	ssyncadd.s32 $0xFFFFD800  }
0x3e: {  	[tilespmem:s21], [sflag:$0x1] =	stream.strided.gather [hbm4b:s29+s19], $0x2800, s20, s19, $0x38;
	[tilespmem:$0x1A480] =	vst v63  }
0x3f: {  	_ =	swait.ge [sflag:s25], $0x2800  }
.Ltmp0:
0x40: {  	[sflag:s25] =	ssyncset.done $0x0;
	(pc) =	sbr.rel @p1 .LBB2_2-.Ltmp0, $4  }
0x41: {  	s29 =	sadd.s32 $0x80, s1;
	[sflag:s25] =	ssyncadd.s32 $0xFFFFD800  }
0x42: {  	[spmem:s2] =	stream.indirect.scatter.add.f32 [tilespmem:s22], [sflag:$0x3], $0x80, s29, s24, $0xb8;
	[tilespmem:$0x1A480] =	vst v63  }
0x43: {  	s26 =	sadd.s32 $0xA000, s26;
	_ =	swait.ge [sflag:s15], $0x2800  }
0x44: {  	s1 =	sadd.s32 $0x100, s1;
	s29 =	smov.u32 s31;
	[sflag:s15] =	ssyncset.done $0x0  }
0x45: {  	s28 =	sadd.s32 s28, s13;
	[sflag:s15] =	ssyncadd.s32 $0xFFFFD800  }
0x46: {  	[tilespmem:s22], [sflag:$0x2] =	stream.strided.gather [hbm4b:s28+s19], $0x2800, s20, s19, $0x38;
	[tilespmem:$0x1A480] =	vst v63  }
0x47: {  	_ =	swait.ge [sflag:s23], $0x2800  }
0x48: {  	[sflag:s23] =	ssyncset.done $0x0  }
0x49: {  	[sflag:s23] =	ssyncadd.s32 $0xFFFFD800  }
0x4a: {  	[spmem:s2] =	stream.indirect.scatter.add.f32 [tilespmem:s21], [sflag:$0x3], $0x80, s1, s24, $0xb8;
	[tilespmem:$0x1A480] =	vst v63  }
0x4b: {  	_ =	swait.ge [sflag:s15], $0x2800  }
0x4c: {  	s26 =	sshrl.u32 s26, $0x3;
	[sflag:s15] =	ssyncset.done $0x0  }
0x4d: {  	s26 =	sadd.s32 s4, s26;
	[sflag:s15] =	ssyncadd.s32 $0xFFFFD800  }
0x4e: {  	[tilespmem:s21], [sflag:$0x1] =	stream.strided.gather [hbm4b:s26+s19], $0x2800, s20, s19, $0x38;
	[tilespmem:$0x1A480] =	vst v63  }
0x4f: {  	_ =	swait.ge [sflag:s25], $0x2800  }
0x50: {  	[sflag:s25] =	ssyncset.done $0x0  }
0x51: {  	s31 =	sadd.s32 $0x80, s1;
	[sflag:s25] =	ssyncadd.s32 $0xFFFFD800  }
0x52: {  	[spmem:s2] =	stream.indirect.scatter.add.f32 [tilespmem:s22], [sflag:$0x3], $0x80, s31, s24, $0xb8;
	[tilespmem:$0x1A480] =	vst v63  }
0x53: {  	_ =	swait.ge [sflag:s15], $0x2800  }
0x54: {  	[sflag:s15] =	ssyncset.done $0x0  }
0x55: {  	[sflag:s15] =	ssyncadd.s32 $0xFFFFD800  }
0x56: {  	[tilespmem:s22], [sflag:$0x2] =	stream.strided.gather [hbm4b:s12+s19], $0x2800, s20, s19, $0x38;
	[tilespmem:$0x1A480] =	vst v63  }
0x57: {  	_ =	swait.ge [sflag:s23], $0x2800  }
0x58: {  	[sflag:s23] =	ssyncset.done $0x0  }
0x59: {  	s26 =	simm.s32 $0x1800;
	[sflag:s23] =	ssyncadd.s32 $0xFFFFD800  }
0x5a: {  	[spmem:s2] =	stream.indirect.scatter.add.f32 [tilespmem:s21], [sflag:$0x3], $0x80, s26, s24, $0xb8;
	[tilespmem:$0x1A480] =	vst v63  }
0x5b: {  	_ =	swait.ge [sflag:s15], $0x2800  }
0x5c: {  	[sflag:s15] =	ssyncset.done $0x0  }
0x5d: {  	[sflag:s15] =	ssyncadd.s32 $0xFFFFD800  }
0x5e: {  	_ =	swait.ge [sflag:s25], $0x2800  }
0x5f: {  	[sflag:s25] =	ssyncset.done $0x0  }
0x60: {  	s28 =	simm.s32 $0x1880;
	[sflag:s25] =	ssyncadd.s32 $0xFFFFD800  }
0x61: {  	[spmem:s2] =	stream.indirect.scatter.add.f32 [tilespmem:s22], [sflag:$0x3], $0x80, s28, s24, $0xb8;
	[tilespmem:$0x1A480] =	vst v63  }
0x62: {  	_ =	swait.ge [sflag:s15], $0x2800  }
0x63: {  	[sflag:s15] =	ssyncset.done $0x0  }
0x64: {  	s29 =	simm.s32 $0x8;
	[sflag:s15] =	ssyncadd.s32 $0xFFFFD800  }
0x65: {  	s30 =	simm.s32 $0x100;
	s31 =	simm.s32 $0x80;
	[bflag:$0x0] =	sbarrier.arrive $0xFFFF  }
0x66: {  	[hbm:s9@s30], [sflag:s16] =	dma.strided [spmem:s17@s31], $0x1900, s29, $0x10   }
0x67: {  	s0 =	sadd.s32 $0x1, s0;
	_ =	swait.ge [sflag:s15], $0x1900  }
0x68: {  	p1 =	sne.s32 s0, s11;
	s1 =	simm.s32 @!p0 $0x8;
	[sflag:s15] =	ssyncset.done $0x0  }
0x69: {  	s26 =	simm.s32 @!p0 $0x100;
	s28 =	simm.s32 @!p0 $0x80;
	[sflag:s15] =	ssyncadd.s32 $0xFFFFE700  }
0x6a: {  	[hbm:s10@s26], [sflag:s16] =	dma.strided @!p0 [spmem:s18@s28], $0x1900, s1, $0x10   }
.Ltmp1:
0x6b: {  	_ = 	snop;
	(pc) =	sbr.rel @p1 .LBB2_1-.Ltmp1, $4  }
0x6c: {  	s1 =	simm.s32 @!p0 $0x3  }
0x6d: {  	_ =	swait.ge @!p0 [sflag:s1], $0x1900  }
0x6e: {  	[sflag:s1] =	ssyncset.done @!p0 $0x0  }
0x6f: {  	[sflag:s1] =	ssyncadd.s32 @!p0 $0xFFFFE700  }
0x70: {  	_ =	sfence.sel $0x180000  }
0x71: {  	[bflag:$0x0] =	sbarrier.arrive $0xFFFF  }
0x72: {  	_ =	strace $0x90000053  }
0x73: {  	s0 =	stileid.u32;
	[bflag:$0x2] =	sbarrier.arrive $0xFFFF  }
0x74: {  	p0 =	sne.s32 s0, $0x0;
	s0 =	rddreg [dreg:$0x2]  }
0x75: {  	s0 =	sadd.s32 @!p0 $0x100000, s0  }
0x76: {  	[sflag:s0] =	ssyncadd.tile.s32 @!p0 $0x1;
	_ =	shalt  }
.Lfunc_end2:
_tile_overlayer_lowered:
.L_overlay_start_2:
0x77: {  	(tag) =	ssettag $0x2  }
0x78: {  	s0 =	rddreg [dreg:$0x0];
	s2 =	stileid.u32  }
0x79: {  	s1 =	rddreg [dreg:$0x1];
	p0 =	sne.s32 s2, $0x0  }
0x7a: {  	s3 =	rddreg [dreg:$0x2];
	[bflag:$0x3] =	sbarrier.arrive $0xFFFF;
	s2 =	simm.s32 @!p0 $0x1C03  }
0x7b: {  	[timem:s3], [sflag:s2] =	dma.local @!p0 [hbm:s0], s1  }
0x7c: {  	s0 =	simm.s32 @!p0 $0x3  }
0x7d: {  	_ =	swait.ge @!p0 [sflag:s0], s1  }
0x7e: {  	s1 =	ssub.s32 @!p0 $0x0, s1;
	[sflag:s0] =	ssyncset.done @!p0 $0x0  }
0x7f: {  	[sflag:s0] =	ssyncadd.s32 @!p0 s1  }
0x80: {  	[bflag:$0x3] =	sbarrier.arrive $0xFFFF  }
0x81: {  	_ =	shalt  }

// kernel: kernel.28.cloned.1.call-start
scs
__scs_entry_jumppad:
0x0: {  	(pc) =	sbr.rel $0x88, $3  }
0x1: {  	(tag) =	ssettag $0x0;
	lr =	simm.s32 $0x1  }
0x2: {  	[smem:$0x3F92] =	sst lr;
	_ =	strace $0xD0000000  }
0x3: {  	_ = 	snop  }
0x4: {  	_ = 	snop  }
0x5: {  	_ = 	snop  }
0x6: {  	_ = 	snop  }
0x7: {  	_ = 	snop  }
__scs_overlays_trampoline_lowered:
0x8: {  	[smem:$0x3FA1] =	sst s0  }
0x9: {  	[smem:$0x3FA2] =	sst s1  }
0xa: {  	[smem:$0x3FA3] =	sst s2  }
0xb: {  	[smem:$0x3FA4] =	sst s3  }
0xc: {  	[smem:$0x3FA5] =	sst s4  }
0xd: {  	[smem:$0x3FA6] =	sst s5  }
0xe: {  	[smem:$0x3FA7] =	sst s6  }
0xf: {  	[smem:$0x3FA8] =	sst s7  }
0x10: {  	[smem:$0x3FA9] =	sst s8  }
0x11: {  	[smem:$0x3FAA] =	sst s9;
	s0 =	simm.s32 @!p0 $0x0  }
0x12: {  	s1 =	sld [smem:$0x3F90];
	s0 =	simm.s32 @p0 $0x1  }
0x13: {  	[smem:$0x3FAB] =	sst s0;
	s0 =	simm.s32 @!p1 $0x0  }
0x14: {  	s2 =	sld [smem:$0x3F8F];
	s0 =	simm.s32 @p1 $0x1  }
0x15: {  	[smem:$0x3FAC] =	sst s0;
	s0 =	simm.s32 @!p2 $0x0  }
0x16: {  	s3 =	sld [smem:$0x3FDB];
	s0 =	simm.s32 @p2 $0x1  }
0x17: {  	s4 =	simm.s32 $0x1BF5;
	[smem:$0x3FAE] =	sst s0  }
0x18: {  	s0 =	sld [smem:$0x3F91];
	_ =	swait.ge [sflag:s4], $0x0  }
0x19: {  	s7 =	sld [smem:$0x3F92]  }
0x1a: {  	s8 =	sadd.s32 $0xFFFFE003, lr  }
0x1b: {  	s9 =	sadd.s32 $0xFFFFFEF7, lr;
	s5 =	simm.s32 $0xFFFFFFFF;
	p2 =	slt.u32 s8, $0xFFFFF086  }
0x1c: {  	p1 =	slt.u32 s9, $0xF7A;
	s5 =	simm.s32 @!p2 $0x0  }
0x1d: {  	s5 =	simm.s32 @p1 $0x1;
	p0 =	seq.s32 s7, s2  }
0x1e: {  	s7 =	smul.u32 @!p0 $0xF7A, s2;
	p2 =	seq.s32 @!p0 s5, $0x0  }
0x1f: {  	s9 =	smul.u32 $0xF7A, s1;
	s8 =	simm.s32 @!p0 $0x1BF5;
	p2 =	por !p2, p0  }
0x20: {  	[sflag:s8] =	ssyncset.s32 @!p0 $0xFFFFF086;
	s6 =	sadd.s32 @!p0 s3, s7;
	s7 =	simm.s32 @!p0 $0x108  }
0x21: {  	s3 =	sadd.s32 s3, s9;
	s6 =	sadd.s32 @!p0 $0x88, s6;
	s7 =	simm.s32 @p2 $0x1082  }
0x22: {  	[simem:s7], [sflag:s8] =	dma.local @!p0 [hbm:s6], $0xF7A  }
0x23: {  	s9 =	sor.u32 $0xD0000000, s2;
	s6 =	simm.s32 $0x108;
	_ =	swait.ge @!p0 [sflag:s8], $0x0  }
0x24: {  	s3 =	sadd.s32 $0x88, s3;
	s6 =	simm.s32 @!p1 $0x1082;
	[sflag:s4] =	ssyncset.s32 $0xFFFFF086  }
0x25: {  	[simem:s6], [sflag:s4] =	dma.local [hbm:s3], $0xF7A  }
0x26: {  	[smem:$0x3F92] =	sst s1;
	(tag) =	ssettag s2;
	_ =	strace s9  }
0x27: {  	s1 =	sld [smem:$0x3FA2]  }
0x28: {  	s2 =	sld [smem:$0x3FA3]  }
0x29: {  	s4 =	sld [smem:$0x3FA5]  }
0x2a: {  	p0 =	seq.s32 s5, $0x0;
	s5 =	sld [smem:$0x3FA6]  }
0x2b: {  	s6 =	sld [smem:$0x3FA7]  }
0x2c: {  	s7 =	sld [smem:$0x3FA8]  }
0x2d: {  	s3 =	simm.s32 $0x108;
	s8 =	sld [smem:$0x3FA9]  }
0x2e: {  	s3 =	simm.s32 @!p0 $0x1082;
	s9 =	sld [smem:$0x3FAA]  }
0x2f: {  	lr =	sadd.s32 s0, s3;
	s0 =	sld [smem:$0x3FA1]  }
0x30: {  	s3 =	sld [smem:$0x3FA4]  }
0x31: {  	[smem:$0x3FAD] =	sst s10  }
0x32: {  	s10 =	sld [smem:$0x3FAB];
	_ =	sdelay $0x3  }
0x33: {  	p0 =	seq.s32 s10, $0x1;
	s10 =	sld [smem:$0x3FAD];
	_ =	sdelay $0x3  }
0x34: {  	[smem:$0x3FAD] =	sst s10  }
0x35: {  	s10 =	sld [smem:$0x3FAC];
	_ =	sdelay $0x3  }
0x36: {  	p1 =	seq.s32 s10, $0x1;
	s10 =	sld [smem:$0x3FAD];
	_ =	sdelay $0x3  }
0x37: {  	[smem:$0x3FAD] =	sst s10  }
0x38: {  	s10 =	sld [smem:$0x3FAE]  }
0x39: {  	_ = 	snop;
	(pc) =	sbr.ind lr, $3  }
0x3a: {  	_ = 	snop  }
0x3b: {  	_ = 	snop  }
0x3c: {  	p2 =	seq.s32 s10, $0x1;
	s10 =	sld [smem:$0x3FAD]  }
0x3d: {  	_ =	shalt  }
0x3e: {  	_ =	shalt  }
0x3f: {  	_ =	shalt  }
0x40: {  	_ =	shalt  }
0x41: {  	_ =	shalt  }
0x42: {  	_ =	shalt  }
0x43: {  	_ =	shalt  }
0x44: {  	_ =	shalt  }
0x45: {  	_ =	shalt  }
0x46: {  	_ =	shalt  }
0x47: {  	_ =	shalt  }
0x48: {  	_ =	shalt  }
0x49: {  	_ =	shalt  }
0x4a: {  	_ =	shalt  }
0x4b: {  	_ =	shalt  }
0x4c: {  	_ =	shalt  }
0x4d: {  	_ =	shalt  }
0x4e: {  	_ =	shalt  }
0x4f: {  	_ =	shalt  }
0x50: {  	_ =	shalt  }
0x51: {  	_ =	shalt  }
0x52: {  	_ =	shalt  }
0x53: {  	_ =	shalt  }
0x54: {  	_ =	shalt  }
0x55: {  	_ =	shalt  }
0x56: {  	_ =	shalt  }
0x57: {  	_ =	shalt  }
0x58: {  	_ =	shalt  }
0x59: {  	_ =	shalt  }
0x5a: {  	_ =	shalt  }
0x5b: {  	_ =	shalt  }
0x5c: {  	_ =	shalt  }
0x5d: {  	_ =	shalt  }
0x5e: {  	_ =	shalt  }
0x5f: {  	_ =	shalt  }
0x60: {  	_ =	shalt  }
0x61: {  	_ =	shalt  }
0x62: {  	_ =	shalt  }
0x63: {  	_ =	shalt  }
0x64: {  	_ =	shalt  }
0x65: {  	_ =	shalt  }
0x66: {  	_ =	shalt  }
0x67: {  	_ =	shalt  }
0x68: {  	_ =	shalt  }
0x69: {  	_ =	shalt  }
0x6a: {  	_ =	shalt  }
0x6b: {  	_ =	shalt  }
0x6c: {  	_ =	shalt  }
0x6d: {  	_ =	shalt  }
0x6e: {  	_ =	shalt  }
0x6f: {  	_ =	shalt  }
0x70: {  	_ =	shalt  }
0x71: {  	_ =	shalt  }
0x72: {  	_ =	shalt  }
0x73: {  	_ =	shalt  }
0x74: {  	_ =	shalt  }
0x75: {  	_ =	shalt  }
0x76: {  	_ =	shalt  }
0x77: {  	_ =	shalt  }
0x78: {  	_ =	shalt  }
0x79: {  	_ =	shalt  }
0x7a: {  	_ =	shalt  }
0x7b: {  	_ =	shalt  }
0x7c: {  	_ =	shalt  }
0x7d: {  	_ =	shalt  }
0x7e: {  	_ =	shalt  }
0x7f: {  	_ =	shalt  }
0x80: {  	_ =	shalt  }
0x81: {  	_ =	shalt  }
0x82: {  	_ =	shalt  }
0x83: {  	_ =	shalt  }
0x84: {  	_ =	shalt  }
0x85: {  	_ =	shalt  }
0x86: {  	_ =	shalt  }
0x87: {  	_ =	shalt  }
.Lfunc_end0:
.L_simem_size_0:
called_computation.5_lowered:
.L_overlay_start_0:
0x88: {  	s2 =	sld [smem:$0x3FD9]  }
0x89: {  	s3 =	sld [smem:$0x3FFE];
	_ =	sdelay $0x1  }
0x8a: {  	s1 =	srdreg.scid  }
0x8b: {  	s0 =	sand.u32 $0x1, s1  }
0x8c: {  	s17 =	sshll.u32 s0, $0xA;
	s2 =	sadd.s32 s3, s2  }
0x8d: {  	s2 =	sadd.s32 s2, s17  }
0x8e: {  	[smem:$0x3FB9] =	sst s2  }
0x8f: {  	_ = 	snop  }
0x90: {  	(tm) =	ssettm $0x1  }
0x91: {  	s18 =	sld [smem:$0x3FFB];
	_ =	sdelay $0x3  }
0x92: {  	_ =	strace s18  }
0x93: {  	s2 =	sld [smem:$0x3FFC];
	_ =	sdelay $0x3  }
0x94: {  	_ =	strace s2  }
0x95: {  	s2 =	sld [smem:$0x3FFD];
	_ =	sdelay $0x3  }
0x96: {  	_ =	strace s2  }
0x97: {  	_ =	strace $0x8FFFFFFF  }
0x98: {  	s19 =	sld [smem:$0x3FDB];
	_ =	sdelay $0x1  }
0x99: {  	s20 =	simm.s32 $_scs_section_size  }
0x9a: {  	s4 =	simm.s32 $_size__tile_overlayer_lowered;
	s5 =	simm.s32 $_tile_overlayer_lowered  }
0x9b: {  	s6 =	simm.s32 $0x1BFF;
	s21 =	sshll.u32 s5, $0x1;
	s3 =	sadd.s32 s20, s19  }
0x9c: {  	s22 =	simm.s32 $0x0;
	s4 =	sshll.u32 s4, $0x1;
	s5 =	sadd.s32 s21, s3  }
0x9d: {  	[timem:s22], [sflag:s6] =	dma.local [hbm:s5], s4  }
0x9e: {  	_ =	swait.ge [sflag:s6], s4  }
0x9f: {  	s4 =	ssub.s32 $0x0, s4;
	[sflag:s6] =	ssyncset.done $0x0  }
0xa0: {  	[sflag:s6] =	ssyncadd.s32 s4;
	_ =	sdelay $0x1  }
0xa1: {  	s23 =	simm.s32 $0x1B8B  }
0xa2: {  	_ =	swait.ge [sflag:s23], $0x1  }
0xa3: {  	[sflag:s23] =	ssyncset.done $0x0  }
0xa4: {  	[sflag:s23] =	ssyncadd.s32 $0xFFFFFFFF  }
0xa5: {  	s4 =	sld [smem:$0x0]  }
0xa6: {  	s5 =	sand.u32 $0xFFFFFFFE, s1  }
0xa7: {  	p0 =	sne.s32 s1, s5  }
0xa8: {  	s5 =	sshll.u32 @p0 s5, $0xE  }
0xa9: {  	s5 =	sadd.s32 @p0 $0x11B8D, s5;
	s6 =	sshll.u32 @p0 s4, $0x11  }
0xaa: {  	s5 =	sor.u32 @p0 s6, s5  }
0xab: {  	[sflag:s5] =	ssyncadd.remote.s32 @p0 $0x1;
	_ =	sdelay $0x1  }
0xac: {  	s5 =	simm.s32 @p0 $0x1B8D  }
0xad: {  	_ =	swait.eq @p0 [sflag:s5], $0x1  }
0xae: {  	[sflag:s5] =	ssyncadd.s32 @p0 $0xFFFFFFFF  }
0xaf: {  	s6 =	sshll.u32 @!p0 s1, $0xE  }
0xb0: {  	s6 =	sor.u32 @!p0 $0x4000, s6;
	s5 =	simm.s32 @!p0 $0x1B8D  }
0xb1: {  	s4 =	sshll.u32 @!p0 s4, $0x11;
	s6 =	sadd.s32 @!p0 $0x11B8D, s6;
	_ =	swait.eq @!p0 [sflag:s5], $0x1  }
0xb2: {  	s4 =	sor.u32 @!p0 s4, s6;
	[sflag:s5] =	ssyncadd.s32 @!p0 $0xFFFFFFFF  }
0xb3: {  	s25 =	simm.s32 $0x1B8E;
	s24 =	sld [smem:$0x3FFE];
	[sflag:s4] =	ssyncadd.remote.s32 @!p0 $0x1  }
0xb4: {  	s26 =	simm.s32 $execute0_lowered;
	[smem:$0x3FD2] =	sst s25  }
0xb5: {  	s5 =	sshll.u32 s26, $0x1;
	_ =	strace $0x80000055;
	[dreg:$0x1] =	wrdreg $0xFFFFFFFF  }
0xb6: {  	s28 =	simm.s32 $_size_execute0_lowered;
	s3 =	sadd.s32 s3, s5;
	[dreg:$0x0] =	wrdreg $0x0  }
0xb7: {  	s5 =	sshll.u32 s28, $0x1;
	[dreg:$0x2] =	wrdreg s3  }
0xb8: {  	[dreg:$0x3] =	wrdreg s5  }
0xb9: {  	[dreg:$0x4] =	wrdreg $0xC0  }
0xba: {  	_ =	task [dreg:s22], $0x5FFFF  }
0xbb: {  	[dreg:$0x1] =	wrdreg $0xFFFFFFFF  }
0xbc: {  	[dreg:$0x0] =	wrdreg $0x60  }
0xbd: {  	[dreg:$0x2] =	wrdreg s24  }
0xbe: {  	[dreg:$0x3] =	wrdreg $0x6C000  }
0xbf: {  	[dreg:$0x4] =	wrdreg $0x9  }
0xc0: {  	_ =	task.clear_ibuf [dreg:s22], $0x5FFFF;
	_ =	strace $0x90000055  }
0xc1: {  	s29 =	simm.s32 $0x9;
	_ =	strace $0x80000057  }
0xc2: {  	_ =	swait.ge [sflag:s29], $0x1  }
0xc3: {  	[sflag:s29] =	ssyncadd.s32 $0xFFFFFFFF  }
0xc4: {  	_ =	strace $0x90000057  }
0xc5: {  	_ =	sfence  }
0xc6: {  	s30 =	sld [smem:$0x0];
	_ =	sdelay $0x2  }
0xc7: {  	s31 =	sshll.u32 s1, $0xD;
	s1 =	sshrl.u32 s1, $0x2  }
0xc8: {  	s4 =	sand.u32 $0x4000, s31;
	s1 =	sadd.s32 s1, s30  }
0xc9: {  	s0 =	sor.u32 s4, s0;
	s1 =	sshll.u32 s1, $0x11  }
0xca: {  	s0 =	sor.u32 s1, s0  }
0xcb: {  	s0 =	sadd.s32 $0x8F2B, s0  }
0xcc: {  	[sflag:s0] =	ssyncadd.remote.s32 $0x1  }
0xcd: {  	_ =	sfence.sel $0xFFFF  }
0xce: {  	[dreg:$0x0] =	wrdreg $0xFFFFFFFF;
	(pc) =	sbr.abs _section_cstart, $3  }
0xcf: {  	[dreg:$0x1] =	wrdreg $0xFFFFFFFF  }
0xd0: {  	_ =	task.clear_ibuf [dreg:s22], $0x2FFFF;
	_ =	strace $0x9FFFFFFF  }
0xd1: {  	(tm) =	ssettm $0x7FFFFFFF  }
tec
execute0_lowered:
.L_overlay_start_1:
0x0: {  	(tag) =	ssettag $0x1  }
0x1: {  	s0 =	rddreg [dreg:$0x0];
	s17 =	stileid.u32  }
0x2: {  	s2 =	rddreg [dreg:$0x1];
	s1 =	smul.u32 $0x380, s17  }
0x3: {  	s3 =	simm.s32 $0x0;
	s5 =	srdreg.scid;
	s6 =	smul.u32 $0x32000, s17  }
0x4: {  	[smem:$0x7FF] =	sst s3;
	s10 =	smul.u32 $0x1900, s17  }
0x5: {  	s4 =	sadd.s32 $0xD8E00, s0;
	s7 =	sand.u32 $0x1, s5;
	s21 =	smul.u32 $0xFA000, s17  }
0x6: {  	s8 =	sadd.s32 $0x5CA00, s0;
	s11 =	sor.u32 $0x10, s17;
	s15 =	smul.u32 $0x19000, s17  }
0x7: {  	s31 =	sshll.u32 s17, $0x6;
	p0 =	sgt.u32 s17, $0x8;
	s19 =	smul.u32 $0x32000, s11  }
0x8: {  	_ =	strace $0x80000056;
	s5 =	ssub.s32 $0x2, s7;
	s13 =	smul.u32 $0x1900, s11  }
0x9: {  	s14 =	sshll.u32 s7, $0xA;
	s22 =	smul.u32 $0x19000, s11;
	s1 =	sadd.s32 s1, s0  }
0xa: {  	s9 =	sshrl.u32 s5, $0x1;
	s0 =	sadd.s32 $0x4600, s0;
	s20 =	sshrl.u32 s6, $0x2  }
0xb: {  	s6 =	sadd.s32 s8, s10;
	s16 =	sor.u32 s14, s21;
	s24 =	sor.u32 s14, s15  }
0xc: {  	s15 =	simm.s32 $0x3;
	s21 =	simm.s32 $0x1C00;
	s12 =	ssub.s32 s5, s9  }
0xd: {  	s5 =	sadd.s32 $0x87400, s1;
	s1 =	sadd.s32 s20, s2;
	s9 =	sshrl.u32 s19, $0x2  }
0xe: {  	s7 =	sadd.s32 s8, s13;
	s23 =	sshrl.u32 s16, $0x3;
	s10 =	sshrl.u32 s24, $0x3  }
0xf: {  	s11 =	sor.u32 s14, s22;
	s26 =	sadd.s32 $0xF5000, s16;
	s29 =	sadd.s32 $0x5000, s16  }
0x10: {  	s14 =	sadd.s32 $0xA000, s16;
	s16 =	sor.u32 $0x1C03, s31;
	s19 =	simm.s32 $0x400  }
0x11: {  	s20 =	simm.s32 $0x800;
	s22 =	simm.s32 $0x4400;
	s24 =	simm.s32 $0x50  }
0x12: {  	s18 =	sadd.s32 s9, s2;
	s8 =	sadd.s32 s4, s23;
	s9 =	sadd.s32 s0, s10  }
0x13: {  	s25 =	sshrl.u32 s11, $0x3;
	s28 =	sshrl.u32 s26, $0x3;
	s11 =	smax.u32 s12, $0x1  }
0x14: {  	s30 =	sshrl.u32 s29, $0x3;
	s17 =	sshrl.u32 s1, $0x3;
	s23 =	simm.s32 $0x1  }
0x15: {  	s10 =	sadd.s32 s0, s25;
	s12 =	sadd.s32 s4, s28;
	s13 =	sadd.s32 s30, s4  }
0x16: {  	s18 =	sshrl.u32 @!p0 s18, $0x3;
	s25 =	simm.s32 $0x2;
	s0 =	simm.s32 $0x0  }
.LBB2_1:
0x17: {  	[tilespmem:s3], [sflag:$0x3] =	stream.linear.gather [hbm4b:s5+s3], $0x1900, $0x38;
	[tilespmem:$0x1A480] =	vst v63  }
0x18: {  	_ =	swait.ge [sflag:s15], $0x1900  }
0x19: {  	[sflag:s15] =	ssyncset.done $0x0  }
0x1a: {  	[sflag:s15] =	ssyncadd.s32 $0xFFFFE700  }
0x1b: {  	[spmem:s17], [sflag:s16] =	dma.local [hbm:s6], $0x1900  }
0x1c: {  	_ =	swait.ge [sflag:s15], $0x1900  }
0x1d: {  	[sflag:s15] =	ssyncset.done $0x0  }
0x1e: {  	s1 =	simm.s32 @!p0 $0x3;
	[sflag:s15] =	ssyncadd.s32 $0xFFFFE700  }
0x1f: {  	[spmem:s18], [sflag:s16] =	dma.local @!p0 [hbm:s7], $0x1900  }
0x20: {  	_ =	swait.ge @!p0 [sflag:s1], $0x1900  }
0x21: {  	[sflag:s1] =	ssyncset.done @!p0 $0x0  }
0x22: {  	[sflag:s1] =	ssyncadd.s32 @!p0 $0xFFFFE700  }
0x23: {  	[tilespmem:s21], [sflag:$0x1] =	stream.strided.gather [hbm4b:s8+s19], $0x2800, s20, s19, $0x38;
	[tilespmem:$0x1A480] =	vst v63  }
0x24: {  	s26 =	sadd.s32 $0x0, s13;
	[bflag:$0x0] =	sbarrier.arrive $0xFFFF  }
0x25: {  	[tilespmem:s22], [sflag:$0x2] =	stream.strided.gather [hbm4b:s26+s19], $0x2800, s20, s19, $0x38;
	[tilespmem:$0x1A480] =	vst v63  }
0x26: {  	_ =	swait.ge [sflag:s23], $0x2800  }
0x27: {  	[sflag:s23] =	ssyncset.done $0x0  }
0x28: {  	[sflag:s23] =	ssyncadd.s32 $0xFFFFD800  }
0x29: {  	[spmem:s2] =	stream.indirect.scatter.add.f32 [tilespmem:s21], [sflag:$0x3], $0x80, s3, s24, $0xb8;
	[tilespmem:$0x1A480] =	vst v63  }
0x2a: {  	_ =	swait.ge [sflag:s15], $0x2800  }
0x2b: {  	s30 =	sshrl.u32 s14, $0x3;
	[sflag:s15] =	ssyncset.done $0x0  }
0x2c: {  	s1 =	sadd.s32 s4, s30;
	[sflag:s15] =	ssyncadd.s32 $0xFFFFD800  }
0x2d: {  	[tilespmem:s21], [sflag:$0x1] =	stream.strided.gather [hbm4b:s1+s19], $0x2800, s20, s19, $0x38;
	[tilespmem:$0x1A480] =	vst v63  }
0x2e: {  	_ =	swait.ge [sflag:s25], $0x2800  }
0x2f: {  	[sflag:s25] =	ssyncset.done $0x0  }
0x30: {  	s31 =	simm.s32 $0x80;
	[sflag:s25] =	ssyncadd.s32 $0xFFFFD800  }
0x31: {  	[spmem:s2] =	stream.indirect.scatter.add.f32 [tilespmem:s22], [sflag:$0x3], $0x80, s31, s24, $0xb8;
	[tilespmem:$0x1A480] =	vst v63  }
0x32: {  	s28 =	simm.s32 $0x1400;
	s29 =	simm.s32 $0x2800;
	_ =	swait.ge [sflag:s15], $0x2800  }
0x33: {  	s26 =	sadd.s32 $0xA000, s14;
	s1 =	simm.s32 $0x100;
	[sflag:s15] =	ssyncset.done $0x0  }
.LBB2_2:
0x34: {  	s30 =	sadd.s32 s28, s13  }
0x35: {  	[sflag:s15] =	ssyncadd.s32 $0xFFFFD800;
	s28 =	smov.u32 s29;
	s31 =	sadd.s32 $0x1400, s29  }
0x36: {  	[tilespmem:s22], [sflag:$0x2] =	stream.strided.gather [hbm4b:s30+s19], $0x2800, s20, s19, $0x38;
	[tilespmem:$0x1A480] =	vst v63  }
0x37: {  	p1 =	sne.s32 s29, $0x1CC00;
	_ =	swait.ge [sflag:s23], $0x2800  }
0x38: {  	[sflag:s23] =	ssyncset.done $0x0  }
0x39: {  	[sflag:s23] =	ssyncadd.s32 $0xFFFFD800  }
0x3a: {  	[spmem:s2] =	stream.indirect.scatter.add.f32 [tilespmem:s21], [sflag:$0x3], $0x80, s1, s24, $0xb8;
	[tilespmem:$0x1A480] =	vst v63  }
0x3b: {  	_ =	swait.ge [sflag:s15], $0x2800  }
0x3c: {  	s29 =	sshrl.u32 s26, $0x3;
	[sflag:s15] =	ssyncset.done $0x0  }
0x3d: {  	s29 =	sadd.s32 s4, s29;
	[sflag:s15] =	ssyncadd.s32 $0xFFFFD800  }
0x3e: {  	[tilespmem:s21], [sflag:$0x1] =	stream.strided.gather [hbm4b:s29+s19], $0x2800, s20, s19, $0x38;
	[tilespmem:$0x1A480] =	vst v63  }
0x3f: {  	_ =	swait.ge [sflag:s25], $0x2800  }
.Ltmp0:
0x40: {  	[sflag:s25] =	ssyncset.done $0x0;
	(pc) =	sbr.rel @p1 .LBB2_2-.Ltmp0, $4  }
0x41: {  	s29 =	sadd.s32 $0x80, s1;
	[sflag:s25] =	ssyncadd.s32 $0xFFFFD800  }
0x42: {  	[spmem:s2] =	stream.indirect.scatter.add.f32 [tilespmem:s22], [sflag:$0x3], $0x80, s29, s24, $0xb8;
	[tilespmem:$0x1A480] =	vst v63  }
0x43: {  	s26 =	sadd.s32 $0xA000, s26;
	_ =	swait.ge [sflag:s15], $0x2800  }
0x44: {  	s1 =	sadd.s32 $0x100, s1;
	s29 =	smov.u32 s31;
	[sflag:s15] =	ssyncset.done $0x0  }
0x45: {  	s28 =	sadd.s32 s28, s13;
	[sflag:s15] =	ssyncadd.s32 $0xFFFFD800  }
0x46: {  	[tilespmem:s22], [sflag:$0x2] =	stream.strided.gather [hbm4b:s28+s19], $0x2800, s20, s19, $0x38;
	[tilespmem:$0x1A480] =	vst v63  }
0x47: {  	_ =	swait.ge [sflag:s23], $0x2800  }
0x48: {  	[sflag:s23] =	ssyncset.done $0x0  }
0x49: {  	[sflag:s23] =	ssyncadd.s32 $0xFFFFD800  }
0x4a: {  	[spmem:s2] =	stream.indirect.scatter.add.f32 [tilespmem:s21], [sflag:$0x3], $0x80, s1, s24, $0xb8;
	[tilespmem:$0x1A480] =	vst v63  }
0x4b: {  	_ =	swait.ge [sflag:s15], $0x2800  }
0x4c: {  	s26 =	sshrl.u32 s26, $0x3;
	[sflag:s15] =	ssyncset.done $0x0  }
0x4d: {  	s26 =	sadd.s32 s4, s26;
	[sflag:s15] =	ssyncadd.s32 $0xFFFFD800  }
0x4e: {  	[tilespmem:s21], [sflag:$0x1] =	stream.strided.gather [hbm4b:s26+s19], $0x2800, s20, s19, $0x38;
	[tilespmem:$0x1A480] =	vst v63  }
0x4f: {  	_ =	swait.ge [sflag:s25], $0x2800  }
0x50: {  	[sflag:s25] =	ssyncset.done $0x0  }
0x51: {  	s31 =	sadd.s32 $0x80, s1;
	[sflag:s25] =	ssyncadd.s32 $0xFFFFD800  }
0x52: {  	[spmem:s2] =	stream.indirect.scatter.add.f32 [tilespmem:s22], [sflag:$0x3], $0x80, s31, s24, $0xb8;
	[tilespmem:$0x1A480] =	vst v63  }
0x53: {  	_ =	swait.ge [sflag:s15], $0x2800  }
0x54: {  	[sflag:s15] =	ssyncset.done $0x0  }
0x55: {  	[sflag:s15] =	ssyncadd.s32 $0xFFFFD800  }
0x56: {  	[tilespmem:s22], [sflag:$0x2] =	stream.strided.gather [hbm4b:s12+s19], $0x2800, s20, s19, $0x38;
	[tilespmem:$0x1A480] =	vst v63  }
0x57: {  	_ =	swait.ge [sflag:s23], $0x2800  }
0x58: {  	[sflag:s23] =	ssyncset.done $0x0  }
0x59: {  	s26 =	simm.s32 $0x1800;
	[sflag:s23] =	ssyncadd.s32 $0xFFFFD800  }
0x5a: {  	[spmem:s2] =	stream.indirect.scatter.add.f32 [tilespmem:s21], [sflag:$0x3], $0x80, s26, s24, $0xb8;
	[tilespmem:$0x1A480] =	vst v63  }
0x5b: {  	_ =	swait.ge [sflag:s15], $0x2800  }
0x5c: {  	[sflag:s15] =	ssyncset.done $0x0  }
0x5d: {  	[sflag:s15] =	ssyncadd.s32 $0xFFFFD800  }
0x5e: {  	_ =	swait.ge [sflag:s25], $0x2800  }
0x5f: {  	[sflag:s25] =	ssyncset.done $0x0  }
0x60: {  	s28 =	simm.s32 $0x1880;
	[sflag:s25] =	ssyncadd.s32 $0xFFFFD800  }
0x61: {  	[spmem:s2] =	stream.indirect.scatter.add.f32 [tilespmem:s22], [sflag:$0x3], $0x80, s28, s24, $0xb8;
	[tilespmem:$0x1A480] =	vst v63  }
0x62: {  	_ =	swait.ge [sflag:s15], $0x2800  }
0x63: {  	[sflag:s15] =	ssyncset.done $0x0  }
0x64: {  	s29 =	simm.s32 $0x8;
	[sflag:s15] =	ssyncadd.s32 $0xFFFFD800  }
0x65: {  	s30 =	simm.s32 $0x100;
	s31 =	simm.s32 $0x80;
	[bflag:$0x0] =	sbarrier.arrive $0xFFFF  }
0x66: {  	[hbm:s9@s30], [sflag:s16] =	dma.strided [spmem:s17@s31], $0x1900, s29, $0x10   }
0x67: {  	s0 =	sadd.s32 $0x1, s0;
	_ =	swait.ge [sflag:s15], $0x1900  }
0x68: {  	p1 =	sne.s32 s0, s11;
	s1 =	simm.s32 @!p0 $0x8;
	[sflag:s15] =	ssyncset.done $0x0  }
0x69: {  	s26 =	simm.s32 @!p0 $0x100;
	s28 =	simm.s32 @!p0 $0x80;
	[sflag:s15] =	ssyncadd.s32 $0xFFFFE700  }
0x6a: {  	[hbm:s10@s26], [sflag:s16] =	dma.strided @!p0 [spmem:s18@s28], $0x1900, s1, $0x10   }
.Ltmp1:
0x6b: {  	_ = 	snop;
	(pc) =	sbr.rel @p1 .LBB2_1-.Ltmp1, $4  }
0x6c: {  	s1 =	simm.s32 @!p0 $0x3  }
0x6d: {  	_ =	swait.ge @!p0 [sflag:s1], $0x1900  }
0x6e: {  	[sflag:s1] =	ssyncset.done @!p0 $0x0  }
0x6f: {  	[sflag:s1] =	ssyncadd.s32 @!p0 $0xFFFFE700  }
0x70: {  	_ =	sfence.sel $0x180000  }
0x71: {  	[bflag:$0x0] =	sbarrier.arrive $0xFFFF  }
0x72: {  	_ =	strace $0x90000056  }
0x73: {  	s0 =	stileid.u32;
	[bflag:$0x2] =	sbarrier.arrive $0xFFFF  }
0x74: {  	p0 =	sne.s32 s0, $0x0;
	s0 =	rddreg [dreg:$0x2]  }
0x75: {  	s0 =	sadd.s32 @!p0 $0x100000, s0  }
0x76: {  	[sflag:s0] =	ssyncadd.tile.s32 @!p0 $0x1;
	_ =	shalt  }
.Lfunc_end2:
_tile_overlayer_lowered:
.L_overlay_start_2:
0x77: {  	(tag) =	ssettag $0x2  }
0x78: {  	s0 =	rddreg [dreg:$0x0];
	s2 =	stileid.u32  }
0x79: {  	s1 =	rddreg [dreg:$0x1];
	p0 =	sne.s32 s2, $0x0  }
0x7a: {  	s3 =	rddreg [dreg:$0x2];
	[bflag:$0x3] =	sbarrier.arrive $0xFFFF;
	s2 =	simm.s32 @!p0 $0x1C03  }
0x7b: {  	[timem:s3], [sflag:s2] =	dma.local @!p0 [hbm:s0], s1  }
0x7c: {  	s0 =	simm.s32 @!p0 $0x3  }
0x7d: {  	_ =	swait.ge @!p0 [sflag:s0], s1  }
0x7e: {  	s1 =	ssub.s32 @!p0 $0x0, s1;
	[sflag:s0] =	ssyncset.done @!p0 $0x0  }
0x7f: {  	[sflag:s0] =	ssyncadd.s32 @!p0 s1  }
0x80: {  	[bflag:$0x3] =	sbarrier.arrive $0xFFFF  }
0x81: {  	_ =	shalt  }

</sc_bundles>
